<compile_context>
chip_gen: v7x
topology: tpu7x:2x2x1
jax: 0.10.2.dev20260603
libtpu: 0.0.44.dev20260713+nightly
codegen_flags: <defaults>
</compile_context>

<pallas_src>
import jax
import jax.numpy as jnp
from jax import lax
from jax.experimental import pallas as pl
from jax.experimental.pallas import tpu as pltpu
from jax.experimental.pallas import tpu_sc as plsc

N = 2048
C = 128
CK = 64
K = 16
S = 32
NG = 8
NCOMBO = 4
RQ = 128
RSB = 2048
QB = RSB // S
GW = 128



def _prep_body(fq_ref, pq_ref, fr_ref, pr_ref, wq_ref, wr_ref, wp_ref,
               bq_ref, br_ref, q_ref, r_ref):
    fq = fq_ref[0]
    fr = fr_ref[0]
    pq = pq_ref[0]
    pr = pr_ref[0]
    posq = (pq[:, 0:1] * wp_ref[0:1, :] + pq[:, 1:2] * wp_ref[1:2, :]
            + pq[:, 2:3] * wp_ref[2:3, :])
    posr = (pr[:, 0:1] * wp_ref[0:1, :] + pr[:, 1:2] * wp_ref[1:2, :]
            + pr[:, 2:3] * wp_ref[2:3, :])
    q_ref[0] = jnp.dot(fq, wq_ref[...], preferred_element_type=jnp.float32) \
        + posq + bq_ref[...]
    r_ref[0] = jnp.dot(fr, wr_ref[...], preferred_element_type=jnp.float32) \
        - posr + br_ref[...]


def _prep(Fq, Pq, Fr, Pr, WqT, WrT, WpT, bq, br):
    RB = 512
    nc = Fq.shape[0]
    grid = (nc, N // RB)
    return pl.pallas_call(
        _prep_body,
        grid=grid,
        compiler_params=pltpu.CompilerParams(
            dimension_semantics=("parallel", "parallel")),
        in_specs=[
            pl.BlockSpec((1, RB, C), lambda c, n: (c, n, 0)),
            pl.BlockSpec((1, RB, 3), lambda c, n: (c, n, 0)),
            pl.BlockSpec((1, RB, C), lambda c, n: (c, n, 0)),
            pl.BlockSpec((1, RB, 3), lambda c, n: (c, n, 0)),
            pl.BlockSpec((C, C), lambda c, n: (0, 0)),
            pl.BlockSpec((C, C), lambda c, n: (0, 0)),
            pl.BlockSpec((3, C), lambda c, n: (0, 0)),
            pl.BlockSpec((1, C), lambda c, n: (0, 0)),
            pl.BlockSpec((1, C), lambda c, n: (0, 0)),
        ],
        out_specs=[
            pl.BlockSpec((1, RB, C), lambda c, n: (c, n, 0)),
            pl.BlockSpec((1, RB, C), lambda c, n: (c, n, 0)),
        ],
        out_shape=[
            jax.ShapeDtypeStruct((nc, N, C), jnp.float32),
            jax.ShapeDtypeStruct((nc, N, C), jnp.float32),
        ],
    )(Fq, Pq, Fr, Pr, WqT, WrT, WpT, bq, br)



NCH = 128
CW = N // NCH
RND = 5


def _extract_min16(d, acc, lane_off, lane32):
    iota_j = lax.broadcasted_iota(jnp.int32, d.shape, 1)
    for k in range(K):
        idx = jnp.argmin(d, axis=1).astype(jnp.int32)[:, None]
        acc = jnp.where(lane32 == (k + lane_off), idx, acc)
        d = jnp.where(iota_j == idx, jnp.float32(jnp.inf), d)
    return acc


def _fold_min(x):
    w = x.shape[1]
    while w > NCH:
        w //= 2
        x = jnp.minimum(x[:, :w], x[:, w:])
    return x


def _extract16_fast(d, acc, lane_off, lane32):
    iota_j = lax.broadcasted_iota(jnp.int32, (RQ, N), 1)
    vals_l, idxs_l = [], []
    for _ in range(RND):
        cm = _fold_min(d)
        cmt = jnp.tile(cm, (1, CW))
        cand = jnp.where(d == cmt, iota_j, jnp.int32(N))
        am = _fold_min(cand)
        amt = jnp.tile(am, (1, CW))
        d = jnp.where(cand == amt, jnp.float32(jnp.inf), d)
        vals_l.append(cm)
        idxs_l.append(am)
    vals = jnp.concatenate(vals_l, axis=1)
    idxs = jnp.concatenate(idxs_l, axis=1)
    for k in range(K):
        m = jnp.min(vals, axis=1, keepdims=True)
        c2 = jnp.where(vals == m, idxs, jnp.int32(N))
        jmin = jnp.min(c2, axis=1, keepdims=True)
        acc = jnp.where(lane32 == (k + lane_off), jmin, acc)
        vals = jnp.where((vals == m) & (idxs == jmin),
                         jnp.float32(jnp.inf), vals)
    exhausted = jnp.any(jnp.isinf(vals[:, (RND - 1) * NCH:]))
    return acc, exhausted


def _topk(Aq, Bc, Xq, Xc, base):
    nc = Aq.shape[0]

    def body(aq_ref, bc_ref, xq_ref, xc_ref, out_ref):
        combo = pl.program_id(0)
        xq = xq_ref[0]
        dsq = jnp.zeros((RQ, N), jnp.float32)
        for cdim in range(3):
            diff = xq[:, cdim:cdim + 1] - xc_ref[0, cdim:cdim + 1, :]
            dsq = dsq + diff * diff
        dpoint = jnp.sqrt(dsq)
        a = aq_ref[0]
        an = a / (jnp.sqrt(jnp.sum(a * a, axis=1, keepdims=True)) + 1e-8)
        b = bc_ref[0]
        bn = b / (jnp.sqrt(jnp.sum(b * b, axis=1, keepdims=True)) + 1e-8)
        sim = lax.dot_general(an, bn, (((1,), (1,)), ((), ())),
                              preferred_element_type=jnp.float32)
        dfeat = 1.0 - sim
        lane32 = lax.broadcasted_iota(jnp.int32, (RQ, S), 1)
        acc = jnp.zeros((RQ, S), jnp.int32)
        acc, bad_p = _extract16_fast(dpoint, acc, 0, lane32)
        acc, bad_f = _extract16_fast(dfeat, acc, K, lane32)
        out_ref[0] = acc + (combo + base) * N

        @pl.when(bad_p | bad_f)
        def _():
            acc2 = jnp.zeros((RQ, S), jnp.int32)
            acc2 = _extract_min16(dpoint, acc2, 0, lane32)
            acc2 = _extract_min16(dfeat, acc2, K, lane32)
            out_ref[0] = acc2 + (combo + base) * N

    grid = (nc, N // RQ)
    return pl.pallas_call(
        body,
        grid=grid,
        compiler_params=pltpu.CompilerParams(
            dimension_semantics=("parallel", "parallel")),
        in_specs=[
            pl.BlockSpec((1, RQ, CK), lambda c, n: (c, n, 0)),
            pl.BlockSpec((1, N, CK), lambda c, n: (c, 0, 0)),
            pl.BlockSpec((1, RQ, 3), lambda c, n: (c, n, 0)),
            pl.BlockSpec((1, 3, N), lambda c, n: (c, 0, 0)),
        ],
        out_specs=pl.BlockSpec((1, RQ, S), lambda c, n: (c, n, 0)),
        out_shape=jax.ShapeDtypeStruct((nc, N, S), jnp.int32),
    )(Aq, Bc, Xq, Xc)



def _sc_gather(qflat, idxflat):
    num_idx = idxflat.shape[0]
    idx2 = idxflat.reshape(1, num_idx)
    mesh = plsc.VectorSubcoreMesh(core_axis_name="c", subcore_axis_name="s")

    @pl.kernel(out_type=jax.ShapeDtypeStruct((num_idx, C), jnp.float32),
               mesh=mesh)
    def k(x_hbm, i_hbm, o_hbm):
        def body(i_vmem, o_vmem):
            pltpu.sync_copy(x_hbm.at[i_vmem.at[0]], o_vmem)

        pltpu.emit_pipeline(
            body,
            grid=(num_idx // GW,),
            in_specs=[pl.BlockSpec((1, GW), index_map=lambda i: (0, i))],
            out_specs=[pl.BlockSpec((GW, C), index_map=lambda i: (i, 0))],
            core_axis_name=("c", "s"),
            dimension_semantics=(pltpu.PARALLEL,),
        )(i_hbm, o_hbm)

    return k(qflat, idx2)



def _x0_block(g_ref, r_ref):
    g = g_ref[0]
    r = r_ref[0]
    rrep = jnp.broadcast_to(r[:, None, :], (QB, S, C)).reshape(RSB, C)
    return g + rrep


def _accum_stats(x, sum_ref, sumsq_ref, nblk_id):
    ps = jnp.sum(x, axis=0, keepdims=True)
    psq = jnp.sum(x * x, axis=0, keepdims=True)

    @pl.when(nblk_id == 0)
    def _():
        sum_ref[0] = jnp.zeros((1, C), jnp.float32)
        sumsq_ref[0] = jnp.zeros((1, C), jnp.float32)

    sum_ref[0] += ps
    sumsq_ref[0] += psq


def _stats0_body(g_ref, r_ref, sum_ref, sumsq_ref):
    x0 = _x0_block(g_ref, r_ref)
    _accum_stats(x0, sum_ref, sumsq_ref, pl.program_id(1))


def _stats0(Gact, Rt):
    nc = Gact.shape[0]
    grid = (nc, (N * S) // RSB)
    return pl.pallas_call(
        _stats0_body,
        grid=grid,
        compiler_params=pltpu.CompilerParams(
            dimension_semantics=("parallel", "arbitrary")),
        in_specs=[
            pl.BlockSpec((1, RSB, C), lambda c, n: (c, n, 0)),
            pl.BlockSpec((1, QB, C), lambda c, n: (c, n, 0)),
        ],
        out_specs=[
            pl.BlockSpec((1, 1, C), lambda c, n: (c, 0, 0)),
            pl.BlockSpec((1, 1, C), lambda c, n: (c, 0, 0)),
        ],
        out_shape=[
            jax.ShapeDtypeStruct((nc, 1, C), jnp.float32),
            jax.ShapeDtypeStruct((nc, 1, C), jnp.float32),
        ],
    )(Gact, Rt)


def _lrelu(x):
    return jnp.where(x >= 0, x, 0.1 * x)


def _mlp0_body(g_ref, r_ref, sc_ref, sh_ref, w_ref, b_ref,
               x1_ref, sum_ref, sumsq_ref):
    x0 = _x0_block(g_ref, r_ref)
    y0 = _lrelu(x0 * sc_ref[0] + sh_ref[0])
    x1 = jnp.dot(y0, w_ref[...], preferred_element_type=jnp.float32) \
        + b_ref[...]
    x1_ref[0] = x1
    _accum_stats(x1, sum_ref, sumsq_ref, pl.program_id(1))


def _mlp0(Gact, Rt, scale0, shift0, W1T, b1):
    nc = Gact.shape[0]
    grid = (nc, (N * S) // RSB)
    return pl.pallas_call(
        _mlp0_body,
        grid=grid,
        compiler_params=pltpu.CompilerParams(
            dimension_semantics=("parallel", "arbitrary")),
        in_specs=[
            pl.BlockSpec((1, RSB, C), lambda c, n: (c, n, 0)),
            pl.BlockSpec((1, QB, C), lambda c, n: (c, n, 0)),
            pl.BlockSpec((1, 1, C), lambda c, n: (c, 0, 0)),
            pl.BlockSpec((1, 1, C), lambda c, n: (c, 0, 0)),
            pl.BlockSpec((C, C), lambda c, n: (0, 0)),
            pl.BlockSpec((1, C), lambda c, n: (0, 0)),
        ],
        out_specs=[
            pl.BlockSpec((1, RSB, C), lambda c, n: (c, n, 0)),
            pl.BlockSpec((1, 1, C), lambda c, n: (c, 0, 0)),
            pl.BlockSpec((1, 1, C), lambda c, n: (c, 0, 0)),
        ],
        out_shape=[
            jax.ShapeDtypeStruct((nc, N * S, C), jnp.float32),
            jax.ShapeDtypeStruct((nc, 1, C), jnp.float32),
            jax.ShapeDtypeStruct((nc, 1, C), jnp.float32),
        ],
    )(Gact, Rt, scale0, shift0, W1T, b1)


def _mlp1_body(x_ref, sc_ref, sh_ref, w_ref, b_ref,
               x2_ref, sum_ref, sumsq_ref):
    y = _lrelu(x_ref[0] * sc_ref[0] + sh_ref[0])
    x2 = jnp.dot(y, w_ref[...], preferred_element_type=jnp.float32) \
        + b_ref[...]
    x2_ref[0] = x2
    _accum_stats(x2, sum_ref, sumsq_ref, pl.program_id(1))


def _mlp1(X1, scale1, shift1, W2T, b2):
    nc = X1.shape[0]
    grid = (nc, (N * S) // RSB)
    return pl.pallas_call(
        _mlp1_body,
        grid=grid,
        compiler_params=pltpu.CompilerParams(
            dimension_semantics=("parallel", "arbitrary")),
        in_specs=[
            pl.BlockSpec((1, RSB, C), lambda c, n: (c, n, 0)),
            pl.BlockSpec((1, 1, C), lambda c, n: (c, 0, 0)),
            pl.BlockSpec((1, 1, C), lambda c, n: (c, 0, 0)),
            pl.BlockSpec((C, C), lambda c, n: (0, 0)),
            pl.BlockSpec((1, C), lambda c, n: (0, 0)),
        ],
        out_specs=[
            pl.BlockSpec((1, RSB, C), lambda c, n: (c, n, 0)),
            pl.BlockSpec((1, 1, C), lambda c, n: (c, 0, 0)),
            pl.BlockSpec((1, 1, C), lambda c, n: (c, 0, 0)),
        ],
        out_shape=[
            jax.ShapeDtypeStruct((nc, N * S, C), jnp.float32),
            jax.ShapeDtypeStruct((nc, 1, C), jnp.float32),
            jax.ShapeDtypeStruct((nc, 1, C), jnp.float32),
        ],
    )(X1, scale1, shift1, W2T, b2)


def _final_body(x_ref, sc_ref, sh_ref, out_ref):
    y = _lrelu(x_ref[0] * sc_ref[0] + sh_ref[0])
    out_ref[0] = jnp.max(y.reshape(QB, S, C), axis=1)


def _final(X2, scale2, shift2):
    nc = X2.shape[0]
    grid = (nc, (N * S) // RSB)
    return pl.pallas_call(
        _final_body,
        grid=grid,
        compiler_params=pltpu.CompilerParams(
            dimension_semantics=("parallel", "parallel")),
        in_specs=[
            pl.BlockSpec((1, RSB, C), lambda c, n: (c, n, 0)),
            pl.BlockSpec((1, 1, C), lambda c, n: (c, 0, 0)),
            pl.BlockSpec((1, 1, C), lambda c, n: (c, 0, 0)),
        ],
        out_specs=pl.BlockSpec((1, QB, C), lambda c, n: (c, n, 0)),
        out_shape=jax.ShapeDtypeStruct((nc, N, C), jnp.float32),
    )(X2, scale2, shift2)



def _gn_coeffs(sums, sumsqs, gamma, beta):
    nc = sums.shape[0]
    M = float(N * S * (C // NG))
    gsum = sums.reshape(nc, NG, C // NG).sum(axis=2)
    gsumsq = sumsqs.reshape(nc, NG, C // NG).sum(axis=2)
    mean = gsum / M
    var = gsumsq / M - mean * mean
    inv = 1.0 / jnp.sqrt(var + 1e-5)
    mean_c = jnp.repeat(mean, C // NG, axis=1)
    inv_c = jnp.repeat(inv, C // NG, axis=1)
    scale = inv_c * gamma[None, :]
    shift = beta[None, :] - mean_c * scale
    return scale[:, None, :], shift[:, None, :]



def kernel(pc1, pc2, feat1, feat2, knn1, knn2, W_t11, b_t11, W_t22, b_t22,
           W_pos, b_pos, gn0_g, gn0_b, W_m1, b_m1, gn1_g, gn1_b,
           W_m2, b_m2, gn2_g, gn2_b):
    f32 = jnp.float32
    f1T = jnp.transpose(feat1, (0, 2, 1))
    f2T = jnp.transpose(feat2, (0, 2, 1))
    p1T = jnp.transpose(pc1, (0, 2, 1))
    p2T = jnp.transpose(pc2, (0, 2, 1))
    k1T = jnp.transpose(knn1, (0, 2, 1))
    k2T = jnp.transpose(knn2, (0, 2, 1))

    Fq = jnp.concatenate([f2T, f1T], axis=0)
    Pq = jnp.concatenate([p2T, p1T], axis=0)
    Fr = jnp.concatenate([f1T, f2T], axis=0)
    Pr = jnp.concatenate([p1T, p2T], axis=0)
    Aq = jnp.concatenate([k1T, k2T], axis=0)
    Bc = jnp.concatenate([k2T, k1T], axis=0)
    Xq = Pr
    Xc = jnp.concatenate([pc2, pc1], axis=0)

    Q, Rt = _prep(Fq, Pq, Fr, Pr,
                  W_t22.T.astype(f32), W_t11.T.astype(f32),
                  W_pos.T.astype(f32),
                  b_t22.reshape(1, C), b_t11.reshape(1, C) + b_pos.reshape(1, C))
    Qflat = Q.reshape(NCOMBO * N, C)

    W1T = W_m1.T.astype(f32)
    W2T = W_m2.T.astype(f32)
    b1 = b_m1.reshape(1, C)
    b2 = b_m2.reshape(1, C)

    outs = []
    gacts = []
    for p in (0, 1):
        sl = slice(2 * p, 2 * p + 2)
        knn_idx = _topk(Aq[sl], Bc[sl], Xq[sl], Xc[sl], base=2 * p)
        gacts.append(_sc_gather(Qflat, knn_idx.reshape(2 * N * S))
                     .reshape(2, N * S, C))
    for p in (0, 1):
        sl = slice(2 * p, 2 * p + 2)
        Gact = gacts[p]
        Rp = Rt[sl]
        sum0, sumsq0 = _stats0(Gact, Rp)
        sc0, sh0 = _gn_coeffs(sum0[:, 0, :], sumsq0[:, 0, :], gn0_g, gn0_b)
        X1, sum1, sumsq1 = _mlp0(Gact, Rp, sc0, sh0, W1T, b1)
        sc1, sh1 = _gn_coeffs(sum1[:, 0, :], sumsq1[:, 0, :], gn1_g, gn1_b)
        X2, sum2, sumsq2 = _mlp1(X1, sc1, sh1, W2T, b2)
        sc2, sh2 = _gn_coeffs(sum2[:, 0, :], sumsq2[:, 0, :], gn2_g, gn2_b)
        outs.append(_final(X2, sc2, sh2))

    feat1_new = jnp.transpose(outs[0], (0, 2, 1))
    feat2_new = jnp.transpose(outs[1], (0, 2, 1))
    return (feat1_new, feat2_new)

# --- scband reference (transcript-rebuilt; emitter-appended) ---
"""Pipeline reference for scband-bidirectional-layer-feat-cosine-78426102825594 (READ-ONLY COPY).

The authoritative reference and input builder live on the scoring server;
editing this copy changes nothing except your own understanding.
"""

import jax, jax.numpy as jnp
import numpy as np

NSAMPLE = 32
GROUPS = 8

def group_norm(x, gamma, beta, groups=GROUPS, eps=1e-5):
    B, C = x.shape[0], x.shape[1]
    rest = x.shape[2:]
    xg = x.reshape(B, groups, C // groups, -1)
    mean = jnp.mean(xg, axis=(2, 3), keepdims=True)
    var = jnp.var(xg, axis=(2, 3), keepdims=True)
    xg = (xg - mean) / jnp.sqrt(var + eps)
    x = xg.reshape((B, C) + rest)
    sh = (1, C) + (1,) * len(rest)
    return x * gamma.reshape(sh) + beta.reshape(sh)

def lrelu(x):
    return jax.nn.leaky_relu(x, negative_slope=0.1)

def conv1x1(W, b, x):
    if x.ndim == 4:
        return jnp.einsum('oc,bcns->bons', W, x) + b[None, :, None, None]
    return jnp.einsum('oc,bcn->bon', W, x) + b[None, :, None]

def cross(xyz1, xyz2, p1, p2, k1, k2, W_pos, b_pos, gn0_g, gn0_b, mlp_params, nsample=NSAMPLE):
    B = xyz1.shape[0]
    N1 = xyz1.shape[2]
    a = jnp.transpose(k1, (0, 2, 1))
    bf = jnp.transpose(k2, (0, 2, 1))
    an = a / (jnp.linalg.norm(a, axis=-1, keepdims=True) + 1e-8)
    bn_ = bf / (jnp.linalg.norm(bf, axis=-1, keepdims=True) + 1e-8)
    feat_dists = 1.0 - jnp.einsum('bnc,bmc->bnm', an, bn_)
    diff = xyz1[:, :, :, None] - xyz2[:, :, None, :]
    point_dists = jnp.sqrt(jnp.sum(diff * diff, axis=1))
    _, idx_f = jax.lax.top_k(-feat_dists, nsample // 2)
    _, idx_p = jax.lax.top_k(-point_dists, nsample // 2)
    knn_idx = jnp.concatenate([idx_p, idx_f], axis=2)  # [B, N1, nsample]
    def group(src):
        # src [B, C, N2] gathered at knn_idx -> [B, C, N1, nsample]
        return jax.vmap(lambda s, i: s[:, i])(src, knn_idx)
    neighbor_xyz = group(xyz2)
    direction_xyz = neighbor_xyz - xyz1[:, :, :, None]
    grouped_points2 = group(p2)
    grouped_points1 = jnp.repeat(p1[:, :, :, None], nsample, axis=3)
    dir_feat = conv1x1(W_pos, b_pos, direction_xyz)
    new_points = lrelu(group_norm(grouped_points2 + grouped_points1 + dir_feat, gn0_g, gn0_b))
    for (W, b, g, bt) in mlp_params:
        new_points = lrelu(group_norm(conv1x1(W, b, new_points), g, bt))
    return jnp.max(new_points, axis=3)

def setup_inputs(seed: int = 0):
    key = jax.random.key(seed)
    ks = jax.random.split(key, 20)
    B, N, C_in, C_knn, C = 2, 2048, 128, 64, 128
    s = 0.05
    inp = {}
    inp['pc1'] = jax.random.normal(ks[0], (B, 3, N), jnp.float32)
    inp['pc2'] = jax.random.normal(ks[1], (B, 3, N), jnp.float32)
    inp['feat1'] = jax.random.normal(ks[2], (B, C_in, N), jnp.float32)
    inp['feat2'] = jax.random.normal(ks[3], (B, C_in, N), jnp.float32)
    inp['knn1'] = jax.random.normal(ks[4], (B, C_knn, N), jnp.float32)
    inp['knn2'] = jax.random.normal(ks[5], (B, C_knn, N), jnp.float32)
    inp['W_t11'] = jax.random.normal(ks[6], (C, C_in), jnp.float32) * s
    inp['b_t11'] = jnp.zeros((C,), jnp.float32)
    inp['W_t22'] = jax.random.normal(ks[7], (C, C_in), jnp.float32) * s
    inp['b_t22'] = jnp.zeros((C,), jnp.float32)
    inp['W_pos'] = jax.random.normal(ks[8], (C, 3), jnp.float32) * s
    inp['b_pos'] = jnp.zeros((C,), jnp.float32)
    inp['gn0_g'] = jnp.ones((C,), jnp.float32)
    inp['gn0_b'] = jnp.zeros((C,), jnp.float32)
    inp['W_m1'] = jax.random.normal(ks[9], (C, C), jnp.float32) * s
    inp['b_m1'] = jnp.zeros((C,), jnp.float32)
    inp['gn1_g'] = jnp.ones((C,), jnp.float32)
    inp['gn1_b'] = jnp.zeros((C,), jnp.float32)
    inp['W_m2'] = jax.random.normal(ks[10], (C, C), jnp.float32) * s
    inp['b_m2'] = jnp.zeros((C,), jnp.float32)
    inp['gn2_g'] = jnp.ones((C,), jnp.float32)
    inp['gn2_b'] = jnp.zeros((C,), jnp.float32)
    return inp

def reference(pc1, pc2, feat1, feat2, knn1, knn2, W_t11, b_t11, W_t22, b_t22, W_pos, b_pos, gn0_g, gn0_b, W_m1, b_m1, gn1_g, gn1_b, W_m2, b_m2, gn2_g, gn2_b):
    mlp_params = [(W_m1, b_m1, gn1_g, gn1_b), (W_m2, b_m2, gn2_g, gn2_b)]
    feat1_new = cross(pc1, pc2, conv1x1(W_t11, b_t11, feat1), conv1x1(W_t22, b_t22, feat2), knn1, knn2, W_pos, b_pos, gn0_g, gn0_b, mlp_params)
    feat2_new = cross(pc2, pc1, conv1x1(W_t11, b_t11, feat2), conv1x1(W_t22, b_t22, feat1), knn2, knn1, W_pos, b_pos, gn0_g, gn0_b, mlp_params)
    return (feat1_new, feat2_new)

if __name__ == "__main__":
    import jax
    _d = setup_inputs()
    print(jax.jit(kernel)(*tuple(_d.values())))

</pallas_src>

<mosaic_0001>
#map = affine_map<(d0, d1) -> (0, 0)>
module attributes {stable_mosaic.version = 14 : i64} {
  func.func @k(%arg0: i32, %arg1: i32, %arg2: memref<8192x128xf32, #tpu.memory_space<hbm>>, %arg3: memref<1x131072xi32, #tpu.memory_space<hbm>>, %arg4: memref<131072x128xf32, #tpu.memory_space<hbm>>) attributes {dimension_semantics = [#tpu.dimension_semantics<core_parallel>, #tpu.dimension_semantics<subcore_parallel>], iteration_bounds = array<i64: 2, 16>, scalar_prefetch = 0 : i64, scratch_operands = 0 : i64, tpu.core_type = #tpu.core_type<sc_vector_subcore>, window_params = [{transform_indices = #map}, {transform_indices = #map}, {transform_indices = #map}]} {
    %mul3A = arith.constant 1 : i32
    %mul3A_0 = arith.muli %arg1, %mul3A : i32
    %add3A = arith.constant 0 : i32
    %add3A_1 = arith.addi %add3A, %mul3A_0 : i32
    %mul3A_2 = arith.constant 16 : i32
    %mul3A_3 = arith.muli %arg0, %mul3A_2 : i32
    %add3A_4 = arith.addi %add3A_1, %mul3A_3 : i32
    %mul3A_5 = arith.constant 32 : i32
    %mul3A_6 = arith.muli %add3A_4, %mul3A_5 : i32
    "tpu.region"() ({
      %run_scoped3A = memref.alloca() : memref<2x1x128xi32, #tpu.memory_space<vmem>>
      %run_scoped3A_7 = tpu.sem_alloc : memref<2x!tpu.dma_semaphore, #tpu.memory_space<semaphore_mem>>
      %run_scoped3A_8 = memref.alloca() : memref<2x128x128xf32, #tpu.memory_space<vmem>>
      %run_scoped3A_9 = tpu.sem_alloc : memref<2x!tpu.dma_semaphore, #tpu.memory_space<semaphore_mem>>
      %add3A_10 = arith.constant 0 : i32
      %add3A_11 = arith.addi %add3A_10, %mul3A_6 : i32
      %select_n3A = arith.constant true
      %select_n3A_12 = arith.constant 0 : i32
      %select_n3A_13 = arith.constant -1 : i32
      %select_n3A_14 = arith.select %select_n3A, %select_n3A_13, %select_n3A_12 : i32
      %eq3A = arith.constant -1 : i32
      %eq3A_15 = arith.cmpi eq, %select_n3A_14, %eq3A : i32
      %select_n3A_16 = arith.constant 31 : i32
      %select_n3A_17 = arith.select %eq3A_15, %select_n3A_16, %select_n3A_14 : i32
      %add3A_18 = arith.addi %select_n3A_17, %mul3A_6 : i32
      %select_n3A_19 = arith.constant true
      %select_n3A_20 = arith.constant 0 : i32
      %select_n3A_21 = arith.constant 1 : i32
      %select_n3A_22 = arith.select %select_n3A_19, %select_n3A_21, %select_n3A_20 : i32
      %eq3A_23 = arith.constant 32 : i32
      %eq3A_24 = arith.cmpi eq, %select_n3A_22, %eq3A_23 : i32
      %select_n3A_25 = arith.constant 0 : i32
      %select_n3A_26 = arith.select %eq3A_24, %select_n3A_25, %select_n3A_22 : i32
      %add3A_27 = arith.addi %select_n3A_26, %mul3A_6 : i32
      %add3A_28 = arith.constant 1 : i32
      %add3A_29 = arith.addi %select_n3A_26, %add3A_28 : i32
      %select_n3A_30 = arith.constant true
      %select_n3A_31 = arith.select %select_n3A_30, %add3A_29, %select_n3A_26 : i32
      %eq3A_32 = arith.constant 32 : i32
      %eq3A_33 = arith.cmpi eq, %select_n3A_31, %eq3A_32 : i32
      %select_n3A_34 = arith.constant 0 : i32
      %select_n3A_35 = arith.select %eq3A_33, %select_n3A_34, %select_n3A_31 : i32
      %add3A_36 = arith.addi %select_n3A_35, %mul3A_6 : i32
      "tpu.trace_start"() <{level = 10 : i32, message = "ep_initialize_0"}> : () -> ()
      %rem3A = arith.constant 0 : i32
      %rem3A_37 = arith.constant 2 : i32
      %rem3A_38 = arith.remui %rem3A, %rem3A_37 : i32
      %mul3A_39 = arith.constant 128 : i32
      %mul3A_40 = arith.muli %mul3A_39, %add3A_11 : i32
      %dma_start3A = arith.constant 0 : i32
      %dma_start3A_41 = arith.constant 0 : i32
      %dma_start3A_42 = tpu.memref_slice %run_scoped3A[%rem3A_38, %dma_start3A, %dma_start3A_41] : memref<2x1x128xi32, #tpu.memory_space<vmem>> -> memref<1x1x128xi32, #tpu.memory_space<vmem>>
      %dma_start3A_43 = tpu.memref_squeeze %dma_start3A_42 : memref<1x1x128xi32, #tpu.memory_space<vmem>> -> memref<1x128xi32, #tpu.memory_space<vmem>>
      %dma_start3A_44 = arith.constant 0 : i32
      %dma_start3A_45 = tpu.memref_slice %arg3[%dma_start3A_44, %mul3A_40] : memref<1x131072xi32, #tpu.memory_space<hbm>> -> memref<1x128xi32, #tpu.memory_space<hbm>>
      %dma_start3A_46 = tpu.memref_slice %run_scoped3A_7[%rem3A_38] : memref<2x!tpu.dma_semaphore, #tpu.memory_space<semaphore_mem>> -> memref<1x!tpu.dma_semaphore, #tpu.memory_space<semaphore_mem>>
      %dma_start3A_47 = tpu.memref_squeeze %dma_start3A_46 : memref<1x!tpu.dma_semaphore, #tpu.memory_space<semaphore_mem>> -> memref<!tpu.dma_semaphore, #tpu.memory_space<semaphore_mem>>
      %dma_start3A_48 = arith.constant 0 : i32
      %dma_start3A_49 = arith.constant 0 : i32
      %dma_start3A_50 = tpu.memref_slice %run_scoped3A[%rem3A_38, %dma_start3A_48, %dma_start3A_49] : memref<2x1x128xi32, #tpu.memory_space<vmem>> -> memref<1x1x128xi32, #tpu.memory_space<vmem>>
      %dma_start3A_51 = tpu.memref_squeeze %dma_start3A_50 : memref<1x1x128xi32, #tpu.memory_space<vmem>> -> memref<1x128xi32, #tpu.memory_space<vmem>>
      %dma_start3A_52 = arith.constant 0 : i32
      %dma_start3A_53 = tpu.memref_slice %arg3[%dma_start3A_52, %mul3A_40] : memref<1x131072xi32, #tpu.memory_space<hbm>> -> memref<1x128xi32, #tpu.memory_space<hbm>>
      tpu.enqueue_dma source(%dma_start3A_53 : memref<1x128xi32, #tpu.memory_space<hbm>>) target(%dma_start3A_51 : memref<1x128xi32, #tpu.memory_space<vmem>>) target_semaphore(%dma_start3A_47 : memref<!tpu.dma_semaphore, #tpu.memory_space<semaphore_mem>>)
      %add3A_54 = arith.constant 0 : i32
      %add3A_55 = arith.constant 1 : i32
      %add3A_56 = arith.addi %add3A_54, %add3A_55 : i32
      %select_n3A_57 = arith.constant true
      %select_n3A_58 = arith.constant 0 : i32
      %select_n3A_59 = arith.select %select_n3A_57, %add3A_56, %select_n3A_58 : i32
      "tpu.trace_stop"() : () -> ()
      %scan3A = arith.constant 0 : i32
      %scan3A_60 = arith.constant 0 : i32
      %scan3A_61 = arith.constant 0 : i32
      %scan3A_62 = arith.constant 0 : i32
      %scan3A_63 = arith.constant 0 : i32
      %scan3A_64 = arith.constant 32 : i32
      %scan3A_65 = arith.addi %scan3A_63, %scan3A_64 : i32
      %scan3A_66 = arith.constant 1 : i32
      %scan3A_67:5 = scf.for %scan3A_121 = %scan3A_63 to %scan3A_65 step %scan3A_66 iter_args(%scan3A_122 = %select_n3A_59, %scan3A_123 = %scan3A, %scan3A_124 = %scan3A_60, %scan3A_125 = %scan3A_61, %scan3A_126 = %scan3A_62) -> (i32, i32, i32, i32, i32)  : i32 {
        %eq3A_127 = arith.constant 0 : i32
        %eq3A_128 = arith.cmpi eq, %scan3A_121, %eq3A_127 : i32
        %eq3A_129 = arith.constant 31 : i32
        %eq3A_130 = arith.cmpi eq, %scan3A_121, %eq3A_129 : i32
        %add3A_131 = arith.addi %scan3A_126, %mul3A_6 : i32
        %sub3A_132 = arith.constant 1 : i32
        %sub3A_133 = arith.subi %scan3A_126, %sub3A_132 : i32
        %select_n3A_134 = arith.constant true
        %select_n3A_135 = arith.select %select_n3A_134, %sub3A_133, %scan3A_126 : i32
        %eq3A_136 = arith.constant -1 : i32
        %eq3A_137 = arith.cmpi eq, %select_n3A_135, %eq3A_136 : i32
        %select_n3A_138 = arith.constant 31 : i32
        %select_n3A_139 = arith.select %eq3A_137, %select_n3A_138, %select_n3A_135 : i32
        %add3A_140 = arith.addi %select_n3A_139, %mul3A_6 : i32
        %add3A_141 = arith.constant 1 : i32
        %add3A_142 = arith.addi %scan3A_126, %add3A_141 : i32
        %select_n3A_143 = arith.constant true
        %select_n3A_144 = arith.select %select_n3A_143, %add3A_142, %scan3A_126 : i32
        %eq3A_145 = arith.constant 32 : i32
        %eq3A_146 = arith.cmpi eq, %select_n3A_144, %eq3A_145 : i32
        %select_n3A_147 = arith.constant 0 : i32
        %select_n3A_148 = arith.select %eq3A_146, %select_n3A_147, %select_n3A_144 : i32
        %add3A_149 = arith.addi %select_n3A_148, %mul3A_6 : i32
        %add3A_150 = arith.constant 1 : i32
        %add3A_151 = arith.addi %select_n3A_148, %add3A_150 : i32
        %select_n3A_152 = arith.constant true
        %select_n3A_153 = arith.select %select_n3A_152, %add3A_151, %select_n3A_148 : i32
        %eq3A_154 = arith.constant 32 : i32
        %eq3A_155 = arith.cmpi eq, %select_n3A_153, %eq3A_154 : i32
        %select_n3A_156 = arith.constant 0 : i32
        %select_n3A_157 = arith.select %eq3A_155, %select_n3A_156, %select_n3A_153 : i32
        %add3A_158 = arith.addi %select_n3A_157, %mul3A_6 : i32
        %ne3A = arith.cmpi ne, %add3A_131, %add3A_149 : i32
        %or3A = arith.constant false
        %or3A_159 = arith.ori %or3A, %ne3A : i1
        %ge3A = arith.constant 31 : i32
        %ge3A_160 = arith.cmpi sge, %scan3A_121, %ge3A : i32
        %not3A = arith.constant true
        %not3A_161 = arith.xori %ge3A_160, %not3A : i1
        %and3A = arith.andi %or3A_159, %not3A_161 : i1
        %convert_element_type3A = arith.extui %and3A : i1 to i32
        %cond3A = arith.constant 0 : i32
        %cond3A_162 = arith.cmpi ne, %convert_element_type3A, %cond3A : i32
        scf.if %cond3A_162 {
          "tpu.trace_start"() <{level = 10 : i32, message = "ep_copy_in"}> : () -> ()
          %rem3A_264 = arith.constant 2 : i32
          %rem3A_265 = arith.remui %scan3A_122, %rem3A_264 : i32
          %mul3A_266 = arith.constant 128 : i32
          %mul3A_267 = arith.muli %mul3A_266, %add3A_149 : i32
          %dma_start3A_268 = arith.constant 0 : i32
          %dma_start3A_269 = arith.constant 0 : i32
          %dma_start3A_270 = tpu.memref_slice %run_scoped3A[%rem3A_265, %dma_start3A_268, %dma_start3A_269] : memref<2x1x128xi32, #tpu.memory_space<vmem>> -> memref<1x1x128xi32, #tpu.memory_space<vmem>>
          %dma_start3A_271 = tpu.memref_squeeze %dma_start3A_270 : memref<1x1x128xi32, #tpu.memory_space<vmem>> -> memref<1x128xi32, #tpu.memory_space<vmem>>
          %dma_start3A_272 = arith.constant 0 : i32
          %dma_start3A_273 = tpu.memref_slice %arg3[%dma_start3A_272, %mul3A_267] : memref<1x131072xi32, #tpu.memory_space<hbm>> -> memref<1x128xi32, #tpu.memory_space<hbm>>
          %dma_start3A_274 = tpu.memref_slice %run_scoped3A_7[%rem3A_265] : memref<2x!tpu.dma_semaphore, #tpu.memory_space<semaphore_mem>> -> memref<1x!tpu.dma_semaphore, #tpu.memory_space<semaphore_mem>>
          %dma_start3A_275 = tpu.memref_squeeze %dma_start3A_274 : memref<1x!tpu.dma_semaphore, #tpu.memory_space<semaphore_mem>> -> memref<!tpu.dma_semaphore, #tpu.memory_space<semaphore_mem>>
          %dma_start3A_276 = arith.constant 0 : i32
          %dma_start3A_277 = arith.constant 0 : i32
          %dma_start3A_278 = tpu.memref_slice %run_scoped3A[%rem3A_265, %dma_start3A_276, %dma_start3A_277] : memref<2x1x128xi32, #tpu.memory_space<vmem>> -> memref<1x1x128xi32, #tpu.memory_space<vmem>>
          %dma_start3A_279 = tpu.memref_squeeze %dma_start3A_278 : memref<1x1x128xi32, #tpu.memory_space<vmem>> -> memref<1x128xi32, #tpu.memory_space<vmem>>
          %dma_start3A_280 = arith.constant 0 : i32
          %dma_start3A_281 = tpu.memref_slice %arg3[%dma_start3A_280, %mul3A_267] : memref<1x131072xi32, #tpu.memory_space<hbm>> -> memref<1x128xi32, #tpu.memory_space<hbm>>
          tpu.enqueue_dma source(%dma_start3A_281 : memref<1x128xi32, #tpu.memory_space<hbm>>) target(%dma_start3A_279 : memref<1x128xi32, #tpu.memory_space<vmem>>) target_semaphore(%dma_start3A_275 : memref<!tpu.dma_semaphore, #tpu.memory_space<semaphore_mem>>)
          "tpu.trace_stop"() : () -> ()
        } else {
        }
        %and3A_163 = arith.constant true
        %and3A_164 = arith.andi %and3A, %and3A_163 : i1
        %add3A_165 = arith.constant 1 : i32
        %add3A_166 = arith.addi %scan3A_122, %add3A_165 : i32
        %select_n3A_167 = arith.select %and3A_164, %add3A_166, %scan3A_122 : i32
        %ne3A_168 = arith.cmpi ne, %add3A_131, %add3A_149 : i32
        %or3A_169 = arith.constant false
        %or3A_170 = arith.ori %or3A_169, %ne3A_168 : i1
        %or3A_171 = arith.constant false
        %or3A_172 = arith.ori %or3A_170, %or3A_171 : i1
        %ge3A_173 = arith.constant 31 : i32
        %ge3A_174 = arith.cmpi sge, %scan3A_121, %ge3A_173 : i32
        %not3A_175 = arith.constant true
        %not3A_176 = arith.xori %ge3A_174, %not3A_175 : i1
        %and3A_177 = arith.andi %or3A_172, %not3A_176 : i1
        %ne3A_178 = arith.cmpi ne, %add3A_131, %add3A_140 : i32
        %or3A_179 = arith.constant false
        %or3A_180 = arith.ori %or3A_179, %ne3A_178 : i1
        %or3A_181 = arith.ori %or3A_180, %eq3A_128 : i1
        %convert_element_type3A_182 = arith.extui %or3A_181 : i1 to i32
        %cond3A_183 = arith.constant 0 : i32
        %cond3A_184 = arith.cmpi ne, %convert_element_type3A_182, %cond3A_183 : i32
        scf.if %cond3A_184 {
          "tpu.trace_start"() <{level = 10 : i32, message = "ep_wait_in"}> : () -> ()
          %mul3A_264 = arith.constant 128 : i32
          %mul3A_265 = arith.muli %mul3A_264, %add3A_131 : i32
          %rem3A_266 = arith.constant 2 : i32
          %rem3A_267 = arith.remui %scan3A_123, %rem3A_266 : i32
          %dma_wait3A_268 = arith.constant 0 : i32
          %dma_wait3A_269 = arith.constant 0 : i32
          %dma_wait3A_270 = tpu.memref_slice %run_scoped3A[%rem3A_267, %dma_wait3A_268, %dma_wait3A_269] : memref<2x1x128xi32, #tpu.memory_space<vmem>> -> memref<1x1x128xi32, #tpu.memory_space<vmem>>
          %dma_wait3A_271 = tpu.memref_squeeze %dma_wait3A_270 : memref<1x1x128xi32, #tpu.memory_space<vmem>> -> memref<1x128xi32, #tpu.memory_space<vmem>>
          %dma_wait3A_272 = arith.constant 0 : i32
          %dma_wait3A_273 = tpu.memref_slice %arg3[%dma_wait3A_272, %mul3A_265] : memref<1x131072xi32, #tpu.memory_space<hbm>> -> memref<1x128xi32, #tpu.memory_space<hbm>>
          %dma_wait3A_274 = tpu.memref_slice %run_scoped3A_7[%rem3A_267] : memref<2x!tpu.dma_semaphore, #tpu.memory_space<semaphore_mem>> -> memref<1x!tpu.dma_semaphore, #tpu.memory_space<semaphore_mem>>
          %dma_wait3A_275 = tpu.memref_squeeze %dma_wait3A_274 : memref<1x!tpu.dma_semaphore, #tpu.memory_space<semaphore_mem>> -> memref<!tpu.dma_semaphore, #tpu.memory_space<semaphore_mem>>
          %dma_wait3A_276 = arith.constant 0 : i32
          %dma_wait3A_277 = arith.constant 0 : i32
          %dma_wait3A_278 = tpu.memref_slice %run_scoped3A[%rem3A_267, %dma_wait3A_276, %dma_wait3A_277] : memref<2x1x128xi32, #tpu.memory_space<vmem>> -> memref<1x1x128xi32, #tpu.memory_space<vmem>>
          %dma_wait3A_279 = tpu.memref_squeeze %dma_wait3A_278 : memref<1x1x128xi32, #tpu.memory_space<vmem>> -> memref<1x128xi32, #tpu.memory_space<vmem>>
          %dma_wait3A_280 = arith.constant 0 : i32
          %dma_wait3A_281 = tpu.memref_slice %arg3[%dma_wait3A_280, %mul3A_265] : memref<1x131072xi32, #tpu.memory_space<hbm>> -> memref<1x128xi32, #tpu.memory_space<hbm>>
          tpu.wait_dma2 semaphore(%dma_wait3A_275 : memref<!tpu.dma_semaphore, #tpu.memory_space<semaphore_mem>>) src(%dma_wait3A_281 : memref<1x128xi32, #tpu.memory_space<hbm>>) dst(%dma_wait3A_279 : memref<1x128xi32, #tpu.memory_space<vmem>>)
          "tpu.trace_stop"() : () -> ()
        } else {
        }
        %ne3A_185 = arith.cmpi ne, %add3A_131, %add3A_140 : i32
        %or3A_186 = arith.constant false
        %or3A_187 = arith.ori %or3A_186, %ne3A_185 : i1
        %or3A_188 = arith.constant false
        %or3A_189 = arith.ori %or3A_187, %or3A_188 : i1
        %or3A_190 = arith.ori %or3A_189, %eq3A_128 : i1
        %convert_element_type3A_191 = arith.extui %or3A_190 : i1 to i32
        %cond3A_192 = arith.constant 0 : i32
        %cond3A_193 = arith.cmpi ne, %convert_element_type3A_191, %cond3A_192 : i32
        scf.if %cond3A_193 {
        } else {
        }
        %rem3A_194 = arith.constant 2 : i32
        %rem3A_195 = arith.remui %scan3A_123, %rem3A_194 : i32
        %rem3A_196 = arith.constant 2 : i32
        %rem3A_197 = arith.remui %scan3A_124, %rem3A_196 : i32
        %run_scoped3A_198 = arith.constant 0 : i32
        "tpu.trace_start"() <{level = 10 : i32, message = "ep_run_kernel"}> : () -> ()
        "tpu.region"() ({
          %run_scoped3A_264 = tpu.sem_alloc : memref<!tpu.dma_semaphore, #tpu.memory_space<semaphore_mem>>
          %dma_start3A_265 = arith.constant 0 : i32
          %dma_start3A_266 = arith.constant 0 : i32
          %dma_start3A_267 = tpu.memref_slice %run_scoped3A_8[%rem3A_197, %dma_start3A_265, %dma_start3A_266] : memref<2x128x128xf32, #tpu.memory_space<vmem>> -> memref<1x128x128xf32, #tpu.memory_space<vmem>>
          %dma_start3A_268 = tpu.memref_squeeze %dma_start3A_267 : memref<1x128x128xf32, #tpu.memory_space<vmem>> -> memref<128x128xf32, #tpu.memory_space<vmem>>
          %dma_start3A_269 = arith.constant 0 : i32
          %dma_start3A_270 = arith.constant 0 : i32
          %dma_start3A_271 = tpu.memref_slice %run_scoped3A[%rem3A_195, %dma_start3A_269, %dma_start3A_270] : memref<2x1x128xi32, #tpu.memory_space<vmem>> -> memref<1x1x128xi32, #tpu.memory_space<vmem>>
          %dma_start3A_272 = tpu.memref_squeeze %dma_start3A_271 : memref<1x1x128xi32, #tpu.memory_space<vmem>> -> memref<1x128xi32, #tpu.memory_space<vmem>>
          %dma_start3A_273 = arith.constant 0 : i32
          %dma_start3A_274 = tpu.memref_slice %dma_start3A_272[%run_scoped3A_198, %dma_start3A_273] : memref<1x128xi32, #tpu.memory_space<vmem>> -> memref<1x128xi32, #tpu.memory_space<vmem>>
          %dma_start3A_275 = tpu.memref_squeeze %dma_start3A_274 : memref<1x128xi32, #tpu.memory_space<vmem>> -> memref<128xi32, #tpu.memory_space<vmem>>
          %dma_start3A_276 = arith.constant 0 : i32
          %dma_start3A_277 = arith.constant 0 : i32
          %dma_start3A_278 = tpu.memref_slice %arg2[%dma_start3A_276, %dma_start3A_277] : memref<8192x128xf32, #tpu.memory_space<hbm>> -> memref<8192x128xf32, #tpu.memory_space<hbm>>
          tpu.enqueue_indirect_dma source(%dma_start3A_278 : memref<8192x128xf32, #tpu.memory_space<hbm>>) target(%dma_start3A_268 : memref<128x128xf32, #tpu.memory_space<vmem>>) offsets(%dma_start3A_275 : memref<128xi32, #tpu.memory_space<vmem>>) semaphore(%run_scoped3A_264 : memref<!tpu.dma_semaphore, #tpu.memory_space<semaphore_mem>>)
          %dma_wait3A_279 = arith.constant 0 : i32
          %dma_wait3A_280 = arith.constant 0 : i32
          %dma_wait3A_281 = tpu.memref_slice %run_scoped3A_8[%rem3A_197, %dma_wait3A_279, %dma_wait3A_280] : memref<2x128x128xf32, #tpu.memory_space<vmem>> -> memref<1x128x128xf32, #tpu.memory_space<vmem>>
          %dma_wait3A_282 = tpu.memref_squeeze %dma_wait3A_281 : memref<1x128x128xf32, #tpu.memory_space<vmem>> -> memref<128x128xf32, #tpu.memory_space<vmem>>
          %dma_wait3A_283 = arith.constant 0 : i32
          %dma_wait3A_284 = arith.constant 0 : i32
          %dma_wait3A_285 = tpu.memref_slice %run_scoped3A[%rem3A_195, %dma_wait3A_283, %dma_wait3A_284] : memref<2x1x128xi32, #tpu.memory_space<vmem>> -> memref<1x1x128xi32, #tpu.memory_space<vmem>>
          %dma_wait3A_286 = tpu.memref_squeeze %dma_wait3A_285 : memref<1x1x128xi32, #tpu.memory_space<vmem>> -> memref<1x128xi32, #tpu.memory_space<vmem>>
          %dma_wait3A_287 = arith.constant 0 : i32
          %dma_wait3A_288 = tpu.memref_slice %dma_wait3A_286[%run_scoped3A_198, %dma_wait3A_287] : memref<1x128xi32, #tpu.memory_space<vmem>> -> memref<1x128xi32, #tpu.memory_space<vmem>>
          %dma_wait3A_289 = tpu.memref_squeeze %dma_wait3A_288 : memref<1x128xi32, #tpu.memory_space<vmem>> -> memref<128xi32, #tpu.memory_space<vmem>>
          %dma_wait3A_290 = arith.constant 0 : i32
          %dma_wait3A_291 = arith.constant 0 : i32
          %dma_wait3A_292 = tpu.memref_slice %arg2[%dma_wait3A_290, %dma_wait3A_291] : memref<8192x128xf32, #tpu.memory_space<hbm>> -> memref<8192x128xf32, #tpu.memory_space<hbm>>
          tpu.wait_indirect_dma semaphore(%run_scoped3A_264 : memref<!tpu.dma_semaphore, #tpu.memory_space<semaphore_mem>>) src(%dma_wait3A_292 : memref<8192x128xf32, #tpu.memory_space<hbm>>) dst(%dma_wait3A_282 : memref<128x128xf32, #tpu.memory_space<vmem>>)
          tpu.yield
        }) : () -> ()
        "tpu.trace_stop"() : () -> ()
        %ne3A_199 = arith.cmpi ne, %add3A_131, %add3A_149 : i32
        %or3A_200 = arith.constant false
        %or3A_201 = arith.ori %or3A_200, %ne3A_199 : i1
        %or3A_202 = arith.ori %or3A_201, %eq3A_130 : i1
        %convert_element_type3A_203 = arith.extui %or3A_202 : i1 to i32
        %cond3A_204 = arith.constant 0 : i32
        %cond3A_205 = arith.cmpi ne, %convert_element_type3A_203, %cond3A_204 : i32
        scf.if %cond3A_205 {
        } else {
        }
        %and3A_206 = arith.constant false
        %and3A_207 = arith.andi %or3A_202, %and3A_206 : i1
        %ne3A_208 = arith.cmpi ne, %add3A_131, %add3A_149 : i32
        %or3A_209 = arith.constant false
        %or3A_210 = arith.ori %or3A_209, %ne3A_208 : i1
        %or3A_211 = arith.constant false
        %or3A_212 = arith.ori %or3A_210, %or3A_211 : i1
        %or3A_213 = arith.ori %or3A_212, %eq3A_130 : i1
        %convert_element_type3A_214 = arith.extui %or3A_213 : i1 to i32
        %cond3A_215 = arith.constant 0 : i32
        %cond3A_216 = arith.cmpi ne, %convert_element_type3A_214, %cond3A_215 : i32
        scf.if %cond3A_216 {
          "tpu.trace_start"() <{level = 10 : i32, message = "ep_copy_out"}> : () -> ()
          %rem3A_264 = arith.constant 2 : i32
          %rem3A_265 = arith.remui %scan3A_124, %rem3A_264 : i32
          %mul3A_266 = arith.constant 128 : i32
          %mul3A_267 = arith.muli %mul3A_266, %add3A_131 : i32
          %dma_start3A_268 = arith.constant 0 : i32
          %dma_start3A_269 = arith.constant 0 : i32
          %dma_start3A_270 = tpu.memref_slice %run_scoped3A_8[%rem3A_265, %dma_start3A_268, %dma_start3A_269] : memref<2x128x128xf32, #tpu.memory_space<vmem>> -> memref<1x128x128xf32, #tpu.memory_space<vmem>>
          %dma_start3A_271 = tpu.memref_squeeze %dma_start3A_270 : memref<1x128x128xf32, #tpu.memory_space<vmem>> -> memref<128x128xf32, #tpu.memory_space<vmem>>
          %dma_start3A_272 = arith.constant 0 : i32
          %dma_start3A_273 = tpu.memref_slice %arg4[%mul3A_267, %dma_start3A_272] : memref<131072x128xf32, #tpu.memory_space<hbm>> -> memref<128x128xf32, #tpu.memory_space<hbm>>
          %dma_start3A_274 = tpu.memref_slice %run_scoped3A_9[%rem3A_265] : memref<2x!tpu.dma_semaphore, #tpu.memory_space<semaphore_mem>> -> memref<1x!tpu.dma_semaphore, #tpu.memory_space<semaphore_mem>>
          %dma_start3A_275 = tpu.memref_squeeze %dma_start3A_274 : memref<1x!tpu.dma_semaphore, #tpu.memory_space<semaphore_mem>> -> memref<!tpu.dma_semaphore, #tpu.memory_space<semaphore_mem>>
          %dma_start3A_276 = arith.constant 0 : i32
          %dma_start3A_277 = tpu.memref_slice %arg4[%mul3A_267, %dma_start3A_276] : memref<131072x128xf32, #tpu.memory_space<hbm>> -> memref<128x128xf32, #tpu.memory_space<hbm>>
          %dma_start3A_278 = arith.constant 0 : i32
          %dma_start3A_279 = arith.constant 0 : i32
          %dma_start3A_280 = tpu.memref_slice %run_scoped3A_8[%rem3A_265, %dma_start3A_278, %dma_start3A_279] : memref<2x128x128xf32, #tpu.memory_space<vmem>> -> memref<1x128x128xf32, #tpu.memory_space<vmem>>
          %dma_start3A_281 = tpu.memref_squeeze %dma_start3A_280 : memref<1x128x128xf32, #tpu.memory_space<vmem>> -> memref<128x128xf32, #tpu.memory_space<vmem>>
          tpu.enqueue_dma source(%dma_start3A_281 : memref<128x128xf32, #tpu.memory_space<vmem>>) target(%dma_start3A_277 : memref<128x128xf32, #tpu.memory_space<hbm>>) target_semaphore(%dma_start3A_275 : memref<!tpu.dma_semaphore, #tpu.memory_space<semaphore_mem>>)
          "tpu.trace_stop"() : () -> ()
        } else {
        }
        %and3A_217 = arith.constant true
        %and3A_218 = arith.andi %or3A_213, %and3A_217 : i1
        %add3A_219 = arith.constant 1 : i32
        %add3A_220 = arith.addi %scan3A_124, %add3A_219 : i32
        %select_n3A_221 = arith.select %and3A_218, %add3A_220, %scan3A_124 : i32
        %ne3A_222 = arith.cmpi ne, %add3A_131, %add3A_140 : i32
        %or3A_223 = arith.constant false
        %or3A_224 = arith.ori %or3A_223, %ne3A_222 : i1
        %not3A_225 = arith.constant true
        %not3A_226 = arith.xori %eq3A_128, %not3A_225 : i1
        %and3A_227 = arith.andi %or3A_224, %not3A_226 : i1
        %convert_element_type3A_228 = arith.extui %and3A_227 : i1 to i32
        %cond3A_229 = arith.constant 0 : i32
        %cond3A_230 = arith.cmpi ne, %convert_element_type3A_228, %cond3A_229 : i32
        scf.if %cond3A_230 {
        } else {
        }
        %and3A_231 = arith.constant false
        %and3A_232 = arith.andi %and3A_227, %and3A_231 : i1
        %ne3A_233 = arith.cmpi ne, %add3A_131, %add3A_140 : i32
        %or3A_234 = arith.constant false
        %or3A_235 = arith.ori %or3A_234, %ne3A_233 : i1
        %or3A_236 = arith.constant false
        %or3A_237 = arith.ori %or3A_235, %or3A_236 : i1
        %not3A_238 = arith.constant true
        %not3A_239 = arith.xori %eq3A_128, %not3A_238 : i1
        %and3A_240 = arith.andi %or3A_237, %not3A_239 : i1
        %convert_element_type3A_241 = arith.extui %and3A_240 : i1 to i32
        %cond3A_242 = arith.constant 0 : i32
        %cond3A_243 = arith.cmpi ne, %convert_element_type3A_241, %cond3A_242 : i32
        scf.if %cond3A_243 {
          "tpu.trace_start"() <{level = 10 : i32, message = "ep_wait_out"}> : () -> ()
          %rem3A_264 = arith.constant 2 : i32
          %rem3A_265 = arith.remui %scan3A_125, %rem3A_264 : i32
          %mul3A_266 = arith.constant 128 : i32
          %mul3A_267 = arith.muli %mul3A_266, %add3A_140 : i32
          %dma_wait3A_268 = arith.constant 0 : i32
          %dma_wait3A_269 = arith.constant 0 : i32
          %dma_wait3A_270 = tpu.memref_slice %run_scoped3A_8[%rem3A_265, %dma_wait3A_268, %dma_wait3A_269] : memref<2x128x128xf32, #tpu.memory_space<vmem>> -> memref<1x128x128xf32, #tpu.memory_space<vmem>>
          %dma_wait3A_271 = tpu.memref_squeeze %dma_wait3A_270 : memref<1x128x128xf32, #tpu.memory_space<vmem>> -> memref<128x128xf32, #tpu.memory_space<vmem>>
          %dma_wait3A_272 = arith.constant 0 : i32
          %dma_wait3A_273 = tpu.memref_slice %arg4[%mul3A_267, %dma_wait3A_272] : memref<131072x128xf32, #tpu.memory_space<hbm>> -> memref<128x128xf32, #tpu.memory_space<hbm>>
          %dma_wait3A_274 = tpu.memref_slice %run_scoped3A_9[%rem3A_265] : memref<2x!tpu.dma_semaphore, #tpu.memory_space<semaphore_mem>> -> memref<1x!tpu.dma_semaphore, #tpu.memory_space<semaphore_mem>>
          %dma_wait3A_275 = tpu.memref_squeeze %dma_wait3A_274 : memref<1x!tpu.dma_semaphore, #tpu.memory_space<semaphore_mem>> -> memref<!tpu.dma_semaphore, #tpu.memory_space<semaphore_mem>>
          %dma_wait3A_276 = arith.constant 0 : i32
          %dma_wait3A_277 = tpu.memref_slice %arg4[%mul3A_267, %dma_wait3A_276] : memref<131072x128xf32, #tpu.memory_space<hbm>> -> memref<128x128xf32, #tpu.memory_space<hbm>>
          %dma_wait3A_278 = arith.constant 0 : i32
          %dma_wait3A_279 = arith.constant 0 : i32
          %dma_wait3A_280 = tpu.memref_slice %run_scoped3A_8[%rem3A_265, %dma_wait3A_278, %dma_wait3A_279] : memref<2x128x128xf32, #tpu.memory_space<vmem>> -> memref<1x128x128xf32, #tpu.memory_space<vmem>>
          %dma_wait3A_281 = tpu.memref_squeeze %dma_wait3A_280 : memref<1x128x128xf32, #tpu.memory_space<vmem>> -> memref<128x128xf32, #tpu.memory_space<vmem>>
          tpu.wait_dma2 semaphore(%dma_wait3A_275 : memref<!tpu.dma_semaphore, #tpu.memory_space<semaphore_mem>>) src(%dma_wait3A_281 : memref<128x128xf32, #tpu.memory_space<vmem>>) dst(%dma_wait3A_277 : memref<128x128xf32, #tpu.memory_space<hbm>>)
          "tpu.trace_stop"() : () -> ()
        } else {
        }
        %and3A_244 = arith.constant true
        %and3A_245 = arith.andi %and3A_240, %and3A_244 : i1
        %add3A_246 = arith.constant 1 : i32
        %add3A_247 = arith.addi %scan3A_125, %add3A_246 : i32
        %select_n3A_248 = arith.select %and3A_245, %add3A_247, %scan3A_125 : i32
        %ne3A_249 = arith.cmpi ne, %add3A_131, %add3A_149 : i32
        %or3A_250 = arith.constant false
        %or3A_251 = arith.ori %or3A_250, %ne3A_249 : i1
        %or3A_252 = arith.ori %or3A_251, %eq3A_130 : i1
        %add3A_253 = arith.constant 1 : i32
        %add3A_254 = arith.addi %scan3A_123, %add3A_253 : i32
        %select_n3A_255 = arith.select %or3A_252, %add3A_254, %scan3A_123 : i32
        %add3A_256 = arith.constant 1 : i32
        %add3A_257 = arith.addi %scan3A_126, %add3A_256 : i32
        %select_n3A_258 = arith.constant true
        %select_n3A_259 = arith.select %select_n3A_258, %add3A_257, %scan3A_126 : i32
        %eq3A_260 = arith.constant 32 : i32
        %eq3A_261 = arith.cmpi eq, %select_n3A_259, %eq3A_260 : i32
        %select_n3A_262 = arith.constant 0 : i32
        %select_n3A_263 = arith.select %eq3A_261, %select_n3A_262, %select_n3A_259 : i32
        scf.yield %select_n3A_167, %select_n3A_255, %select_n3A_221, %select_n3A_248, %select_n3A_263 : i32, i32, i32, i32, i32
      }
      %scan3A_68 = arith.constant 32 : i32
      %sub3A = arith.constant 1 : i32
      %sub3A_69 = arith.subi %scan3A_67#4, %sub3A : i32
      %select_n3A_70 = arith.constant true
      %select_n3A_71 = arith.select %select_n3A_70, %sub3A_69, %scan3A_67#4 : i32
      %eq3A_72 = arith.constant -1 : i32
      %eq3A_73 = arith.cmpi eq, %select_n3A_71, %eq3A_72 : i32
      %select_n3A_74 = arith.constant 31 : i32
      %select_n3A_75 = arith.select %eq3A_73, %select_n3A_74, %select_n3A_71 : i32
      %add3A_76 = arith.addi %select_n3A_75, %mul3A_6 : i32
      %sub3A_77 = arith.constant 1 : i32
      %sub3A_78 = arith.subi %select_n3A_75, %sub3A_77 : i32
      %select_n3A_79 = arith.constant true
      %select_n3A_80 = arith.select %select_n3A_79, %sub3A_78, %select_n3A_75 : i32
      %eq3A_81 = arith.constant -1 : i32
      %eq3A_82 = arith.cmpi eq, %select_n3A_80, %eq3A_81 : i32
      %select_n3A_83 = arith.constant 31 : i32
      %select_n3A_84 = arith.select %eq3A_82, %select_n3A_83, %select_n3A_80 : i32
      %add3A_85 = arith.addi %select_n3A_84, %mul3A_6 : i32
      %add3A_86 = arith.constant 1 : i32
      %add3A_87 = arith.addi %select_n3A_75, %add3A_86 : i32
      %select_n3A_88 = arith.constant true
      %select_n3A_89 = arith.select %select_n3A_88, %add3A_87, %select_n3A_75 : i32
      %eq3A_90 = arith.constant 32 : i32
      %eq3A_91 = arith.cmpi eq, %select_n3A_89, %eq3A_90 : i32
      %select_n3A_92 = arith.constant 0 : i32
      %select_n3A_93 = arith.select %eq3A_91, %select_n3A_92, %select_n3A_89 : i32
      %add3A_94 = arith.addi %select_n3A_93, %mul3A_6 : i32
      %add3A_95 = arith.constant 1 : i32
      %add3A_96 = arith.addi %select_n3A_93, %add3A_95 : i32
      %select_n3A_97 = arith.constant true
      %select_n3A_98 = arith.select %select_n3A_97, %add3A_96, %select_n3A_93 : i32
      %eq3A_99 = arith.constant 32 : i32
      %eq3A_100 = arith.cmpi eq, %select_n3A_98, %eq3A_99 : i32
      %select_n3A_101 = arith.constant 0 : i32
      %select_n3A_102 = arith.select %eq3A_100, %select_n3A_101, %select_n3A_98 : i32
      %add3A_103 = arith.addi %select_n3A_102, %mul3A_6 : i32
      "tpu.trace_start"() <{level = 10 : i32, message = "ep_finalize"}> : () -> ()
      %rem3A_104 = arith.constant 2 : i32
      %rem3A_105 = arith.remui %scan3A_67#3, %rem3A_104 : i32
      %mul3A_106 = arith.constant 128 : i32
      %mul3A_107 = arith.muli %mul3A_106, %add3A_76 : i32
      %dma_wait3A = arith.constant 0 : i32
      %dma_wait3A_108 = arith.constant 0 : i32
      %dma_wait3A_109 = tpu.memref_slice %run_scoped3A_8[%rem3A_105, %dma_wait3A, %dma_wait3A_108] : memref<2x128x128xf32, #tpu.memory_space<vmem>> -> memref<1x128x128xf32, #tpu.memory_space<vmem>>
      %dma_wait3A_110 = tpu.memref_squeeze %dma_wait3A_109 : memref<1x128x128xf32, #tpu.memory_space<vmem>> -> memref<128x128xf32, #tpu.memory_space<vmem>>
      %dma_wait3A_111 = arith.constant 0 : i32
      %dma_wait3A_112 = tpu.memref_slice %arg4[%mul3A_107, %dma_wait3A_111] : memref<131072x128xf32, #tpu.memory_space<hbm>> -> memref<128x128xf32, #tpu.memory_space<hbm>>
      %dma_wait3A_113 = tpu.memref_slice %run_scoped3A_9[%rem3A_105] : memref<2x!tpu.dma_semaphore, #tpu.memory_space<semaphore_mem>> -> memref<1x!tpu.dma_semaphore, #tpu.memory_space<semaphore_mem>>
      %dma_wait3A_114 = tpu.memref_squeeze %dma_wait3A_113 : memref<1x!tpu.dma_semaphore, #tpu.memory_space<semaphore_mem>> -> memref<!tpu.dma_semaphore, #tpu.memory_space<semaphore_mem>>
      %dma_wait3A_115 = arith.constant 0 : i32
      %dma_wait3A_116 = tpu.memref_slice %arg4[%mul3A_107, %dma_wait3A_115] : memref<131072x128xf32, #tpu.memory_space<hbm>> -> memref<128x128xf32, #tpu.memory_space<hbm>>
      %dma_wait3A_117 = arith.constant 0 : i32
      %dma_wait3A_118 = arith.constant 0 : i32
      %dma_wait3A_119 = tpu.memref_slice %run_scoped3A_8[%rem3A_105, %dma_wait3A_117, %dma_wait3A_118] : memref<2x128x128xf32, #tpu.memory_space<vmem>> -> memref<1x128x128xf32, #tpu.memory_space<vmem>>
      %dma_wait3A_120 = tpu.memref_squeeze %dma_wait3A_119 : memref<1x128x128xf32, #tpu.memory_space<vmem>> -> memref<128x128xf32, #tpu.memory_space<vmem>>
      tpu.wait_dma2 semaphore(%dma_wait3A_114 : memref<!tpu.dma_semaphore, #tpu.memory_space<semaphore_mem>>) src(%dma_wait3A_120 : memref<128x128xf32, #tpu.memory_space<vmem>>) dst(%dma_wait3A_116 : memref<128x128xf32, #tpu.memory_space<hbm>>)
      "tpu.trace_stop"() : () -> ()
      tpu.yield
    }) : () -> ()
    return
  }
}

#map = affine_map<(d0, d1) -> (0, 0)>
module attributes {stable_mosaic.version = 14 : i64} {
  func.func @k(%arg0: i32, %arg1: i32, %arg2: memref<8192x128xf32, #tpu.memory_space<hbm>>, %arg3: memref<1x131072xi32, #tpu.memory_space<hbm>>, %arg4: memref<131072x128xf32, #tpu.memory_space<hbm>>) attributes {dimension_semantics = [#tpu.dimension_semantics<core_parallel>, #tpu.dimension_semantics<subcore_parallel>], iteration_bounds = array<i64: 2, 16>, scalar_prefetch = 0 : i64, scratch_operands = 0 : i64, tpu.core_type = #tpu.core_type<sc_vector_subcore>, window_params = [{transform_indices = #map}, {transform_indices = #map}, {transform_indices = #map}]} {
    %mul3A = arith.constant 1 : i32
    %mul3A_0 = arith.muli %arg1, %mul3A : i32
    %add3A = arith.constant 0 : i32
    %add3A_1 = arith.addi %add3A, %mul3A_0 : i32
    %mul3A_2 = arith.constant 16 : i32
    %mul3A_3 = arith.muli %arg0, %mul3A_2 : i32
    %add3A_4 = arith.addi %add3A_1, %mul3A_3 : i32
    %mul3A_5 = arith.constant 32 : i32
    %mul3A_6 = arith.muli %add3A_4, %mul3A_5 : i32
    "tpu.region"() ({
      %run_scoped3A = memref.alloca() : memref<2x1x128xi32, #tpu.memory_space<vmem>>
      %run_scoped3A_7 = tpu.sem_alloc : memref<2x!tpu.dma_semaphore, #tpu.memory_space<semaphore_mem>>
      %run_scoped3A_8 = memref.alloca() : memref<2x128x128xf32, #tpu.memory_space<vmem>>
      %run_scoped3A_9 = tpu.sem_alloc : memref<2x!tpu.dma_semaphore, #tpu.memory_space<semaphore_mem>>
      %add3A_10 = arith.constant 0 : i32
      %add3A_11 = arith.addi %add3A_10, %mul3A_6 : i32
      %select_n3A = arith.constant true
      %select_n3A_12 = arith.constant 0 : i32
      %select_n3A_13 = arith.constant -1 : i32
      %select_n3A_14 = arith.select %select_n3A, %select_n3A_13, %select_n3A_12 : i32
      %eq3A = arith.constant -1 : i32
      %eq3A_15 = arith.cmpi eq, %select_n3A_14, %eq3A : i32
      %select_n3A_16 = arith.constant 31 : i32
      %select_n3A_17 = arith.select %eq3A_15, %select_n3A_16, %select_n3A_14 : i32
      %add3A_18 = arith.addi %select_n3A_17, %mul3A_6 : i32
      %select_n3A_19 = arith.constant true
      %select_n3A_20 = arith.constant 0 : i32
      %select_n3A_21 = arith.constant 1 : i32
      %select_n3A_22 = arith.select %select_n3A_19, %select_n3A_21, %select_n3A_20 : i32
      %eq3A_23 = arith.constant 32 : i32
      %eq3A_24 = arith.cmpi eq, %select_n3A_22, %eq3A_23 : i32
      %select_n3A_25 = arith.constant 0 : i32
      %select_n3A_26 = arith.select %eq3A_24, %select_n3A_25, %select_n3A_22 : i32
      %add3A_27 = arith.addi %select_n3A_26, %mul3A_6 : i32
      %add3A_28 = arith.constant 1 : i32
      %add3A_29 = arith.addi %select_n3A_26, %add3A_28 : i32
      %select_n3A_30 = arith.constant true
      %select_n3A_31 = arith.select %select_n3A_30, %add3A_29, %select_n3A_26 : i32
      %eq3A_32 = arith.constant 32 : i32
      %eq3A_33 = arith.cmpi eq, %select_n3A_31, %eq3A_32 : i32
      %select_n3A_34 = arith.constant 0 : i32
      %select_n3A_35 = arith.select %eq3A_33, %select_n3A_34, %select_n3A_31 : i32
      %add3A_36 = arith.addi %select_n3A_35, %mul3A_6 : i32
      "tpu.trace_start"() <{level = 10 : i32, message = "ep_initialize_0"}> : () -> ()
      %rem3A = arith.constant 0 : i32
      %rem3A_37 = arith.constant 2 : i32
      %rem3A_38 = arith.remui %rem3A, %rem3A_37 : i32
      %mul3A_39 = arith.constant 128 : i32
      %mul3A_40 = arith.muli %mul3A_39, %add3A_11 : i32
      %dma_start3A = arith.constant 0 : i32
      %dma_start3A_41 = arith.constant 0 : i32
      %dma_start3A_42 = tpu.memref_slice %run_scoped3A[%rem3A_38, %dma_start3A, %dma_start3A_41] : memref<2x1x128xi32, #tpu.memory_space<vmem>> -> memref<1x1x128xi32, #tpu.memory_space<vmem>>
      %dma_start3A_43 = tpu.memref_squeeze %dma_start3A_42 : memref<1x1x128xi32, #tpu.memory_space<vmem>> -> memref<1x128xi32, #tpu.memory_space<vmem>>
      %dma_start3A_44 = arith.constant 0 : i32
      %dma_start3A_45 = tpu.memref_slice %arg3[%dma_start3A_44, %mul3A_40] : memref<1x131072xi32, #tpu.memory_space<hbm>> -> memref<1x128xi32, #tpu.memory_space<hbm>>
      %dma_start3A_46 = tpu.memref_slice %run_scoped3A_7[%rem3A_38] : memref<2x!tpu.dma_semaphore, #tpu.memory_space<semaphore_mem>> -> memref<1x!tpu.dma_semaphore, #tpu.memory_space<semaphore_mem>>
      %dma_start3A_47 = tpu.memref_squeeze %dma_start3A_46 : memref<1x!tpu.dma_semaphore, #tpu.memory_space<semaphore_mem>> -> memref<!tpu.dma_semaphore, #tpu.memory_space<semaphore_mem>>
      %dma_start3A_48 = arith.constant 0 : i32
      %dma_start3A_49 = arith.constant 0 : i32
      %dma_start3A_50 = tpu.memref_slice %run_scoped3A[%rem3A_38, %dma_start3A_48, %dma_start3A_49] : memref<2x1x128xi32, #tpu.memory_space<vmem>> -> memref<1x1x128xi32, #tpu.memory_space<vmem>>
      %dma_start3A_51 = tpu.memref_squeeze %dma_start3A_50 : memref<1x1x128xi32, #tpu.memory_space<vmem>> -> memref<1x128xi32, #tpu.memory_space<vmem>>
      %dma_start3A_52 = arith.constant 0 : i32
      %dma_start3A_53 = tpu.memref_slice %arg3[%dma_start3A_52, %mul3A_40] : memref<1x131072xi32, #tpu.memory_space<hbm>> -> memref<1x128xi32, #tpu.memory_space<hbm>>
      tpu.enqueue_dma source(%dma_start3A_53 : memref<1x128xi32, #tpu.memory_space<hbm>>) target(%dma_start3A_51 : memref<1x128xi32, #tpu.memory_space<vmem>>) target_semaphore(%dma_start3A_47 : memref<!tpu.dma_semaphore, #tpu.memory_space<semaphore_mem>>)
      %add3A_54 = arith.constant 0 : i32
      %add3A_55 = arith.constant 1 : i32
      %add3A_56 = arith.addi %add3A_54, %add3A_55 : i32
      %select_n3A_57 = arith.constant true
      %select_n3A_58 = arith.constant 0 : i32
      %select_n3A_59 = arith.select %select_n3A_57, %add3A_56, %select_n3A_58 : i32
      "tpu.trace_stop"() : () -> ()
      %scan3A = arith.constant 0 : i32
      %scan3A_60 = arith.constant 0 : i32
      %scan3A_61 = arith.constant 0 : i32
      %scan3A_62 = arith.constant 0 : i32
      %scan3A_63 = arith.constant 0 : i32
      %scan3A_64 = arith.constant 32 : i32
      %scan3A_65 = arith.addi %scan3A_63, %scan3A_64 : i32
      %scan3A_66 = arith.constant 1 : i32
      %scan3A_67:5 = scf.for %scan3A_121 = %scan3A_63 to %scan3A_65 step %scan3A_66 iter_args(%scan3A_122 = %select_n3A_59, %scan3A_123 = %scan3A, %scan3A_124 = %scan3A_60, %scan3A_125 = %scan3A_61, %scan3A_126 = %scan3A_62) -> (i32, i32, i32, i32, i32)  : i32 {
        %eq3A_127 = arith.constant 0 : i32
        %eq3A_128 = arith.cmpi eq, %scan3A_121, %eq3A_127 : i32
        %eq3A_129 = arith.constant 31 : i32
        %eq3A_130 = arith.cmpi eq, %scan3A_121, %eq3A_129 : i32
        %add3A_131 = arith.addi %scan3A_126, %mul3A_6 : i32
        %sub3A_132 = arith.constant 1 : i32
        %sub3A_133 = arith.subi %scan3A_126, %sub3A_132 : i32
        %select_n3A_134 = arith.constant true
        %select_n3A_135 = arith.select %select_n3A_134, %sub3A_133, %scan3A_126 : i32
        %eq3A_136 = arith.constant -1 : i32
        %eq3A_137 = arith.cmpi eq, %select_n3A_135, %eq3A_136 : i32
        %select_n3A_138 = arith.constant 31 : i32
        %select_n3A_139 = arith.select %eq3A_137, %select_n3A_138, %select_n3A_135 : i32
        %add3A_140 = arith.addi %select_n3A_139, %mul3A_6 : i32
        %add3A_141 = arith.constant 1 : i32
        %add3A_142 = arith.addi %scan3A_126, %add3A_141 : i32
        %select_n3A_143 = arith.constant true
        %select_n3A_144 = arith.select %select_n3A_143, %add3A_142, %scan3A_126 : i32
        %eq3A_145 = arith.constant 32 : i32
        %eq3A_146 = arith.cmpi eq, %select_n3A_144, %eq3A_145 : i32
        %select_n3A_147 = arith.constant 0 : i32
        %select_n3A_148 = arith.select %eq3A_146, %select_n3A_147, %select_n3A_144 : i32
        %add3A_149 = arith.addi %select_n3A_148, %mul3A_6 : i32
        %add3A_150 = arith.constant 1 : i32
        %add3A_151 = arith.addi %select_n3A_148, %add3A_150 : i32
        %select_n3A_152 = arith.constant true
        %select_n3A_153 = arith.select %select_n3A_152, %add3A_151, %select_n3A_148 : i32
        %eq3A_154 = arith.constant 32 : i32
        %eq3A_155 = arith.cmpi eq, %select_n3A_153, %eq3A_154 : i32
        %select_n3A_156 = arith.constant 0 : i32
        %select_n3A_157 = arith.select %eq3A_155, %select_n3A_156, %select_n3A_153 : i32
        %add3A_158 = arith.addi %select_n3A_157, %mul3A_6 : i32
        %ne3A = arith.cmpi ne, %add3A_131, %add3A_149 : i32
        %or3A = arith.constant false
        %or3A_159 = arith.ori %or3A, %ne3A : i1
        %ge3A = arith.constant 31 : i32
        %ge3A_160 = arith.cmpi sge, %scan3A_121, %ge3A : i32
        %not3A = arith.constant true
        %not3A_161 = arith.xori %ge3A_160, %not3A : i1
        %and3A = arith.andi %or3A_159, %not3A_161 : i1
        %convert_element_type3A = arith.extui %and3A : i1 to i32
        %cond3A = arith.constant 0 : i32
        %cond3A_162 = arith.cmpi ne, %convert_element_type3A, %cond3A : i32
        scf.if %cond3A_162 {
          "tpu.trace_start"() <{level = 10 : i32, message = "ep_copy_in"}> : () -> ()
          %rem3A_264 = arith.constant 2 : i32
          %rem3A_265 = arith.remui %scan3A_122, %rem3A_264 : i32
          %mul3A_266 = arith.constant 128 : i32
          %mul3A_267 = arith.muli %mul3A_266, %add3A_149 : i32
          %dma_start3A_268 = arith.constant 0 : i32
          %dma_start3A_269 = arith.constant 0 : i32
          %dma_start3A_270 = tpu.memref_slice %run_scoped3A[%rem3A_265, %dma_start3A_268, %dma_start3A_269] : memref<2x1x128xi32, #tpu.memory_space<vmem>> -> memref<1x1x128xi32, #tpu.memory_space<vmem>>
          %dma_start3A_271 = tpu.memref_squeeze %dma_start3A_270 : memref<1x1x128xi32, #tpu.memory_space<vmem>> -> memref<1x128xi32, #tpu.memory_space<vmem>>
          %dma_start3A_272 = arith.constant 0 : i32
          %dma_start3A_273 = tpu.memref_slice %arg3[%dma_start3A_272, %mul3A_267] : memref<1x131072xi32, #tpu.memory_space<hbm>> -> memref<1x128xi32, #tpu.memory_space<hbm>>
          %dma_start3A_274 = tpu.memref_slice %run_scoped3A_7[%rem3A_265] : memref<2x!tpu.dma_semaphore, #tpu.memory_space<semaphore_mem>> -> memref<1x!tpu.dma_semaphore, #tpu.memory_space<semaphore_mem>>
          %dma_start3A_275 = tpu.memref_squeeze %dma_start3A_274 : memref<1x!tpu.dma_semaphore, #tpu.memory_space<semaphore_mem>> -> memref<!tpu.dma_semaphore, #tpu.memory_space<semaphore_mem>>
          %dma_start3A_276 = arith.constant 0 : i32
          %dma_start3A_277 = arith.constant 0 : i32
          %dma_start3A_278 = tpu.memref_slice %run_scoped3A[%rem3A_265, %dma_start3A_276, %dma_start3A_277] : memref<2x1x128xi32, #tpu.memory_space<vmem>> -> memref<1x1x128xi32, #tpu.memory_space<vmem>>
          %dma_start3A_279 = tpu.memref_squeeze %dma_start3A_278 : memref<1x1x128xi32, #tpu.memory_space<vmem>> -> memref<1x128xi32, #tpu.memory_space<vmem>>
          %dma_start3A_280 = arith.constant 0 : i32
          %dma_start3A_281 = tpu.memref_slice %arg3[%dma_start3A_280, %mul3A_267] : memref<1x131072xi32, #tpu.memory_space<hbm>> -> memref<1x128xi32, #tpu.memory_space<hbm>>
          tpu.enqueue_dma source(%dma_start3A_281 : memref<1x128xi32, #tpu.memory_space<hbm>>) target(%dma_start3A_279 : memref<1x128xi32, #tpu.memory_space<vmem>>) target_semaphore(%dma_start3A_275 : memref<!tpu.dma_semaphore, #tpu.memory_space<semaphore_mem>>)
          "tpu.trace_stop"() : () -> ()
        } else {
        }
        %and3A_163 = arith.constant true
        %and3A_164 = arith.andi %and3A, %and3A_163 : i1
        %add3A_165 = arith.constant 1 : i32
        %add3A_166 = arith.addi %scan3A_122, %add3A_165 : i32
        %select_n3A_167 = arith.select %and3A_164, %add3A_166, %scan3A_122 : i32
        %ne3A_168 = arith.cmpi ne, %add3A_131, %add3A_149 : i32
        %or3A_169 = arith.constant false
        %or3A_170 = arith.ori %or3A_169, %ne3A_168 : i1
        %or3A_171 = arith.constant false
        %or3A_172 = arith.ori %or3A_170, %or3A_171 : i1
        %ge3A_173 = arith.constant 31 : i32
        %ge3A_174 = arith.cmpi sge, %scan3A_121, %ge3A_173 : i32
        %not3A_175 = arith.constant true
        %not3A_176 = arith.xori %ge3A_174, %not3A_175 : i1
        %and3A_177 = arith.andi %or3A_172, %not3A_176 : i1
        %ne3A_178 = arith.cmpi ne, %add3A_131, %add3A_140 : i32
        %or3A_179 = arith.constant false
        %or3A_180 = arith.ori %or3A_179, %ne3A_178 : i1
        %or3A_181 = arith.ori %or3A_180, %eq3A_128 : i1
        %convert_element_type3A_182 = arith.extui %or3A_181 : i1 to i32
        %cond3A_183 = arith.constant 0 : i32
        %cond3A_184 = arith.cmpi ne, %convert_element_type3A_182, %cond3A_183 : i32
        scf.if %cond3A_184 {
          "tpu.trace_start"() <{level = 10 : i32, message = "ep_wait_in"}> : () -> ()
          %mul3A_264 = arith.constant 128 : i32
          %mul3A_265 = arith.muli %mul3A_264, %add3A_131 : i32
          %rem3A_266 = arith.constant 2 : i32
          %rem3A_267 = arith.remui %scan3A_123, %rem3A_266 : i32
          %dma_wait3A_268 = arith.constant 0 : i32
          %dma_wait3A_269 = arith.constant 0 : i32
          %dma_wait3A_270 = tpu.memref_slice %run_scoped3A[%rem3A_267, %dma_wait3A_268, %dma_wait3A_269] : memref<2x1x128xi32, #tpu.memory_space<vmem>> -> memref<1x1x128xi32, #tpu.memory_space<vmem>>
          %dma_wait3A_271 = tpu.memref_squeeze %dma_wait3A_270 : memref<1x1x128xi32, #tpu.memory_space<vmem>> -> memref<1x128xi32, #tpu.memory_space<vmem>>
          %dma_wait3A_272 = arith.constant 0 : i32
          %dma_wait3A_273 = tpu.memref_slice %arg3[%dma_wait3A_272, %mul3A_265] : memref<1x131072xi32, #tpu.memory_space<hbm>> -> memref<1x128xi32, #tpu.memory_space<hbm>>
          %dma_wait3A_274 = tpu.memref_slice %run_scoped3A_7[%rem3A_267] : memref<2x!tpu.dma_semaphore, #tpu.memory_space<semaphore_mem>> -> memref<1x!tpu.dma_semaphore, #tpu.memory_space<semaphore_mem>>
          %dma_wait3A_275 = tpu.memref_squeeze %dma_wait3A_274 : memref<1x!tpu.dma_semaphore, #tpu.memory_space<semaphore_mem>> -> memref<!tpu.dma_semaphore, #tpu.memory_space<semaphore_mem>>
          %dma_wait3A_276 = arith.constant 0 : i32
          %dma_wait3A_277 = arith.constant 0 : i32
          %dma_wait3A_278 = tpu.memref_slice %run_scoped3A[%rem3A_267, %dma_wait3A_276, %dma_wait3A_277] : memref<2x1x128xi32, #tpu.memory_space<vmem>> -> memref<1x1x128xi32, #tpu.memory_space<vmem>>
          %dma_wait3A_279 = tpu.memref_squeeze %dma_wait3A_278 : memref<1x1x128xi32, #tpu.memory_space<vmem>> -> memref<1x128xi32, #tpu.memory_space<vmem>>
          %dma_wait3A_280 = arith.constant 0 : i32
          %dma_wait3A_281 = tpu.memref_slice %arg3[%dma_wait3A_280, %mul3A_265] : memref<1x131072xi32, #tpu.memory_space<hbm>> -> memref<1x128xi32, #tpu.memory_space<hbm>>
          tpu.wait_dma2 semaphore(%dma_wait3A_275 : memref<!tpu.dma_semaphore, #tpu.memory_space<semaphore_mem>>) src(%dma_wait3A_281 : memref<1x128xi32, #tpu.memory_space<hbm>>) dst(%dma_wait3A_279 : memref<1x128xi32, #tpu.memory_space<vmem>>)
          "tpu.trace_stop"() : () -> ()
        } else {
        }
        %ne3A_185 = arith.cmpi ne, %add3A_131, %add3A_140 : i32
        %or3A_186 = arith.constant false
        %or3A_187 = arith.ori %or3A_186, %ne3A_185 : i1
        %or3A_188 = arith.constant false
        %or3A_189 = arith.ori %or3A_187, %or3A_188 : i1
        %or3A_190 = arith.ori %or3A_189, %eq3A_128 : i1
        %convert_element_type3A_191 = arith.extui %or3A_190 : i1 to i32
        %cond3A_192 = arith.constant 0 : i32
        %cond3A_193 = arith.cmpi ne, %convert_element_type3A_191, %cond3A_192 : i32
        scf.if %cond3A_193 {
        } else {
        }
        %rem3A_194 = arith.constant 2 : i32
        %rem3A_195 = arith.remui %scan3A_123, %rem3A_194 : i32
        %rem3A_196 = arith.constant 2 : i32
        %rem3A_197 = arith.remui %scan3A_124, %rem3A_196 : i32
        %run_scoped3A_198 = arith.constant 0 : i32
        "tpu.trace_start"() <{level = 10 : i32, message = "ep_run_kernel"}> : () -> ()
        "tpu.region"() ({
          %run_scoped3A_264 = tpu.sem_alloc : memref<!tpu.dma_semaphore, #tpu.memory_space<semaphore_mem>>
          %dma_start3A_265 = arith.constant 0 : i32
          %dma_start3A_266 = arith.constant 0 : i32
          %dma_start3A_267 = tpu.memref_slice %run_scoped3A_8[%rem3A_197, %dma_start3A_265, %dma_start3A_266] : memref<2x128x128xf32, #tpu.memory_space<vmem>> -> memref<1x128x128xf32, #tpu.memory_space<vmem>>
          %dma_start3A_268 = tpu.memref_squeeze %dma_start3A_267 : memref<1x128x128xf32, #tpu.memory_space<vmem>> -> memref<128x128xf32, #tpu.memory_space<vmem>>
          %dma_start3A_269 = arith.constant 0 : i32
          %dma_start3A_270 = arith.constant 0 : i32
          %dma_start3A_271 = tpu.memref_slice %run_scoped3A[%rem3A_195, %dma_start3A_269, %dma_start3A_270] : memref<2x1x128xi32, #tpu.memory_space<vmem>> -> memref<1x1x128xi32, #tpu.memory_space<vmem>>
          %dma_start3A_272 = tpu.memref_squeeze %dma_start3A_271 : memref<1x1x128xi32, #tpu.memory_space<vmem>> -> memref<1x128xi32, #tpu.memory_space<vmem>>
          %dma_start3A_273 = arith.constant 0 : i32
          %dma_start3A_274 = tpu.memref_slice %dma_start3A_272[%run_scoped3A_198, %dma_start3A_273] : memref<1x128xi32, #tpu.memory_space<vmem>> -> memref<1x128xi32, #tpu.memory_space<vmem>>
          %dma_start3A_275 = tpu.memref_squeeze %dma_start3A_274 : memref<1x128xi32, #tpu.memory_space<vmem>> -> memref<128xi32, #tpu.memory_space<vmem>>
          %dma_start3A_276 = arith.constant 0 : i32
          %dma_start3A_277 = arith.constant 0 : i32
          %dma_start3A_278 = tpu.memref_slice %arg2[%dma_start3A_276, %dma_start3A_277] : memref<8192x128xf32, #tpu.memory_space<hbm>> -> memref<8192x128xf32, #tpu.memory_space<hbm>>
          tpu.enqueue_indirect_dma source(%dma_start3A_278 : memref<8192x128xf32, #tpu.memory_space<hbm>>) target(%dma_start3A_268 : memref<128x128xf32, #tpu.memory_space<vmem>>) offsets(%dma_start3A_275 : memref<128xi32, #tpu.memory_space<vmem>>) semaphore(%run_scoped3A_264 : memref<!tpu.dma_semaphore, #tpu.memory_space<semaphore_mem>>)
          %dma_wait3A_279 = arith.constant 0 : i32
          %dma_wait3A_280 = arith.constant 0 : i32
          %dma_wait3A_281 = tpu.memref_slice %run_scoped3A_8[%rem3A_197, %dma_wait3A_279, %dma_wait3A_280] : memref<2x128x128xf32, #tpu.memory_space<vmem>> -> memref<1x128x128xf32, #tpu.memory_space<vmem>>
          %dma_wait3A_282 = tpu.memref_squeeze %dma_wait3A_281 : memref<1x128x128xf32, #tpu.memory_space<vmem>> -> memref<128x128xf32, #tpu.memory_space<vmem>>
          %dma_wait3A_283 = arith.constant 0 : i32
          %dma_wait3A_284 = arith.constant 0 : i32
          %dma_wait3A_285 = tpu.memref_slice %run_scoped3A[%rem3A_195, %dma_wait3A_283, %dma_wait3A_284] : memref<2x1x128xi32, #tpu.memory_space<vmem>> -> memref<1x1x128xi32, #tpu.memory_space<vmem>>
          %dma_wait3A_286 = tpu.memref_squeeze %dma_wait3A_285 : memref<1x1x128xi32, #tpu.memory_space<vmem>> -> memref<1x128xi32, #tpu.memory_space<vmem>>
          %dma_wait3A_287 = arith.constant 0 : i32
          %dma_wait3A_288 = tpu.memref_slice %dma_wait3A_286[%run_scoped3A_198, %dma_wait3A_287] : memref<1x128xi32, #tpu.memory_space<vmem>> -> memref<1x128xi32, #tpu.memory_space<vmem>>
          %dma_wait3A_289 = tpu.memref_squeeze %dma_wait3A_288 : memref<1x128xi32, #tpu.memory_space<vmem>> -> memref<128xi32, #tpu.memory_space<vmem>>
          %dma_wait3A_290 = arith.constant 0 : i32
          %dma_wait3A_291 = arith.constant 0 : i32
          %dma_wait3A_292 = tpu.memref_slice %arg2[%dma_wait3A_290, %dma_wait3A_291] : memref<8192x128xf32, #tpu.memory_space<hbm>> -> memref<8192x128xf32, #tpu.memory_space<hbm>>
          tpu.wait_indirect_dma semaphore(%run_scoped3A_264 : memref<!tpu.dma_semaphore, #tpu.memory_space<semaphore_mem>>) src(%dma_wait3A_292 : memref<8192x128xf32, #tpu.memory_space<hbm>>) dst(%dma_wait3A_282 : memref<128x128xf32, #tpu.memory_space<vmem>>)
          tpu.yield
        }) : () -> ()
        "tpu.trace_stop"() : () -> ()
        %ne3A_199 = arith.cmpi ne, %add3A_131, %add3A_149 : i32
        %or3A_200 = arith.constant false
        %or3A_201 = arith.ori %or3A_200, %ne3A_199 : i1
        %or3A_202 = arith.ori %or3A_201, %eq3A_130 : i1
        %convert_element_type3A_203 = arith.extui %or3A_202 : i1 to i32
        %cond3A_204 = arith.constant 0 : i32
        %cond3A_205 = arith.cmpi ne, %convert_element_type3A_203, %cond3A_204 : i32
        scf.if %cond3A_205 {
        } else {
        }
        %and3A_206 = arith.constant false
        %and3A_207 = arith.andi %or3A_202, %and3A_206 : i1
        %ne3A_208 = arith.cmpi ne, %add3A_131, %add3A_149 : i32
        %or3A_209 = arith.constant false
        %or3A_210 = arith.ori %or3A_209, %ne3A_208 : i1
        %or3A_211 = arith.constant false
        %or3A_212 = arith.ori %or3A_210, %or3A_211 : i1
        %or3A_213 = arith.ori %or3A_212, %eq3A_130 : i1
        %convert_element_type3A_214 = arith.extui %or3A_213 : i1 to i32
        %cond3A_215 = arith.constant 0 : i32
        %cond3A_216 = arith.cmpi ne, %convert_element_type3A_214, %cond3A_215 : i32
        scf.if %cond3A_216 {
          "tpu.trace_start"() <{level = 10 : i32, message = "ep_copy_out"}> : () -> ()
          %rem3A_264 = arith.constant 2 : i32
          %rem3A_265 = arith.remui %scan3A_124, %rem3A_264 : i32
          %mul3A_266 = arith.constant 128 : i32
          %mul3A_267 = arith.muli %mul3A_266, %add3A_131 : i32
          %dma_start3A_268 = arith.constant 0 : i32
          %dma_start3A_269 = arith.constant 0 : i32
          %dma_start3A_270 = tpu.memref_slice %run_scoped3A_8[%rem3A_265, %dma_start3A_268, %dma_start3A_269] : memref<2x128x128xf32, #tpu.memory_space<vmem>> -> memref<1x128x128xf32, #tpu.memory_space<vmem>>
          %dma_start3A_271 = tpu.memref_squeeze %dma_start3A_270 : memref<1x128x128xf32, #tpu.memory_space<vmem>> -> memref<128x128xf32, #tpu.memory_space<vmem>>
          %dma_start3A_272 = arith.constant 0 : i32
          %dma_start3A_273 = tpu.memref_slice %arg4[%mul3A_267, %dma_start3A_272] : memref<131072x128xf32, #tpu.memory_space<hbm>> -> memref<128x128xf32, #tpu.memory_space<hbm>>
          %dma_start3A_274 = tpu.memref_slice %run_scoped3A_9[%rem3A_265] : memref<2x!tpu.dma_semaphore, #tpu.memory_space<semaphore_mem>> -> memref<1x!tpu.dma_semaphore, #tpu.memory_space<semaphore_mem>>
          %dma_start3A_275 = tpu.memref_squeeze %dma_start3A_274 : memref<1x!tpu.dma_semaphore, #tpu.memory_space<semaphore_mem>> -> memref<!tpu.dma_semaphore, #tpu.memory_space<semaphore_mem>>
          %dma_start3A_276 = arith.constant 0 : i32
          %dma_start3A_277 = tpu.memref_slice %arg4[%mul3A_267, %dma_start3A_276] : memref<131072x128xf32, #tpu.memory_space<hbm>> -> memref<128x128xf32, #tpu.memory_space<hbm>>
          %dma_start3A_278 = arith.constant 0 : i32
          %dma_start3A_279 = arith.constant 0 : i32
          %dma_start3A_280 = tpu.memref_slice %run_scoped3A_8[%rem3A_265, %dma_start3A_278, %dma_start3A_279] : memref<2x128x128xf32, #tpu.memory_space<vmem>> -> memref<1x128x128xf32, #tpu.memory_space<vmem>>
          %dma_start3A_281 = tpu.memref_squeeze %dma_start3A_280 : memref<1x128x128xf32, #tpu.memory_space<vmem>> -> memref<128x128xf32, #tpu.memory_space<vmem>>
          tpu.enqueue_dma source(%dma_start3A_281 : memref<128x128xf32, #tpu.memory_space<vmem>>) target(%dma_start3A_277 : memref<128x128xf32, #tpu.memory_space<hbm>>) target_semaphore(%dma_start3A_275 : memref<!tpu.dma_semaphore, #tpu.memory_space<semaphore_mem>>)
          "tpu.trace_stop"() : () -> ()
        } else {
        }
        %and3A_217 = arith.constant true
        %and3A_218 = arith.andi %or3A_213, %and3A_217 : i1
        %add3A_219 = arith.constant 1 : i32
        %add3A_220 = arith.addi %scan3A_124, %add3A_219 : i32
        %select_n3A_221 = arith.select %and3A_218, %add3A_220, %scan3A_124 : i32
        %ne3A_222 = arith.cmpi ne, %add3A_131, %add3A_140 : i32
        %or3A_223 = arith.constant false
        %or3A_224 = arith.ori %or3A_223, %ne3A_222 : i1
        %not3A_225 = arith.constant true
        %not3A_226 = arith.xori %eq3A_128, %not3A_225 : i1
        %and3A_227 = arith.andi %or3A_224, %not3A_226 : i1
        %convert_element_type3A_228 = arith.extui %and3A_227 : i1 to i32
        %cond3A_229 = arith.constant 0 : i32
        %cond3A_230 = arith.cmpi ne, %convert_element_type3A_228, %cond3A_229 : i32
        scf.if %cond3A_230 {
        } else {
        }
        %and3A_231 = arith.constant false
        %and3A_232 = arith.andi %and3A_227, %and3A_231 : i1
        %ne3A_233 = arith.cmpi ne, %add3A_131, %add3A_140 : i32
        %or3A_234 = arith.constant false
        %or3A_235 = arith.ori %or3A_234, %ne3A_233 : i1
        %or3A_236 = arith.constant false
        %or3A_237 = arith.ori %or3A_235, %or3A_236 : i1
        %not3A_238 = arith.constant true
        %not3A_239 = arith.xori %eq3A_128, %not3A_238 : i1
        %and3A_240 = arith.andi %or3A_237, %not3A_239 : i1
        %convert_element_type3A_241 = arith.extui %and3A_240 : i1 to i32
        %cond3A_242 = arith.constant 0 : i32
        %cond3A_243 = arith.cmpi ne, %convert_element_type3A_241, %cond3A_242 : i32
        scf.if %cond3A_243 {
          "tpu.trace_start"() <{level = 10 : i32, message = "ep_wait_out"}> : () -> ()
          %rem3A_264 = arith.constant 2 : i32
          %rem3A_265 = arith.remui %scan3A_125, %rem3A_264 : i32
          %mul3A_266 = arith.constant 128 : i32
          %mul3A_267 = arith.muli %mul3A_266, %add3A_140 : i32
          %dma_wait3A_268 = arith.constant 0 : i32
          %dma_wait3A_269 = arith.constant 0 : i32
          %dma_wait3A_270 = tpu.memref_slice %run_scoped3A_8[%rem3A_265, %dma_wait3A_268, %dma_wait3A_269] : memref<2x128x128xf32, #tpu.memory_space<vmem>> -> memref<1x128x128xf32, #tpu.memory_space<vmem>>
          %dma_wait3A_271 = tpu.memref_squeeze %dma_wait3A_270 : memref<1x128x128xf32, #tpu.memory_space<vmem>> -> memref<128x128xf32, #tpu.memory_space<vmem>>
          %dma_wait3A_272 = arith.constant 0 : i32
          %dma_wait3A_273 = tpu.memref_slice %arg4[%mul3A_267, %dma_wait3A_272] : memref<131072x128xf32, #tpu.memory_space<hbm>> -> memref<128x128xf32, #tpu.memory_space<hbm>>
          %dma_wait3A_274 = tpu.memref_slice %run_scoped3A_9[%rem3A_265] : memref<2x!tpu.dma_semaphore, #tpu.memory_space<semaphore_mem>> -> memref<1x!tpu.dma_semaphore, #tpu.memory_space<semaphore_mem>>
          %dma_wait3A_275 = tpu.memref_squeeze %dma_wait3A_274 : memref<1x!tpu.dma_semaphore, #tpu.memory_space<semaphore_mem>> -> memref<!tpu.dma_semaphore, #tpu.memory_space<semaphore_mem>>
          %dma_wait3A_276 = arith.constant 0 : i32
          %dma_wait3A_277 = tpu.memref_slice %arg4[%mul3A_267, %dma_wait3A_276] : memref<131072x128xf32, #tpu.memory_space<hbm>> -> memref<128x128xf32, #tpu.memory_space<hbm>>
          %dma_wait3A_278 = arith.constant 0 : i32
          %dma_wait3A_279 = arith.constant 0 : i32
          %dma_wait3A_280 = tpu.memref_slice %run_scoped3A_8[%rem3A_265, %dma_wait3A_278, %dma_wait3A_279] : memref<2x128x128xf32, #tpu.memory_space<vmem>> -> memref<1x128x128xf32, #tpu.memory_space<vmem>>
          %dma_wait3A_281 = tpu.memref_squeeze %dma_wait3A_280 : memref<1x128x128xf32, #tpu.memory_space<vmem>> -> memref<128x128xf32, #tpu.memory_space<vmem>>
          tpu.wait_dma2 semaphore(%dma_wait3A_275 : memref<!tpu.dma_semaphore, #tpu.memory_space<semaphore_mem>>) src(%dma_wait3A_281 : memref<128x128xf32, #tpu.memory_space<vmem>>) dst(%dma_wait3A_277 : memref<128x128xf32, #tpu.memory_space<hbm>>)
          "tpu.trace_stop"() : () -> ()
        } else {
        }
        %and3A_244 = arith.constant true
        %and3A_245 = arith.andi %and3A_240, %and3A_244 : i1
        %add3A_246 = arith.constant 1 : i32
        %add3A_247 = arith.addi %scan3A_125, %add3A_246 : i32
        %select_n3A_248 = arith.select %and3A_245, %add3A_247, %scan3A_125 : i32
        %ne3A_249 = arith.cmpi ne, %add3A_131, %add3A_149 : i32
        %or3A_250 = arith.constant false
        %or3A_251 = arith.ori %or3A_250, %ne3A_249 : i1
        %or3A_252 = arith.ori %or3A_251, %eq3A_130 : i1
        %add3A_253 = arith.constant 1 : i32
        %add3A_254 = arith.addi %scan3A_123, %add3A_253 : i32
        %select_n3A_255 = arith.select %or3A_252, %add3A_254, %scan3A_123 : i32
        %add3A_256 = arith.constant 1 : i32
        %add3A_257 = arith.addi %scan3A_126, %add3A_256 : i32
        %select_n3A_258 = arith.constant true
        %select_n3A_259 = arith.select %select_n3A_258, %add3A_257, %scan3A_126 : i32
        %eq3A_260 = arith.constant 32 : i32
        %eq3A_261 = arith.cmpi eq, %select_n3A_259, %eq3A_260 : i32
        %select_n3A_262 = arith.constant 0 : i32
        %select_n3A_263 = arith.select %eq3A_261, %select_n3A_262, %select_n3A_259 : i32
        scf.yield %select_n3A_167, %select_n3A_255, %select_n3A_221, %select_n3A_248, %select_n3A_263 : i32, i32, i32, i32, i32
      }
      %scan3A_68 = arith.constant 32 : i32
      %sub3A = arith.constant 1 : i32
      %sub3A_69 = arith.subi %scan3A_67#4, %sub3A : i32
      %select_n3A_70 = arith.constant true
      %select_n3A_71 = arith.select %select_n3A_70, %sub3A_69, %scan3A_67#4 : i32
      %eq3A_72 = arith.constant -1 : i32
      %eq3A_73 = arith.cmpi eq, %select_n3A_71, %eq3A_72 : i32
      %select_n3A_74 = arith.constant 31 : i32
      %select_n3A_75 = arith.select %eq3A_73, %select_n3A_74, %select_n3A_71 : i32
      %add3A_76 = arith.addi %select_n3A_75, %mul3A_6 : i32
      %sub3A_77 = arith.constant 1 : i32
      %sub3A_78 = arith.subi %select_n3A_75, %sub3A_77 : i32
      %select_n3A_79 = arith.constant true
      %select_n3A_80 = arith.select %select_n3A_79, %sub3A_78, %select_n3A_75 : i32
      %eq3A_81 = arith.constant -1 : i32
      %eq3A_82 = arith.cmpi eq, %select_n3A_80, %eq3A_81 : i32
      %select_n3A_83 = arith.constant 31 : i32
      %select_n3A_84 = arith.select %eq3A_82, %select_n3A_83, %select_n3A_80 : i32
      %add3A_85 = arith.addi %select_n3A_84, %mul3A_6 : i32
      %add3A_86 = arith.constant 1 : i32
      %add3A_87 = arith.addi %select_n3A_75, %add3A_86 : i32
      %select_n3A_88 = arith.constant true
      %select_n3A_89 = arith.select %select_n3A_88, %add3A_87, %select_n3A_75 : i32
      %eq3A_90 = arith.constant 32 : i32
      %eq3A_91 = arith.cmpi eq, %select_n3A_89, %eq3A_90 : i32
      %select_n3A_92 = arith.constant 0 : i32
      %select_n3A_93 = arith.select %eq3A_91, %select_n3A_92, %select_n3A_89 : i32
      %add3A_94 = arith.addi %select_n3A_93, %mul3A_6 : i32
      %add3A_95 = arith.constant 1 : i32
      %add3A_96 = arith.addi %select_n3A_93, %add3A_95 : i32
      %select_n3A_97 = arith.constant true
      %select_n3A_98 = arith.select %select_n3A_97, %add3A_96, %select_n3A_93 : i32
      %eq3A_99 = arith.constant 32 : i32
      %eq3A_100 = arith.cmpi eq, %select_n3A_98, %eq3A_99 : i32
      %select_n3A_101 = arith.constant 0 : i32
      %select_n3A_102 = arith.select %eq3A_100, %select_n3A_101, %select_n3A_98 : i32
      %add3A_103 = arith.addi %select_n3A_102, %mul3A_6 : i32
      "tpu.trace_start"() <{level = 10 : i32, message = "ep_finalize"}> : () -> ()
      %rem3A_104 = arith.constant 2 : i32
      %rem3A_105 = arith.remui %scan3A_67#3, %rem3A_104 : i32
      %mul3A_106 = arith.constant 128 : i32
      %mul3A_107 = arith.muli %mul3A_106, %add3A_76 : i32
      %dma_wait3A = arith.constant 0 : i32
      %dma_wait3A_108 = arith.constant 0 : i32
      %dma_wait3A_109 = tpu.memref_slice %run_scoped3A_8[%rem3A_105, %dma_wait3A, %dma_wait3A_108] : memref<2x128x128xf32, #tpu.memory_space<vmem>> -> memref<1x128x128xf32, #tpu.memory_space<vmem>>
      %dma_wait3A_110 = tpu.memref_squeeze %dma_wait3A_109 : memref<1x128x128xf32, #tpu.memory_space<vmem>> -> memref<128x128xf32, #tpu.memory_space<vmem>>
      %dma_wait3A_111 = arith.constant 0 : i32
      %dma_wait3A_112 = tpu.memref_slice %arg4[%mul3A_107, %dma_wait3A_111] : memref<131072x128xf32, #tpu.memory_space<hbm>> -> memref<128x128xf32, #tpu.memory_space<hbm>>
      %dma_wait3A_113 = tpu.memref_slice %run_scoped3A_9[%rem3A_105] : memref<2x!tpu.dma_semaphore, #tpu.memory_space<semaphore_mem>> -> memref<1x!tpu.dma_semaphore, #tpu.memory_space<semaphore_mem>>
      %dma_wait3A_114 = tpu.memref_squeeze %dma_wait3A_113 : memref<1x!tpu.dma_semaphore, #tpu.memory_space<semaphore_mem>> -> memref<!tpu.dma_semaphore, #tpu.memory_space<semaphore_mem>>
      %dma_wait3A_115 = arith.constant 0 : i32
      %dma_wait3A_116 = tpu.memref_slice %arg4[%mul3A_107, %dma_wait3A_115] : memref<131072x128xf32, #tpu.memory_space<hbm>> -> memref<128x128xf32, #tpu.memory_space<hbm>>
      %dma_wait3A_117 = arith.constant 0 : i32
      %dma_wait3A_118 = arith.constant 0 : i32
      %dma_wait3A_119 = tpu.memref_slice %run_scoped3A_8[%rem3A_105, %dma_wait3A_117, %dma_wait3A_118] : memref<2x128x128xf32, #tpu.memory_space<vmem>> -> memref<1x128x128xf32, #tpu.memory_space<vmem>>
      %dma_wait3A_120 = tpu.memref_squeeze %dma_wait3A_119 : memref<1x128x128xf32, #tpu.memory_space<vmem>> -> memref<128x128xf32, #tpu.memory_space<vmem>>
      tpu.wait_dma2 semaphore(%dma_wait3A_114 : memref<!tpu.dma_semaphore, #tpu.memory_space<semaphore_mem>>) src(%dma_wait3A_120 : memref<128x128xf32, #tpu.memory_space<vmem>>) dst(%dma_wait3A_116 : memref<128x128xf32, #tpu.memory_space<hbm>>)
      "tpu.trace_stop"() : () -> ()
      tpu.yield
    }) : () -> ()
    return
  }
}

module attributes {stable_mosaic.version = 14 : i64} {
  func.func @body(%arg0: i32, %arg1: i32, %arg2: memref<1x128x64xf32, #tpu.memory_space<vmem>>, %arg3: memref<1x2048x64xf32, #tpu.memory_space<vmem>>, %arg4: memref<1x128x3xf32, #tpu.memory_space<vmem>>, %arg5: memref<1x3x2048xf32, #tpu.memory_space<vmem>>, %arg6: memref<1x128x32xi32, #tpu.memory_space<vmem>>) attributes {dimension_semantics = [#tpu.dimension_semantics<parallel>, #tpu.dimension_semantics<parallel>], iteration_bounds = array<i64: 2, 16>, scalar_prefetch = 0 : i64, scratch_operands = 0 : i64, tpu.core_type = #tpu.core_type<tc>, window_params = [{transform_indices = @transform_0, window_bounds = array<i64: 1, 128, 64>}, {transform_indices = @transform_1, window_bounds = array<i64: 1, 2048, 64>}, {transform_indices = @transform_2, window_bounds = array<i64: 1, 128, 3>}, {transform_indices = @transform_3, window_bounds = array<i64: 1, 3, 2048>}, {transform_indices = @transform_4, window_bounds = array<i64: 1, 128, 32>}]} {
    %get3A = arith.constant 0 : index
    %get3A_0 = arith.constant 0 : index
    %get3A_1 = arith.constant 0 : index
    %get3A_2 = vector.load %arg4[%get3A, %get3A_0, %get3A_1] : memref<1x128x3xf32, #tpu.memory_space<vmem>>, vector<1x128x3xf32>
    %get3A_3 = vector.shape_cast %get3A_2 : vector<1x128x3xf32> to vector<128x3xf32>
    %broadcast_in_dim3A = arith.constant 0.000000e+00 : f32
    %broadcast_in_dim3A_4 = vector.broadcast %broadcast_in_dim3A : f32 to vector<128x2048xf32>
    %slice3A = vector.extract_strided_slice %get3A_3 {offsets = [0, 0], sizes = [128, 1], strides = [1, 1]} : vector<128x3xf32> to vector<128x1xf32>
    %get3A_5 = arith.constant 0 : index
    %get3A_6 = arith.constant 0 : index
    %get3A_7 = arith.constant 0 : index
    %get3A_8 = vector.load %arg5[%get3A_5, %get3A_6, %get3A_7] : memref<1x3x2048xf32, #tpu.memory_space<vmem>>, vector<1x1x2048xf32>
    %get3A_9 = vector.shape_cast %get3A_8 : vector<1x1x2048xf32> to vector<1x2048xf32>
    %sub3A = vector.broadcast %slice3A : vector<128x1xf32> to vector<128x2048xf32>
    %sub3A_10 = vector.broadcast %get3A_9 : vector<1x2048xf32> to vector<128x2048xf32>
    %sub3A_11 = arith.subf %sub3A, %sub3A_10 : vector<128x2048xf32>
    %mul3A = arith.mulf %sub3A_11, %sub3A_11 : vector<128x2048xf32>
    %add3A = arith.addf %broadcast_in_dim3A_4, %mul3A : vector<128x2048xf32>
    %slice3A_12 = vector.extract_strided_slice %get3A_3 {offsets = [0, 1], sizes = [128, 1], strides = [1, 1]} : vector<128x3xf32> to vector<128x1xf32>
    %get3A_13 = arith.constant 0 : index
    %get3A_14 = arith.constant 1 : index
    %get3A_15 = arith.constant 0 : index
    %get3A_16 = vector.load %arg5[%get3A_13, %get3A_14, %get3A_15] : memref<1x3x2048xf32, #tpu.memory_space<vmem>>, vector<1x1x2048xf32>
    %get3A_17 = vector.shape_cast %get3A_16 : vector<1x1x2048xf32> to vector<1x2048xf32>
    %sub3A_18 = vector.broadcast %slice3A_12 : vector<128x1xf32> to vector<128x2048xf32>
    %sub3A_19 = vector.broadcast %get3A_17 : vector<1x2048xf32> to vector<128x2048xf32>
    %sub3A_20 = arith.subf %sub3A_18, %sub3A_19 : vector<128x2048xf32>
    %mul3A_21 = arith.mulf %sub3A_20, %sub3A_20 : vector<128x2048xf32>
    %add3A_22 = arith.addf %add3A, %mul3A_21 : vector<128x2048xf32>
    %slice3A_23 = vector.extract_strided_slice %get3A_3 {offsets = [0, 2], sizes = [128, 1], strides = [1, 1]} : vector<128x3xf32> to vector<128x1xf32>
    %get3A_24 = arith.constant 0 : index
    %get3A_25 = arith.constant 2 : index
    %get3A_26 = arith.constant 0 : index
    %get3A_27 = vector.load %arg5[%get3A_24, %get3A_25, %get3A_26] : memref<1x3x2048xf32, #tpu.memory_space<vmem>>, vector<1x1x2048xf32>
    %get3A_28 = vector.shape_cast %get3A_27 : vector<1x1x2048xf32> to vector<1x2048xf32>
    %sub3A_29 = vector.broadcast %slice3A_23 : vector<128x1xf32> to vector<128x2048xf32>
    %sub3A_30 = vector.broadcast %get3A_28 : vector<1x2048xf32> to vector<128x2048xf32>
    %sub3A_31 = arith.subf %sub3A_29, %sub3A_30 : vector<128x2048xf32>
    %mul3A_32 = arith.mulf %sub3A_31, %sub3A_31 : vector<128x2048xf32>
    %add3A_33 = arith.addf %add3A_22, %mul3A_32 : vector<128x2048xf32>
    %sqrt3A = math.sqrt %add3A_33 : vector<128x2048xf32>
    %get3A_34 = arith.constant 0 : index
    %get3A_35 = arith.constant 0 : index
    %get3A_36 = arith.constant 0 : index
    %get3A_37 = vector.load %arg2[%get3A_34, %get3A_35, %get3A_36] : memref<1x128x64xf32, #tpu.memory_space<vmem>>, vector<1x128x64xf32>
    %get3A_38 = vector.shape_cast %get3A_37 : vector<1x128x64xf32> to vector<128x64xf32>
    %mul3A_39 = arith.mulf %get3A_38, %get3A_38 : vector<128x64xf32>
    %reduce_sum3A = arith.constant dense<0.000000e+00> : vector<128xf32>
    %reduce_sum3A_40 = vector.multi_reduction <add>, %mul3A_39, %reduce_sum3A [1] : vector<128x64xf32> to vector<128xf32>
    %broadcast_in_dim3A_41 = vector.shape_cast %reduce_sum3A_40 : vector<128xf32> to vector<128x1xf32>
    %sqrt3A_42 = math.sqrt %broadcast_in_dim3A_41 : vector<128x1xf32>
    %add3A_43 = arith.constant 9.99999993E-9 : f32
    %add3A_44 = vector.broadcast %add3A_43 : f32 to vector<128x1xf32>
    %add3A_45 = arith.addf %sqrt3A_42, %add3A_44 : vector<128x1xf32>
    %div3A = vector.broadcast %add3A_45 : vector<128x1xf32> to vector<128x64xf32>
    %div3A_46 = arith.divf %get3A_38, %div3A : vector<128x64xf32>
    %get3A_47 = arith.constant 0 : index
    %get3A_48 = arith.constant 0 : index
    %get3A_49 = arith.constant 0 : index
    %get3A_50 = vector.load %arg3[%get3A_47, %get3A_48, %get3A_49] : memref<1x2048x64xf32, #tpu.memory_space<vmem>>, vector<1x2048x64xf32>
    %get3A_51 = vector.shape_cast %get3A_50 : vector<1x2048x64xf32> to vector<2048x64xf32>
    %mul3A_52 = arith.mulf %get3A_51, %get3A_51 : vector<2048x64xf32>
    %reduce_sum3A_53 = arith.constant dense<0.000000e+00> : vector<2048xf32>
    %reduce_sum3A_54 = vector.multi_reduction <add>, %mul3A_52, %reduce_sum3A_53 [1] : vector<2048x64xf32> to vector<2048xf32>
    %broadcast_in_dim3A_55 = vector.shape_cast %reduce_sum3A_54 : vector<2048xf32> to vector<2048x1xf32>
    %sqrt3A_56 = math.sqrt %broadcast_in_dim3A_55 : vector<2048x1xf32>
    %add3A_57 = arith.constant 9.99999993E-9 : f32
    %add3A_58 = vector.broadcast %add3A_57 : f32 to vector<2048x1xf32>
    %add3A_59 = arith.addf %sqrt3A_56, %add3A_58 : vector<2048x1xf32>
    %div3A_60 = vector.broadcast %add3A_59 : vector<2048x1xf32> to vector<2048x64xf32>
    %div3A_61 = arith.divf %get3A_51, %div3A_60 : vector<2048x64xf32>
    %dot_general3A = arith.constant dense<0.000000e+00> : vector<128x2048xf32>
    %dot_general3A_62 = tpu.matmul %div3A_46, %div3A_61, %dot_general3A {dimension_numbers = #tpu.dot_dimension_numbers<[1], [1], [0], [0], [0, 0, 1, 0], [], []>, transpose_lhs_hint = false} : vector<128x64xf32>, vector<2048x64xf32>, vector<128x2048xf32> -> vector<128x2048xf32>
    %sub3A_63 = arith.constant 1.000000e+00 : f32
    %sub3A_64 = vector.broadcast %sub3A_63 : f32 to vector<128x2048xf32>
    %sub3A_65 = arith.subf %sub3A_64, %dot_general3A_62 : vector<128x2048xf32>
    %iota3A = tpu.iota {dimensions = array<i32: 1>} : vector<128x32xi32>
    %broadcast_in_dim3A_66 = arith.constant 0 : i32
    %broadcast_in_dim3A_67 = vector.broadcast %broadcast_in_dim3A_66 : i32 to vector<128x32xi32>
    %iota3A_68 = tpu.iota {dimensions = array<i32: 1>} : vector<128x2048xi32>
    %slice3A_69 = vector.extract_strided_slice %sqrt3A {offsets = [0, 0], sizes = [128, 1024], strides = [1, 1]} : vector<128x2048xf32> to vector<128x1024xf32>
    %slice3A_70 = vector.extract_strided_slice %sqrt3A {offsets = [0, 1024], sizes = [128, 1024], strides = [1, 1]} : vector<128x2048xf32> to vector<128x1024xf32>
    %min3A = arith.minimumf %slice3A_69, %slice3A_70 : vector<128x1024xf32>
    %slice3A_71 = vector.extract_strided_slice %min3A {offsets = [0, 0], sizes = [128, 512], strides = [1, 1]} : vector<128x1024xf32> to vector<128x512xf32>
    %slice3A_72 = vector.extract_strided_slice %min3A {offsets = [0, 512], sizes = [128, 512], strides = [1, 1]} : vector<128x1024xf32> to vector<128x512xf32>
    %min3A_73 = arith.minimumf %slice3A_71, %slice3A_72 : vector<128x512xf32>
    %slice3A_74 = vector.extract_strided_slice %min3A_73 {offsets = [0, 0], sizes = [128, 256], strides = [1, 1]} : vector<128x512xf32> to vector<128x256xf32>
    %slice3A_75 = vector.extract_strided_slice %min3A_73 {offsets = [0, 256], sizes = [128, 256], strides = [1, 1]} : vector<128x512xf32> to vector<128x256xf32>
    %min3A_76 = arith.minimumf %slice3A_74, %slice3A_75 : vector<128x256xf32>
    %slice3A_77 = vector.extract_strided_slice %min3A_76 {offsets = [0, 0], sizes = [128, 128], strides = [1, 1]} : vector<128x256xf32> to vector<128x128xf32>
    %slice3A_78 = vector.extract_strided_slice %min3A_76 {offsets = [0, 128], sizes = [128, 128], strides = [1, 1]} : vector<128x256xf32> to vector<128x128xf32>
    %min3A_79 = arith.minimumf %slice3A_77, %slice3A_78 : vector<128x128xf32>
    %tile3A = tpu.concatenate %min3A_79, %min3A_79, %min3A_79, %min3A_79, %min3A_79, %min3A_79, %min3A_79, %min3A_79, %min3A_79, %min3A_79, %min3A_79, %min3A_79, %min3A_79, %min3A_79, %min3A_79, %min3A_79 in 1 : vector<128x128xf32>, vector<128x128xf32>, vector<128x128xf32>, vector<128x128xf32>, vector<128x128xf32>, vector<128x128xf32>, vector<128x128xf32>, vector<128x128xf32>, vector<128x128xf32>, vector<128x128xf32>, vector<128x128xf32>, vector<128x128xf32>, vector<128x128xf32>, vector<128x128xf32>, vector<128x128xf32>, vector<128x128xf32> -> vector<128x2048xf32>
    %eq3A = arith.cmpf oeq, %sqrt3A, %tile3A : vector<128x2048xf32>
    %jit3A = arith.constant 2048 : i32
    %broadcast_in_dim3A_80 = vector.broadcast %jit3A : i32 to vector<128x2048xi32>
    %select_n3A = arith.select %eq3A, %iota3A_68, %broadcast_in_dim3A_80 : vector<128x2048xi1>, vector<128x2048xi32>
    %slice3A_81 = vector.extract_strided_slice %select_n3A {offsets = [0, 0], sizes = [128, 1024], strides = [1, 1]} : vector<128x2048xi32> to vector<128x1024xi32>
    %slice3A_82 = vector.extract_strided_slice %select_n3A {offsets = [0, 1024], sizes = [128, 1024], strides = [1, 1]} : vector<128x2048xi32> to vector<128x1024xi32>
    %min3A_83 = arith.minsi %slice3A_81, %slice3A_82 : vector<128x1024xi32>
    %slice3A_84 = vector.extract_strided_slice %min3A_83 {offsets = [0, 0], sizes = [128, 512], strides = [1, 1]} : vector<128x1024xi32> to vector<128x512xi32>
    %slice3A_85 = vector.extract_strided_slice %min3A_83 {offsets = [0, 512], sizes = [128, 512], strides = [1, 1]} : vector<128x1024xi32> to vector<128x512xi32>
    %min3A_86 = arith.minsi %slice3A_84, %slice3A_85 : vector<128x512xi32>
    %slice3A_87 = vector.extract_strided_slice %min3A_86 {offsets = [0, 0], sizes = [128, 256], strides = [1, 1]} : vector<128x512xi32> to vector<128x256xi32>
    %slice3A_88 = vector.extract_strided_slice %min3A_86 {offsets = [0, 256], sizes = [128, 256], strides = [1, 1]} : vector<128x512xi32> to vector<128x256xi32>
    %min3A_89 = arith.minsi %slice3A_87, %slice3A_88 : vector<128x256xi32>
    %slice3A_90 = vector.extract_strided_slice %min3A_89 {offsets = [0, 0], sizes = [128, 128], strides = [1, 1]} : vector<128x256xi32> to vector<128x128xi32>
    %slice3A_91 = vector.extract_strided_slice %min3A_89 {offsets = [0, 128], sizes = [128, 128], strides = [1, 1]} : vector<128x256xi32> to vector<128x128xi32>
    %min3A_92 = arith.minsi %slice3A_90, %slice3A_91 : vector<128x128xi32>
    %tile3A_93 = tpu.concatenate %min3A_92, %min3A_92, %min3A_92, %min3A_92, %min3A_92, %min3A_92, %min3A_92, %min3A_92, %min3A_92, %min3A_92, %min3A_92, %min3A_92, %min3A_92, %min3A_92, %min3A_92, %min3A_92 in 1 : vector<128x128xi32>, vector<128x128xi32>, vector<128x128xi32>, vector<128x128xi32>, vector<128x128xi32>, vector<128x128xi32>, vector<128x128xi32>, vector<128x128xi32>, vector<128x128xi32>, vector<128x128xi32>, vector<128x128xi32>, vector<128x128xi32>, vector<128x128xi32>, vector<128x128xi32>, vector<128x128xi32>, vector<128x128xi32> -> vector<128x2048xi32>
    %eq3A_94 = arith.cmpi eq, %select_n3A, %tile3A_93 : vector<128x2048xi32>
    %jit3A_95 = arith.constant 0x7F800000 : f32
    %broadcast_in_dim3A_96 = vector.broadcast %jit3A_95 : f32 to vector<128x2048xf32>
    %select_n3A_97 = arith.select %eq3A_94, %broadcast_in_dim3A_96, %sqrt3A : vector<128x2048xi1>, vector<128x2048xf32>
    %slice3A_98 = vector.extract_strided_slice %select_n3A_97 {offsets = [0, 0], sizes = [128, 1024], strides = [1, 1]} : vector<128x2048xf32> to vector<128x1024xf32>
    %slice3A_99 = vector.extract_strided_slice %select_n3A_97 {offsets = [0, 1024], sizes = [128, 1024], strides = [1, 1]} : vector<128x2048xf32> to vector<128x1024xf32>
    %min3A_100 = arith.minimumf %slice3A_98, %slice3A_99 : vector<128x1024xf32>
    %slice3A_101 = vector.extract_strided_slice %min3A_100 {offsets = [0, 0], sizes = [128, 512], strides = [1, 1]} : vector<128x1024xf32> to vector<128x512xf32>
    %slice3A_102 = vector.extract_strided_slice %min3A_100 {offsets = [0, 512], sizes = [128, 512], strides = [1, 1]} : vector<128x1024xf32> to vector<128x512xf32>
    %min3A_103 = arith.minimumf %slice3A_101, %slice3A_102 : vector<128x512xf32>
    %slice3A_104 = vector.extract_strided_slice %min3A_103 {offsets = [0, 0], sizes = [128, 256], strides = [1, 1]} : vector<128x512xf32> to vector<128x256xf32>
    %slice3A_105 = vector.extract_strided_slice %min3A_103 {offsets = [0, 256], sizes = [128, 256], strides = [1, 1]} : vector<128x512xf32> to vector<128x256xf32>
    %min3A_106 = arith.minimumf %slice3A_104, %slice3A_105 : vector<128x256xf32>
    %slice3A_107 = vector.extract_strided_slice %min3A_106 {offsets = [0, 0], sizes = [128, 128], strides = [1, 1]} : vector<128x256xf32> to vector<128x128xf32>
    %slice3A_108 = vector.extract_strided_slice %min3A_106 {offsets = [0, 128], sizes = [128, 128], strides = [1, 1]} : vector<128x256xf32> to vector<128x128xf32>
    %min3A_109 = arith.minimumf %slice3A_107, %slice3A_108 : vector<128x128xf32>
    %tile3A_110 = tpu.concatenate %min3A_109, %min3A_109, %min3A_109, %min3A_109, %min3A_109, %min3A_109, %min3A_109, %min3A_109, %min3A_109, %min3A_109, %min3A_109, %min3A_109, %min3A_109, %min3A_109, %min3A_109, %min3A_109 in 1 : vector<128x128xf32>, vector<128x128xf32>, vector<128x128xf32>, vector<128x128xf32>, vector<128x128xf32>, vector<128x128xf32>, vector<128x128xf32>, vector<128x128xf32>, vector<128x128xf32>, vector<128x128xf32>, vector<128x128xf32>, vector<128x128xf32>, vector<128x128xf32>, vector<128x128xf32>, vector<128x128xf32>, vector<128x128xf32> -> vector<128x2048xf32>
    %eq3A_111 = arith.cmpf oeq, %select_n3A_97, %tile3A_110 : vector<128x2048xf32>
    %jit3A_112 = arith.constant 2048 : i32
    %broadcast_in_dim3A_113 = vector.broadcast %jit3A_112 : i32 to vector<128x2048xi32>
    %select_n3A_114 = arith.select %eq3A_111, %iota3A_68, %broadcast_in_dim3A_113 : vector<128x2048xi1>, vector<128x2048xi32>
    %slice3A_115 = vector.extract_strided_slice %select_n3A_114 {offsets = [0, 0], sizes = [128, 1024], strides = [1, 1]} : vector<128x2048xi32> to vector<128x1024xi32>
    %slice3A_116 = vector.extract_strided_slice %select_n3A_114 {offsets = [0, 1024], sizes = [128, 1024], strides = [1, 1]} : vector<128x2048xi32> to vector<128x1024xi32>
    %min3A_117 = arith.minsi %slice3A_115, %slice3A_116 : vector<128x1024xi32>
    %slice3A_118 = vector.extract_strided_slice %min3A_117 {offsets = [0, 0], sizes = [128, 512], strides = [1, 1]} : vector<128x1024xi32> to vector<128x512xi32>
    %slice3A_119 = vector.extract_strided_slice %min3A_117 {offsets = [0, 512], sizes = [128, 512], strides = [1, 1]} : vector<128x1024xi32> to vector<128x512xi32>
    %min3A_120 = arith.minsi %slice3A_118, %slice3A_119 : vector<128x512xi32>
    %slice3A_121 = vector.extract_strided_slice %min3A_120 {offsets = [0, 0], sizes = [128, 256], strides = [1, 1]} : vector<128x512xi32> to vector<128x256xi32>
    %slice3A_122 = vector.extract_strided_slice %min3A_120 {offsets = [0, 256], sizes = [128, 256], strides = [1, 1]} : vector<128x512xi32> to vector<128x256xi32>
    %min3A_123 = arith.minsi %slice3A_121, %slice3A_122 : vector<128x256xi32>
    %slice3A_124 = vector.extract_strided_slice %min3A_123 {offsets = [0, 0], sizes = [128, 128], strides = [1, 1]} : vector<128x256xi32> to vector<128x128xi32>
    %slice3A_125 = vector.extract_strided_slice %min3A_123 {offsets = [0, 128], sizes = [128, 128], strides = [1, 1]} : vector<128x256xi32> to vector<128x128xi32>
    %min3A_126 = arith.minsi %slice3A_124, %slice3A_125 : vector<128x128xi32>
    %tile3A_127 = tpu.concatenate %min3A_126, %min3A_126, %min3A_126, %min3A_126, %min3A_126, %min3A_126, %min3A_126, %min3A_126, %min3A_126, %min3A_126, %min3A_126, %min3A_126, %min3A_126, %min3A_126, %min3A_126, %min3A_126 in 1 : vector<128x128xi32>, vector<128x128xi32>, vector<128x128xi32>, vector<128x128xi32>, vector<128x128xi32>, vector<128x128xi32>, vector<128x128xi32>, vector<128x128xi32>, vector<128x128xi32>, vector<128x128xi32>, vector<128x128xi32>, vector<128x128xi32>, vector<128x128xi32>, vector<128x128xi32>, vector<128x128xi32>, vector<128x128xi32> -> vector<128x2048xi32>
    %eq3A_128 = arith.cmpi eq, %select_n3A_114, %tile3A_127 : vector<128x2048xi32>
    %jit3A_129 = arith.constant 0x7F800000 : f32
    %broadcast_in_dim3A_130 = vector.broadcast %jit3A_129 : f32 to vector<128x2048xf32>
    %select_n3A_131 = arith.select %eq3A_128, %broadcast_in_dim3A_130, %select_n3A_97 : vector<128x2048xi1>, vector<128x2048xf32>
    %slice3A_132 = vector.extract_strided_slice %select_n3A_131 {offsets = [0, 0], sizes = [128, 1024], strides = [1, 1]} : vector<128x2048xf32> to vector<128x1024xf32>
    %slice3A_133 = vector.extract_strided_slice %select_n3A_131 {offsets = [0, 1024], sizes = [128, 1024], strides = [1, 1]} : vector<128x2048xf32> to vector<128x1024xf32>
    %min3A_134 = arith.minimumf %slice3A_132, %slice3A_133 : vector<128x1024xf32>
    %slice3A_135 = vector.extract_strided_slice %min3A_134 {offsets = [0, 0], sizes = [128, 512], strides = [1, 1]} : vector<128x1024xf32> to vector<128x512xf32>
    %slice3A_136 = vector.extract_strided_slice %min3A_134 {offsets = [0, 512], sizes = [128, 512], strides = [1, 1]} : vector<128x1024xf32> to vector<128x512xf32>
    %min3A_137 = arith.minimumf %slice3A_135, %slice3A_136 : vector<128x512xf32>
    %slice3A_138 = vector.extract_strided_slice %min3A_137 {offsets = [0, 0], sizes = [128, 256], strides = [1, 1]} : vector<128x512xf32> to vector<128x256xf32>
    %slice3A_139 = vector.extract_strided_slice %min3A_137 {offsets = [0, 256], sizes = [128, 256], strides = [1, 1]} : vector<128x512xf32> to vector<128x256xf32>
    %min3A_140 = arith.minimumf %slice3A_138, %slice3A_139 : vector<128x256xf32>
    %slice3A_141 = vector.extract_strided_slice %min3A_140 {offsets = [0, 0], sizes = [128, 128], strides = [1, 1]} : vector<128x256xf32> to vector<128x128xf32>
    %slice3A_142 = vector.extract_strided_slice %min3A_140 {offsets = [0, 128], sizes = [128, 128], strides = [1, 1]} : vector<128x256xf32> to vector<128x128xf32>
    %min3A_143 = arith.minimumf %slice3A_141, %slice3A_142 : vector<128x128xf32>
    %tile3A_144 = tpu.concatenate %min3A_143, %min3A_143, %min3A_143, %min3A_143, %min3A_143, %min3A_143, %min3A_143, %min3A_143, %min3A_143, %min3A_143, %min3A_143, %min3A_143, %min3A_143, %min3A_143, %min3A_143, %min3A_143 in 1 : vector<128x128xf32>, vector<128x128xf32>, vector<128x128xf32>, vector<128x128xf32>, vector<128x128xf32>, vector<128x128xf32>, vector<128x128xf32>, vector<128x128xf32>, vector<128x128xf32>, vector<128x128xf32>, vector<128x128xf32>, vector<128x128xf32>, vector<128x128xf32>, vector<128x128xf32>, vector<128x128xf32>, vector<128x128xf32> -> vector<128x2048xf32>
    %eq3A_145 = arith.cmpf oeq, %select_n3A_131, %tile3A_144 : vector<128x2048xf32>
    %jit3A_146 = arith.constant 2048 : i32
    %broadcast_in_dim3A_147 = vector.broadcast %jit3A_146 : i32 to vector<128x2048xi32>
    %select_n3A_148 = arith.select %eq3A_145, %iota3A_68, %broadcast_in_dim3A_147 : vector<128x2048xi1>, vector<128x2048xi32>
    %slice3A_149 = vector.extract_strided_slice %select_n3A_148 {offsets = [0, 0], sizes = [128, 1024], strides = [1, 1]} : vector<128x2048xi32> to vector<128x1024xi32>
    %slice3A_150 = vector.extract_strided_slice %select_n3A_148 {offsets = [0, 1024], sizes = [128, 1024], strides = [1, 1]} : vector<128x2048xi32> to vector<128x1024xi32>
    %min3A_151 = arith.minsi %slice3A_149, %slice3A_150 : vector<128x1024xi32>
    %slice3A_152 = vector.extract_strided_slice %min3A_151 {offsets = [0, 0], sizes = [128, 512], strides = [1, 1]} : vector<128x1024xi32> to vector<128x512xi32>
    %slice3A_153 = vector.extract_strided_slice %min3A_151 {offsets = [0, 512], sizes = [128, 512], strides = [1, 1]} : vector<128x1024xi32> to vector<128x512xi32>
    %min3A_154 = arith.minsi %slice3A_152, %slice3A_153 : vector<128x512xi32>
    %slice3A_155 = vector.extract_strided_slice %min3A_154 {offsets = [0, 0], sizes = [128, 256], strides = [1, 1]} : vector<128x512xi32> to vector<128x256xi32>
    %slice3A_156 = vector.extract_strided_slice %min3A_154 {offsets = [0, 256], sizes = [128, 256], strides = [1, 1]} : vector<128x512xi32> to vector<128x256xi32>
    %min3A_157 = arith.minsi %slice3A_155, %slice3A_156 : vector<128x256xi32>
    %slice3A_158 = vector.extract_strided_slice %min3A_157 {offsets = [0, 0], sizes = [128, 128], strides = [1, 1]} : vector<128x256xi32> to vector<128x128xi32>
    %slice3A_159 = vector.extract_strided_slice %min3A_157 {offsets = [0, 128], sizes = [128, 128], strides = [1, 1]} : vector<128x256xi32> to vector<128x128xi32>
    %min3A_160 = arith.minsi %slice3A_158, %slice3A_159 : vector<128x128xi32>
    %tile3A_161 = tpu.concatenate %min3A_160, %min3A_160, %min3A_160, %min3A_160, %min3A_160, %min3A_160, %min3A_160, %min3A_160, %min3A_160, %min3A_160, %min3A_160, %min3A_160, %min3A_160, %min3A_160, %min3A_160, %min3A_160 in 1 : vector<128x128xi32>, vector<128x128xi32>, vector<128x128xi32>, vector<128x128xi32>, vector<128x128xi32>, vector<128x128xi32>, vector<128x128xi32>, vector<128x128xi32>, vector<128x128xi32>, vector<128x128xi32>, vector<128x128xi32>, vector<128x128xi32>, vector<128x128xi32>, vector<128x128xi32>, vector<128x128xi32>, vector<128x128xi32> -> vector<128x2048xi32>
    %eq3A_162 = arith.cmpi eq, %select_n3A_148, %tile3A_161 : vector<128x2048xi32>
    %jit3A_163 = arith.constant 0x7F800000 : f32
    %broadcast_in_dim3A_164 = vector.broadcast %jit3A_163 : f32 to vector<128x2048xf32>
    %select_n3A_165 = arith.select %eq3A_162, %broadcast_in_dim3A_164, %select_n3A_131 : vector<128x2048xi1>, vector<128x2048xf32>
    %slice3A_166 = vector.extract_strided_slice %select_n3A_165 {offsets = [0, 0], sizes = [128, 1024], strides = [1, 1]} : vector<128x2048xf32> to vector<128x1024xf32>
    %slice3A_167 = vector.extract_strided_slice %select_n3A_165 {offsets = [0, 1024], sizes = [128, 1024], strides = [1, 1]} : vector<128x2048xf32> to vector<128x1024xf32>
    %min3A_168 = arith.minimumf %slice3A_166, %slice3A_167 : vector<128x1024xf32>
    %slice3A_169 = vector.extract_strided_slice %min3A_168 {offsets = [0, 0], sizes = [128, 512], strides = [1, 1]} : vector<128x1024xf32> to vector<128x512xf32>
    %slice3A_170 = vector.extract_strided_slice %min3A_168 {offsets = [0, 512], sizes = [128, 512], strides = [1, 1]} : vector<128x1024xf32> to vector<128x512xf32>
    %min3A_171 = arith.minimumf %slice3A_169, %slice3A_170 : vector<128x512xf32>
    %slice3A_172 = vector.extract_strided_slice %min3A_171 {offsets = [0, 0], sizes = [128, 256], strides = [1, 1]} : vector<128x512xf32> to vector<128x256xf32>
    %slice3A_173 = vector.extract_strided_slice %min3A_171 {offsets = [0, 256], sizes = [128, 256], strides = [1, 1]} : vector<128x512xf32> to vector<128x256xf32>
    %min3A_174 = arith.minimumf %slice3A_172, %slice3A_173 : vector<128x256xf32>
    %slice3A_175 = vector.extract_strided_slice %min3A_174 {offsets = [0, 0], sizes = [128, 128], strides = [1, 1]} : vector<128x256xf32> to vector<128x128xf32>
    %slice3A_176 = vector.extract_strided_slice %min3A_174 {offsets = [0, 128], sizes = [128, 128], strides = [1, 1]} : vector<128x256xf32> to vector<128x128xf32>
    %min3A_177 = arith.minimumf %slice3A_175, %slice3A_176 : vector<128x128xf32>
    %tile3A_178 = tpu.concatenate %min3A_177, %min3A_177, %min3A_177, %min3A_177, %min3A_177, %min3A_177, %min3A_177, %min3A_177, %min3A_177, %min3A_177, %min3A_177, %min3A_177, %min3A_177, %min3A_177, %min3A_177, %min3A_177 in 1 : vector<128x128xf32>, vector<128x128xf32>, vector<128x128xf32>, vector<128x128xf32>, vector<128x128xf32>, vector<128x128xf32>, vector<128x128xf32>, vector<128x128xf32>, vector<128x128xf32>, vector<128x128xf32>, vector<128x128xf32>, vector<128x128xf32>, vector<128x128xf32>, vector<128x128xf32>, vector<128x128xf32>, vector<128x128xf32> -> vector<128x2048xf32>
    %eq3A_179 = arith.cmpf oeq, %select_n3A_165, %tile3A_178 : vector<128x2048xf32>
    %jit3A_180 = arith.constant 2048 : i32
    %broadcast_in_dim3A_181 = vector.broadcast %jit3A_180 : i32 to vector<128x2048xi32>
    %select_n3A_182 = arith.select %eq3A_179, %iota3A_68, %broadcast_in_dim3A_181 : vector<128x2048xi1>, vector<128x2048xi32>
    %slice3A_183 = vector.extract_strided_slice %select_n3A_182 {offsets = [0, 0], sizes = [128, 1024], strides = [1, 1]} : vector<128x2048xi32> to vector<128x1024xi32>
    %slice3A_184 = vector.extract_strided_slice %select_n3A_182 {offsets = [0, 1024], sizes = [128, 1024], strides = [1, 1]} : vector<128x2048xi32> to vector<128x1024xi32>
    %min3A_185 = arith.minsi %slice3A_183, %slice3A_184 : vector<128x1024xi32>
    %slice3A_186 = vector.extract_strided_slice %min3A_185 {offsets = [0, 0], sizes = [128, 512], strides = [1, 1]} : vector<128x1024xi32> to vector<128x512xi32>
    %slice3A_187 = vector.extract_strided_slice %min3A_185 {offsets = [0, 512], sizes = [128, 512], strides = [1, 1]} : vector<128x1024xi32> to vector<128x512xi32>
    %min3A_188 = arith.minsi %slice3A_186, %slice3A_187 : vector<128x512xi32>
    %slice3A_189 = vector.extract_strided_slice %min3A_188 {offsets = [0, 0], sizes = [128, 256], strides = [1, 1]} : vector<128x512xi32> to vector<128x256xi32>
    %slice3A_190 = vector.extract_strided_slice %min3A_188 {offsets = [0, 256], sizes = [128, 256], strides = [1, 1]} : vector<128x512xi32> to vector<128x256xi32>
    %min3A_191 = arith.minsi %slice3A_189, %slice3A_190 : vector<128x256xi32>
    %slice3A_192 = vector.extract_strided_slice %min3A_191 {offsets = [0, 0], sizes = [128, 128], strides = [1, 1]} : vector<128x256xi32> to vector<128x128xi32>
    %slice3A_193 = vector.extract_strided_slice %min3A_191 {offsets = [0, 128], sizes = [128, 128], strides = [1, 1]} : vector<128x256xi32> to vector<128x128xi32>
    %min3A_194 = arith.minsi %slice3A_192, %slice3A_193 : vector<128x128xi32>
    %tile3A_195 = tpu.concatenate %min3A_194, %min3A_194, %min3A_194, %min3A_194, %min3A_194, %min3A_194, %min3A_194, %min3A_194, %min3A_194, %min3A_194, %min3A_194, %min3A_194, %min3A_194, %min3A_194, %min3A_194, %min3A_194 in 1 : vector<128x128xi32>, vector<128x128xi32>, vector<128x128xi32>, vector<128x128xi32>, vector<128x128xi32>, vector<128x128xi32>, vector<128x128xi32>, vector<128x128xi32>, vector<128x128xi32>, vector<128x128xi32>, vector<128x128xi32>, vector<128x128xi32>, vector<128x128xi32>, vector<128x128xi32>, vector<128x128xi32>, vector<128x128xi32> -> vector<128x2048xi32>
    %eq3A_196 = arith.cmpi eq, %select_n3A_182, %tile3A_195 : vector<128x2048xi32>
    %jit3A_197 = arith.constant 0x7F800000 : f32
    %broadcast_in_dim3A_198 = vector.broadcast %jit3A_197 : f32 to vector<128x2048xf32>
    %select_n3A_199 = arith.select %eq3A_196, %broadcast_in_dim3A_198, %select_n3A_165 : vector<128x2048xi1>, vector<128x2048xf32>
    %slice3A_200 = vector.extract_strided_slice %select_n3A_199 {offsets = [0, 0], sizes = [128, 1024], strides = [1, 1]} : vector<128x2048xf32> to vector<128x1024xf32>
    %slice3A_201 = vector.extract_strided_slice %select_n3A_199 {offsets = [0, 1024], sizes = [128, 1024], strides = [1, 1]} : vector<128x2048xf32> to vector<128x1024xf32>
    %min3A_202 = arith.minimumf %slice3A_200, %slice3A_201 : vector<128x1024xf32>
    %slice3A_203 = vector.extract_strided_slice %min3A_202 {offsets = [0, 0], sizes = [128, 512], strides = [1, 1]} : vector<128x1024xf32> to vector<128x512xf32>
    %slice3A_204 = vector.extract_strided_slice %min3A_202 {offsets = [0, 512], sizes = [128, 512], strides = [1, 1]} : vector<128x1024xf32> to vector<128x512xf32>
    %min3A_205 = arith.minimumf %slice3A_203, %slice3A_204 : vector<128x512xf32>
    %slice3A_206 = vector.extract_strided_slice %min3A_205 {offsets = [0, 0], sizes = [128, 256], strides = [1, 1]} : vector<128x512xf32> to vector<128x256xf32>
    %slice3A_207 = vector.extract_strided_slice %min3A_205 {offsets = [0, 256], sizes = [128, 256], strides = [1, 1]} : vector<128x512xf32> to vector<128x256xf32>
    %min3A_208 = arith.minimumf %slice3A_206, %slice3A_207 : vector<128x256xf32>
    %slice3A_209 = vector.extract_strided_slice %min3A_208 {offsets = [0, 0], sizes = [128, 128], strides = [1, 1]} : vector<128x256xf32> to vector<128x128xf32>
    %slice3A_210 = vector.extract_strided_slice %min3A_208 {offsets = [0, 128], sizes = [128, 128], strides = [1, 1]} : vector<128x256xf32> to vector<128x128xf32>
    %min3A_211 = arith.minimumf %slice3A_209, %slice3A_210 : vector<128x128xf32>
    %tile3A_212 = tpu.concatenate %min3A_211, %min3A_211, %min3A_211, %min3A_211, %min3A_211, %min3A_211, %min3A_211, %min3A_211, %min3A_211, %min3A_211, %min3A_211, %min3A_211, %min3A_211, %min3A_211, %min3A_211, %min3A_211 in 1 : vector<128x128xf32>, vector<128x128xf32>, vector<128x128xf32>, vector<128x128xf32>, vector<128x128xf32>, vector<128x128xf32>, vector<128x128xf32>, vector<128x128xf32>, vector<128x128xf32>, vector<128x128xf32>, vector<128x128xf32>, vector<128x128xf32>, vector<128x128xf32>, vector<128x128xf32>, vector<128x128xf32>, vector<128x128xf32> -> vector<128x2048xf32>
    %eq3A_213 = arith.cmpf oeq, %select_n3A_199, %tile3A_212 : vector<128x2048xf32>
    %jit3A_214 = arith.constant 2048 : i32
    %broadcast_in_dim3A_215 = vector.broadcast %jit3A_214 : i32 to vector<128x2048xi32>
    %select_n3A_216 = arith.select %eq3A_213, %iota3A_68, %broadcast_in_dim3A_215 : vector<128x2048xi1>, vector<128x2048xi32>
    %slice3A_217 = vector.extract_strided_slice %select_n3A_216 {offsets = [0, 0], sizes = [128, 1024], strides = [1, 1]} : vector<128x2048xi32> to vector<128x1024xi32>
    %slice3A_218 = vector.extract_strided_slice %select_n3A_216 {offsets = [0, 1024], sizes = [128, 1024], strides = [1, 1]} : vector<128x2048xi32> to vector<128x1024xi32>
    %min3A_219 = arith.minsi %slice3A_217, %slice3A_218 : vector<128x1024xi32>
    %slice3A_220 = vector.extract_strided_slice %min3A_219 {offsets = [0, 0], sizes = [128, 512], strides = [1, 1]} : vector<128x1024xi32> to vector<128x512xi32>
    %slice3A_221 = vector.extract_strided_slice %min3A_219 {offsets = [0, 512], sizes = [128, 512], strides = [1, 1]} : vector<128x1024xi32> to vector<128x512xi32>
    %min3A_222 = arith.minsi %slice3A_220, %slice3A_221 : vector<128x512xi32>
    %slice3A_223 = vector.extract_strided_slice %min3A_222 {offsets = [0, 0], sizes = [128, 256], strides = [1, 1]} : vector<128x512xi32> to vector<128x256xi32>
    %slice3A_224 = vector.extract_strided_slice %min3A_222 {offsets = [0, 256], sizes = [128, 256], strides = [1, 1]} : vector<128x512xi32> to vector<128x256xi32>
    %min3A_225 = arith.minsi %slice3A_223, %slice3A_224 : vector<128x256xi32>
    %slice3A_226 = vector.extract_strided_slice %min3A_225 {offsets = [0, 0], sizes = [128, 128], strides = [1, 1]} : vector<128x256xi32> to vector<128x128xi32>
    %slice3A_227 = vector.extract_strided_slice %min3A_225 {offsets = [0, 128], sizes = [128, 128], strides = [1, 1]} : vector<128x256xi32> to vector<128x128xi32>
    %min3A_228 = arith.minsi %slice3A_226, %slice3A_227 : vector<128x128xi32>
    %concatenate3A = tpu.concatenate %min3A_79, %min3A_109, %min3A_143, %min3A_177, %min3A_211 in 1 : vector<128x128xf32>, vector<128x128xf32>, vector<128x128xf32>, vector<128x128xf32>, vector<128x128xf32> -> vector<128x640xf32>
    %concatenate3A_229 = tpu.concatenate %min3A_92, %min3A_126, %min3A_160, %min3A_194, %min3A_228 in 1 : vector<128x128xi32>, vector<128x128xi32>, vector<128x128xi32>, vector<128x128xi32>, vector<128x128xi32> -> vector<128x640xi32>
    %reduce_min3A = arith.constant dense<0x7F800000> : vector<128xf32>
    %reduce_min3A_230 = vector.multi_reduction <minimumf>, %concatenate3A, %reduce_min3A [1] : vector<128x640xf32> to vector<128xf32>
    %broadcast_in_dim3A_231 = vector.shape_cast %reduce_min3A_230 : vector<128xf32> to vector<128x1xf32>
    %eq3A_232 = vector.broadcast %broadcast_in_dim3A_231 : vector<128x1xf32> to vector<128x640xf32>
    %eq3A_233 = arith.cmpf oeq, %concatenate3A, %eq3A_232 : vector<128x640xf32>
    %jit3A_234 = arith.constant 2048 : i32
    %broadcast_in_dim3A_235 = vector.broadcast %jit3A_234 : i32 to vector<128x640xi32>
    %select_n3A_236 = arith.select %eq3A_233, %concatenate3A_229, %broadcast_in_dim3A_235 : vector<128x640xi1>, vector<128x640xi32>
    %reduce_min3A_237 = arith.constant dense<2147483647> : vector<128xi32>
    %reduce_min3A_238 = vector.multi_reduction <minsi>, %select_n3A_236, %reduce_min3A_237 [1] : vector<128x640xi32> to vector<128xi32>
    %broadcast_in_dim3A_239 = vector.shape_cast %reduce_min3A_238 : vector<128xi32> to vector<128x1xi32>
    %eq3A_240 = arith.constant 0 : i32
    %eq3A_241 = vector.broadcast %eq3A_240 : i32 to vector<128x32xi32>
    %eq3A_242 = arith.cmpi eq, %iota3A, %eq3A_241 : vector<128x32xi32>
    %broadcast_in_dim3A_243 = vector.shape_cast %broadcast_in_dim3A_239 : vector<128x1xi32> to vector<128x1xi32>
    %broadcast_in_dim3A_244 = vector.broadcast %broadcast_in_dim3A_243 : vector<128x1xi32> to vector<128x32xi32>
    %select_n3A_245 = arith.select %eq3A_242, %broadcast_in_dim3A_244, %broadcast_in_dim3A_67 : vector<128x32xi1>, vector<128x32xi32>
    %eq3A_246 = vector.broadcast %broadcast_in_dim3A_231 : vector<128x1xf32> to vector<128x640xf32>
    %eq3A_247 = arith.cmpf oeq, %concatenate3A, %eq3A_246 : vector<128x640xf32>
    %eq3A_248 = vector.broadcast %broadcast_in_dim3A_239 : vector<128x1xi32> to vector<128x640xi32>
    %eq3A_249 = arith.cmpi eq, %concatenate3A_229, %eq3A_248 : vector<128x640xi32>
    %and3A = arith.andi %eq3A_247, %eq3A_249 : vector<128x640xi1>
    %jit3A_250 = arith.constant 0x7F800000 : f32
    %broadcast_in_dim3A_251 = vector.broadcast %jit3A_250 : f32 to vector<128x640xf32>
    %select_n3A_252 = arith.select %and3A, %broadcast_in_dim3A_251, %concatenate3A : vector<128x640xi1>, vector<128x640xf32>
    %reduce_min3A_253 = arith.constant dense<0x7F800000> : vector<128xf32>
    %reduce_min3A_254 = vector.multi_reduction <minimumf>, %select_n3A_252, %reduce_min3A_253 [1] : vector<128x640xf32> to vector<128xf32>
    %broadcast_in_dim3A_255 = vector.shape_cast %reduce_min3A_254 : vector<128xf32> to vector<128x1xf32>
    %eq3A_256 = vector.broadcast %broadcast_in_dim3A_255 : vector<128x1xf32> to vector<128x640xf32>
    %eq3A_257 = arith.cmpf oeq, %select_n3A_252, %eq3A_256 : vector<128x640xf32>
    %jit3A_258 = arith.constant 2048 : i32
    %broadcast_in_dim3A_259 = vector.broadcast %jit3A_258 : i32 to vector<128x640xi32>
    %select_n3A_260 = arith.select %eq3A_257, %concatenate3A_229, %broadcast_in_dim3A_259 : vector<128x640xi1>, vector<128x640xi32>
    %reduce_min3A_261 = arith.constant dense<2147483647> : vector<128xi32>
    %reduce_min3A_262 = vector.multi_reduction <minsi>, %select_n3A_260, %reduce_min3A_261 [1] : vector<128x640xi32> to vector<128xi32>
    %broadcast_in_dim3A_263 = vector.shape_cast %reduce_min3A_262 : vector<128xi32> to vector<128x1xi32>
    %eq3A_264 = arith.constant 1 : i32
    %eq3A_265 = vector.broadcast %eq3A_264 : i32 to vector<128x32xi32>
    %eq3A_266 = arith.cmpi eq, %iota3A, %eq3A_265 : vector<128x32xi32>
    %broadcast_in_dim3A_267 = vector.shape_cast %broadcast_in_dim3A_263 : vector<128x1xi32> to vector<128x1xi32>
    %broadcast_in_dim3A_268 = vector.broadcast %broadcast_in_dim3A_267 : vector<128x1xi32> to vector<128x32xi32>
    %select_n3A_269 = arith.select %eq3A_266, %broadcast_in_dim3A_268, %select_n3A_245 : vector<128x32xi1>, vector<128x32xi32>
    %eq3A_270 = vector.broadcast %broadcast_in_dim3A_255 : vector<128x1xf32> to vector<128x640xf32>
    %eq3A_271 = arith.cmpf oeq, %select_n3A_252, %eq3A_270 : vector<128x640xf32>
    %eq3A_272 = vector.broadcast %broadcast_in_dim3A_263 : vector<128x1xi32> to vector<128x640xi32>
    %eq3A_273 = arith.cmpi eq, %concatenate3A_229, %eq3A_272 : vector<128x640xi32>
    %and3A_274 = arith.andi %eq3A_271, %eq3A_273 : vector<128x640xi1>
    %jit3A_275 = arith.constant 0x7F800000 : f32
    %broadcast_in_dim3A_276 = vector.broadcast %jit3A_275 : f32 to vector<128x640xf32>
    %select_n3A_277 = arith.select %and3A_274, %broadcast_in_dim3A_276, %select_n3A_252 : vector<128x640xi1>, vector<128x640xf32>
    %reduce_min3A_278 = arith.constant dense<0x7F800000> : vector<128xf32>
    %reduce_min3A_279 = vector.multi_reduction <minimumf>, %select_n3A_277, %reduce_min3A_278 [1] : vector<128x640xf32> to vector<128xf32>
    %broadcast_in_dim3A_280 = vector.shape_cast %reduce_min3A_279 : vector<128xf32> to vector<128x1xf32>
    %eq3A_281 = vector.broadcast %broadcast_in_dim3A_280 : vector<128x1xf32> to vector<128x640xf32>
    %eq3A_282 = arith.cmpf oeq, %select_n3A_277, %eq3A_281 : vector<128x640xf32>
    %jit3A_283 = arith.constant 2048 : i32
    %broadcast_in_dim3A_284 = vector.broadcast %jit3A_283 : i32 to vector<128x640xi32>
    %select_n3A_285 = arith.select %eq3A_282, %concatenate3A_229, %broadcast_in_dim3A_284 : vector<128x640xi1>, vector<128x640xi32>
    %reduce_min3A_286 = arith.constant dense<2147483647> : vector<128xi32>
    %reduce_min3A_287 = vector.multi_reduction <minsi>, %select_n3A_285, %reduce_min3A_286 [1] : vector<128x640xi32> to vector<128xi32>
    %broadcast_in_dim3A_288 = vector.shape_cast %reduce_min3A_287 : vector<128xi32> to vector<128x1xi32>
    %eq3A_289 = arith.constant 2 : i32
    %eq3A_290 = vector.broadcast %eq3A_289 : i32 to vector<128x32xi32>
    %eq3A_291 = arith.cmpi eq, %iota3A, %eq3A_290 : vector<128x32xi32>
    %broadcast_in_dim3A_292 = vector.shape_cast %broadcast_in_dim3A_288 : vector<128x1xi32> to vector<128x1xi32>
    %broadcast_in_dim3A_293 = vector.broadcast %broadcast_in_dim3A_292 : vector<128x1xi32> to vector<128x32xi32>
    %select_n3A_294 = arith.select %eq3A_291, %broadcast_in_dim3A_293, %select_n3A_269 : vector<128x32xi1>, vector<128x32xi32>
    %eq3A_295 = vector.broadcast %broadcast_in_dim3A_280 : vector<128x1xf32> to vector<128x640xf32>
    %eq3A_296 = arith.cmpf oeq, %select_n3A_277, %eq3A_295 : vector<128x640xf32>
    %eq3A_297 = vector.broadcast %broadcast_in_dim3A_288 : vector<128x1xi32> to vector<128x640xi32>
    %eq3A_298 = arith.cmpi eq, %concatenate3A_229, %eq3A_297 : vector<128x640xi32>
    %and3A_299 = arith.andi %eq3A_296, %eq3A_298 : vector<128x640xi1>
    %jit3A_300 = arith.constant 0x7F800000 : f32
    %broadcast_in_dim3A_301 = vector.broadcast %jit3A_300 : f32 to vector<128x640xf32>
    %select_n3A_302 = arith.select %and3A_299, %broadcast_in_dim3A_301, %select_n3A_277 : vector<128x640xi1>, vector<128x640xf32>
    %reduce_min3A_303 = arith.constant dense<0x7F800000> : vector<128xf32>
    %reduce_min3A_304 = vector.multi_reduction <minimumf>, %select_n3A_302, %reduce_min3A_303 [1] : vector<128x640xf32> to vector<128xf32>
    %broadcast_in_dim3A_305 = vector.shape_cast %reduce_min3A_304 : vector<128xf32> to vector<128x1xf32>
    %eq3A_306 = vector.broadcast %broadcast_in_dim3A_305 : vector<128x1xf32> to vector<128x640xf32>
    %eq3A_307 = arith.cmpf oeq, %select_n3A_302, %eq3A_306 : vector<128x640xf32>
    %jit3A_308 = arith.constant 2048 : i32
    %broadcast_in_dim3A_309 = vector.broadcast %jit3A_308 : i32 to vector<128x640xi32>
    %select_n3A_310 = arith.select %eq3A_307, %concatenate3A_229, %broadcast_in_dim3A_309 : vector<128x640xi1>, vector<128x640xi32>
    %reduce_min3A_311 = arith.constant dense<2147483647> : vector<128xi32>
    %reduce_min3A_312 = vector.multi_reduction <minsi>, %select_n3A_310, %reduce_min3A_311 [1] : vector<128x640xi32> to vector<128xi32>
    %broadcast_in_dim3A_313 = vector.shape_cast %reduce_min3A_312 : vector<128xi32> to vector<128x1xi32>
    %eq3A_314 = arith.constant 3 : i32
    %eq3A_315 = vector.broadcast %eq3A_314 : i32 to vector<128x32xi32>
    %eq3A_316 = arith.cmpi eq, %iota3A, %eq3A_315 : vector<128x32xi32>
    %broadcast_in_dim3A_317 = vector.shape_cast %broadcast_in_dim3A_313 : vector<128x1xi32> to vector<128x1xi32>
    %broadcast_in_dim3A_318 = vector.broadcast %broadcast_in_dim3A_317 : vector<128x1xi32> to vector<128x32xi32>
    %select_n3A_319 = arith.select %eq3A_316, %broadcast_in_dim3A_318, %select_n3A_294 : vector<128x32xi1>, vector<128x32xi32>
    %eq3A_320 = vector.broadcast %broadcast_in_dim3A_305 : vector<128x1xf32> to vector<128x640xf32>
    %eq3A_321 = arith.cmpf oeq, %select_n3A_302, %eq3A_320 : vector<128x640xf32>
    %eq3A_322 = vector.broadcast %broadcast_in_dim3A_313 : vector<128x1xi32> to vector<128x640xi32>
    %eq3A_323 = arith.cmpi eq, %concatenate3A_229, %eq3A_322 : vector<128x640xi32>
    %and3A_324 = arith.andi %eq3A_321, %eq3A_323 : vector<128x640xi1>
    %jit3A_325 = arith.constant 0x7F800000 : f32
    %broadcast_in_dim3A_326 = vector.broadcast %jit3A_325 : f32 to vector<128x640xf32>
    %select_n3A_327 = arith.select %and3A_324, %broadcast_in_dim3A_326, %select_n3A_302 : vector<128x640xi1>, vector<128x640xf32>
    %reduce_min3A_328 = arith.constant dense<0x7F800000> : vector<128xf32>
    %reduce_min3A_329 = vector.multi_reduction <minimumf>, %select_n3A_327, %reduce_min3A_328 [1] : vector<128x640xf32> to vector<128xf32>
    %broadcast_in_dim3A_330 = vector.shape_cast %reduce_min3A_329 : vector<128xf32> to vector<128x1xf32>
    %eq3A_331 = vector.broadcast %broadcast_in_dim3A_330 : vector<128x1xf32> to vector<128x640xf32>
    %eq3A_332 = arith.cmpf oeq, %select_n3A_327, %eq3A_331 : vector<128x640xf32>
    %jit3A_333 = arith.constant 2048 : i32
    %broadcast_in_dim3A_334 = vector.broadcast %jit3A_333 : i32 to vector<128x640xi32>
    %select_n3A_335 = arith.select %eq3A_332, %concatenate3A_229, %broadcast_in_dim3A_334 : vector<128x640xi1>, vector<128x640xi32>
    %reduce_min3A_336 = arith.constant dense<2147483647> : vector<128xi32>
    %reduce_min3A_337 = vector.multi_reduction <minsi>, %select_n3A_335, %reduce_min3A_336 [1] : vector<128x640xi32> to vector<128xi32>
    %broadcast_in_dim3A_338 = vector.shape_cast %reduce_min3A_337 : vector<128xi32> to vector<128x1xi32>
    %eq3A_339 = arith.constant 4 : i32
    %eq3A_340 = vector.broadcast %eq3A_339 : i32 to vector<128x32xi32>
    %eq3A_341 = arith.cmpi eq, %iota3A, %eq3A_340 : vector<128x32xi32>
    %broadcast_in_dim3A_342 = vector.shape_cast %broadcast_in_dim3A_338 : vector<128x1xi32> to vector<128x1xi32>
    %broadcast_in_dim3A_343 = vector.broadcast %broadcast_in_dim3A_342 : vector<128x1xi32> to vector<128x32xi32>
    %select_n3A_344 = arith.select %eq3A_341, %broadcast_in_dim3A_343, %select_n3A_319 : vector<128x32xi1>, vector<128x32xi32>
    %eq3A_345 = vector.broadcast %broadcast_in_dim3A_330 : vector<128x1xf32> to vector<128x640xf32>
    %eq3A_346 = arith.cmpf oeq, %select_n3A_327, %eq3A_345 : vector<128x640xf32>
    %eq3A_347 = vector.broadcast %broadcast_in_dim3A_338 : vector<128x1xi32> to vector<128x640xi32>
    %eq3A_348 = arith.cmpi eq, %concatenate3A_229, %eq3A_347 : vector<128x640xi32>
    %and3A_349 = arith.andi %eq3A_346, %eq3A_348 : vector<128x640xi1>
    %jit3A_350 = arith.constant 0x7F800000 : f32
    %broadcast_in_dim3A_351 = vector.broadcast %jit3A_350 : f32 to vector<128x640xf32>
    %select_n3A_352 = arith.select %and3A_349, %broadcast_in_dim3A_351, %select_n3A_327 : vector<128x640xi1>, vector<128x640xf32>
    %reduce_min3A_353 = arith.constant dense<0x7F800000> : vector<128xf32>
    %reduce_min3A_354 = vector.multi_reduction <minimumf>, %select_n3A_352, %reduce_min3A_353 [1] : vector<128x640xf32> to vector<128xf32>
    %broadcast_in_dim3A_355 = vector.shape_cast %reduce_min3A_354 : vector<128xf32> to vector<128x1xf32>
    %eq3A_356 = vector.broadcast %broadcast_in_dim3A_355 : vector<128x1xf32> to vector<128x640xf32>
    %eq3A_357 = arith.cmpf oeq, %select_n3A_352, %eq3A_356 : vector<128x640xf32>
    %jit3A_358 = arith.constant 2048 : i32
    %broadcast_in_dim3A_359 = vector.broadcast %jit3A_358 : i32 to vector<128x640xi32>
    %select_n3A_360 = arith.select %eq3A_357, %concatenate3A_229, %broadcast_in_dim3A_359 : vector<128x640xi1>, vector<128x640xi32>
    %reduce_min3A_361 = arith.constant dense<2147483647> : vector<128xi32>
    %reduce_min3A_362 = vector.multi_reduction <minsi>, %select_n3A_360, %reduce_min3A_361 [1] : vector<128x640xi32> to vector<128xi32>
    %broadcast_in_dim3A_363 = vector.shape_cast %reduce_min3A_362 : vector<128xi32> to vector<128x1xi32>
    %eq3A_364 = arith.constant 5 : i32
    %eq3A_365 = vector.broadcast %eq3A_364 : i32 to vector<128x32xi32>
    %eq3A_366 = arith.cmpi eq, %iota3A, %eq3A_365 : vector<128x32xi32>
    %broadcast_in_dim3A_367 = vector.shape_cast %broadcast_in_dim3A_363 : vector<128x1xi32> to vector<128x1xi32>
    %broadcast_in_dim3A_368 = vector.broadcast %broadcast_in_dim3A_367 : vector<128x1xi32> to vector<128x32xi32>
    %select_n3A_369 = arith.select %eq3A_366, %broadcast_in_dim3A_368, %select_n3A_344 : vector<128x32xi1>, vector<128x32xi32>
    %eq3A_370 = vector.broadcast %broadcast_in_dim3A_355 : vector<128x1xf32> to vector<128x640xf32>
    %eq3A_371 = arith.cmpf oeq, %select_n3A_352, %eq3A_370 : vector<128x640xf32>
    %eq3A_372 = vector.broadcast %broadcast_in_dim3A_363 : vector<128x1xi32> to vector<128x640xi32>
    %eq3A_373 = arith.cmpi eq, %concatenate3A_229, %eq3A_372 : vector<128x640xi32>
    %and3A_374 = arith.andi %eq3A_371, %eq3A_373 : vector<128x640xi1>
    %jit3A_375 = arith.constant 0x7F800000 : f32
    %broadcast_in_dim3A_376 = vector.broadcast %jit3A_375 : f32 to vector<128x640xf32>
    %select_n3A_377 = arith.select %and3A_374, %broadcast_in_dim3A_376, %select_n3A_352 : vector<128x640xi1>, vector<128x640xf32>
    %reduce_min3A_378 = arith.constant dense<0x7F800000> : vector<128xf32>
    %reduce_min3A_379 = vector.multi_reduction <minimumf>, %select_n3A_377, %reduce_min3A_378 [1] : vector<128x640xf32> to vector<128xf32>
    %broadcast_in_dim3A_380 = vector.shape_cast %reduce_min3A_379 : vector<128xf32> to vector<128x1xf32>
    %eq3A_381 = vector.broadcast %broadcast_in_dim3A_380 : vector<128x1xf32> to vector<128x640xf32>
    %eq3A_382 = arith.cmpf oeq, %select_n3A_377, %eq3A_381 : vector<128x640xf32>
    %jit3A_383 = arith.constant 2048 : i32
    %broadcast_in_dim3A_384 = vector.broadcast %jit3A_383 : i32 to vector<128x640xi32>
    %select_n3A_385 = arith.select %eq3A_382, %concatenate3A_229, %broadcast_in_dim3A_384 : vector<128x640xi1>, vector<128x640xi32>
    %reduce_min3A_386 = arith.constant dense<2147483647> : vector<128xi32>
    %reduce_min3A_387 = vector.multi_reduction <minsi>, %select_n3A_385, %reduce_min3A_386 [1] : vector<128x640xi32> to vector<128xi32>
    %broadcast_in_dim3A_388 = vector.shape_cast %reduce_min3A_387 : vector<128xi32> to vector<128x1xi32>
    %eq3A_389 = arith.constant 6 : i32
    %eq3A_390 = vector.broadcast %eq3A_389 : i32 to vector<128x32xi32>
    %eq3A_391 = arith.cmpi eq, %iota3A, %eq3A_390 : vector<128x32xi32>
    %broadcast_in_dim3A_392 = vector.shape_cast %broadcast_in_dim3A_388 : vector<128x1xi32> to vector<128x1xi32>
    %broadcast_in_dim3A_393 = vector.broadcast %broadcast_in_dim3A_392 : vector<128x1xi32> to vector<128x32xi32>
    %select_n3A_394 = arith.select %eq3A_391, %broadcast_in_dim3A_393, %select_n3A_369 : vector<128x32xi1>, vector<128x32xi32>
    %eq3A_395 = vector.broadcast %broadcast_in_dim3A_380 : vector<128x1xf32> to vector<128x640xf32>
    %eq3A_396 = arith.cmpf oeq, %select_n3A_377, %eq3A_395 : vector<128x640xf32>
    %eq3A_397 = vector.broadcast %broadcast_in_dim3A_388 : vector<128x1xi32> to vector<128x640xi32>
    %eq3A_398 = arith.cmpi eq, %concatenate3A_229, %eq3A_397 : vector<128x640xi32>
    %and3A_399 = arith.andi %eq3A_396, %eq3A_398 : vector<128x640xi1>
    %jit3A_400 = arith.constant 0x7F800000 : f32
    %broadcast_in_dim3A_401 = vector.broadcast %jit3A_400 : f32 to vector<128x640xf32>
    %select_n3A_402 = arith.select %and3A_399, %broadcast_in_dim3A_401, %select_n3A_377 : vector<128x640xi1>, vector<128x640xf32>
    %reduce_min3A_403 = arith.constant dense<0x7F800000> : vector<128xf32>
    %reduce_min3A_404 = vector.multi_reduction <minimumf>, %select_n3A_402, %reduce_min3A_403 [1] : vector<128x640xf32> to vector<128xf32>
    %broadcast_in_dim3A_405 = vector.shape_cast %reduce_min3A_404 : vector<128xf32> to vector<128x1xf32>
    %eq3A_406 = vector.broadcast %broadcast_in_dim3A_405 : vector<128x1xf32> to vector<128x640xf32>
    %eq3A_407 = arith.cmpf oeq, %select_n3A_402, %eq3A_406 : vector<128x640xf32>
    %jit3A_408 = arith.constant 2048 : i32
    %broadcast_in_dim3A_409 = vector.broadcast %jit3A_408 : i32 to vector<128x640xi32>
    %select_n3A_410 = arith.select %eq3A_407, %concatenate3A_229, %broadcast_in_dim3A_409 : vector<128x640xi1>, vector<128x640xi32>
    %reduce_min3A_411 = arith.constant dense<2147483647> : vector<128xi32>
    %reduce_min3A_412 = vector.multi_reduction <minsi>, %select_n3A_410, %reduce_min3A_411 [1] : vector<128x640xi32> to vector<128xi32>
    %broadcast_in_dim3A_413 = vector.shape_cast %reduce_min3A_412 : vector<128xi32> to vector<128x1xi32>
    %eq3A_414 = arith.constant 7 : i32
    %eq3A_415 = vector.broadcast %eq3A_414 : i32 to vector<128x32xi32>
    %eq3A_416 = arith.cmpi eq, %iota3A, %eq3A_415 : vector<128x32xi32>
    %broadcast_in_dim3A_417 = vector.shape_cast %broadcast_in_dim3A_413 : vector<128x1xi32> to vector<128x1xi32>
    %broadcast_in_dim3A_418 = vector.broadcast %broadcast_in_dim3A_417 : vector<128x1xi32> to vector<128x32xi32>
    %select_n3A_419 = arith.select %eq3A_416, %broadcast_in_dim3A_418, %select_n3A_394 : vector<128x32xi1>, vector<128x32xi32>
    %eq3A_420 = vector.broadcast %broadcast_in_dim3A_405 : vector<128x1xf32> to vector<128x640xf32>
    %eq3A_421 = arith.cmpf oeq, %select_n3A_402, %eq3A_420 : vector<128x640xf32>
    %eq3A_422 = vector.broadcast %broadcast_in_dim3A_413 : vector<128x1xi32> to vector<128x640xi32>
    %eq3A_423 = arith.cmpi eq, %concatenate3A_229, %eq3A_422 : vector<128x640xi32>
    %and3A_424 = arith.andi %eq3A_421, %eq3A_423 : vector<128x640xi1>
    %jit3A_425 = arith.constant 0x7F800000 : f32
    %broadcast_in_dim3A_426 = vector.broadcast %jit3A_425 : f32 to vector<128x640xf32>
    %select_n3A_427 = arith.select %and3A_424, %broadcast_in_dim3A_426, %select_n3A_402 : vector<128x640xi1>, vector<128x640xf32>
    %reduce_min3A_428 = arith.constant dense<0x7F800000> : vector<128xf32>
    %reduce_min3A_429 = vector.multi_reduction <minimumf>, %select_n3A_427, %reduce_min3A_428 [1] : vector<128x640xf32> to vector<128xf32>
    %broadcast_in_dim3A_430 = vector.shape_cast %reduce_min3A_429 : vector<128xf32> to vector<128x1xf32>
    %eq3A_431 = vector.broadcast %broadcast_in_dim3A_430 : vector<128x1xf32> to vector<128x640xf32>
    %eq3A_432 = arith.cmpf oeq, %select_n3A_427, %eq3A_431 : vector<128x640xf32>
    %jit3A_433 = arith.constant 2048 : i32
    %broadcast_in_dim3A_434 = vector.broadcast %jit3A_433 : i32 to vector<128x640xi32>
    %select_n3A_435 = arith.select %eq3A_432, %concatenate3A_229, %broadcast_in_dim3A_434 : vector<128x640xi1>, vector<128x640xi32>
    %reduce_min3A_436 = arith.constant dense<2147483647> : vector<128xi32>
    %reduce_min3A_437 = vector.multi_reduction <minsi>, %select_n3A_435, %reduce_min3A_436 [1] : vector<128x640xi32> to vector<128xi32>
    %broadcast_in_dim3A_438 = vector.shape_cast %reduce_min3A_437 : vector<128xi32> to vector<128x1xi32>
    %eq3A_439 = arith.constant 8 : i32
    %eq3A_440 = vector.broadcast %eq3A_439 : i32 to vector<128x32xi32>
    %eq3A_441 = arith.cmpi eq, %iota3A, %eq3A_440 : vector<128x32xi32>
    %broadcast_in_dim3A_442 = vector.shape_cast %broadcast_in_dim3A_438 : vector<128x1xi32> to vector<128x1xi32>
    %broadcast_in_dim3A_443 = vector.broadcast %broadcast_in_dim3A_442 : vector<128x1xi32> to vector<128x32xi32>
    %select_n3A_444 = arith.select %eq3A_441, %broadcast_in_dim3A_443, %select_n3A_419 : vector<128x32xi1>, vector<128x32xi32>
    %eq3A_445 = vector.broadcast %broadcast_in_dim3A_430 : vector<128x1xf32> to vector<128x640xf32>
    %eq3A_446 = arith.cmpf oeq, %select_n3A_427, %eq3A_445 : vector<128x640xf32>
    %eq3A_447 = vector.broadcast %broadcast_in_dim3A_438 : vector<128x1xi32> to vector<128x640xi32>
    %eq3A_448 = arith.cmpi eq, %concatenate3A_229, %eq3A_447 : vector<128x640xi32>
    %and3A_449 = arith.andi %eq3A_446, %eq3A_448 : vector<128x640xi1>
    %jit3A_450 = arith.constant 0x7F800000 : f32
    %broadcast_in_dim3A_451 = vector.broadcast %jit3A_450 : f32 to vector<128x640xf32>
    %select_n3A_452 = arith.select %and3A_449, %broadcast_in_dim3A_451, %select_n3A_427 : vector<128x640xi1>, vector<128x640xf32>
    %reduce_min3A_453 = arith.constant dense<0x7F800000> : vector<128xf32>
    %reduce_min3A_454 = vector.multi_reduction <minimumf>, %select_n3A_452, %reduce_min3A_453 [1] : vector<128x640xf32> to vector<128xf32>
    %broadcast_in_dim3A_455 = vector.shape_cast %reduce_min3A_454 : vector<128xf32> to vector<128x1xf32>
    %eq3A_456 = vector.broadcast %broadcast_in_dim3A_455 : vector<128x1xf32> to vector<128x640xf32>
    %eq3A_457 = arith.cmpf oeq, %select_n3A_452, %eq3A_456 : vector<128x640xf32>
    %jit3A_458 = arith.constant 2048 : i32
    %broadcast_in_dim3A_459 = vector.broadcast %jit3A_458 : i32 to vector<128x640xi32>
    %select_n3A_460 = arith.select %eq3A_457, %concatenate3A_229, %broadcast_in_dim3A_459 : vector<128x640xi1>, vector<128x640xi32>
    %reduce_min3A_461 = arith.constant dense<2147483647> : vector<128xi32>
    %reduce_min3A_462 = vector.multi_reduction <minsi>, %select_n3A_460, %reduce_min3A_461 [1] : vector<128x640xi32> to vector<128xi32>
    %broadcast_in_dim3A_463 = vector.shape_cast %reduce_min3A_462 : vector<128xi32> to vector<128x1xi32>
    %eq3A_464 = arith.constant 9 : i32
    %eq3A_465 = vector.broadcast %eq3A_464 : i32 to vector<128x32xi32>
    %eq3A_466 = arith.cmpi eq, %iota3A, %eq3A_465 : vector<128x32xi32>
    %broadcast_in_dim3A_467 = vector.shape_cast %broadcast_in_dim3A_463 : vector<128x1xi32> to vector<128x1xi32>
    %broadcast_in_dim3A_468 = vector.broadcast %broadcast_in_dim3A_467 : vector<128x1xi32> to vector<128x32xi32>
    %select_n3A_469 = arith.select %eq3A_466, %broadcast_in_dim3A_468, %select_n3A_444 : vector<128x32xi1>, vector<128x32xi32>
    %eq3A_470 = vector.broadcast %broadcast_in_dim3A_455 : vector<128x1xf32> to vector<128x640xf32>
    %eq3A_471 = arith.cmpf oeq, %select_n3A_452, %eq3A_470 : vector<128x640xf32>
    %eq3A_472 = vector.broadcast %broadcast_in_dim3A_463 : vector<128x1xi32> to vector<128x640xi32>
    %eq3A_473 = arith.cmpi eq, %concatenate3A_229, %eq3A_472 : vector<128x640xi32>
    %and3A_474 = arith.andi %eq3A_471, %eq3A_473 : vector<128x640xi1>
    %jit3A_475 = arith.constant 0x7F800000 : f32
    %broadcast_in_dim3A_476 = vector.broadcast %jit3A_475 : f32 to vector<128x640xf32>
    %select_n3A_477 = arith.select %and3A_474, %broadcast_in_dim3A_476, %select_n3A_452 : vector<128x640xi1>, vector<128x640xf32>
    %reduce_min3A_478 = arith.constant dense<0x7F800000> : vector<128xf32>
    %reduce_min3A_479 = vector.multi_reduction <minimumf>, %select_n3A_477, %reduce_min3A_478 [1] : vector<128x640xf32> to vector<128xf32>
    %broadcast_in_dim3A_480 = vector.shape_cast %reduce_min3A_479 : vector<128xf32> to vector<128x1xf32>
    %eq3A_481 = vector.broadcast %broadcast_in_dim3A_480 : vector<128x1xf32> to vector<128x640xf32>
    %eq3A_482 = arith.cmpf oeq, %select_n3A_477, %eq3A_481 : vector<128x640xf32>
    %jit3A_483 = arith.constant 2048 : i32
    %broadcast_in_dim3A_484 = vector.broadcast %jit3A_483 : i32 to vector<128x640xi32>
    %select_n3A_485 = arith.select %eq3A_482, %concatenate3A_229, %broadcast_in_dim3A_484 : vector<128x640xi1>, vector<128x640xi32>
    %reduce_min3A_486 = arith.constant dense<2147483647> : vector<128xi32>
    %reduce_min3A_487 = vector.multi_reduction <minsi>, %select_n3A_485, %reduce_min3A_486 [1] : vector<128x640xi32> to vector<128xi32>
    %broadcast_in_dim3A_488 = vector.shape_cast %reduce_min3A_487 : vector<128xi32> to vector<128x1xi32>
    %eq3A_489 = arith.constant 10 : i32
    %eq3A_490 = vector.broadcast %eq3A_489 : i32 to vector<128x32xi32>
    %eq3A_491 = arith.cmpi eq, %iota3A, %eq3A_490 : vector<128x32xi32>
    %broadcast_in_dim3A_492 = vector.shape_cast %broadcast_in_dim3A_488 : vector<128x1xi32> to vector<128x1xi32>
    %broadcast_in_dim3A_493 = vector.broadcast %broadcast_in_dim3A_492 : vector<128x1xi32> to vector<128x32xi32>
    %select_n3A_494 = arith.select %eq3A_491, %broadcast_in_dim3A_493, %select_n3A_469 : vector<128x32xi1>, vector<128x32xi32>
    %eq3A_495 = vector.broadcast %broadcast_in_dim3A_480 : vector<128x1xf32> to vector<128x640xf32>
    %eq3A_496 = arith.cmpf oeq, %select_n3A_477, %eq3A_495 : vector<128x640xf32>
    %eq3A_497 = vector.broadcast %broadcast_in_dim3A_488 : vector<128x1xi32> to vector<128x640xi32>
    %eq3A_498 = arith.cmpi eq, %concatenate3A_229, %eq3A_497 : vector<128x640xi32>
    %and3A_499 = arith.andi %eq3A_496, %eq3A_498 : vector<128x640xi1>
    %jit3A_500 = arith.constant 0x7F800000 : f32
    %broadcast_in_dim3A_501 = vector.broadcast %jit3A_500 : f32 to vector<128x640xf32>
    %select_n3A_502 = arith.select %and3A_499, %broadcast_in_dim3A_501, %select_n3A_477 : vector<128x640xi1>, vector<128x640xf32>
    %reduce_min3A_503 = arith.constant dense<0x7F800000> : vector<128xf32>
    %reduce_min3A_504 = vector.multi_reduction <minimumf>, %select_n3A_502, %reduce_min3A_503 [1] : vector<128x640xf32> to vector<128xf32>
    %broadcast_in_dim3A_505 = vector.shape_cast %reduce_min3A_504 : vector<128xf32> to vector<128x1xf32>
    %eq3A_506 = vector.broadcast %broadcast_in_dim3A_505 : vector<128x1xf32> to vector<128x640xf32>
    %eq3A_507 = arith.cmpf oeq, %select_n3A_502, %eq3A_506 : vector<128x640xf32>
    %jit3A_508 = arith.constant 2048 : i32
    %broadcast_in_dim3A_509 = vector.broadcast %jit3A_508 : i32 to vector<128x640xi32>
    %select_n3A_510 = arith.select %eq3A_507, %concatenate3A_229, %broadcast_in_dim3A_509 : vector<128x640xi1>, vector<128x640xi32>
    %reduce_min3A_511 = arith.constant dense<2147483647> : vector<128xi32>
    %reduce_min3A_512 = vector.multi_reduction <minsi>, %select_n3A_510, %reduce_min3A_511 [1] : vector<128x640xi32> to vector<128xi32>
    %broadcast_in_dim3A_513 = vector.shape_cast %reduce_min3A_512 : vector<128xi32> to vector<128x1xi32>
    %eq3A_514 = arith.constant 11 : i32
    %eq3A_515 = vector.broadcast %eq3A_514 : i32 to vector<128x32xi32>
    %eq3A_516 = arith.cmpi eq, %iota3A, %eq3A_515 : vector<128x32xi32>
    %broadcast_in_dim3A_517 = vector.shape_cast %broadcast_in_dim3A_513 : vector<128x1xi32> to vector<128x1xi32>
    %broadcast_in_dim3A_518 = vector.broadcast %broadcast_in_dim3A_517 : vector<128x1xi32> to vector<128x32xi32>
    %select_n3A_519 = arith.select %eq3A_516, %broadcast_in_dim3A_518, %select_n3A_494 : vector<128x32xi1>, vector<128x32xi32>
    %eq3A_520 = vector.broadcast %broadcast_in_dim3A_505 : vector<128x1xf32> to vector<128x640xf32>
    %eq3A_521 = arith.cmpf oeq, %select_n3A_502, %eq3A_520 : vector<128x640xf32>
    %eq3A_522 = vector.broadcast %broadcast_in_dim3A_513 : vector<128x1xi32> to vector<128x640xi32>
    %eq3A_523 = arith.cmpi eq, %concatenate3A_229, %eq3A_522 : vector<128x640xi32>
    %and3A_524 = arith.andi %eq3A_521, %eq3A_523 : vector<128x640xi1>
    %jit3A_525 = arith.constant 0x7F800000 : f32
    %broadcast_in_dim3A_526 = vector.broadcast %jit3A_525 : f32 to vector<128x640xf32>
    %select_n3A_527 = arith.select %and3A_524, %broadcast_in_dim3A_526, %select_n3A_502 : vector<128x640xi1>, vector<128x640xf32>
    %reduce_min3A_528 = arith.constant dense<0x7F800000> : vector<128xf32>
    %reduce_min3A_529 = vector.multi_reduction <minimumf>, %select_n3A_527, %reduce_min3A_528 [1] : vector<128x640xf32> to vector<128xf32>
    %broadcast_in_dim3A_530 = vector.shape_cast %reduce_min3A_529 : vector<128xf32> to vector<128x1xf32>
    %eq3A_531 = vector.broadcast %broadcast_in_dim3A_530 : vector<128x1xf32> to vector<128x640xf32>
    %eq3A_532 = arith.cmpf oeq, %select_n3A_527, %eq3A_531 : vector<128x640xf32>
    %jit3A_533 = arith.constant 2048 : i32
    %broadcast_in_dim3A_534 = vector.broadcast %jit3A_533 : i32 to vector<128x640xi32>
    %select_n3A_535 = arith.select %eq3A_532, %concatenate3A_229, %broadcast_in_dim3A_534 : vector<128x640xi1>, vector<128x640xi32>
    %reduce_min3A_536 = arith.constant dense<2147483647> : vector<128xi32>
    %reduce_min3A_537 = vector.multi_reduction <minsi>, %select_n3A_535, %reduce_min3A_536 [1] : vector<128x640xi32> to vector<128xi32>
    %broadcast_in_dim3A_538 = vector.shape_cast %reduce_min3A_537 : vector<128xi32> to vector<128x1xi32>
    %eq3A_539 = arith.constant 12 : i32
    %eq3A_540 = vector.broadcast %eq3A_539 : i32 to vector<128x32xi32>
    %eq3A_541 = arith.cmpi eq, %iota3A, %eq3A_540 : vector<128x32xi32>
    %broadcast_in_dim3A_542 = vector.shape_cast %broadcast_in_dim3A_538 : vector<128x1xi32> to vector<128x1xi32>
    %broadcast_in_dim3A_543 = vector.broadcast %broadcast_in_dim3A_542 : vector<128x1xi32> to vector<128x32xi32>
    %select_n3A_544 = arith.select %eq3A_541, %broadcast_in_dim3A_543, %select_n3A_519 : vector<128x32xi1>, vector<128x32xi32>
    %eq3A_545 = vector.broadcast %broadcast_in_dim3A_530 : vector<128x1xf32> to vector<128x640xf32>
    %eq3A_546 = arith.cmpf oeq, %select_n3A_527, %eq3A_545 : vector<128x640xf32>
    %eq3A_547 = vector.broadcast %broadcast_in_dim3A_538 : vector<128x1xi32> to vector<128x640xi32>
    %eq3A_548 = arith.cmpi eq, %concatenate3A_229, %eq3A_547 : vector<128x640xi32>
    %and3A_549 = arith.andi %eq3A_546, %eq3A_548 : vector<128x640xi1>
    %jit3A_550 = arith.constant 0x7F800000 : f32
    %broadcast_in_dim3A_551 = vector.broadcast %jit3A_550 : f32 to vector<128x640xf32>
    %select_n3A_552 = arith.select %and3A_549, %broadcast_in_dim3A_551, %select_n3A_527 : vector<128x640xi1>, vector<128x640xf32>
    %reduce_min3A_553 = arith.constant dense<0x7F800000> : vector<128xf32>
    %reduce_min3A_554 = vector.multi_reduction <minimumf>, %select_n3A_552, %reduce_min3A_553 [1] : vector<128x640xf32> to vector<128xf32>
    %broadcast_in_dim3A_555 = vector.shape_cast %reduce_min3A_554 : vector<128xf32> to vector<128x1xf32>
    %eq3A_556 = vector.broadcast %broadcast_in_dim3A_555 : vector<128x1xf32> to vector<128x640xf32>
    %eq3A_557 = arith.cmpf oeq, %select_n3A_552, %eq3A_556 : vector<128x640xf32>
    %jit3A_558 = arith.constant 2048 : i32
    %broadcast_in_dim3A_559 = vector.broadcast %jit3A_558 : i32 to vector<128x640xi32>
    %select_n3A_560 = arith.select %eq3A_557, %concatenate3A_229, %broadcast_in_dim3A_559 : vector<128x640xi1>, vector<128x640xi32>
    %reduce_min3A_561 = arith.constant dense<2147483647> : vector<128xi32>
    %reduce_min3A_562 = vector.multi_reduction <minsi>, %select_n3A_560, %reduce_min3A_561 [1] : vector<128x640xi32> to vector<128xi32>
    %broadcast_in_dim3A_563 = vector.shape_cast %reduce_min3A_562 : vector<128xi32> to vector<128x1xi32>
    %eq3A_564 = arith.constant 13 : i32
    %eq3A_565 = vector.broadcast %eq3A_564 : i32 to vector<128x32xi32>
    %eq3A_566 = arith.cmpi eq, %iota3A, %eq3A_565 : vector<128x32xi32>
    %broadcast_in_dim3A_567 = vector.shape_cast %broadcast_in_dim3A_563 : vector<128x1xi32> to vector<128x1xi32>
    %broadcast_in_dim3A_568 = vector.broadcast %broadcast_in_dim3A_567 : vector<128x1xi32> to vector<128x32xi32>
    %select_n3A_569 = arith.select %eq3A_566, %broadcast_in_dim3A_568, %select_n3A_544 : vector<128x32xi1>, vector<128x32xi32>
    %eq3A_570 = vector.broadcast %broadcast_in_dim3A_555 : vector<128x1xf32> to vector<128x640xf32>
    %eq3A_571 = arith.cmpf oeq, %select_n3A_552, %eq3A_570 : vector<128x640xf32>
    %eq3A_572 = vector.broadcast %broadcast_in_dim3A_563 : vector<128x1xi32> to vector<128x640xi32>
    %eq3A_573 = arith.cmpi eq, %concatenate3A_229, %eq3A_572 : vector<128x640xi32>
    %and3A_574 = arith.andi %eq3A_571, %eq3A_573 : vector<128x640xi1>
    %jit3A_575 = arith.constant 0x7F800000 : f32
    %broadcast_in_dim3A_576 = vector.broadcast %jit3A_575 : f32 to vector<128x640xf32>
    %select_n3A_577 = arith.select %and3A_574, %broadcast_in_dim3A_576, %select_n3A_552 : vector<128x640xi1>, vector<128x640xf32>
    %reduce_min3A_578 = arith.constant dense<0x7F800000> : vector<128xf32>
    %reduce_min3A_579 = vector.multi_reduction <minimumf>, %select_n3A_577, %reduce_min3A_578 [1] : vector<128x640xf32> to vector<128xf32>
    %broadcast_in_dim3A_580 = vector.shape_cast %reduce_min3A_579 : vector<128xf32> to vector<128x1xf32>
    %eq3A_581 = vector.broadcast %broadcast_in_dim3A_580 : vector<128x1xf32> to vector<128x640xf32>
    %eq3A_582 = arith.cmpf oeq, %select_n3A_577, %eq3A_581 : vector<128x640xf32>
    %jit3A_583 = arith.constant 2048 : i32
    %broadcast_in_dim3A_584 = vector.broadcast %jit3A_583 : i32 to vector<128x640xi32>
    %select_n3A_585 = arith.select %eq3A_582, %concatenate3A_229, %broadcast_in_dim3A_584 : vector<128x640xi1>, vector<128x640xi32>
    %reduce_min3A_586 = arith.constant dense<2147483647> : vector<128xi32>
    %reduce_min3A_587 = vector.multi_reduction <minsi>, %select_n3A_585, %reduce_min3A_586 [1] : vector<128x640xi32> to vector<128xi32>
    %broadcast_in_dim3A_588 = vector.shape_cast %reduce_min3A_587 : vector<128xi32> to vector<128x1xi32>
    %eq3A_589 = arith.constant 14 : i32
    %eq3A_590 = vector.broadcast %eq3A_589 : i32 to vector<128x32xi32>
    %eq3A_591 = arith.cmpi eq, %iota3A, %eq3A_590 : vector<128x32xi32>
    %broadcast_in_dim3A_592 = vector.shape_cast %broadcast_in_dim3A_588 : vector<128x1xi32> to vector<128x1xi32>
    %broadcast_in_dim3A_593 = vector.broadcast %broadcast_in_dim3A_592 : vector<128x1xi32> to vector<128x32xi32>
    %select_n3A_594 = arith.select %eq3A_591, %broadcast_in_dim3A_593, %select_n3A_569 : vector<128x32xi1>, vector<128x32xi32>
    %eq3A_595 = vector.broadcast %broadcast_in_dim3A_580 : vector<128x1xf32> to vector<128x640xf32>
    %eq3A_596 = arith.cmpf oeq, %select_n3A_577, %eq3A_595 : vector<128x640xf32>
    %eq3A_597 = vector.broadcast %broadcast_in_dim3A_588 : vector<128x1xi32> to vector<128x640xi32>
    %eq3A_598 = arith.cmpi eq, %concatenate3A_229, %eq3A_597 : vector<128x640xi32>
    %and3A_599 = arith.andi %eq3A_596, %eq3A_598 : vector<128x640xi1>
    %jit3A_600 = arith.constant 0x7F800000 : f32
    %broadcast_in_dim3A_601 = vector.broadcast %jit3A_600 : f32 to vector<128x640xf32>
    %select_n3A_602 = arith.select %and3A_599, %broadcast_in_dim3A_601, %select_n3A_577 : vector<128x640xi1>, vector<128x640xf32>
    %reduce_min3A_603 = arith.constant dense<0x7F800000> : vector<128xf32>
    %reduce_min3A_604 = vector.multi_reduction <minimumf>, %select_n3A_602, %reduce_min3A_603 [1] : vector<128x640xf32> to vector<128xf32>
    %broadcast_in_dim3A_605 = vector.shape_cast %reduce_min3A_604 : vector<128xf32> to vector<128x1xf32>
    %eq3A_606 = vector.broadcast %broadcast_in_dim3A_605 : vector<128x1xf32> to vector<128x640xf32>
    %eq3A_607 = arith.cmpf oeq, %select_n3A_602, %eq3A_606 : vector<128x640xf32>
    %jit3A_608 = arith.constant 2048 : i32
    %broadcast_in_dim3A_609 = vector.broadcast %jit3A_608 : i32 to vector<128x640xi32>
    %select_n3A_610 = arith.select %eq3A_607, %concatenate3A_229, %broadcast_in_dim3A_609 : vector<128x640xi1>, vector<128x640xi32>
    %reduce_min3A_611 = arith.constant dense<2147483647> : vector<128xi32>
    %reduce_min3A_612 = vector.multi_reduction <minsi>, %select_n3A_610, %reduce_min3A_611 [1] : vector<128x640xi32> to vector<128xi32>
    %broadcast_in_dim3A_613 = vector.shape_cast %reduce_min3A_612 : vector<128xi32> to vector<128x1xi32>
    %eq3A_614 = arith.constant 15 : i32
    %eq3A_615 = vector.broadcast %eq3A_614 : i32 to vector<128x32xi32>
    %eq3A_616 = arith.cmpi eq, %iota3A, %eq3A_615 : vector<128x32xi32>
    %broadcast_in_dim3A_617 = vector.shape_cast %broadcast_in_dim3A_613 : vector<128x1xi32> to vector<128x1xi32>
    %broadcast_in_dim3A_618 = vector.broadcast %broadcast_in_dim3A_617 : vector<128x1xi32> to vector<128x32xi32>
    %select_n3A_619 = arith.select %eq3A_616, %broadcast_in_dim3A_618, %select_n3A_594 : vector<128x32xi1>, vector<128x32xi32>
    %eq3A_620 = vector.broadcast %broadcast_in_dim3A_605 : vector<128x1xf32> to vector<128x640xf32>
    %eq3A_621 = arith.cmpf oeq, %select_n3A_602, %eq3A_620 : vector<128x640xf32>
    %eq3A_622 = vector.broadcast %broadcast_in_dim3A_613 : vector<128x1xi32> to vector<128x640xi32>
    %eq3A_623 = arith.cmpi eq, %concatenate3A_229, %eq3A_622 : vector<128x640xi32>
    %and3A_624 = arith.andi %eq3A_621, %eq3A_623 : vector<128x640xi1>
    %jit3A_625 = arith.constant 0x7F800000 : f32
    %broadcast_in_dim3A_626 = vector.broadcast %jit3A_625 : f32 to vector<128x640xf32>
    %select_n3A_627 = arith.select %and3A_624, %broadcast_in_dim3A_626, %select_n3A_602 : vector<128x640xi1>, vector<128x640xf32>
    %slice3A_628 = vector.extract_strided_slice %select_n3A_627 {offsets = [0, 512], sizes = [128, 128], strides = [1, 1]} : vector<128x640xf32> to vector<128x128xf32>
    %abs3A = math.absf %slice3A_628 : vector<128x128xf32>
    %eq3A_629 = arith.constant 0x7F800000 : f32
    %eq3A_630 = vector.broadcast %eq3A_629 : f32 to vector<128x128xf32>
    %eq3A_631 = arith.cmpf oeq, %abs3A, %eq3A_630 : vector<128x128xf32>
    %reduce_or3A = arith.constant 1.000000e+00 : f32
    %reduce_or3A_632 = arith.constant 0.000000e+00 : f32
    %reduce_or3A_633 = vector.broadcast %reduce_or3A : f32 to vector<128x128xf32>
    %reduce_or3A_634 = vector.broadcast %reduce_or3A_632 : f32 to vector<128x128xf32>
    %reduce_or3A_635 = arith.select %eq3A_631, %reduce_or3A_633, %reduce_or3A_634 : vector<128x128xi1>, vector<128x128xf32>
    %reduce_or3A_636 = vector.shape_cast %reduce_or3A_635 : vector<128x128xf32> to vector<1x128x128xf32>
    %reduce_or3A_637 = arith.constant dense<0xFF800000> : vector<1xf32>
    %reduce_or3A_638 = vector.multi_reduction <maximumf>, %reduce_or3A_636, %reduce_or3A_637 [1, 2] : vector<1x128x128xf32> to vector<1xf32>
    %reduce_or3A_639 = vector.shape_cast %reduce_or3A_638 : vector<1xf32> to vector<1x1x1xf32>
    %reduce_or3A_640 = vector.extract %reduce_or3A_639[0, 0, 0] : f32 from vector<1x1x1xf32>
    %reduce_or3A_641 = arith.constant 0.000000e+00 : f32
    %reduce_or3A_642 = arith.cmpf ogt, %reduce_or3A_640, %reduce_or3A_641 : f32
    %iota3A_643 = tpu.iota {dimensions = array<i32: 1>} : vector<128x2048xi32>
    %slice3A_644 = vector.extract_strided_slice %sub3A_65 {offsets = [0, 0], sizes = [128, 1024], strides = [1, 1]} : vector<128x2048xf32> to vector<128x1024xf32>
    %slice3A_645 = vector.extract_strided_slice %sub3A_65 {offsets = [0, 1024], sizes = [128, 1024], strides = [1, 1]} : vector<128x2048xf32> to vector<128x1024xf32>
    %min3A_646 = arith.minimumf %slice3A_644, %slice3A_645 : vector<128x1024xf32>
    %slice3A_647 = vector.extract_strided_slice %min3A_646 {offsets = [0, 0], sizes = [128, 512], strides = [1, 1]} : vector<128x1024xf32> to vector<128x512xf32>
    %slice3A_648 = vector.extract_strided_slice %min3A_646 {offsets = [0, 512], sizes = [128, 512], strides = [1, 1]} : vector<128x1024xf32> to vector<128x512xf32>
    %min3A_649 = arith.minimumf %slice3A_647, %slice3A_648 : vector<128x512xf32>
    %slice3A_650 = vector.extract_strided_slice %min3A_649 {offsets = [0, 0], sizes = [128, 256], strides = [1, 1]} : vector<128x512xf32> to vector<128x256xf32>
    %slice3A_651 = vector.extract_strided_slice %min3A_649 {offsets = [0, 256], sizes = [128, 256], strides = [1, 1]} : vector<128x512xf32> to vector<128x256xf32>
    %min3A_652 = arith.minimumf %slice3A_650, %slice3A_651 : vector<128x256xf32>
    %slice3A_653 = vector.extract_strided_slice %min3A_652 {offsets = [0, 0], sizes = [128, 128], strides = [1, 1]} : vector<128x256xf32> to vector<128x128xf32>
    %slice3A_654 = vector.extract_strided_slice %min3A_652 {offsets = [0, 128], sizes = [128, 128], strides = [1, 1]} : vector<128x256xf32> to vector<128x128xf32>
    %min3A_655 = arith.minimumf %slice3A_653, %slice3A_654 : vector<128x128xf32>
    %tile3A_656 = tpu.concatenate %min3A_655, %min3A_655, %min3A_655, %min3A_655, %min3A_655, %min3A_655, %min3A_655, %min3A_655, %min3A_655, %min3A_655, %min3A_655, %min3A_655, %min3A_655, %min3A_655, %min3A_655, %min3A_655 in 1 : vector<128x128xf32>, vector<128x128xf32>, vector<128x128xf32>, vector<128x128xf32>, vector<128x128xf32>, vector<128x128xf32>, vector<128x128xf32>, vector<128x128xf32>, vector<128x128xf32>, vector<128x128xf32>, vector<128x128xf32>, vector<128x128xf32>, vector<128x128xf32>, vector<128x128xf32>, vector<128x128xf32>, vector<128x128xf32> -> vector<128x2048xf32>
    %eq3A_657 = arith.cmpf oeq, %sub3A_65, %tile3A_656 : vector<128x2048xf32>
    %jit3A_658 = arith.constant 2048 : i32
    %broadcast_in_dim3A_659 = vector.broadcast %jit3A_658 : i32 to vector<128x2048xi32>
    %select_n3A_660 = arith.select %eq3A_657, %iota3A_643, %broadcast_in_dim3A_659 : vector<128x2048xi1>, vector<128x2048xi32>
    %slice3A_661 = vector.extract_strided_slice %select_n3A_660 {offsets = [0, 0], sizes = [128, 1024], strides = [1, 1]} : vector<128x2048xi32> to vector<128x1024xi32>
    %slice3A_662 = vector.extract_strided_slice %select_n3A_660 {offsets = [0, 1024], sizes = [128, 1024], strides = [1, 1]} : vector<128x2048xi32> to vector<128x1024xi32>
    %min3A_663 = arith.minsi %slice3A_661, %slice3A_662 : vector<128x1024xi32>
    %slice3A_664 = vector.extract_strided_slice %min3A_663 {offsets = [0, 0], sizes = [128, 512], strides = [1, 1]} : vector<128x1024xi32> to vector<128x512xi32>
    %slice3A_665 = vector.extract_strided_slice %min3A_663 {offsets = [0, 512], sizes = [128, 512], strides = [1, 1]} : vector<128x1024xi32> to vector<128x512xi32>
    %min3A_666 = arith.minsi %slice3A_664, %slice3A_665 : vector<128x512xi32>
    %slice3A_667 = vector.extract_strided_slice %min3A_666 {offsets = [0, 0], sizes = [128, 256], strides = [1, 1]} : vector<128x512xi32> to vector<128x256xi32>
    %slice3A_668 = vector.extract_strided_slice %min3A_666 {offsets = [0, 256], sizes = [128, 256], strides = [1, 1]} : vector<128x512xi32> to vector<128x256xi32>
    %min3A_669 = arith.minsi %slice3A_667, %slice3A_668 : vector<128x256xi32>
    %slice3A_670 = vector.extract_strided_slice %min3A_669 {offsets = [0, 0], sizes = [128, 128], strides = [1, 1]} : vector<128x256xi32> to vector<128x128xi32>
    %slice3A_671 = vector.extract_strided_slice %min3A_669 {offsets = [0, 128], sizes = [128, 128], strides = [1, 1]} : vector<128x256xi32> to vector<128x128xi32>
    %min3A_672 = arith.minsi %slice3A_670, %slice3A_671 : vector<128x128xi32>
    %tile3A_673 = tpu.concatenate %min3A_672, %min3A_672, %min3A_672, %min3A_672, %min3A_672, %min3A_672, %min3A_672, %min3A_672, %min3A_672, %min3A_672, %min3A_672, %min3A_672, %min3A_672, %min3A_672, %min3A_672, %min3A_672 in 1 : vector<128x128xi32>, vector<128x128xi32>, vector<128x128xi32>, vector<128x128xi32>, vector<128x128xi32>, vector<128x128xi32>, vector<128x128xi32>, vector<128x128xi32>, vector<128x128xi32>, vector<128x128xi32>, vector<128x128xi32>, vector<128x128xi32>, vector<128x128xi32>, vector<128x128xi32>, vector<128x128xi32>, vector<128x128xi32> -> vector<128x2048xi32>
    %eq3A_674 = arith.cmpi eq, %select_n3A_660, %tile3A_673 : vector<128x2048xi32>
    %jit3A_675 = arith.constant 0x7F800000 : f32
    %broadcast_in_dim3A_676 = vector.broadcast %jit3A_675 : f32 to vector<128x2048xf32>
    %select_n3A_677 = arith.select %eq3A_674, %broadcast_in_dim3A_676, %sub3A_65 : vector<128x2048xi1>, vector<128x2048xf32>
    %slice3A_678 = vector.extract_strided_slice %select_n3A_677 {offsets = [0, 0], sizes = [128, 1024], strides = [1, 1]} : vector<128x2048xf32> to vector<128x1024xf32>
    %slice3A_679 = vector.extract_strided_slice %select_n3A_677 {offsets = [0, 1024], sizes = [128, 1024], strides = [1, 1]} : vector<128x2048xf32> to vector<128x1024xf32>
    %min3A_680 = arith.minimumf %slice3A_678, %slice3A_679 : vector<128x1024xf32>
    %slice3A_681 = vector.extract_strided_slice %min3A_680 {offsets = [0, 0], sizes = [128, 512], strides = [1, 1]} : vector<128x1024xf32> to vector<128x512xf32>
    %slice3A_682 = vector.extract_strided_slice %min3A_680 {offsets = [0, 512], sizes = [128, 512], strides = [1, 1]} : vector<128x1024xf32> to vector<128x512xf32>
    %min3A_683 = arith.minimumf %slice3A_681, %slice3A_682 : vector<128x512xf32>
    %slice3A_684 = vector.extract_strided_slice %min3A_683 {offsets = [0, 0], sizes = [128, 256], strides = [1, 1]} : vector<128x512xf32> to vector<128x256xf32>
    %slice3A_685 = vector.extract_strided_slice %min3A_683 {offsets = [0, 256], sizes = [128, 256], strides = [1, 1]} : vector<128x512xf32> to vector<128x256xf32>
    %min3A_686 = arith.minimumf %slice3A_684, %slice3A_685 : vector<128x256xf32>
    %slice3A_687 = vector.extract_strided_slice %min3A_686 {offsets = [0, 0], sizes = [128, 128], strides = [1, 1]} : vector<128x256xf32> to vector<128x128xf32>
    %slice3A_688 = vector.extract_strided_slice %min3A_686 {offsets = [0, 128], sizes = [128, 128], strides = [1, 1]} : vector<128x256xf32> to vector<128x128xf32>
    %min3A_689 = arith.minimumf %slice3A_687, %slice3A_688 : vector<128x128xf32>
    %tile3A_690 = tpu.concatenate %min3A_689, %min3A_689, %min3A_689, %min3A_689, %min3A_689, %min3A_689, %min3A_689, %min3A_689, %min3A_689, %min3A_689, %min3A_689, %min3A_689, %min3A_689, %min3A_689, %min3A_689, %min3A_689 in 1 : vector<128x128xf32>, vector<128x128xf32>, vector<128x128xf32>, vector<128x128xf32>, vector<128x128xf32>, vector<128x128xf32>, vector<128x128xf32>, vector<128x128xf32>, vector<128x128xf32>, vector<128x128xf32>, vector<128x128xf32>, vector<128x128xf32>, vector<128x128xf32>, vector<128x128xf32>, vector<128x128xf32>, vector<128x128xf32> -> vector<128x2048xf32>
    %eq3A_691 = arith.cmpf oeq, %select_n3A_677, %tile3A_690 : vector<128x2048xf32>
    %jit3A_692 = arith.constant 2048 : i32
    %broadcast_in_dim3A_693 = vector.broadcast %jit3A_692 : i32 to vector<128x2048xi32>
    %select_n3A_694 = arith.select %eq3A_691, %iota3A_643, %broadcast_in_dim3A_693 : vector<128x2048xi1>, vector<128x2048xi32>
    %slice3A_695 = vector.extract_strided_slice %select_n3A_694 {offsets = [0, 0], sizes = [128, 1024], strides = [1, 1]} : vector<128x2048xi32> to vector<128x1024xi32>
    %slice3A_696 = vector.extract_strided_slice %select_n3A_694 {offsets = [0, 1024], sizes = [128, 1024], strides = [1, 1]} : vector<128x2048xi32> to vector<128x1024xi32>
    %min3A_697 = arith.minsi %slice3A_695, %slice3A_696 : vector<128x1024xi32>
    %slice3A_698 = vector.extract_strided_slice %min3A_697 {offsets = [0, 0], sizes = [128, 512], strides = [1, 1]} : vector<128x1024xi32> to vector<128x512xi32>
    %slice3A_699 = vector.extract_strided_slice %min3A_697 {offsets = [0, 512], sizes = [128, 512], strides = [1, 1]} : vector<128x1024xi32> to vector<128x512xi32>
    %min3A_700 = arith.minsi %slice3A_698, %slice3A_699 : vector<128x512xi32>
    %slice3A_701 = vector.extract_strided_slice %min3A_700 {offsets = [0, 0], sizes = [128, 256], strides = [1, 1]} : vector<128x512xi32> to vector<128x256xi32>
    %slice3A_702 = vector.extract_strided_slice %min3A_700 {offsets = [0, 256], sizes = [128, 256], strides = [1, 1]} : vector<128x512xi32> to vector<128x256xi32>
    %min3A_703 = arith.minsi %slice3A_701, %slice3A_702 : vector<128x256xi32>
    %slice3A_704 = vector.extract_strided_slice %min3A_703 {offsets = [0, 0], sizes = [128, 128], strides = [1, 1]} : vector<128x256xi32> to vector<128x128xi32>
    %slice3A_705 = vector.extract_strided_slice %min3A_703 {offsets = [0, 128], sizes = [128, 128], strides = [1, 1]} : vector<128x256xi32> to vector<128x128xi32>
    %min3A_706 = arith.minsi %slice3A_704, %slice3A_705 : vector<128x128xi32>
    %tile3A_707 = tpu.concatenate %min3A_706, %min3A_706, %min3A_706, %min3A_706, %min3A_706, %min3A_706, %min3A_706, %min3A_706, %min3A_706, %min3A_706, %min3A_706, %min3A_706, %min3A_706, %min3A_706, %min3A_706, %min3A_706 in 1 : vector<128x128xi32>, vector<128x128xi32>, vector<128x128xi32>, vector<128x128xi32>, vector<128x128xi32>, vector<128x128xi32>, vector<128x128xi32>, vector<128x128xi32>, vector<128x128xi32>, vector<128x128xi32>, vector<128x128xi32>, vector<128x128xi32>, vector<128x128xi32>, vector<128x128xi32>, vector<128x128xi32>, vector<128x128xi32> -> vector<128x2048xi32>
    %eq3A_708 = arith.cmpi eq, %select_n3A_694, %tile3A_707 : vector<128x2048xi32>
    %jit3A_709 = arith.constant 0x7F800000 : f32
    %broadcast_in_dim3A_710 = vector.broadcast %jit3A_709 : f32 to vector<128x2048xf32>
    %select_n3A_711 = arith.select %eq3A_708, %broadcast_in_dim3A_710, %select_n3A_677 : vector<128x2048xi1>, vector<128x2048xf32>
    %slice3A_712 = vector.extract_strided_slice %select_n3A_711 {offsets = [0, 0], sizes = [128, 1024], strides = [1, 1]} : vector<128x2048xf32> to vector<128x1024xf32>
    %slice3A_713 = vector.extract_strided_slice %select_n3A_711 {offsets = [0, 1024], sizes = [128, 1024], strides = [1, 1]} : vector<128x2048xf32> to vector<128x1024xf32>
    %min3A_714 = arith.minimumf %slice3A_712, %slice3A_713 : vector<128x1024xf32>
    %slice3A_715 = vector.extract_strided_slice %min3A_714 {offsets = [0, 0], sizes = [128, 512], strides = [1, 1]} : vector<128x1024xf32> to vector<128x512xf32>
    %slice3A_716 = vector.extract_strided_slice %min3A_714 {offsets = [0, 512], sizes = [128, 512], strides = [1, 1]} : vector<128x1024xf32> to vector<128x512xf32>
    %min3A_717 = arith.minimumf %slice3A_715, %slice3A_716 : vector<128x512xf32>
    %slice3A_718 = vector.extract_strided_slice %min3A_717 {offsets = [0, 0], sizes = [128, 256], strides = [1, 1]} : vector<128x512xf32> to vector<128x256xf32>
    %slice3A_719 = vector.extract_strided_slice %min3A_717 {offsets = [0, 256], sizes = [128, 256], strides = [1, 1]} : vector<128x512xf32> to vector<128x256xf32>
    %min3A_720 = arith.minimumf %slice3A_718, %slice3A_719 : vector<128x256xf32>
    %slice3A_721 = vector.extract_strided_slice %min3A_720 {offsets = [0, 0], sizes = [128, 128], strides = [1, 1]} : vector<128x256xf32> to vector<128x128xf32>
    %slice3A_722 = vector.extract_strided_slice %min3A_720 {offsets = [0, 128], sizes = [128, 128], strides = [1, 1]} : vector<128x256xf32> to vector<128x128xf32>
    %min3A_723 = arith.minimumf %slice3A_721, %slice3A_722 : vector<128x128xf32>
    %tile3A_724 = tpu.concatenate %min3A_723, %min3A_723, %min3A_723, %min3A_723, %min3A_723, %min3A_723, %min3A_723, %min3A_723, %min3A_723, %min3A_723, %min3A_723, %min3A_723, %min3A_723, %min3A_723, %min3A_723, %min3A_723 in 1 : vector<128x128xf32>, vector<128x128xf32>, vector<128x128xf32>, vector<128x128xf32>, vector<128x128xf32>, vector<128x128xf32>, vector<128x128xf32>, vector<128x128xf32>, vector<128x128xf32>, vector<128x128xf32>, vector<128x128xf32>, vector<128x128xf32>, vector<128x128xf32>, vector<128x128xf32>, vector<128x128xf32>, vector<128x128xf32> -> vector<128x2048xf32>
    %eq3A_725 = arith.cmpf oeq, %select_n3A_711, %tile3A_724 : vector<128x2048xf32>
    %jit3A_726 = arith.constant 2048 : i32
    %broadcast_in_dim3A_727 = vector.broadcast %jit3A_726 : i32 to vector<128x2048xi32>
    %select_n3A_728 = arith.select %eq3A_725, %iota3A_643, %broadcast_in_dim3A_727 : vector<128x2048xi1>, vector<128x2048xi32>
    %slice3A_729 = vector.extract_strided_slice %select_n3A_728 {offsets = [0, 0], sizes = [128, 1024], strides = [1, 1]} : vector<128x2048xi32> to vector<128x1024xi32>
    %slice3A_730 = vector.extract_strided_slice %select_n3A_728 {offsets = [0, 1024], sizes = [128, 1024], strides = [1, 1]} : vector<128x2048xi32> to vector<128x1024xi32>
    %min3A_731 = arith.minsi %slice3A_729, %slice3A_730 : vector<128x1024xi32>
    %slice3A_732 = vector.extract_strided_slice %min3A_731 {offsets = [0, 0], sizes = [128, 512], strides = [1, 1]} : vector<128x1024xi32> to vector<128x512xi32>
    %slice3A_733 = vector.extract_strided_slice %min3A_731 {offsets = [0, 512], sizes = [128, 512], strides = [1, 1]} : vector<128x1024xi32> to vector<128x512xi32>
    %min3A_734 = arith.minsi %slice3A_732, %slice3A_733 : vector<128x512xi32>
    %slice3A_735 = vector.extract_strided_slice %min3A_734 {offsets = [0, 0], sizes = [128, 256], strides = [1, 1]} : vector<128x512xi32> to vector<128x256xi32>
    %slice3A_736 = vector.extract_strided_slice %min3A_734 {offsets = [0, 256], sizes = [128, 256], strides = [1, 1]} : vector<128x512xi32> to vector<128x256xi32>
    %min3A_737 = arith.minsi %slice3A_735, %slice3A_736 : vector<128x256xi32>
    %slice3A_738 = vector.extract_strided_slice %min3A_737 {offsets = [0, 0], sizes = [128, 128], strides = [1, 1]} : vector<128x256xi32> to vector<128x128xi32>
    %slice3A_739 = vector.extract_strided_slice %min3A_737 {offsets = [0, 128], sizes = [128, 128], strides = [1, 1]} : vector<128x256xi32> to vector<128x128xi32>
    %min3A_740 = arith.minsi %slice3A_738, %slice3A_739 : vector<128x128xi32>
    %tile3A_741 = tpu.concatenate %min3A_740, %min3A_740, %min3A_740, %min3A_740, %min3A_740, %min3A_740, %min3A_740, %min3A_740, %min3A_740, %min3A_740, %min3A_740, %min3A_740, %min3A_740, %min3A_740, %min3A_740, %min3A_740 in 1 : vector<128x128xi32>, vector<128x128xi32>, vector<128x128xi32>, vector<128x128xi32>, vector<128x128xi32>, vector<128x128xi32>, vector<128x128xi32>, vector<128x128xi32>, vector<128x128xi32>, vector<128x128xi32>, vector<128x128xi32>, vector<128x128xi32>, vector<128x128xi32>, vector<128x128xi32>, vector<128x128xi32>, vector<128x128xi32> -> vector<128x2048xi32>
    %eq3A_742 = arith.cmpi eq, %select_n3A_728, %tile3A_741 : vector<128x2048xi32>
    %jit3A_743 = arith.constant 0x7F800000 : f32
    %broadcast_in_dim3A_744 = vector.broadcast %jit3A_743 : f32 to vector<128x2048xf32>
    %select_n3A_745 = arith.select %eq3A_742, %broadcast_in_dim3A_744, %select_n3A_711 : vector<128x2048xi1>, vector<128x2048xf32>
    %slice3A_746 = vector.extract_strided_slice %select_n3A_745 {offsets = [0, 0], sizes = [128, 1024], strides = [1, 1]} : vector<128x2048xf32> to vector<128x1024xf32>
    %slice3A_747 = vector.extract_strided_slice %select_n3A_745 {offsets = [0, 1024], sizes = [128, 1024], strides = [1, 1]} : vector<128x2048xf32> to vector<128x1024xf32>
    %min3A_748 = arith.minimumf %slice3A_746, %slice3A_747 : vector<128x1024xf32>
    %slice3A_749 = vector.extract_strided_slice %min3A_748 {offsets = [0, 0], sizes = [128, 512], strides = [1, 1]} : vector<128x1024xf32> to vector<128x512xf32>
    %slice3A_750 = vector.extract_strided_slice %min3A_748 {offsets = [0, 512], sizes = [128, 512], strides = [1, 1]} : vector<128x1024xf32> to vector<128x512xf32>
    %min3A_751 = arith.minimumf %slice3A_749, %slice3A_750 : vector<128x512xf32>
    %slice3A_752 = vector.extract_strided_slice %min3A_751 {offsets = [0, 0], sizes = [128, 256], strides = [1, 1]} : vector<128x512xf32> to vector<128x256xf32>
    %slice3A_753 = vector.extract_strided_slice %min3A_751 {offsets = [0, 256], sizes = [128, 256], strides = [1, 1]} : vector<128x512xf32> to vector<128x256xf32>
    %min3A_754 = arith.minimumf %slice3A_752, %slice3A_753 : vector<128x256xf32>
    %slice3A_755 = vector.extract_strided_slice %min3A_754 {offsets = [0, 0], sizes = [128, 128], strides = [1, 1]} : vector<128x256xf32> to vector<128x128xf32>
    %slice3A_756 = vector.extract_strided_slice %min3A_754 {offsets = [0, 128], sizes = [128, 128], strides = [1, 1]} : vector<128x256xf32> to vector<128x128xf32>
    %min3A_757 = arith.minimumf %slice3A_755, %slice3A_756 : vector<128x128xf32>
    %tile3A_758 = tpu.concatenate %min3A_757, %min3A_757, %min3A_757, %min3A_757, %min3A_757, %min3A_757, %min3A_757, %min3A_757, %min3A_757, %min3A_757, %min3A_757, %min3A_757, %min3A_757, %min3A_757, %min3A_757, %min3A_757 in 1 : vector<128x128xf32>, vector<128x128xf32>, vector<128x128xf32>, vector<128x128xf32>, vector<128x128xf32>, vector<128x128xf32>, vector<128x128xf32>, vector<128x128xf32>, vector<128x128xf32>, vector<128x128xf32>, vector<128x128xf32>, vector<128x128xf32>, vector<128x128xf32>, vector<128x128xf32>, vector<128x128xf32>, vector<128x128xf32> -> vector<128x2048xf32>
    %eq3A_759 = arith.cmpf oeq, %select_n3A_745, %tile3A_758 : vector<128x2048xf32>
    %jit3A_760 = arith.constant 2048 : i32
    %broadcast_in_dim3A_761 = vector.broadcast %jit3A_760 : i32 to vector<128x2048xi32>
    %select_n3A_762 = arith.select %eq3A_759, %iota3A_643, %broadcast_in_dim3A_761 : vector<128x2048xi1>, vector<128x2048xi32>
    %slice3A_763 = vector.extract_strided_slice %select_n3A_762 {offsets = [0, 0], sizes = [128, 1024], strides = [1, 1]} : vector<128x2048xi32> to vector<128x1024xi32>
    %slice3A_764 = vector.extract_strided_slice %select_n3A_762 {offsets = [0, 1024], sizes = [128, 1024], strides = [1, 1]} : vector<128x2048xi32> to vector<128x1024xi32>
    %min3A_765 = arith.minsi %slice3A_763, %slice3A_764 : vector<128x1024xi32>
    %slice3A_766 = vector.extract_strided_slice %min3A_765 {offsets = [0, 0], sizes = [128, 512], strides = [1, 1]} : vector<128x1024xi32> to vector<128x512xi32>
    %slice3A_767 = vector.extract_strided_slice %min3A_765 {offsets = [0, 512], sizes = [128, 512], strides = [1, 1]} : vector<128x1024xi32> to vector<128x512xi32>
    %min3A_768 = arith.minsi %slice3A_766, %slice3A_767 : vector<128x512xi32>
    %slice3A_769 = vector.extract_strided_slice %min3A_768 {offsets = [0, 0], sizes = [128, 256], strides = [1, 1]} : vector<128x512xi32> to vector<128x256xi32>
    %slice3A_770 = vector.extract_strided_slice %min3A_768 {offsets = [0, 256], sizes = [128, 256], strides = [1, 1]} : vector<128x512xi32> to vector<128x256xi32>
    %min3A_771 = arith.minsi %slice3A_769, %slice3A_770 : vector<128x256xi32>
    %slice3A_772 = vector.extract_strided_slice %min3A_771 {offsets = [0, 0], sizes = [128, 128], strides = [1, 1]} : vector<128x256xi32> to vector<128x128xi32>
    %slice3A_773 = vector.extract_strided_slice %min3A_771 {offsets = [0, 128], sizes = [128, 128], strides = [1, 1]} : vector<128x256xi32> to vector<128x128xi32>
    %min3A_774 = arith.minsi %slice3A_772, %slice3A_773 : vector<128x128xi32>
    %tile3A_775 = tpu.concatenate %min3A_774, %min3A_774, %min3A_774, %min3A_774, %min3A_774, %min3A_774, %min3A_774, %min3A_774, %min3A_774, %min3A_774, %min3A_774, %min3A_774, %min3A_774, %min3A_774, %min3A_774, %min3A_774 in 1 : vector<128x128xi32>, vector<128x128xi32>, vector<128x128xi32>, vector<128x128xi32>, vector<128x128xi32>, vector<128x128xi32>, vector<128x128xi32>, vector<128x128xi32>, vector<128x128xi32>, vector<128x128xi32>, vector<128x128xi32>, vector<128x128xi32>, vector<128x128xi32>, vector<128x128xi32>, vector<128x128xi32>, vector<128x128xi32> -> vector<128x2048xi32>
    %eq3A_776 = arith.cmpi eq, %select_n3A_762, %tile3A_775 : vector<128x2048xi32>
    %jit3A_777 = arith.constant 0x7F800000 : f32
    %broadcast_in_dim3A_778 = vector.broadcast %jit3A_777 : f32 to vector<128x2048xf32>
    %select_n3A_779 = arith.select %eq3A_776, %broadcast_in_dim3A_778, %select_n3A_745 : vector<128x2048xi1>, vector<128x2048xf32>
    %slice3A_780 = vector.extract_strided_slice %select_n3A_779 {offsets = [0, 0], sizes = [128, 1024], strides = [1, 1]} : vector<128x2048xf32> to vector<128x1024xf32>
    %slice3A_781 = vector.extract_strided_slice %select_n3A_779 {offsets = [0, 1024], sizes = [128, 1024], strides = [1, 1]} : vector<128x2048xf32> to vector<128x1024xf32>
    %min3A_782 = arith.minimumf %slice3A_780, %slice3A_781 : vector<128x1024xf32>
    %slice3A_783 = vector.extract_strided_slice %min3A_782 {offsets = [0, 0], sizes = [128, 512], strides = [1, 1]} : vector<128x1024xf32> to vector<128x512xf32>
    %slice3A_784 = vector.extract_strided_slice %min3A_782 {offsets = [0, 512], sizes = [128, 512], strides = [1, 1]} : vector<128x1024xf32> to vector<128x512xf32>
    %min3A_785 = arith.minimumf %slice3A_783, %slice3A_784 : vector<128x512xf32>
    %slice3A_786 = vector.extract_strided_slice %min3A_785 {offsets = [0, 0], sizes = [128, 256], strides = [1, 1]} : vector<128x512xf32> to vector<128x256xf32>
    %slice3A_787 = vector.extract_strided_slice %min3A_785 {offsets = [0, 256], sizes = [128, 256], strides = [1, 1]} : vector<128x512xf32> to vector<128x256xf32>
    %min3A_788 = arith.minimumf %slice3A_786, %slice3A_787 : vector<128x256xf32>
    %slice3A_789 = vector.extract_strided_slice %min3A_788 {offsets = [0, 0], sizes = [128, 128], strides = [1, 1]} : vector<128x256xf32> to vector<128x128xf32>
    %slice3A_790 = vector.extract_strided_slice %min3A_788 {offsets = [0, 128], sizes = [128, 128], strides = [1, 1]} : vector<128x256xf32> to vector<128x128xf32>
    %min3A_791 = arith.minimumf %slice3A_789, %slice3A_790 : vector<128x128xf32>
    %tile3A_792 = tpu.concatenate %min3A_791, %min3A_791, %min3A_791, %min3A_791, %min3A_791, %min3A_791, %min3A_791, %min3A_791, %min3A_791, %min3A_791, %min3A_791, %min3A_791, %min3A_791, %min3A_791, %min3A_791, %min3A_791 in 1 : vector<128x128xf32>, vector<128x128xf32>, vector<128x128xf32>, vector<128x128xf32>, vector<128x128xf32>, vector<128x128xf32>, vector<128x128xf32>, vector<128x128xf32>, vector<128x128xf32>, vector<128x128xf32>, vector<128x128xf32>, vector<128x128xf32>, vector<128x128xf32>, vector<128x128xf32>, vector<128x128xf32>, vector<128x128xf32> -> vector<128x2048xf32>
    %eq3A_793 = arith.cmpf oeq, %select_n3A_779, %tile3A_792 : vector<128x2048xf32>
    %jit3A_794 = arith.constant 2048 : i32
    %broadcast_in_dim3A_795 = vector.broadcast %jit3A_794 : i32 to vector<128x2048xi32>
    %select_n3A_796 = arith.select %eq3A_793, %iota3A_643, %broadcast_in_dim3A_795 : vector<128x2048xi1>, vector<128x2048xi32>
    %slice3A_797 = vector.extract_strided_slice %select_n3A_796 {offsets = [0, 0], sizes = [128, 1024], strides = [1, 1]} : vector<128x2048xi32> to vector<128x1024xi32>
    %slice3A_798 = vector.extract_strided_slice %select_n3A_796 {offsets = [0, 1024], sizes = [128, 1024], strides = [1, 1]} : vector<128x2048xi32> to vector<128x1024xi32>
    %min3A_799 = arith.minsi %slice3A_797, %slice3A_798 : vector<128x1024xi32>
    %slice3A_800 = vector.extract_strided_slice %min3A_799 {offsets = [0, 0], sizes = [128, 512], strides = [1, 1]} : vector<128x1024xi32> to vector<128x512xi32>
    %slice3A_801 = vector.extract_strided_slice %min3A_799 {offsets = [0, 512], sizes = [128, 512], strides = [1, 1]} : vector<128x1024xi32> to vector<128x512xi32>
    %min3A_802 = arith.minsi %slice3A_800, %slice3A_801 : vector<128x512xi32>
    %slice3A_803 = vector.extract_strided_slice %min3A_802 {offsets = [0, 0], sizes = [128, 256], strides = [1, 1]} : vector<128x512xi32> to vector<128x256xi32>
    %slice3A_804 = vector.extract_strided_slice %min3A_802 {offsets = [0, 256], sizes = [128, 256], strides = [1, 1]} : vector<128x512xi32> to vector<128x256xi32>
    %min3A_805 = arith.minsi %slice3A_803, %slice3A_804 : vector<128x256xi32>
    %slice3A_806 = vector.extract_strided_slice %min3A_805 {offsets = [0, 0], sizes = [128, 128], strides = [1, 1]} : vector<128x256xi32> to vector<128x128xi32>
    %slice3A_807 = vector.extract_strided_slice %min3A_805 {offsets = [0, 128], sizes = [128, 128], strides = [1, 1]} : vector<128x256xi32> to vector<128x128xi32>
    %min3A_808 = arith.minsi %slice3A_806, %slice3A_807 : vector<128x128xi32>
    %concatenate3A_809 = tpu.concatenate %min3A_655, %min3A_689, %min3A_723, %min3A_757, %min3A_791 in 1 : vector<128x128xf32>, vector<128x128xf32>, vector<128x128xf32>, vector<128x128xf32>, vector<128x128xf32> -> vector<128x640xf32>
    %concatenate3A_810 = tpu.concatenate %min3A_672, %min3A_706, %min3A_740, %min3A_774, %min3A_808 in 1 : vector<128x128xi32>, vector<128x128xi32>, vector<128x128xi32>, vector<128x128xi32>, vector<128x128xi32> -> vector<128x640xi32>
    %reduce_min3A_811 = arith.constant dense<0x7F800000> : vector<128xf32>
    %reduce_min3A_812 = vector.multi_reduction <minimumf>, %concatenate3A_809, %reduce_min3A_811 [1] : vector<128x640xf32> to vector<128xf32>
    %broadcast_in_dim3A_813 = vector.shape_cast %reduce_min3A_812 : vector<128xf32> to vector<128x1xf32>
    %eq3A_814 = vector.broadcast %broadcast_in_dim3A_813 : vector<128x1xf32> to vector<128x640xf32>
    %eq3A_815 = arith.cmpf oeq, %concatenate3A_809, %eq3A_814 : vector<128x640xf32>
    %jit3A_816 = arith.constant 2048 : i32
    %broadcast_in_dim3A_817 = vector.broadcast %jit3A_816 : i32 to vector<128x640xi32>
    %select_n3A_818 = arith.select %eq3A_815, %concatenate3A_810, %broadcast_in_dim3A_817 : vector<128x640xi1>, vector<128x640xi32>
    %reduce_min3A_819 = arith.constant dense<2147483647> : vector<128xi32>
    %reduce_min3A_820 = vector.multi_reduction <minsi>, %select_n3A_818, %reduce_min3A_819 [1] : vector<128x640xi32> to vector<128xi32>
    %broadcast_in_dim3A_821 = vector.shape_cast %reduce_min3A_820 : vector<128xi32> to vector<128x1xi32>
    %eq3A_822 = arith.constant 16 : i32
    %eq3A_823 = vector.broadcast %eq3A_822 : i32 to vector<128x32xi32>
    %eq3A_824 = arith.cmpi eq, %iota3A, %eq3A_823 : vector<128x32xi32>
    %broadcast_in_dim3A_825 = vector.shape_cast %broadcast_in_dim3A_821 : vector<128x1xi32> to vector<128x1xi32>
    %broadcast_in_dim3A_826 = vector.broadcast %broadcast_in_dim3A_825 : vector<128x1xi32> to vector<128x32xi32>
    %select_n3A_827 = arith.select %eq3A_824, %broadcast_in_dim3A_826, %select_n3A_619 : vector<128x32xi1>, vector<128x32xi32>
    %eq3A_828 = vector.broadcast %broadcast_in_dim3A_813 : vector<128x1xf32> to vector<128x640xf32>
    %eq3A_829 = arith.cmpf oeq, %concatenate3A_809, %eq3A_828 : vector<128x640xf32>
    %eq3A_830 = vector.broadcast %broadcast_in_dim3A_821 : vector<128x1xi32> to vector<128x640xi32>
    %eq3A_831 = arith.cmpi eq, %concatenate3A_810, %eq3A_830 : vector<128x640xi32>
    %and3A_832 = arith.andi %eq3A_829, %eq3A_831 : vector<128x640xi1>
    %jit3A_833 = arith.constant 0x7F800000 : f32
    %broadcast_in_dim3A_834 = vector.broadcast %jit3A_833 : f32 to vector<128x640xf32>
    %select_n3A_835 = arith.select %and3A_832, %broadcast_in_dim3A_834, %concatenate3A_809 : vector<128x640xi1>, vector<128x640xf32>
    %reduce_min3A_836 = arith.constant dense<0x7F800000> : vector<128xf32>
    %reduce_min3A_837 = vector.multi_reduction <minimumf>, %select_n3A_835, %reduce_min3A_836 [1] : vector<128x640xf32> to vector<128xf32>
    %broadcast_in_dim3A_838 = vector.shape_cast %reduce_min3A_837 : vector<128xf32> to vector<128x1xf32>
    %eq3A_839 = vector.broadcast %broadcast_in_dim3A_838 : vector<128x1xf32> to vector<128x640xf32>
    %eq3A_840 = arith.cmpf oeq, %select_n3A_835, %eq3A_839 : vector<128x640xf32>
    %jit3A_841 = arith.constant 2048 : i32
    %broadcast_in_dim3A_842 = vector.broadcast %jit3A_841 : i32 to vector<128x640xi32>
    %select_n3A_843 = arith.select %eq3A_840, %concatenate3A_810, %broadcast_in_dim3A_842 : vector<128x640xi1>, vector<128x640xi32>
    %reduce_min3A_844 = arith.constant dense<2147483647> : vector<128xi32>
    %reduce_min3A_845 = vector.multi_reduction <minsi>, %select_n3A_843, %reduce_min3A_844 [1] : vector<128x640xi32> to vector<128xi32>
    %broadcast_in_dim3A_846 = vector.shape_cast %reduce_min3A_845 : vector<128xi32> to vector<128x1xi32>
    %eq3A_847 = arith.constant 17 : i32
    %eq3A_848 = vector.broadcast %eq3A_847 : i32 to vector<128x32xi32>
    %eq3A_849 = arith.cmpi eq, %iota3A, %eq3A_848 : vector<128x32xi32>
    %broadcast_in_dim3A_850 = vector.shape_cast %broadcast_in_dim3A_846 : vector<128x1xi32> to vector<128x1xi32>
    %broadcast_in_dim3A_851 = vector.broadcast %broadcast_in_dim3A_850 : vector<128x1xi32> to vector<128x32xi32>
    %select_n3A_852 = arith.select %eq3A_849, %broadcast_in_dim3A_851, %select_n3A_827 : vector<128x32xi1>, vector<128x32xi32>
    %eq3A_853 = vector.broadcast %broadcast_in_dim3A_838 : vector<128x1xf32> to vector<128x640xf32>
    %eq3A_854 = arith.cmpf oeq, %select_n3A_835, %eq3A_853 : vector<128x640xf32>
    %eq3A_855 = vector.broadcast %broadcast_in_dim3A_846 : vector<128x1xi32> to vector<128x640xi32>
    %eq3A_856 = arith.cmpi eq, %concatenate3A_810, %eq3A_855 : vector<128x640xi32>
    %and3A_857 = arith.andi %eq3A_854, %eq3A_856 : vector<128x640xi1>
    %jit3A_858 = arith.constant 0x7F800000 : f32
    %broadcast_in_dim3A_859 = vector.broadcast %jit3A_858 : f32 to vector<128x640xf32>
    %select_n3A_860 = arith.select %and3A_857, %broadcast_in_dim3A_859, %select_n3A_835 : vector<128x640xi1>, vector<128x640xf32>
    %reduce_min3A_861 = arith.constant dense<0x7F800000> : vector<128xf32>
    %reduce_min3A_862 = vector.multi_reduction <minimumf>, %select_n3A_860, %reduce_min3A_861 [1] : vector<128x640xf32> to vector<128xf32>
    %broadcast_in_dim3A_863 = vector.shape_cast %reduce_min3A_862 : vector<128xf32> to vector<128x1xf32>
    %eq3A_864 = vector.broadcast %broadcast_in_dim3A_863 : vector<128x1xf32> to vector<128x640xf32>
    %eq3A_865 = arith.cmpf oeq, %select_n3A_860, %eq3A_864 : vector<128x640xf32>
    %jit3A_866 = arith.constant 2048 : i32
    %broadcast_in_dim3A_867 = vector.broadcast %jit3A_866 : i32 to vector<128x640xi32>
    %select_n3A_868 = arith.select %eq3A_865, %concatenate3A_810, %broadcast_in_dim3A_867 : vector<128x640xi1>, vector<128x640xi32>
    %reduce_min3A_869 = arith.constant dense<2147483647> : vector<128xi32>
    %reduce_min3A_870 = vector.multi_reduction <minsi>, %select_n3A_868, %reduce_min3A_869 [1] : vector<128x640xi32> to vector<128xi32>
    %broadcast_in_dim3A_871 = vector.shape_cast %reduce_min3A_870 : vector<128xi32> to vector<128x1xi32>
    %eq3A_872 = arith.constant 18 : i32
    %eq3A_873 = vector.broadcast %eq3A_872 : i32 to vector<128x32xi32>
    %eq3A_874 = arith.cmpi eq, %iota3A, %eq3A_873 : vector<128x32xi32>
    %broadcast_in_dim3A_875 = vector.shape_cast %broadcast_in_dim3A_871 : vector<128x1xi32> to vector<128x1xi32>
    %broadcast_in_dim3A_876 = vector.broadcast %broadcast_in_dim3A_875 : vector<128x1xi32> to vector<128x32xi32>
    %select_n3A_877 = arith.select %eq3A_874, %broadcast_in_dim3A_876, %select_n3A_852 : vector<128x32xi1>, vector<128x32xi32>
    %eq3A_878 = vector.broadcast %broadcast_in_dim3A_863 : vector<128x1xf32> to vector<128x640xf32>
    %eq3A_879 = arith.cmpf oeq, %select_n3A_860, %eq3A_878 : vector<128x640xf32>
    %eq3A_880 = vector.broadcast %broadcast_in_dim3A_871 : vector<128x1xi32> to vector<128x640xi32>
    %eq3A_881 = arith.cmpi eq, %concatenate3A_810, %eq3A_880 : vector<128x640xi32>
    %and3A_882 = arith.andi %eq3A_879, %eq3A_881 : vector<128x640xi1>
    %jit3A_883 = arith.constant 0x7F800000 : f32
    %broadcast_in_dim3A_884 = vector.broadcast %jit3A_883 : f32 to vector<128x640xf32>
    %select_n3A_885 = arith.select %and3A_882, %broadcast_in_dim3A_884, %select_n3A_860 : vector<128x640xi1>, vector<128x640xf32>
    %reduce_min3A_886 = arith.constant dense<0x7F800000> : vector<128xf32>
    %reduce_min3A_887 = vector.multi_reduction <minimumf>, %select_n3A_885, %reduce_min3A_886 [1] : vector<128x640xf32> to vector<128xf32>
    %broadcast_in_dim3A_888 = vector.shape_cast %reduce_min3A_887 : vector<128xf32> to vector<128x1xf32>
    %eq3A_889 = vector.broadcast %broadcast_in_dim3A_888 : vector<128x1xf32> to vector<128x640xf32>
    %eq3A_890 = arith.cmpf oeq, %select_n3A_885, %eq3A_889 : vector<128x640xf32>
    %jit3A_891 = arith.constant 2048 : i32
    %broadcast_in_dim3A_892 = vector.broadcast %jit3A_891 : i32 to vector<128x640xi32>
    %select_n3A_893 = arith.select %eq3A_890, %concatenate3A_810, %broadcast_in_dim3A_892 : vector<128x640xi1>, vector<128x640xi32>
    %reduce_min3A_894 = arith.constant dense<2147483647> : vector<128xi32>
    %reduce_min3A_895 = vector.multi_reduction <minsi>, %select_n3A_893, %reduce_min3A_894 [1] : vector<128x640xi32> to vector<128xi32>
    %broadcast_in_dim3A_896 = vector.shape_cast %reduce_min3A_895 : vector<128xi32> to vector<128x1xi32>
    %eq3A_897 = arith.constant 19 : i32
    %eq3A_898 = vector.broadcast %eq3A_897 : i32 to vector<128x32xi32>
    %eq3A_899 = arith.cmpi eq, %iota3A, %eq3A_898 : vector<128x32xi32>
    %broadcast_in_dim3A_900 = vector.shape_cast %broadcast_in_dim3A_896 : vector<128x1xi32> to vector<128x1xi32>
    %broadcast_in_dim3A_901 = vector.broadcast %broadcast_in_dim3A_900 : vector<128x1xi32> to vector<128x32xi32>
    %select_n3A_902 = arith.select %eq3A_899, %broadcast_in_dim3A_901, %select_n3A_877 : vector<128x32xi1>, vector<128x32xi32>
    %eq3A_903 = vector.broadcast %broadcast_in_dim3A_888 : vector<128x1xf32> to vector<128x640xf32>
    %eq3A_904 = arith.cmpf oeq, %select_n3A_885, %eq3A_903 : vector<128x640xf32>
    %eq3A_905 = vector.broadcast %broadcast_in_dim3A_896 : vector<128x1xi32> to vector<128x640xi32>
    %eq3A_906 = arith.cmpi eq, %concatenate3A_810, %eq3A_905 : vector<128x640xi32>
    %and3A_907 = arith.andi %eq3A_904, %eq3A_906 : vector<128x640xi1>
    %jit3A_908 = arith.constant 0x7F800000 : f32
    %broadcast_in_dim3A_909 = vector.broadcast %jit3A_908 : f32 to vector<128x640xf32>
    %select_n3A_910 = arith.select %and3A_907, %broadcast_in_dim3A_909, %select_n3A_885 : vector<128x640xi1>, vector<128x640xf32>
    %reduce_min3A_911 = arith.constant dense<0x7F800000> : vector<128xf32>
    %reduce_min3A_912 = vector.multi_reduction <minimumf>, %select_n3A_910, %reduce_min3A_911 [1] : vector<128x640xf32> to vector<128xf32>
    %broadcast_in_dim3A_913 = vector.shape_cast %reduce_min3A_912 : vector<128xf32> to vector<128x1xf32>
    %eq3A_914 = vector.broadcast %broadcast_in_dim3A_913 : vector<128x1xf32> to vector<128x640xf32>
    %eq3A_915 = arith.cmpf oeq, %select_n3A_910, %eq3A_914 : vector<128x640xf32>
    %jit3A_916 = arith.constant 2048 : i32
    %broadcast_in_dim3A_917 = vector.broadcast %jit3A_916 : i32 to vector<128x640xi32>
    %select_n3A_918 = arith.select %eq3A_915, %concatenate3A_810, %broadcast_in_dim3A_917 : vector<128x640xi1>, vector<128x640xi32>
    %reduce_min3A_919 = arith.constant dense<2147483647> : vector<128xi32>
    %reduce_min3A_920 = vector.multi_reduction <minsi>, %select_n3A_918, %reduce_min3A_919 [1] : vector<128x640xi32> to vector<128xi32>
    %broadcast_in_dim3A_921 = vector.shape_cast %reduce_min3A_920 : vector<128xi32> to vector<128x1xi32>
    %eq3A_922 = arith.constant 20 : i32
    %eq3A_923 = vector.broadcast %eq3A_922 : i32 to vector<128x32xi32>
    %eq3A_924 = arith.cmpi eq, %iota3A, %eq3A_923 : vector<128x32xi32>
    %broadcast_in_dim3A_925 = vector.shape_cast %broadcast_in_dim3A_921 : vector<128x1xi32> to vector<128x1xi32>
    %broadcast_in_dim3A_926 = vector.broadcast %broadcast_in_dim3A_925 : vector<128x1xi32> to vector<128x32xi32>
    %select_n3A_927 = arith.select %eq3A_924, %broadcast_in_dim3A_926, %select_n3A_902 : vector<128x32xi1>, vector<128x32xi32>
    %eq3A_928 = vector.broadcast %broadcast_in_dim3A_913 : vector<128x1xf32> to vector<128x640xf32>
    %eq3A_929 = arith.cmpf oeq, %select_n3A_910, %eq3A_928 : vector<128x640xf32>
    %eq3A_930 = vector.broadcast %broadcast_in_dim3A_921 : vector<128x1xi32> to vector<128x640xi32>
    %eq3A_931 = arith.cmpi eq, %concatenate3A_810, %eq3A_930 : vector<128x640xi32>
    %and3A_932 = arith.andi %eq3A_929, %eq3A_931 : vector<128x640xi1>
    %jit3A_933 = arith.constant 0x7F800000 : f32
    %broadcast_in_dim3A_934 = vector.broadcast %jit3A_933 : f32 to vector<128x640xf32>
    %select_n3A_935 = arith.select %and3A_932, %broadcast_in_dim3A_934, %select_n3A_910 : vector<128x640xi1>, vector<128x640xf32>
    %reduce_min3A_936 = arith.constant dense<0x7F800000> : vector<128xf32>
    %reduce_min3A_937 = vector.multi_reduction <minimumf>, %select_n3A_935, %reduce_min3A_936 [1] : vector<128x640xf32> to vector<128xf32>
    %broadcast_in_dim3A_938 = vector.shape_cast %reduce_min3A_937 : vector<128xf32> to vector<128x1xf32>
    %eq3A_939 = vector.broadcast %broadcast_in_dim3A_938 : vector<128x1xf32> to vector<128x640xf32>
    %eq3A_940 = arith.cmpf oeq, %select_n3A_935, %eq3A_939 : vector<128x640xf32>
    %jit3A_941 = arith.constant 2048 : i32
    %broadcast_in_dim3A_942 = vector.broadcast %jit3A_941 : i32 to vector<128x640xi32>
    %select_n3A_943 = arith.select %eq3A_940, %concatenate3A_810, %broadcast_in_dim3A_942 : vector<128x640xi1>, vector<128x640xi32>
    %reduce_min3A_944 = arith.constant dense<2147483647> : vector<128xi32>
    %reduce_min3A_945 = vector.multi_reduction <minsi>, %select_n3A_943, %reduce_min3A_944 [1] : vector<128x640xi32> to vector<128xi32>
    %broadcast_in_dim3A_946 = vector.shape_cast %reduce_min3A_945 : vector<128xi32> to vector<128x1xi32>
    %eq3A_947 = arith.constant 21 : i32
    %eq3A_948 = vector.broadcast %eq3A_947 : i32 to vector<128x32xi32>
    %eq3A_949 = arith.cmpi eq, %iota3A, %eq3A_948 : vector<128x32xi32>
    %broadcast_in_dim3A_950 = vector.shape_cast %broadcast_in_dim3A_946 : vector<128x1xi32> to vector<128x1xi32>
    %broadcast_in_dim3A_951 = vector.broadcast %broadcast_in_dim3A_950 : vector<128x1xi32> to vector<128x32xi32>
    %select_n3A_952 = arith.select %eq3A_949, %broadcast_in_dim3A_951, %select_n3A_927 : vector<128x32xi1>, vector<128x32xi32>
    %eq3A_953 = vector.broadcast %broadcast_in_dim3A_938 : vector<128x1xf32> to vector<128x640xf32>
    %eq3A_954 = arith.cmpf oeq, %select_n3A_935, %eq3A_953 : vector<128x640xf32>
    %eq3A_955 = vector.broadcast %broadcast_in_dim3A_946 : vector<128x1xi32> to vector<128x640xi32>
    %eq3A_956 = arith.cmpi eq, %concatenate3A_810, %eq3A_955 : vector<128x640xi32>
    %and3A_957 = arith.andi %eq3A_954, %eq3A_956 : vector<128x640xi1>
    %jit3A_958 = arith.constant 0x7F800000 : f32
    %broadcast_in_dim3A_959 = vector.broadcast %jit3A_958 : f32 to vector<128x640xf32>
    %select_n3A_960 = arith.select %and3A_957, %broadcast_in_dim3A_959, %select_n3A_935 : vector<128x640xi1>, vector<128x640xf32>
    %reduce_min3A_961 = arith.constant dense<0x7F800000> : vector<128xf32>
    %reduce_min3A_962 = vector.multi_reduction <minimumf>, %select_n3A_960, %reduce_min3A_961 [1] : vector<128x640xf32> to vector<128xf32>
    %broadcast_in_dim3A_963 = vector.shape_cast %reduce_min3A_962 : vector<128xf32> to vector<128x1xf32>
    %eq3A_964 = vector.broadcast %broadcast_in_dim3A_963 : vector<128x1xf32> to vector<128x640xf32>
    %eq3A_965 = arith.cmpf oeq, %select_n3A_960, %eq3A_964 : vector<128x640xf32>
    %jit3A_966 = arith.constant 2048 : i32
    %broadcast_in_dim3A_967 = vector.broadcast %jit3A_966 : i32 to vector<128x640xi32>
    %select_n3A_968 = arith.select %eq3A_965, %concatenate3A_810, %broadcast_in_dim3A_967 : vector<128x640xi1>, vector<128x640xi32>
    %reduce_min3A_969 = arith.constant dense<2147483647> : vector<128xi32>
    %reduce_min3A_970 = vector.multi_reduction <minsi>, %select_n3A_968, %reduce_min3A_969 [1] : vector<128x640xi32> to vector<128xi32>
    %broadcast_in_dim3A_971 = vector.shape_cast %reduce_min3A_970 : vector<128xi32> to vector<128x1xi32>
    %eq3A_972 = arith.constant 22 : i32
    %eq3A_973 = vector.broadcast %eq3A_972 : i32 to vector<128x32xi32>
    %eq3A_974 = arith.cmpi eq, %iota3A, %eq3A_973 : vector<128x32xi32>
    %broadcast_in_dim3A_975 = vector.shape_cast %broadcast_in_dim3A_971 : vector<128x1xi32> to vector<128x1xi32>
    %broadcast_in_dim3A_976 = vector.broadcast %broadcast_in_dim3A_975 : vector<128x1xi32> to vector<128x32xi32>
    %select_n3A_977 = arith.select %eq3A_974, %broadcast_in_dim3A_976, %select_n3A_952 : vector<128x32xi1>, vector<128x32xi32>
    %eq3A_978 = vector.broadcast %broadcast_in_dim3A_963 : vector<128x1xf32> to vector<128x640xf32>
    %eq3A_979 = arith.cmpf oeq, %select_n3A_960, %eq3A_978 : vector<128x640xf32>
    %eq3A_980 = vector.broadcast %broadcast_in_dim3A_971 : vector<128x1xi32> to vector<128x640xi32>
    %eq3A_981 = arith.cmpi eq, %concatenate3A_810, %eq3A_980 : vector<128x640xi32>
    %and3A_982 = arith.andi %eq3A_979, %eq3A_981 : vector<128x640xi1>
    %jit3A_983 = arith.constant 0x7F800000 : f32
    %broadcast_in_dim3A_984 = vector.broadcast %jit3A_983 : f32 to vector<128x640xf32>
    %select_n3A_985 = arith.select %and3A_982, %broadcast_in_dim3A_984, %select_n3A_960 : vector<128x640xi1>, vector<128x640xf32>
    %reduce_min3A_986 = arith.constant dense<0x7F800000> : vector<128xf32>
    %reduce_min3A_987 = vector.multi_reduction <minimumf>, %select_n3A_985, %reduce_min3A_986 [1] : vector<128x640xf32> to vector<128xf32>
    %broadcast_in_dim3A_988 = vector.shape_cast %reduce_min3A_987 : vector<128xf32> to vector<128x1xf32>
    %eq3A_989 = vector.broadcast %broadcast_in_dim3A_988 : vector<128x1xf32> to vector<128x640xf32>
    %eq3A_990 = arith.cmpf oeq, %select_n3A_985, %eq3A_989 : vector<128x640xf32>
    %jit3A_991 = arith.constant 2048 : i32
    %broadcast_in_dim3A_992 = vector.broadcast %jit3A_991 : i32 to vector<128x640xi32>
    %select_n3A_993 = arith.select %eq3A_990, %concatenate3A_810, %broadcast_in_dim3A_992 : vector<128x640xi1>, vector<128x640xi32>
    %reduce_min3A_994 = arith.constant dense<2147483647> : vector<128xi32>
    %reduce_min3A_995 = vector.multi_reduction <minsi>, %select_n3A_993, %reduce_min3A_994 [1] : vector<128x640xi32> to vector<128xi32>
    %broadcast_in_dim3A_996 = vector.shape_cast %reduce_min3A_995 : vector<128xi32> to vector<128x1xi32>
    %eq3A_997 = arith.constant 23 : i32
    %eq3A_998 = vector.broadcast %eq3A_997 : i32 to vector<128x32xi32>
    %eq3A_999 = arith.cmpi eq, %iota3A, %eq3A_998 : vector<128x32xi32>
    %broadcast_in_dim3A_1000 = vector.shape_cast %broadcast_in_dim3A_996 : vector<128x1xi32> to vector<128x1xi32>
    %broadcast_in_dim3A_1001 = vector.broadcast %broadcast_in_dim3A_1000 : vector<128x1xi32> to vector<128x32xi32>
    %select_n3A_1002 = arith.select %eq3A_999, %broadcast_in_dim3A_1001, %select_n3A_977 : vector<128x32xi1>, vector<128x32xi32>
    %eq3A_1003 = vector.broadcast %broadcast_in_dim3A_988 : vector<128x1xf32> to vector<128x640xf32>
    %eq3A_1004 = arith.cmpf oeq, %select_n3A_985, %eq3A_1003 : vector<128x640xf32>
    %eq3A_1005 = vector.broadcast %broadcast_in_dim3A_996 : vector<128x1xi32> to vector<128x640xi32>
    %eq3A_1006 = arith.cmpi eq, %concatenate3A_810, %eq3A_1005 : vector<128x640xi32>
    %and3A_1007 = arith.andi %eq3A_1004, %eq3A_1006 : vector<128x640xi1>
    %jit3A_1008 = arith.constant 0x7F800000 : f32
    %broadcast_in_dim3A_1009 = vector.broadcast %jit3A_1008 : f32 to vector<128x640xf32>
    %select_n3A_1010 = arith.select %and3A_1007, %broadcast_in_dim3A_1009, %select_n3A_985 : vector<128x640xi1>, vector<128x640xf32>
    %reduce_min3A_1011 = arith.constant dense<0x7F800000> : vector<128xf32>
    %reduce_min3A_1012 = vector.multi_reduction <minimumf>, %select_n3A_1010, %reduce_min3A_1011 [1] : vector<128x640xf32> to vector<128xf32>
    %broadcast_in_dim3A_1013 = vector.shape_cast %reduce_min3A_1012 : vector<128xf32> to vector<128x1xf32>
    %eq3A_1014 = vector.broadcast %broadcast_in_dim3A_1013 : vector<128x1xf32> to vector<128x640xf32>
    %eq3A_1015 = arith.cmpf oeq, %select_n3A_1010, %eq3A_1014 : vector<128x640xf32>
    %jit3A_1016 = arith.constant 2048 : i32
    %broadcast_in_dim3A_1017 = vector.broadcast %jit3A_1016 : i32 to vector<128x640xi32>
    %select_n3A_1018 = arith.select %eq3A_1015, %concatenate3A_810, %broadcast_in_dim3A_1017 : vector<128x640xi1>, vector<128x640xi32>
    %reduce_min3A_1019 = arith.constant dense<2147483647> : vector<128xi32>
    %reduce_min3A_1020 = vector.multi_reduction <minsi>, %select_n3A_1018, %reduce_min3A_1019 [1] : vector<128x640xi32> to vector<128xi32>
    %broadcast_in_dim3A_1021 = vector.shape_cast %reduce_min3A_1020 : vector<128xi32> to vector<128x1xi32>
    %eq3A_1022 = arith.constant 24 : i32
    %eq3A_1023 = vector.broadcast %eq3A_1022 : i32 to vector<128x32xi32>
    %eq3A_1024 = arith.cmpi eq, %iota3A, %eq3A_1023 : vector<128x32xi32>
    %broadcast_in_dim3A_1025 = vector.shape_cast %broadcast_in_dim3A_1021 : vector<128x1xi32> to vector<128x1xi32>
    %broadcast_in_dim3A_1026 = vector.broadcast %broadcast_in_dim3A_1025 : vector<128x1xi32> to vector<128x32xi32>
    %select_n3A_1027 = arith.select %eq3A_1024, %broadcast_in_dim3A_1026, %select_n3A_1002 : vector<128x32xi1>, vector<128x32xi32>
    %eq3A_1028 = vector.broadcast %broadcast_in_dim3A_1013 : vector<128x1xf32> to vector<128x640xf32>
    %eq3A_1029 = arith.cmpf oeq, %select_n3A_1010, %eq3A_1028 : vector<128x640xf32>
    %eq3A_1030 = vector.broadcast %broadcast_in_dim3A_1021 : vector<128x1xi32> to vector<128x640xi32>
    %eq3A_1031 = arith.cmpi eq, %concatenate3A_810, %eq3A_1030 : vector<128x640xi32>
    %and3A_1032 = arith.andi %eq3A_1029, %eq3A_1031 : vector<128x640xi1>
    %jit3A_1033 = arith.constant 0x7F800000 : f32
    %broadcast_in_dim3A_1034 = vector.broadcast %jit3A_1033 : f32 to vector<128x640xf32>
    %select_n3A_1035 = arith.select %and3A_1032, %broadcast_in_dim3A_1034, %select_n3A_1010 : vector<128x640xi1>, vector<128x640xf32>
    %reduce_min3A_1036 = arith.constant dense<0x7F800000> : vector<128xf32>
    %reduce_min3A_1037 = vector.multi_reduction <minimumf>, %select_n3A_1035, %reduce_min3A_1036 [1] : vector<128x640xf32> to vector<128xf32>
    %broadcast_in_dim3A_1038 = vector.shape_cast %reduce_min3A_1037 : vector<128xf32> to vector<128x1xf32>
    %eq3A_1039 = vector.broadcast %broadcast_in_dim3A_1038 : vector<128x1xf32> to vector<128x640xf32>
    %eq3A_1040 = arith.cmpf oeq, %select_n3A_1035, %eq3A_1039 : vector<128x640xf32>
    %jit3A_1041 = arith.constant 2048 : i32
    %broadcast_in_dim3A_1042 = vector.broadcast %jit3A_1041 : i32 to vector<128x640xi32>
    %select_n3A_1043 = arith.select %eq3A_1040, %concatenate3A_810, %broadcast_in_dim3A_1042 : vector<128x640xi1>, vector<128x640xi32>
    %reduce_min3A_1044 = arith.constant dense<2147483647> : vector<128xi32>
    %reduce_min3A_1045 = vector.multi_reduction <minsi>, %select_n3A_1043, %reduce_min3A_1044 [1] : vector<128x640xi32> to vector<128xi32>
    %broadcast_in_dim3A_1046 = vector.shape_cast %reduce_min3A_1045 : vector<128xi32> to vector<128x1xi32>
    %eq3A_1047 = arith.constant 25 : i32
    %eq3A_1048 = vector.broadcast %eq3A_1047 : i32 to vector<128x32xi32>
    %eq3A_1049 = arith.cmpi eq, %iota3A, %eq3A_1048 : vector<128x32xi32>
    %broadcast_in_dim3A_1050 = vector.shape_cast %broadcast_in_dim3A_1046 : vector<128x1xi32> to vector<128x1xi32>
    %broadcast_in_dim3A_1051 = vector.broadcast %broadcast_in_dim3A_1050 : vector<128x1xi32> to vector<128x32xi32>
    %select_n3A_1052 = arith.select %eq3A_1049, %broadcast_in_dim3A_1051, %select_n3A_1027 : vector<128x32xi1>, vector<128x32xi32>
    %eq3A_1053 = vector.broadcast %broadcast_in_dim3A_1038 : vector<128x1xf32> to vector<128x640xf32>
    %eq3A_1054 = arith.cmpf oeq, %select_n3A_1035, %eq3A_1053 : vector<128x640xf32>
    %eq3A_1055 = vector.broadcast %broadcast_in_dim3A_1046 : vector<128x1xi32> to vector<128x640xi32>
    %eq3A_1056 = arith.cmpi eq, %concatenate3A_810, %eq3A_1055 : vector<128x640xi32>
    %and3A_1057 = arith.andi %eq3A_1054, %eq3A_1056 : vector<128x640xi1>
    %jit3A_1058 = arith.constant 0x7F800000 : f32
    %broadcast_in_dim3A_1059 = vector.broadcast %jit3A_1058 : f32 to vector<128x640xf32>
    %select_n3A_1060 = arith.select %and3A_1057, %broadcast_in_dim3A_1059, %select_n3A_1035 : vector<128x640xi1>, vector<128x640xf32>
    %reduce_min3A_1061 = arith.constant dense<0x7F800000> : vector<128xf32>
    %reduce_min3A_1062 = vector.multi_reduction <minimumf>, %select_n3A_1060, %reduce_min3A_1061 [1] : vector<128x640xf32> to vector<128xf32>
    %broadcast_in_dim3A_1063 = vector.shape_cast %reduce_min3A_1062 : vector<128xf32> to vector<128x1xf32>
    %eq3A_1064 = vector.broadcast %broadcast_in_dim3A_1063 : vector<128x1xf32> to vector<128x640xf32>
    %eq3A_1065 = arith.cmpf oeq, %select_n3A_1060, %eq3A_1064 : vector<128x640xf32>
    %jit3A_1066 = arith.constant 2048 : i32
    %broadcast_in_dim3A_1067 = vector.broadcast %jit3A_1066 : i32 to vector<128x640xi32>
    %select_n3A_1068 = arith.select %eq3A_1065, %concatenate3A_810, %broadcast_in_dim3A_1067 : vector<128x640xi1>, vector<128x640xi32>
    %reduce_min3A_1069 = arith.constant dense<2147483647> : vector<128xi32>
    %reduce_min3A_1070 = vector.multi_reduction <minsi>, %select_n3A_1068, %reduce_min3A_1069 [1] : vector<128x640xi32> to vector<128xi32>
    %broadcast_in_dim3A_1071 = vector.shape_cast %reduce_min3A_1070 : vector<128xi32> to vector<128x1xi32>
    %eq3A_1072 = arith.constant 26 : i32
    %eq3A_1073 = vector.broadcast %eq3A_1072 : i32 to vector<128x32xi32>
    %eq3A_1074 = arith.cmpi eq, %iota3A, %eq3A_1073 : vector<128x32xi32>
    %broadcast_in_dim3A_1075 = vector.shape_cast %broadcast_in_dim3A_1071 : vector<128x1xi32> to vector<128x1xi32>
    %broadcast_in_dim3A_1076 = vector.broadcast %broadcast_in_dim3A_1075 : vector<128x1xi32> to vector<128x32xi32>
    %select_n3A_1077 = arith.select %eq3A_1074, %broadcast_in_dim3A_1076, %select_n3A_1052 : vector<128x32xi1>, vector<128x32xi32>
    %eq3A_1078 = vector.broadcast %broadcast_in_dim3A_1063 : vector<128x1xf32> to vector<128x640xf32>
    %eq3A_1079 = arith.cmpf oeq, %select_n3A_1060, %eq3A_1078 : vector<128x640xf32>
    %eq3A_1080 = vector.broadcast %broadcast_in_dim3A_1071 : vector<128x1xi32> to vector<128x640xi32>
    %eq3A_1081 = arith.cmpi eq, %concatenate3A_810, %eq3A_1080 : vector<128x640xi32>
    %and3A_1082 = arith.andi %eq3A_1079, %eq3A_1081 : vector<128x640xi1>
    %jit3A_1083 = arith.constant 0x7F800000 : f32
    %broadcast_in_dim3A_1084 = vector.broadcast %jit3A_1083 : f32 to vector<128x640xf32>
    %select_n3A_1085 = arith.select %and3A_1082, %broadcast_in_dim3A_1084, %select_n3A_1060 : vector<128x640xi1>, vector<128x640xf32>
    %reduce_min3A_1086 = arith.constant dense<0x7F800000> : vector<128xf32>
    %reduce_min3A_1087 = vector.multi_reduction <minimumf>, %select_n3A_1085, %reduce_min3A_1086 [1] : vector<128x640xf32> to vector<128xf32>
    %broadcast_in_dim3A_1088 = vector.shape_cast %reduce_min3A_1087 : vector<128xf32> to vector<128x1xf32>
    %eq3A_1089 = vector.broadcast %broadcast_in_dim3A_1088 : vector<128x1xf32> to vector<128x640xf32>
    %eq3A_1090 = arith.cmpf oeq, %select_n3A_1085, %eq3A_1089 : vector<128x640xf32>
    %jit3A_1091 = arith.constant 2048 : i32
    %broadcast_in_dim3A_1092 = vector.broadcast %jit3A_1091 : i32 to vector<128x640xi32>
    %select_n3A_1093 = arith.select %eq3A_1090, %concatenate3A_810, %broadcast_in_dim3A_1092 : vector<128x640xi1>, vector<128x640xi32>
    %reduce_min3A_1094 = arith.constant dense<2147483647> : vector<128xi32>
    %reduce_min3A_1095 = vector.multi_reduction <minsi>, %select_n3A_1093, %reduce_min3A_1094 [1] : vector<128x640xi32> to vector<128xi32>
    %broadcast_in_dim3A_1096 = vector.shape_cast %reduce_min3A_1095 : vector<128xi32> to vector<128x1xi32>
    %eq3A_1097 = arith.constant 27 : i32
    %eq3A_1098 = vector.broadcast %eq3A_1097 : i32 to vector<128x32xi32>
    %eq3A_1099 = arith.cmpi eq, %iota3A, %eq3A_1098 : vector<128x32xi32>
    %broadcast_in_dim3A_1100 = vector.shape_cast %broadcast_in_dim3A_1096 : vector<128x1xi32> to vector<128x1xi32>
    %broadcast_in_dim3A_1101 = vector.broadcast %broadcast_in_dim3A_1100 : vector<128x1xi32> to vector<128x32xi32>
    %select_n3A_1102 = arith.select %eq3A_1099, %broadcast_in_dim3A_1101, %select_n3A_1077 : vector<128x32xi1>, vector<128x32xi32>
    %eq3A_1103 = vector.broadcast %broadcast_in_dim3A_1088 : vector<128x1xf32> to vector<128x640xf32>
    %eq3A_1104 = arith.cmpf oeq, %select_n3A_1085, %eq3A_1103 : vector<128x640xf32>
    %eq3A_1105 = vector.broadcast %broadcast_in_dim3A_1096 : vector<128x1xi32> to vector<128x640xi32>
    %eq3A_1106 = arith.cmpi eq, %concatenate3A_810, %eq3A_1105 : vector<128x640xi32>
    %and3A_1107 = arith.andi %eq3A_1104, %eq3A_1106 : vector<128x640xi1>
    %jit3A_1108 = arith.constant 0x7F800000 : f32
    %broadcast_in_dim3A_1109 = vector.broadcast %jit3A_1108 : f32 to vector<128x640xf32>
    %select_n3A_1110 = arith.select %and3A_1107, %broadcast_in_dim3A_1109, %select_n3A_1085 : vector<128x640xi1>, vector<128x640xf32>
    %reduce_min3A_1111 = arith.constant dense<0x7F800000> : vector<128xf32>
    %reduce_min3A_1112 = vector.multi_reduction <minimumf>, %select_n3A_1110, %reduce_min3A_1111 [1] : vector<128x640xf32> to vector<128xf32>
    %broadcast_in_dim3A_1113 = vector.shape_cast %reduce_min3A_1112 : vector<128xf32> to vector<128x1xf32>
    %eq3A_1114 = vector.broadcast %broadcast_in_dim3A_1113 : vector<128x1xf32> to vector<128x640xf32>
    %eq3A_1115 = arith.cmpf oeq, %select_n3A_1110, %eq3A_1114 : vector<128x640xf32>
    %jit3A_1116 = arith.constant 2048 : i32
    %broadcast_in_dim3A_1117 = vector.broadcast %jit3A_1116 : i32 to vector<128x640xi32>
    %select_n3A_1118 = arith.select %eq3A_1115, %concatenate3A_810, %broadcast_in_dim3A_1117 : vector<128x640xi1>, vector<128x640xi32>
    %reduce_min3A_1119 = arith.constant dense<2147483647> : vector<128xi32>
    %reduce_min3A_1120 = vector.multi_reduction <minsi>, %select_n3A_1118, %reduce_min3A_1119 [1] : vector<128x640xi32> to vector<128xi32>
    %broadcast_in_dim3A_1121 = vector.shape_cast %reduce_min3A_1120 : vector<128xi32> to vector<128x1xi32>
    %eq3A_1122 = arith.constant 28 : i32
    %eq3A_1123 = vector.broadcast %eq3A_1122 : i32 to vector<128x32xi32>
    %eq3A_1124 = arith.cmpi eq, %iota3A, %eq3A_1123 : vector<128x32xi32>
    %broadcast_in_dim3A_1125 = vector.shape_cast %broadcast_in_dim3A_1121 : vector<128x1xi32> to vector<128x1xi32>
    %broadcast_in_dim3A_1126 = vector.broadcast %broadcast_in_dim3A_1125 : vector<128x1xi32> to vector<128x32xi32>
    %select_n3A_1127 = arith.select %eq3A_1124, %broadcast_in_dim3A_1126, %select_n3A_1102 : vector<128x32xi1>, vector<128x32xi32>
    %eq3A_1128 = vector.broadcast %broadcast_in_dim3A_1113 : vector<128x1xf32> to vector<128x640xf32>
    %eq3A_1129 = arith.cmpf oeq, %select_n3A_1110, %eq3A_1128 : vector<128x640xf32>
    %eq3A_1130 = vector.broadcast %broadcast_in_dim3A_1121 : vector<128x1xi32> to vector<128x640xi32>
    %eq3A_1131 = arith.cmpi eq, %concatenate3A_810, %eq3A_1130 : vector<128x640xi32>
    %and3A_1132 = arith.andi %eq3A_1129, %eq3A_1131 : vector<128x640xi1>
    %jit3A_1133 = arith.constant 0x7F800000 : f32
    %broadcast_in_dim3A_1134 = vector.broadcast %jit3A_1133 : f32 to vector<128x640xf32>
    %select_n3A_1135 = arith.select %and3A_1132, %broadcast_in_dim3A_1134, %select_n3A_1110 : vector<128x640xi1>, vector<128x640xf32>
    %reduce_min3A_1136 = arith.constant dense<0x7F800000> : vector<128xf32>
    %reduce_min3A_1137 = vector.multi_reduction <minimumf>, %select_n3A_1135, %reduce_min3A_1136 [1] : vector<128x640xf32> to vector<128xf32>
    %broadcast_in_dim3A_1138 = vector.shape_cast %reduce_min3A_1137 : vector<128xf32> to vector<128x1xf32>
    %eq3A_1139 = vector.broadcast %broadcast_in_dim3A_1138 : vector<128x1xf32> to vector<128x640xf32>
    %eq3A_1140 = arith.cmpf oeq, %select_n3A_1135, %eq3A_1139 : vector<128x640xf32>
    %jit3A_1141 = arith.constant 2048 : i32
    %broadcast_in_dim3A_1142 = vector.broadcast %jit3A_1141 : i32 to vector<128x640xi32>
    %select_n3A_1143 = arith.select %eq3A_1140, %concatenate3A_810, %broadcast_in_dim3A_1142 : vector<128x640xi1>, vector<128x640xi32>
    %reduce_min3A_1144 = arith.constant dense<2147483647> : vector<128xi32>
    %reduce_min3A_1145 = vector.multi_reduction <minsi>, %select_n3A_1143, %reduce_min3A_1144 [1] : vector<128x640xi32> to vector<128xi32>
    %broadcast_in_dim3A_1146 = vector.shape_cast %reduce_min3A_1145 : vector<128xi32> to vector<128x1xi32>
    %eq3A_1147 = arith.constant 29 : i32
    %eq3A_1148 = vector.broadcast %eq3A_1147 : i32 to vector<128x32xi32>
    %eq3A_1149 = arith.cmpi eq, %iota3A, %eq3A_1148 : vector<128x32xi32>
    %broadcast_in_dim3A_1150 = vector.shape_cast %broadcast_in_dim3A_1146 : vector<128x1xi32> to vector<128x1xi32>
    %broadcast_in_dim3A_1151 = vector.broadcast %broadcast_in_dim3A_1150 : vector<128x1xi32> to vector<128x32xi32>
    %select_n3A_1152 = arith.select %eq3A_1149, %broadcast_in_dim3A_1151, %select_n3A_1127 : vector<128x32xi1>, vector<128x32xi32>
    %eq3A_1153 = vector.broadcast %broadcast_in_dim3A_1138 : vector<128x1xf32> to vector<128x640xf32>
    %eq3A_1154 = arith.cmpf oeq, %select_n3A_1135, %eq3A_1153 : vector<128x640xf32>
    %eq3A_1155 = vector.broadcast %broadcast_in_dim3A_1146 : vector<128x1xi32> to vector<128x640xi32>
    %eq3A_1156 = arith.cmpi eq, %concatenate3A_810, %eq3A_1155 : vector<128x640xi32>
    %and3A_1157 = arith.andi %eq3A_1154, %eq3A_1156 : vector<128x640xi1>
    %jit3A_1158 = arith.constant 0x7F800000 : f32
    %broadcast_in_dim3A_1159 = vector.broadcast %jit3A_1158 : f32 to vector<128x640xf32>
    %select_n3A_1160 = arith.select %and3A_1157, %broadcast_in_dim3A_1159, %select_n3A_1135 : vector<128x640xi1>, vector<128x640xf32>
    %reduce_min3A_1161 = arith.constant dense<0x7F800000> : vector<128xf32>
    %reduce_min3A_1162 = vector.multi_reduction <minimumf>, %select_n3A_1160, %reduce_min3A_1161 [1] : vector<128x640xf32> to vector<128xf32>
    %broadcast_in_dim3A_1163 = vector.shape_cast %reduce_min3A_1162 : vector<128xf32> to vector<128x1xf32>
    %eq3A_1164 = vector.broadcast %broadcast_in_dim3A_1163 : vector<128x1xf32> to vector<128x640xf32>
    %eq3A_1165 = arith.cmpf oeq, %select_n3A_1160, %eq3A_1164 : vector<128x640xf32>
    %jit3A_1166 = arith.constant 2048 : i32
    %broadcast_in_dim3A_1167 = vector.broadcast %jit3A_1166 : i32 to vector<128x640xi32>
    %select_n3A_1168 = arith.select %eq3A_1165, %concatenate3A_810, %broadcast_in_dim3A_1167 : vector<128x640xi1>, vector<128x640xi32>
    %reduce_min3A_1169 = arith.constant dense<2147483647> : vector<128xi32>
    %reduce_min3A_1170 = vector.multi_reduction <minsi>, %select_n3A_1168, %reduce_min3A_1169 [1] : vector<128x640xi32> to vector<128xi32>
    %broadcast_in_dim3A_1171 = vector.shape_cast %reduce_min3A_1170 : vector<128xi32> to vector<128x1xi32>
    %eq3A_1172 = arith.constant 30 : i32
    %eq3A_1173 = vector.broadcast %eq3A_1172 : i32 to vector<128x32xi32>
    %eq3A_1174 = arith.cmpi eq, %iota3A, %eq3A_1173 : vector<128x32xi32>
    %broadcast_in_dim3A_1175 = vector.shape_cast %broadcast_in_dim3A_1171 : vector<128x1xi32> to vector<128x1xi32>
    %broadcast_in_dim3A_1176 = vector.broadcast %broadcast_in_dim3A_1175 : vector<128x1xi32> to vector<128x32xi32>
    %select_n3A_1177 = arith.select %eq3A_1174, %broadcast_in_dim3A_1176, %select_n3A_1152 : vector<128x32xi1>, vector<128x32xi32>
    %eq3A_1178 = vector.broadcast %broadcast_in_dim3A_1163 : vector<128x1xf32> to vector<128x640xf32>
    %eq3A_1179 = arith.cmpf oeq, %select_n3A_1160, %eq3A_1178 : vector<128x640xf32>
    %eq3A_1180 = vector.broadcast %broadcast_in_dim3A_1171 : vector<128x1xi32> to vector<128x640xi32>
    %eq3A_1181 = arith.cmpi eq, %concatenate3A_810, %eq3A_1180 : vector<128x640xi32>
    %and3A_1182 = arith.andi %eq3A_1179, %eq3A_1181 : vector<128x640xi1>
    %jit3A_1183 = arith.constant 0x7F800000 : f32
    %broadcast_in_dim3A_1184 = vector.broadcast %jit3A_1183 : f32 to vector<128x640xf32>
    %select_n3A_1185 = arith.select %and3A_1182, %broadcast_in_dim3A_1184, %select_n3A_1160 : vector<128x640xi1>, vector<128x640xf32>
    %reduce_min3A_1186 = arith.constant dense<0x7F800000> : vector<128xf32>
    %reduce_min3A_1187 = vector.multi_reduction <minimumf>, %select_n3A_1185, %reduce_min3A_1186 [1] : vector<128x640xf32> to vector<128xf32>
    %broadcast_in_dim3A_1188 = vector.shape_cast %reduce_min3A_1187 : vector<128xf32> to vector<128x1xf32>
    %eq3A_1189 = vector.broadcast %broadcast_in_dim3A_1188 : vector<128x1xf32> to vector<128x640xf32>
    %eq3A_1190 = arith.cmpf oeq, %select_n3A_1185, %eq3A_1189 : vector<128x640xf32>
    %jit3A_1191 = arith.constant 2048 : i32
    %broadcast_in_dim3A_1192 = vector.broadcast %jit3A_1191 : i32 to vector<128x640xi32>
    %select_n3A_1193 = arith.select %eq3A_1190, %concatenate3A_810, %broadcast_in_dim3A_1192 : vector<128x640xi1>, vector<128x640xi32>
    %reduce_min3A_1194 = arith.constant dense<2147483647> : vector<128xi32>
    %reduce_min3A_1195 = vector.multi_reduction <minsi>, %select_n3A_1193, %reduce_min3A_1194 [1] : vector<128x640xi32> to vector<128xi32>
    %broadcast_in_dim3A_1196 = vector.shape_cast %reduce_min3A_1195 : vector<128xi32> to vector<128x1xi32>
    %eq3A_1197 = arith.constant 31 : i32
    %eq3A_1198 = vector.broadcast %eq3A_1197 : i32 to vector<128x32xi32>
    %eq3A_1199 = arith.cmpi eq, %iota3A, %eq3A_1198 : vector<128x32xi32>
    %broadcast_in_dim3A_1200 = vector.shape_cast %broadcast_in_dim3A_1196 : vector<128x1xi32> to vector<128x1xi32>
    %broadcast_in_dim3A_1201 = vector.broadcast %broadcast_in_dim3A_1200 : vector<128x1xi32> to vector<128x32xi32>
    %select_n3A_1202 = arith.select %eq3A_1199, %broadcast_in_dim3A_1201, %select_n3A_1177 : vector<128x32xi1>, vector<128x32xi32>
    %eq3A_1203 = vector.broadcast %broadcast_in_dim3A_1188 : vector<128x1xf32> to vector<128x640xf32>
    %eq3A_1204 = arith.cmpf oeq, %select_n3A_1185, %eq3A_1203 : vector<128x640xf32>
    %eq3A_1205 = vector.broadcast %broadcast_in_dim3A_1196 : vector<128x1xi32> to vector<128x640xi32>
    %eq3A_1206 = arith.cmpi eq, %concatenate3A_810, %eq3A_1205 : vector<128x640xi32>
    %and3A_1207 = arith.andi %eq3A_1204, %eq3A_1206 : vector<128x640xi1>
    %jit3A_1208 = arith.constant 0x7F800000 : f32
    %broadcast_in_dim3A_1209 = vector.broadcast %jit3A_1208 : f32 to vector<128x640xf32>
    %select_n3A_1210 = arith.select %and3A_1207, %broadcast_in_dim3A_1209, %select_n3A_1185 : vector<128x640xi1>, vector<128x640xf32>
    %slice3A_1211 = vector.extract_strided_slice %select_n3A_1210 {offsets = [0, 512], sizes = [128, 128], strides = [1, 1]} : vector<128x640xf32> to vector<128x128xf32>
    %abs3A_1212 = math.absf %slice3A_1211 : vector<128x128xf32>
    %eq3A_1213 = arith.constant 0x7F800000 : f32
    %eq3A_1214 = vector.broadcast %eq3A_1213 : f32 to vector<128x128xf32>
    %eq3A_1215 = arith.cmpf oeq, %abs3A_1212, %eq3A_1214 : vector<128x128xf32>
    %reduce_or3A_1216 = arith.constant 1.000000e+00 : f32
    %reduce_or3A_1217 = arith.constant 0.000000e+00 : f32
    %reduce_or3A_1218 = vector.broadcast %reduce_or3A_1216 : f32 to vector<128x128xf32>
    %reduce_or3A_1219 = vector.broadcast %reduce_or3A_1217 : f32 to vector<128x128xf32>
    %reduce_or3A_1220 = arith.select %eq3A_1215, %reduce_or3A_1218, %reduce_or3A_1219 : vector<128x128xi1>, vector<128x128xf32>
    %reduce_or3A_1221 = vector.shape_cast %reduce_or3A_1220 : vector<128x128xf32> to vector<1x128x128xf32>
    %reduce_or3A_1222 = arith.constant dense<0xFF800000> : vector<1xf32>
    %reduce_or3A_1223 = vector.multi_reduction <maximumf>, %reduce_or3A_1221, %reduce_or3A_1222 [1, 2] : vector<1x128x128xf32> to vector<1xf32>
    %reduce_or3A_1224 = vector.shape_cast %reduce_or3A_1223 : vector<1xf32> to vector<1x1x1xf32>
    %reduce_or3A_1225 = vector.extract %reduce_or3A_1224[0, 0, 0] : f32 from vector<1x1x1xf32>
    %reduce_or3A_1226 = arith.constant 0.000000e+00 : f32
    %reduce_or3A_1227 = arith.cmpf ogt, %reduce_or3A_1225, %reduce_or3A_1226 : f32
    %add3A_1228 = arith.constant 0 : i32
    %add3A_1229 = arith.addi %arg0, %add3A_1228 : i32
    %mul3A_1230 = arith.constant 2048 : i32
    %mul3A_1231 = arith.muli %add3A_1229, %mul3A_1230 : i32
    %add3A_1232 = vector.broadcast %mul3A_1231 : i32 to vector<128x32xi32>
    %add3A_1233 = arith.addi %select_n3A_1202, %add3A_1232 : vector<128x32xi32>
    %swap3A = arith.constant 0 : index
    %swap3A_1234 = arith.constant 0 : index
    %swap3A_1235 = arith.constant 0 : index
    %swap3A_1236 = vector.load %arg6[%swap3A, %swap3A_1234, %swap3A_1235] : memref<1x128x32xi32, #tpu.memory_space<vmem>>, vector<1x128x32xi32>
    %swap3A_1237 = vector.shape_cast %swap3A_1236 : vector<1x128x32xi32> to vector<128x32xi32>
    %swap3A_1238 = vector.shape_cast %add3A_1233 : vector<128x32xi32> to vector<1x128x32xi32>
    tpu.vector_store %arg6[%swap3A, %swap3A_1234, %swap3A_1235], %swap3A_1238 {strides = array<i32>} : memref<1x128x32xi32, #tpu.memory_space<vmem>>, vector<1x128x32xi32>,
    %or3A = arith.ori %reduce_or3A_642, %reduce_or3A_1227 : i1
    %convert_element_type3A = arith.extui %or3A : i1 to i32
    %cond3A = arith.constant 0 : i32
    %cond3A_1239 = arith.cmpi ne, %convert_element_type3A, %cond3A : i32
    scf.if %cond3A_1239 {
      %broadcast_in_dim3A_1240 = arith.constant 0 : i32
      %broadcast_in_dim3A_1241 = vector.broadcast %broadcast_in_dim3A_1240 : i32 to vector<128x32xi32>
      %iota3A_1242 = tpu.iota {dimensions = array<i32: 1>} : vector<128x2048xi32>
      %argmin3A = tpu.reduce_index %sqrt3A {axis = 1 : i32, kind = #tpu.reduction_kind<arg_min>} : vector<128x2048xf32> -> vector<128xi32>
      %broadcast_in_dim3A_1243 = vector.shape_cast %argmin3A : vector<128xi32> to vector<128x1xi32>
      %eq3A_1244 = arith.constant 0 : i32
      %eq3A_1245 = vector.broadcast %eq3A_1244 : i32 to vector<128x32xi32>
      %eq3A_1246 = arith.cmpi eq, %iota3A, %eq3A_1245 : vector<128x32xi32>
      %broadcast_in_dim3A_1247 = vector.shape_cast %broadcast_in_dim3A_1243 : vector<128x1xi32> to vector<128x1xi32>
      %broadcast_in_dim3A_1248 = vector.broadcast %broadcast_in_dim3A_1247 : vector<128x1xi32> to vector<128x32xi32>
      %select_n3A_1249 = arith.select %eq3A_1246, %broadcast_in_dim3A_1248, %broadcast_in_dim3A_1241 : vector<128x32xi1>, vector<128x32xi32>
      %eq3A_1250 = vector.broadcast %broadcast_in_dim3A_1243 : vector<128x1xi32> to vector<128x2048xi32>
      %eq3A_1251 = arith.cmpi eq, %iota3A_1242, %eq3A_1250 : vector<128x2048xi32>
      %jit3A_1252 = arith.constant 0x7F800000 : f32
      %broadcast_in_dim3A_1253 = vector.broadcast %jit3A_1252 : f32 to vector<128x2048xf32>
      %select_n3A_1254 = arith.select %eq3A_1251, %broadcast_in_dim3A_1253, %sqrt3A : vector<128x2048xi1>, vector<128x2048xf32>
      %argmin3A_1255 = tpu.reduce_index %select_n3A_1254 {axis = 1 : i32, kind = #tpu.reduction_kind<arg_min>} : vector<128x2048xf32> -> vector<128xi32>
      %broadcast_in_dim3A_1256 = vector.shape_cast %argmin3A_1255 : vector<128xi32> to vector<128x1xi32>
      %eq3A_1257 = arith.constant 1 : i32
      %eq3A_1258 = vector.broadcast %eq3A_1257 : i32 to vector<128x32xi32>
      %eq3A_1259 = arith.cmpi eq, %iota3A, %eq3A_1258 : vector<128x32xi32>
      %broadcast_in_dim3A_1260 = vector.shape_cast %broadcast_in_dim3A_1256 : vector<128x1xi32> to vector<128x1xi32>
      %broadcast_in_dim3A_1261 = vector.broadcast %broadcast_in_dim3A_1260 : vector<128x1xi32> to vector<128x32xi32>
      %select_n3A_1262 = arith.select %eq3A_1259, %broadcast_in_dim3A_1261, %select_n3A_1249 : vector<128x32xi1>, vector<128x32xi32>
      %eq3A_1263 = vector.broadcast %broadcast_in_dim3A_1256 : vector<128x1xi32> to vector<128x2048xi32>
      %eq3A_1264 = arith.cmpi eq, %iota3A_1242, %eq3A_1263 : vector<128x2048xi32>
      %jit3A_1265 = arith.constant 0x7F800000 : f32
      %broadcast_in_dim3A_1266 = vector.broadcast %jit3A_1265 : f32 to vector<128x2048xf32>
      %select_n3A_1267 = arith.select %eq3A_1264, %broadcast_in_dim3A_1266, %select_n3A_1254 : vector<128x2048xi1>, vector<128x2048xf32>
      %argmin3A_1268 = tpu.reduce_index %select_n3A_1267 {axis = 1 : i32, kind = #tpu.reduction_kind<arg_min>} : vector<128x2048xf32> -> vector<128xi32>
      %broadcast_in_dim3A_1269 = vector.shape_cast %argmin3A_1268 : vector<128xi32> to vector<128x1xi32>
      %eq3A_1270 = arith.constant 2 : i32
      %eq3A_1271 = vector.broadcast %eq3A_1270 : i32 to vector<128x32xi32>
      %eq3A_1272 = arith.cmpi eq, %iota3A, %eq3A_1271 : vector<128x32xi32>
      %broadcast_in_dim3A_1273 = vector.shape_cast %broadcast_in_dim3A_1269 : vector<128x1xi32> to vector<128x1xi32>
      %broadcast_in_dim3A_1274 = vector.broadcast %broadcast_in_dim3A_1273 : vector<128x1xi32> to vector<128x32xi32>
      %select_n3A_1275 = arith.select %eq3A_1272, %broadcast_in_dim3A_1274, %select_n3A_1262 : vector<128x32xi1>, vector<128x32xi32>
      %eq3A_1276 = vector.broadcast %broadcast_in_dim3A_1269 : vector<128x1xi32> to vector<128x2048xi32>
      %eq3A_1277 = arith.cmpi eq, %iota3A_1242, %eq3A_1276 : vector<128x2048xi32>
      %jit3A_1278 = arith.constant 0x7F800000 : f32
      %broadcast_in_dim3A_1279 = vector.broadcast %jit3A_1278 : f32 to vector<128x2048xf32>
      %select_n3A_1280 = arith.select %eq3A_1277, %broadcast_in_dim3A_1279, %select_n3A_1267 : vector<128x2048xi1>, vector<128x2048xf32>
      %argmin3A_1281 = tpu.reduce_index %select_n3A_1280 {axis = 1 : i32, kind = #tpu.reduction_kind<arg_min>} : vector<128x2048xf32> -> vector<128xi32>
      %broadcast_in_dim3A_1282 = vector.shape_cast %argmin3A_1281 : vector<128xi32> to vector<128x1xi32>
      %eq3A_1283 = arith.constant 3 : i32
      %eq3A_1284 = vector.broadcast %eq3A_1283 : i32 to vector<128x32xi32>
      %eq3A_1285 = arith.cmpi eq, %iota3A, %eq3A_1284 : vector<128x32xi32>
      %broadcast_in_dim3A_1286 = vector.shape_cast %broadcast_in_dim3A_1282 : vector<128x1xi32> to vector<128x1xi32>
      %broadcast_in_dim3A_1287 = vector.broadcast %broadcast_in_dim3A_1286 : vector<128x1xi32> to vector<128x32xi32>
      %select_n3A_1288 = arith.select %eq3A_1285, %broadcast_in_dim3A_1287, %select_n3A_1275 : vector<128x32xi1>, vector<128x32xi32>
      %eq3A_1289 = vector.broadcast %broadcast_in_dim3A_1282 : vector<128x1xi32> to vector<128x2048xi32>
      %eq3A_1290 = arith.cmpi eq, %iota3A_1242, %eq3A_1289 : vector<128x2048xi32>
      %jit3A_1291 = arith.constant 0x7F800000 : f32
      %broadcast_in_dim3A_1292 = vector.broadcast %jit3A_1291 : f32 to vector<128x2048xf32>
      %select_n3A_1293 = arith.select %eq3A_1290, %broadcast_in_dim3A_1292, %select_n3A_1280 : vector<128x2048xi1>, vector<128x2048xf32>
      %argmin3A_1294 = tpu.reduce_index %select_n3A_1293 {axis = 1 : i32, kind = #tpu.reduction_kind<arg_min>} : vector<128x2048xf32> -> vector<128xi32>
      %broadcast_in_dim3A_1295 = vector.shape_cast %argmin3A_1294 : vector<128xi32> to vector<128x1xi32>
      %eq3A_1296 = arith.constant 4 : i32
      %eq3A_1297 = vector.broadcast %eq3A_1296 : i32 to vector<128x32xi32>
      %eq3A_1298 = arith.cmpi eq, %iota3A, %eq3A_1297 : vector<128x32xi32>
      %broadcast_in_dim3A_1299 = vector.shape_cast %broadcast_in_dim3A_1295 : vector<128x1xi32> to vector<128x1xi32>
      %broadcast_in_dim3A_1300 = vector.broadcast %broadcast_in_dim3A_1299 : vector<128x1xi32> to vector<128x32xi32>
      %select_n3A_1301 = arith.select %eq3A_1298, %broadcast_in_dim3A_1300, %select_n3A_1288 : vector<128x32xi1>, vector<128x32xi32>
      %eq3A_1302 = vector.broadcast %broadcast_in_dim3A_1295 : vector<128x1xi32> to vector<128x2048xi32>
      %eq3A_1303 = arith.cmpi eq, %iota3A_1242, %eq3A_1302 : vector<128x2048xi32>
      %jit3A_1304 = arith.constant 0x7F800000 : f32
      %broadcast_in_dim3A_1305 = vector.broadcast %jit3A_1304 : f32 to vector<128x2048xf32>
      %select_n3A_1306 = arith.select %eq3A_1303, %broadcast_in_dim3A_1305, %select_n3A_1293 : vector<128x2048xi1>, vector<128x2048xf32>
      %argmin3A_1307 = tpu.reduce_index %select_n3A_1306 {axis = 1 : i32, kind = #tpu.reduction_kind<arg_min>} : vector<128x2048xf32> -> vector<128xi32>
      %broadcast_in_dim3A_1308 = vector.shape_cast %argmin3A_1307 : vector<128xi32> to vector<128x1xi32>
      %eq3A_1309 = arith.constant 5 : i32
      %eq3A_1310 = vector.broadcast %eq3A_1309 : i32 to vector<128x32xi32>
      %eq3A_1311 = arith.cmpi eq, %iota3A, %eq3A_1310 : vector<128x32xi32>
      %broadcast_in_dim3A_1312 = vector.shape_cast %broadcast_in_dim3A_1308 : vector<128x1xi32> to vector<128x1xi32>
      %broadcast_in_dim3A_1313 = vector.broadcast %broadcast_in_dim3A_1312 : vector<128x1xi32> to vector<128x32xi32>
      %select_n3A_1314 = arith.select %eq3A_1311, %broadcast_in_dim3A_1313, %select_n3A_1301 : vector<128x32xi1>, vector<128x32xi32>
      %eq3A_1315 = vector.broadcast %broadcast_in_dim3A_1308 : vector<128x1xi32> to vector<128x2048xi32>
      %eq3A_1316 = arith.cmpi eq, %iota3A_1242, %eq3A_1315 : vector<128x2048xi32>
      %jit3A_1317 = arith.constant 0x7F800000 : f32
      %broadcast_in_dim3A_1318 = vector.broadcast %jit3A_1317 : f32 to vector<128x2048xf32>
      %select_n3A_1319 = arith.select %eq3A_1316, %broadcast_in_dim3A_1318, %select_n3A_1306 : vector<128x2048xi1>, vector<128x2048xf32>
      %argmin3A_1320 = tpu.reduce_index %select_n3A_1319 {axis = 1 : i32, kind = #tpu.reduction_kind<arg_min>} : vector<128x2048xf32> -> vector<128xi32>
      %broadcast_in_dim3A_1321 = vector.shape_cast %argmin3A_1320 : vector<128xi32> to vector<128x1xi32>
      %eq3A_1322 = arith.constant 6 : i32
      %eq3A_1323 = vector.broadcast %eq3A_1322 : i32 to vector<128x32xi32>
      %eq3A_1324 = arith.cmpi eq, %iota3A, %eq3A_1323 : vector<128x32xi32>
      %broadcast_in_dim3A_1325 = vector.shape_cast %broadcast_in_dim3A_1321 : vector<128x1xi32> to vector<128x1xi32>
      %broadcast_in_dim3A_1326 = vector.broadcast %broadcast_in_dim3A_1325 : vector<128x1xi32> to vector<128x32xi32>
      %select_n3A_1327 = arith.select %eq3A_1324, %broadcast_in_dim3A_1326, %select_n3A_1314 : vector<128x32xi1>, vector<128x32xi32>
      %eq3A_1328 = vector.broadcast %broadcast_in_dim3A_1321 : vector<128x1xi32> to vector<128x2048xi32>
      %eq3A_1329 = arith.cmpi eq, %iota3A_1242, %eq3A_1328 : vector<128x2048xi32>
      %jit3A_1330 = arith.constant 0x7F800000 : f32
      %broadcast_in_dim3A_1331 = vector.broadcast %jit3A_1330 : f32 to vector<128x2048xf32>
      %select_n3A_1332 = arith.select %eq3A_1329, %broadcast_in_dim3A_1331, %select_n3A_1319 : vector<128x2048xi1>, vector<128x2048xf32>
      %argmin3A_1333 = tpu.reduce_index %select_n3A_1332 {axis = 1 : i32, kind = #tpu.reduction_kind<arg_min>} : vector<128x2048xf32> -> vector<128xi32>
      %broadcast_in_dim3A_1334 = vector.shape_cast %argmin3A_1333 : vector<128xi32> to vector<128x1xi32>
      %eq3A_1335 = arith.constant 7 : i32
      %eq3A_1336 = vector.broadcast %eq3A_1335 : i32 to vector<128x32xi32>
      %eq3A_1337 = arith.cmpi eq, %iota3A, %eq3A_1336 : vector<128x32xi32>
      %broadcast_in_dim3A_1338 = vector.shape_cast %broadcast_in_dim3A_1334 : vector<128x1xi32> to vector<128x1xi32>
      %broadcast_in_dim3A_1339 = vector.broadcast %broadcast_in_dim3A_1338 : vector<128x1xi32> to vector<128x32xi32>
      %select_n3A_1340 = arith.select %eq3A_1337, %broadcast_in_dim3A_1339, %select_n3A_1327 : vector<128x32xi1>, vector<128x32xi32>
      %eq3A_1341 = vector.broadcast %broadcast_in_dim3A_1334 : vector<128x1xi32> to vector<128x2048xi32>
      %eq3A_1342 = arith.cmpi eq, %iota3A_1242, %eq3A_1341 : vector<128x2048xi32>
      %jit3A_1343 = arith.constant 0x7F800000 : f32
      %broadcast_in_dim3A_1344 = vector.broadcast %jit3A_1343 : f32 to vector<128x2048xf32>
      %select_n3A_1345 = arith.select %eq3A_1342, %broadcast_in_dim3A_1344, %select_n3A_1332 : vector<128x2048xi1>, vector<128x2048xf32>
      %argmin3A_1346 = tpu.reduce_index %select_n3A_1345 {axis = 1 : i32, kind = #tpu.reduction_kind<arg_min>} : vector<128x2048xf32> -> vector<128xi32>
      %broadcast_in_dim3A_1347 = vector.shape_cast %argmin3A_1346 : vector<128xi32> to vector<128x1xi32>
      %eq3A_1348 = arith.constant 8 : i32
      %eq3A_1349 = vector.broadcast %eq3A_1348 : i32 to vector<128x32xi32>
      %eq3A_1350 = arith.cmpi eq, %iota3A, %eq3A_1349 : vector<128x32xi32>
      %broadcast_in_dim3A_1351 = vector.shape_cast %broadcast_in_dim3A_1347 : vector<128x1xi32> to vector<128x1xi32>
      %broadcast_in_dim3A_1352 = vector.broadcast %broadcast_in_dim3A_1351 : vector<128x1xi32> to vector<128x32xi32>
      %select_n3A_1353 = arith.select %eq3A_1350, %broadcast_in_dim3A_1352, %select_n3A_1340 : vector<128x32xi1>, vector<128x32xi32>
      %eq3A_1354 = vector.broadcast %broadcast_in_dim3A_1347 : vector<128x1xi32> to vector<128x2048xi32>
      %eq3A_1355 = arith.cmpi eq, %iota3A_1242, %eq3A_1354 : vector<128x2048xi32>
      %jit3A_1356 = arith.constant 0x7F800000 : f32
      %broadcast_in_dim3A_1357 = vector.broadcast %jit3A_1356 : f32 to vector<128x2048xf32>
      %select_n3A_1358 = arith.select %eq3A_1355, %broadcast_in_dim3A_1357, %select_n3A_1345 : vector<128x2048xi1>, vector<128x2048xf32>
      %argmin3A_1359 = tpu.reduce_index %select_n3A_1358 {axis = 1 : i32, kind = #tpu.reduction_kind<arg_min>} : vector<128x2048xf32> -> vector<128xi32>
      %broadcast_in_dim3A_1360 = vector.shape_cast %argmin3A_1359 : vector<128xi32> to vector<128x1xi32>
      %eq3A_1361 = arith.constant 9 : i32
      %eq3A_1362 = vector.broadcast %eq3A_1361 : i32 to vector<128x32xi32>
      %eq3A_1363 = arith.cmpi eq, %iota3A, %eq3A_1362 : vector<128x32xi32>
      %broadcast_in_dim3A_1364 = vector.shape_cast %broadcast_in_dim3A_1360 : vector<128x1xi32> to vector<128x1xi32>
      %broadcast_in_dim3A_1365 = vector.broadcast %broadcast_in_dim3A_1364 : vector<128x1xi32> to vector<128x32xi32>
      %select_n3A_1366 = arith.select %eq3A_1363, %broadcast_in_dim3A_1365, %select_n3A_1353 : vector<128x32xi1>, vector<128x32xi32>
      %eq3A_1367 = vector.broadcast %broadcast_in_dim3A_1360 : vector<128x1xi32> to vector<128x2048xi32>
      %eq3A_1368 = arith.cmpi eq, %iota3A_1242, %eq3A_1367 : vector<128x2048xi32>
      %jit3A_1369 = arith.constant 0x7F800000 : f32
      %broadcast_in_dim3A_1370 = vector.broadcast %jit3A_1369 : f32 to vector<128x2048xf32>
      %select_n3A_1371 = arith.select %eq3A_1368, %broadcast_in_dim3A_1370, %select_n3A_1358 : vector<128x2048xi1>, vector<128x2048xf32>
      %argmin3A_1372 = tpu.reduce_index %select_n3A_1371 {axis = 1 : i32, kind = #tpu.reduction_kind<arg_min>} : vector<128x2048xf32> -> vector<128xi32>
      %broadcast_in_dim3A_1373 = vector.shape_cast %argmin3A_1372 : vector<128xi32> to vector<128x1xi32>
      %eq3A_1374 = arith.constant 10 : i32
      %eq3A_1375 = vector.broadcast %eq3A_1374 : i32 to vector<128x32xi32>
      %eq3A_1376 = arith.cmpi eq, %iota3A, %eq3A_1375 : vector<128x32xi32>
      %broadcast_in_dim3A_1377 = vector.shape_cast %broadcast_in_dim3A_1373 : vector<128x1xi32> to vector<128x1xi32>
      %broadcast_in_dim3A_1378 = vector.broadcast %broadcast_in_dim3A_1377 : vector<128x1xi32> to vector<128x32xi32>
      %select_n3A_1379 = arith.select %eq3A_1376, %broadcast_in_dim3A_1378, %select_n3A_1366 : vector<128x32xi1>, vector<128x32xi32>
      %eq3A_1380 = vector.broadcast %broadcast_in_dim3A_1373 : vector<128x1xi32> to vector<128x2048xi32>
      %eq3A_1381 = arith.cmpi eq, %iota3A_1242, %eq3A_1380 : vector<128x2048xi32>
      %jit3A_1382 = arith.constant 0x7F800000 : f32
      %broadcast_in_dim3A_1383 = vector.broadcast %jit3A_1382 : f32 to vector<128x2048xf32>
      %select_n3A_1384 = arith.select %eq3A_1381, %broadcast_in_dim3A_1383, %select_n3A_1371 : vector<128x2048xi1>, vector<128x2048xf32>
      %argmin3A_1385 = tpu.reduce_index %select_n3A_1384 {axis = 1 : i32, kind = #tpu.reduction_kind<arg_min>} : vector<128x2048xf32> -> vector<128xi32>
      %broadcast_in_dim3A_1386 = vector.shape_cast %argmin3A_1385 : vector<128xi32> to vector<128x1xi32>
      %eq3A_1387 = arith.constant 11 : i32
      %eq3A_1388 = vector.broadcast %eq3A_1387 : i32 to vector<128x32xi32>
      %eq3A_1389 = arith.cmpi eq, %iota3A, %eq3A_1388 : vector<128x32xi32>
      %broadcast_in_dim3A_1390 = vector.shape_cast %broadcast_in_dim3A_1386 : vector<128x1xi32> to vector<128x1xi32>
      %broadcast_in_dim3A_1391 = vector.broadcast %broadcast_in_dim3A_1390 : vector<128x1xi32> to vector<128x32xi32>
      %select_n3A_1392 = arith.select %eq3A_1389, %broadcast_in_dim3A_1391, %select_n3A_1379 : vector<128x32xi1>, vector<128x32xi32>
      %eq3A_1393 = vector.broadcast %broadcast_in_dim3A_1386 : vector<128x1xi32> to vector<128x2048xi32>
      %eq3A_1394 = arith.cmpi eq, %iota3A_1242, %eq3A_1393 : vector<128x2048xi32>
      %jit3A_1395 = arith.constant 0x7F800000 : f32
      %broadcast_in_dim3A_1396 = vector.broadcast %jit3A_1395 : f32 to vector<128x2048xf32>
      %select_n3A_1397 = arith.select %eq3A_1394, %broadcast_in_dim3A_1396, %select_n3A_1384 : vector<128x2048xi1>, vector<128x2048xf32>
      %argmin3A_1398 = tpu.reduce_index %select_n3A_1397 {axis = 1 : i32, kind = #tpu.reduction_kind<arg_min>} : vector<128x2048xf32> -> vector<128xi32>
      %broadcast_in_dim3A_1399 = vector.shape_cast %argmin3A_1398 : vector<128xi32> to vector<128x1xi32>
      %eq3A_1400 = arith.constant 12 : i32
      %eq3A_1401 = vector.broadcast %eq3A_1400 : i32 to vector<128x32xi32>
      %eq3A_1402 = arith.cmpi eq, %iota3A, %eq3A_1401 : vector<128x32xi32>
      %broadcast_in_dim3A_1403 = vector.shape_cast %broadcast_in_dim3A_1399 : vector<128x1xi32> to vector<128x1xi32>
      %broadcast_in_dim3A_1404 = vector.broadcast %broadcast_in_dim3A_1403 : vector<128x1xi32> to vector<128x32xi32>
      %select_n3A_1405 = arith.select %eq3A_1402, %broadcast_in_dim3A_1404, %select_n3A_1392 : vector<128x32xi1>, vector<128x32xi32>
      %eq3A_1406 = vector.broadcast %broadcast_in_dim3A_1399 : vector<128x1xi32> to vector<128x2048xi32>
      %eq3A_1407 = arith.cmpi eq, %iota3A_1242, %eq3A_1406 : vector<128x2048xi32>
      %jit3A_1408 = arith.constant 0x7F800000 : f32
      %broadcast_in_dim3A_1409 = vector.broadcast %jit3A_1408 : f32 to vector<128x2048xf32>
      %select_n3A_1410 = arith.select %eq3A_1407, %broadcast_in_dim3A_1409, %select_n3A_1397 : vector<128x2048xi1>, vector<128x2048xf32>
      %argmin3A_1411 = tpu.reduce_index %select_n3A_1410 {axis = 1 : i32, kind = #tpu.reduction_kind<arg_min>} : vector<128x2048xf32> -> vector<128xi32>
      %broadcast_in_dim3A_1412 = vector.shape_cast %argmin3A_1411 : vector<128xi32> to vector<128x1xi32>
      %eq3A_1413 = arith.constant 13 : i32
      %eq3A_1414 = vector.broadcast %eq3A_1413 : i32 to vector<128x32xi32>
      %eq3A_1415 = arith.cmpi eq, %iota3A, %eq3A_1414 : vector<128x32xi32>
      %broadcast_in_dim3A_1416 = vector.shape_cast %broadcast_in_dim3A_1412 : vector<128x1xi32> to vector<128x1xi32>
      %broadcast_in_dim3A_1417 = vector.broadcast %broadcast_in_dim3A_1416 : vector<128x1xi32> to vector<128x32xi32>
      %select_n3A_1418 = arith.select %eq3A_1415, %broadcast_in_dim3A_1417, %select_n3A_1405 : vector<128x32xi1>, vector<128x32xi32>
      %eq3A_1419 = vector.broadcast %broadcast_in_dim3A_1412 : vector<128x1xi32> to vector<128x2048xi32>
      %eq3A_1420 = arith.cmpi eq, %iota3A_1242, %eq3A_1419 : vector<128x2048xi32>
      %jit3A_1421 = arith.constant 0x7F800000 : f32
      %broadcast_in_dim3A_1422 = vector.broadcast %jit3A_1421 : f32 to vector<128x2048xf32>
      %select_n3A_1423 = arith.select %eq3A_1420, %broadcast_in_dim3A_1422, %select_n3A_1410 : vector<128x2048xi1>, vector<128x2048xf32>
      %argmin3A_1424 = tpu.reduce_index %select_n3A_1423 {axis = 1 : i32, kind = #tpu.reduction_kind<arg_min>} : vector<128x2048xf32> -> vector<128xi32>
      %broadcast_in_dim3A_1425 = vector.shape_cast %argmin3A_1424 : vector<128xi32> to vector<128x1xi32>
      %eq3A_1426 = arith.constant 14 : i32
      %eq3A_1427 = vector.broadcast %eq3A_1426 : i32 to vector<128x32xi32>
      %eq3A_1428 = arith.cmpi eq, %iota3A, %eq3A_1427 : vector<128x32xi32>
      %broadcast_in_dim3A_1429 = vector.shape_cast %broadcast_in_dim3A_1425 : vector<128x1xi32> to vector<128x1xi32>
      %broadcast_in_dim3A_1430 = vector.broadcast %broadcast_in_dim3A_1429 : vector<128x1xi32> to vector<128x32xi32>
      %select_n3A_1431 = arith.select %eq3A_1428, %broadcast_in_dim3A_1430, %select_n3A_1418 : vector<128x32xi1>, vector<128x32xi32>
      %eq3A_1432 = vector.broadcast %broadcast_in_dim3A_1425 : vector<128x1xi32> to vector<128x2048xi32>
      %eq3A_1433 = arith.cmpi eq, %iota3A_1242, %eq3A_1432 : vector<128x2048xi32>
      %jit3A_1434 = arith.constant 0x7F800000 : f32
      %broadcast_in_dim3A_1435 = vector.broadcast %jit3A_1434 : f32 to vector<128x2048xf32>
      %select_n3A_1436 = arith.select %eq3A_1433, %broadcast_in_dim3A_1435, %select_n3A_1423 : vector<128x2048xi1>, vector<128x2048xf32>
      %argmin3A_1437 = tpu.reduce_index %select_n3A_1436 {axis = 1 : i32, kind = #tpu.reduction_kind<arg_min>} : vector<128x2048xf32> -> vector<128xi32>
      %broadcast_in_dim3A_1438 = vector.shape_cast %argmin3A_1437 : vector<128xi32> to vector<128x1xi32>
      %eq3A_1439 = arith.constant 15 : i32
      %eq3A_1440 = vector.broadcast %eq3A_1439 : i32 to vector<128x32xi32>
      %eq3A_1441 = arith.cmpi eq, %iota3A, %eq3A_1440 : vector<128x32xi32>
      %broadcast_in_dim3A_1442 = vector.shape_cast %broadcast_in_dim3A_1438 : vector<128x1xi32> to vector<128x1xi32>
      %broadcast_in_dim3A_1443 = vector.broadcast %broadcast_in_dim3A_1442 : vector<128x1xi32> to vector<128x32xi32>
      %select_n3A_1444 = arith.select %eq3A_1441, %broadcast_in_dim3A_1443, %select_n3A_1431 : vector<128x32xi1>, vector<128x32xi32>
      %iota3A_1445 = tpu.iota {dimensions = array<i32: 1>} : vector<128x2048xi32>
      %argmin3A_1446 = tpu.reduce_index %sub3A_65 {axis = 1 : i32, kind = #tpu.reduction_kind<arg_min>} : vector<128x2048xf32> -> vector<128xi32>
      %broadcast_in_dim3A_1447 = vector.shape_cast %argmin3A_1446 : vector<128xi32> to vector<128x1xi32>
      %eq3A_1448 = arith.constant 16 : i32
      %eq3A_1449 = vector.broadcast %eq3A_1448 : i32 to vector<128x32xi32>
      %eq3A_1450 = arith.cmpi eq, %iota3A, %eq3A_1449 : vector<128x32xi32>
      %broadcast_in_dim3A_1451 = vector.shape_cast %broadcast_in_dim3A_1447 : vector<128x1xi32> to vector<128x1xi32>
      %broadcast_in_dim3A_1452 = vector.broadcast %broadcast_in_dim3A_1451 : vector<128x1xi32> to vector<128x32xi32>
      %select_n3A_1453 = arith.select %eq3A_1450, %broadcast_in_dim3A_1452, %select_n3A_1444 : vector<128x32xi1>, vector<128x32xi32>
      %eq3A_1454 = vector.broadcast %broadcast_in_dim3A_1447 : vector<128x1xi32> to vector<128x2048xi32>
      %eq3A_1455 = arith.cmpi eq, %iota3A_1445, %eq3A_1454 : vector<128x2048xi32>
      %jit3A_1456 = arith.constant 0x7F800000 : f32
      %broadcast_in_dim3A_1457 = vector.broadcast %jit3A_1456 : f32 to vector<128x2048xf32>
      %select_n3A_1458 = arith.select %eq3A_1455, %broadcast_in_dim3A_1457, %sub3A_65 : vector<128x2048xi1>, vector<128x2048xf32>
      %argmin3A_1459 = tpu.reduce_index %select_n3A_1458 {axis = 1 : i32, kind = #tpu.reduction_kind<arg_min>} : vector<128x2048xf32> -> vector<128xi32>
      %broadcast_in_dim3A_1460 = vector.shape_cast %argmin3A_1459 : vector<128xi32> to vector<128x1xi32>
      %eq3A_1461 = arith.constant 17 : i32
      %eq3A_1462 = vector.broadcast %eq3A_1461 : i32 to vector<128x32xi32>
      %eq3A_1463 = arith.cmpi eq, %iota3A, %eq3A_1462 : vector<128x32xi32>
      %broadcast_in_dim3A_1464 = vector.shape_cast %broadcast_in_dim3A_1460 : vector<128x1xi32> to vector<128x1xi32>
      %broadcast_in_dim3A_1465 = vector.broadcast %broadcast_in_dim3A_1464 : vector<128x1xi32> to vector<128x32xi32>
      %select_n3A_1466 = arith.select %eq3A_1463, %broadcast_in_dim3A_1465, %select_n3A_1453 : vector<128x32xi1>, vector<128x32xi32>
      %eq3A_1467 = vector.broadcast %broadcast_in_dim3A_1460 : vector<128x1xi32> to vector<128x2048xi32>
      %eq3A_1468 = arith.cmpi eq, %iota3A_1445, %eq3A_1467 : vector<128x2048xi32>
      %jit3A_1469 = arith.constant 0x7F800000 : f32
      %broadcast_in_dim3A_1470 = vector.broadcast %jit3A_1469 : f32 to vector<128x2048xf32>
      %select_n3A_1471 = arith.select %eq3A_1468, %broadcast_in_dim3A_1470, %select_n3A_1458 : vector<128x2048xi1>, vector<128x2048xf32>
      %argmin3A_1472 = tpu.reduce_index %select_n3A_1471 {axis = 1 : i32, kind = #tpu.reduction_kind<arg_min>} : vector<128x2048xf32> -> vector<128xi32>
      %broadcast_in_dim3A_1473 = vector.shape_cast %argmin3A_1472 : vector<128xi32> to vector<128x1xi32>
      %eq3A_1474 = arith.constant 18 : i32
      %eq3A_1475 = vector.broadcast %eq3A_1474 : i32 to vector<128x32xi32>
      %eq3A_1476 = arith.cmpi eq, %iota3A, %eq3A_1475 : vector<128x32xi32>
      %broadcast_in_dim3A_1477 = vector.shape_cast %broadcast_in_dim3A_1473 : vector<128x1xi32> to vector<128x1xi32>
      %broadcast_in_dim3A_1478 = vector.broadcast %broadcast_in_dim3A_1477 : vector<128x1xi32> to vector<128x32xi32>
      %select_n3A_1479 = arith.select %eq3A_1476, %broadcast_in_dim3A_1478, %select_n3A_1466 : vector<128x32xi1>, vector<128x32xi32>
      %eq3A_1480 = vector.broadcast %broadcast_in_dim3A_1473 : vector<128x1xi32> to vector<128x2048xi32>
      %eq3A_1481 = arith.cmpi eq, %iota3A_1445, %eq3A_1480 : vector<128x2048xi32>
      %jit3A_1482 = arith.constant 0x7F800000 : f32
      %broadcast_in_dim3A_1483 = vector.broadcast %jit3A_1482 : f32 to vector<128x2048xf32>
      %select_n3A_1484 = arith.select %eq3A_1481, %broadcast_in_dim3A_1483, %select_n3A_1471 : vector<128x2048xi1>, vector<128x2048xf32>
      %argmin3A_1485 = tpu.reduce_index %select_n3A_1484 {axis = 1 : i32, kind = #tpu.reduction_kind<arg_min>} : vector<128x2048xf32> -> vector<128xi32>
      %broadcast_in_dim3A_1486 = vector.shape_cast %argmin3A_1485 : vector<128xi32> to vector<128x1xi32>
      %eq3A_1487 = arith.constant 19 : i32
      %eq3A_1488 = vector.broadcast %eq3A_1487 : i32 to vector<128x32xi32>
      %eq3A_1489 = arith.cmpi eq, %iota3A, %eq3A_1488 : vector<128x32xi32>
      %broadcast_in_dim3A_1490 = vector.shape_cast %broadcast_in_dim3A_1486 : vector<128x1xi32> to vector<128x1xi32>
      %broadcast_in_dim3A_1491 = vector.broadcast %broadcast_in_dim3A_1490 : vector<128x1xi32> to vector<128x32xi32>
      %select_n3A_1492 = arith.select %eq3A_1489, %broadcast_in_dim3A_1491, %select_n3A_1479 : vector<128x32xi1>, vector<128x32xi32>
      %eq3A_1493 = vector.broadcast %broadcast_in_dim3A_1486 : vector<128x1xi32> to vector<128x2048xi32>
      %eq3A_1494 = arith.cmpi eq, %iota3A_1445, %eq3A_1493 : vector<128x2048xi32>
      %jit3A_1495 = arith.constant 0x7F800000 : f32
      %broadcast_in_dim3A_1496 = vector.broadcast %jit3A_1495 : f32 to vector<128x2048xf32>
      %select_n3A_1497 = arith.select %eq3A_1494, %broadcast_in_dim3A_1496, %select_n3A_1484 : vector<128x2048xi1>, vector<128x2048xf32>
      %argmin3A_1498 = tpu.reduce_index %select_n3A_1497 {axis = 1 : i32, kind = #tpu.reduction_kind<arg_min>} : vector<128x2048xf32> -> vector<128xi32>
      %broadcast_in_dim3A_1499 = vector.shape_cast %argmin3A_1498 : vector<128xi32> to vector<128x1xi32>
      %eq3A_1500 = arith.constant 20 : i32
      %eq3A_1501 = vector.broadcast %eq3A_1500 : i32 to vector<128x32xi32>
      %eq3A_1502 = arith.cmpi eq, %iota3A, %eq3A_1501 : vector<128x32xi32>
      %broadcast_in_dim3A_1503 = vector.shape_cast %broadcast_in_dim3A_1499 : vector<128x1xi32> to vector<128x1xi32>
      %broadcast_in_dim3A_1504 = vector.broadcast %broadcast_in_dim3A_1503 : vector<128x1xi32> to vector<128x32xi32>
      %select_n3A_1505 = arith.select %eq3A_1502, %broadcast_in_dim3A_1504, %select_n3A_1492 : vector<128x32xi1>, vector<128x32xi32>
      %eq3A_1506 = vector.broadcast %broadcast_in_dim3A_1499 : vector<128x1xi32> to vector<128x2048xi32>
      %eq3A_1507 = arith.cmpi eq, %iota3A_1445, %eq3A_1506 : vector<128x2048xi32>
      %jit3A_1508 = arith.constant 0x7F800000 : f32
      %broadcast_in_dim3A_1509 = vector.broadcast %jit3A_1508 : f32 to vector<128x2048xf32>
      %select_n3A_1510 = arith.select %eq3A_1507, %broadcast_in_dim3A_1509, %select_n3A_1497 : vector<128x2048xi1>, vector<128x2048xf32>
      %argmin3A_1511 = tpu.reduce_index %select_n3A_1510 {axis = 1 : i32, kind = #tpu.reduction_kind<arg_min>} : vector<128x2048xf32> -> vector<128xi32>
      %broadcast_in_dim3A_1512 = vector.shape_cast %argmin3A_1511 : vector<128xi32> to vector<128x1xi32>
      %eq3A_1513 = arith.constant 21 : i32
      %eq3A_1514 = vector.broadcast %eq3A_1513 : i32 to vector<128x32xi32>
      %eq3A_1515 = arith.cmpi eq, %iota3A, %eq3A_1514 : vector<128x32xi32>
      %broadcast_in_dim3A_1516 = vector.shape_cast %broadcast_in_dim3A_1512 : vector<128x1xi32> to vector<128x1xi32>
      %broadcast_in_dim3A_1517 = vector.broadcast %broadcast_in_dim3A_1516 : vector<128x1xi32> to vector<128x32xi32>
      %select_n3A_1518 = arith.select %eq3A_1515, %broadcast_in_dim3A_1517, %select_n3A_1505 : vector<128x32xi1>, vector<128x32xi32>
      %eq3A_1519 = vector.broadcast %broadcast_in_dim3A_1512 : vector<128x1xi32> to vector<128x2048xi32>
      %eq3A_1520 = arith.cmpi eq, %iota3A_1445, %eq3A_1519 : vector<128x2048xi32>
      %jit3A_1521 = arith.constant 0x7F800000 : f32
      %broadcast_in_dim3A_1522 = vector.broadcast %jit3A_1521 : f32 to vector<128x2048xf32>
      %select_n3A_1523 = arith.select %eq3A_1520, %broadcast_in_dim3A_1522, %select_n3A_1510 : vector<128x2048xi1>, vector<128x2048xf32>
      %argmin3A_1524 = tpu.reduce_index %select_n3A_1523 {axis = 1 : i32, kind = #tpu.reduction_kind<arg_min>} : vector<128x2048xf32> -> vector<128xi32>
      %broadcast_in_dim3A_1525 = vector.shape_cast %argmin3A_1524 : vector<128xi32> to vector<128x1xi32>
      %eq3A_1526 = arith.constant 22 : i32
      %eq3A_1527 = vector.broadcast %eq3A_1526 : i32 to vector<128x32xi32>
      %eq3A_1528 = arith.cmpi eq, %iota3A, %eq3A_1527 : vector<128x32xi32>
      %broadcast_in_dim3A_1529 = vector.shape_cast %broadcast_in_dim3A_1525 : vector<128x1xi32> to vector<128x1xi32>
      %broadcast_in_dim3A_1530 = vector.broadcast %broadcast_in_dim3A_1529 : vector<128x1xi32> to vector<128x32xi32>
      %select_n3A_1531 = arith.select %eq3A_1528, %broadcast_in_dim3A_1530, %select_n3A_1518 : vector<128x32xi1>, vector<128x32xi32>
      %eq3A_1532 = vector.broadcast %broadcast_in_dim3A_1525 : vector<128x1xi32> to vector<128x2048xi32>
      %eq3A_1533 = arith.cmpi eq, %iota3A_1445, %eq3A_1532 : vector<128x2048xi32>
      %jit3A_1534 = arith.constant 0x7F800000 : f32
      %broadcast_in_dim3A_1535 = vector.broadcast %jit3A_1534 : f32 to vector<128x2048xf32>
      %select_n3A_1536 = arith.select %eq3A_1533, %broadcast_in_dim3A_1535, %select_n3A_1523 : vector<128x2048xi1>, vector<128x2048xf32>
      %argmin3A_1537 = tpu.reduce_index %select_n3A_1536 {axis = 1 : i32, kind = #tpu.reduction_kind<arg_min>} : vector<128x2048xf32> -> vector<128xi32>
      %broadcast_in_dim3A_1538 = vector.shape_cast %argmin3A_1537 : vector<128xi32> to vector<128x1xi32>
      %eq3A_1539 = arith.constant 23 : i32
      %eq3A_1540 = vector.broadcast %eq3A_1539 : i32 to vector<128x32xi32>
      %eq3A_1541 = arith.cmpi eq, %iota3A, %eq3A_1540 : vector<128x32xi32>
      %broadcast_in_dim3A_1542 = vector.shape_cast %broadcast_in_dim3A_1538 : vector<128x1xi32> to vector<128x1xi32>
      %broadcast_in_dim3A_1543 = vector.broadcast %broadcast_in_dim3A_1542 : vector<128x1xi32> to vector<128x32xi32>
      %select_n3A_1544 = arith.select %eq3A_1541, %broadcast_in_dim3A_1543, %select_n3A_1531 : vector<128x32xi1>, vector<128x32xi32>
      %eq3A_1545 = vector.broadcast %broadcast_in_dim3A_1538 : vector<128x1xi32> to vector<128x2048xi32>
      %eq3A_1546 = arith.cmpi eq, %iota3A_1445, %eq3A_1545 : vector<128x2048xi32>
      %jit3A_1547 = arith.constant 0x7F800000 : f32
      %broadcast_in_dim3A_1548 = vector.broadcast %jit3A_1547 : f32 to vector<128x2048xf32>
      %select_n3A_1549 = arith.select %eq3A_1546, %broadcast_in_dim3A_1548, %select_n3A_1536 : vector<128x2048xi1>, vector<128x2048xf32>
      %argmin3A_1550 = tpu.reduce_index %select_n3A_1549 {axis = 1 : i32, kind = #tpu.reduction_kind<arg_min>} : vector<128x2048xf32> -> vector<128xi32>
      %broadcast_in_dim3A_1551 = vector.shape_cast %argmin3A_1550 : vector<128xi32> to vector<128x1xi32>
      %eq3A_1552 = arith.constant 24 : i32
      %eq3A_1553 = vector.broadcast %eq3A_1552 : i32 to vector<128x32xi32>
      %eq3A_1554 = arith.cmpi eq, %iota3A, %eq3A_1553 : vector<128x32xi32>
      %broadcast_in_dim3A_1555 = vector.shape_cast %broadcast_in_dim3A_1551 : vector<128x1xi32> to vector<128x1xi32>
      %broadcast_in_dim3A_1556 = vector.broadcast %broadcast_in_dim3A_1555 : vector<128x1xi32> to vector<128x32xi32>
      %select_n3A_1557 = arith.select %eq3A_1554, %broadcast_in_dim3A_1556, %select_n3A_1544 : vector<128x32xi1>, vector<128x32xi32>
      %eq3A_1558 = vector.broadcast %broadcast_in_dim3A_1551 : vector<128x1xi32> to vector<128x2048xi32>
      %eq3A_1559 = arith.cmpi eq, %iota3A_1445, %eq3A_1558 : vector<128x2048xi32>
      %jit3A_1560 = arith.constant 0x7F800000 : f32
      %broadcast_in_dim3A_1561 = vector.broadcast %jit3A_1560 : f32 to vector<128x2048xf32>
      %select_n3A_1562 = arith.select %eq3A_1559, %broadcast_in_dim3A_1561, %select_n3A_1549 : vector<128x2048xi1>, vector<128x2048xf32>
      %argmin3A_1563 = tpu.reduce_index %select_n3A_1562 {axis = 1 : i32, kind = #tpu.reduction_kind<arg_min>} : vector<128x2048xf32> -> vector<128xi32>
      %broadcast_in_dim3A_1564 = vector.shape_cast %argmin3A_1563 : vector<128xi32> to vector<128x1xi32>
      %eq3A_1565 = arith.constant 25 : i32
      %eq3A_1566 = vector.broadcast %eq3A_1565 : i32 to vector<128x32xi32>
      %eq3A_1567 = arith.cmpi eq, %iota3A, %eq3A_1566 : vector<128x32xi32>
      %broadcast_in_dim3A_1568 = vector.shape_cast %broadcast_in_dim3A_1564 : vector<128x1xi32> to vector<128x1xi32>
      %broadcast_in_dim3A_1569 = vector.broadcast %broadcast_in_dim3A_1568 : vector<128x1xi32> to vector<128x32xi32>
      %select_n3A_1570 = arith.select %eq3A_1567, %broadcast_in_dim3A_1569, %select_n3A_1557 : vector<128x32xi1>, vector<128x32xi32>
      %eq3A_1571 = vector.broadcast %broadcast_in_dim3A_1564 : vector<128x1xi32> to vector<128x2048xi32>
      %eq3A_1572 = arith.cmpi eq, %iota3A_1445, %eq3A_1571 : vector<128x2048xi32>
      %jit3A_1573 = arith.constant 0x7F800000 : f32
      %broadcast_in_dim3A_1574 = vector.broadcast %jit3A_1573 : f32 to vector<128x2048xf32>
      %select_n3A_1575 = arith.select %eq3A_1572, %broadcast_in_dim3A_1574, %select_n3A_1562 : vector<128x2048xi1>, vector<128x2048xf32>
      %argmin3A_1576 = tpu.reduce_index %select_n3A_1575 {axis = 1 : i32, kind = #tpu.reduction_kind<arg_min>} : vector<128x2048xf32> -> vector<128xi32>
      %broadcast_in_dim3A_1577 = vector.shape_cast %argmin3A_1576 : vector<128xi32> to vector<128x1xi32>
      %eq3A_1578 = arith.constant 26 : i32
      %eq3A_1579 = vector.broadcast %eq3A_1578 : i32 to vector<128x32xi32>
      %eq3A_1580 = arith.cmpi eq, %iota3A, %eq3A_1579 : vector<128x32xi32>
      %broadcast_in_dim3A_1581 = vector.shape_cast %broadcast_in_dim3A_1577 : vector<128x1xi32> to vector<128x1xi32>
      %broadcast_in_dim3A_1582 = vector.broadcast %broadcast_in_dim3A_1581 : vector<128x1xi32> to vector<128x32xi32>
      %select_n3A_1583 = arith.select %eq3A_1580, %broadcast_in_dim3A_1582, %select_n3A_1570 : vector<128x32xi1>, vector<128x32xi32>
      %eq3A_1584 = vector.broadcast %broadcast_in_dim3A_1577 : vector<128x1xi32> to vector<128x2048xi32>
      %eq3A_1585 = arith.cmpi eq, %iota3A_1445, %eq3A_1584 : vector<128x2048xi32>
      %jit3A_1586 = arith.constant 0x7F800000 : f32
      %broadcast_in_dim3A_1587 = vector.broadcast %jit3A_1586 : f32 to vector<128x2048xf32>
      %select_n3A_1588 = arith.select %eq3A_1585, %broadcast_in_dim3A_1587, %select_n3A_1575 : vector<128x2048xi1>, vector<128x2048xf32>
      %argmin3A_1589 = tpu.reduce_index %select_n3A_1588 {axis = 1 : i32, kind = #tpu.reduction_kind<arg_min>} : vector<128x2048xf32> -> vector<128xi32>
      %broadcast_in_dim3A_1590 = vector.shape_cast %argmin3A_1589 : vector<128xi32> to vector<128x1xi32>
      %eq3A_1591 = arith.constant 27 : i32
      %eq3A_1592 = vector.broadcast %eq3A_1591 : i32 to vector<128x32xi32>
      %eq3A_1593 = arith.cmpi eq, %iota3A, %eq3A_1592 : vector<128x32xi32>
      %broadcast_in_dim3A_1594 = vector.shape_cast %broadcast_in_dim3A_1590 : vector<128x1xi32> to vector<128x1xi32>
      %broadcast_in_dim3A_1595 = vector.broadcast %broadcast_in_dim3A_1594 : vector<128x1xi32> to vector<128x32xi32>
      %select_n3A_1596 = arith.select %eq3A_1593, %broadcast_in_dim3A_1595, %select_n3A_1583 : vector<128x32xi1>, vector<128x32xi32>
      %eq3A_1597 = vector.broadcast %broadcast_in_dim3A_1590 : vector<128x1xi32> to vector<128x2048xi32>
      %eq3A_1598 = arith.cmpi eq, %iota3A_1445, %eq3A_1597 : vector<128x2048xi32>
      %jit3A_1599 = arith.constant 0x7F800000 : f32
      %broadcast_in_dim3A_1600 = vector.broadcast %jit3A_1599 : f32 to vector<128x2048xf32>
      %select_n3A_1601 = arith.select %eq3A_1598, %broadcast_in_dim3A_1600, %select_n3A_1588 : vector<128x2048xi1>, vector<128x2048xf32>
      %argmin3A_1602 = tpu.reduce_index %select_n3A_1601 {axis = 1 : i32, kind = #tpu.reduction_kind<arg_min>} : vector<128x2048xf32> -> vector<128xi32>
      %broadcast_in_dim3A_1603 = vector.shape_cast %argmin3A_1602 : vector<128xi32> to vector<128x1xi32>
      %eq3A_1604 = arith.constant 28 : i32
      %eq3A_1605 = vector.broadcast %eq3A_1604 : i32 to vector<128x32xi32>
      %eq3A_1606 = arith.cmpi eq, %iota3A, %eq3A_1605 : vector<128x32xi32>
      %broadcast_in_dim3A_1607 = vector.shape_cast %broadcast_in_dim3A_1603 : vector<128x1xi32> to vector<128x1xi32>
      %broadcast_in_dim3A_1608 = vector.broadcast %broadcast_in_dim3A_1607 : vector<128x1xi32> to vector<128x32xi32>
      %select_n3A_1609 = arith.select %eq3A_1606, %broadcast_in_dim3A_1608, %select_n3A_1596 : vector<128x32xi1>, vector<128x32xi32>
      %eq3A_1610 = vector.broadcast %broadcast_in_dim3A_1603 : vector<128x1xi32> to vector<128x2048xi32>
      %eq3A_1611 = arith.cmpi eq, %iota3A_1445, %eq3A_1610 : vector<128x2048xi32>
      %jit3A_1612 = arith.constant 0x7F800000 : f32
      %broadcast_in_dim3A_1613 = vector.broadcast %jit3A_1612 : f32 to vector<128x2048xf32>
      %select_n3A_1614 = arith.select %eq3A_1611, %broadcast_in_dim3A_1613, %select_n3A_1601 : vector<128x2048xi1>, vector<128x2048xf32>
      %argmin3A_1615 = tpu.reduce_index %select_n3A_1614 {axis = 1 : i32, kind = #tpu.reduction_kind<arg_min>} : vector<128x2048xf32> -> vector<128xi32>
      %broadcast_in_dim3A_1616 = vector.shape_cast %argmin3A_1615 : vector<128xi32> to vector<128x1xi32>
      %eq3A_1617 = arith.constant 29 : i32
      %eq3A_1618 = vector.broadcast %eq3A_1617 : i32 to vector<128x32xi32>
      %eq3A_1619 = arith.cmpi eq, %iota3A, %eq3A_1618 : vector<128x32xi32>
      %broadcast_in_dim3A_1620 = vector.shape_cast %broadcast_in_dim3A_1616 : vector<128x1xi32> to vector<128x1xi32>
      %broadcast_in_dim3A_1621 = vector.broadcast %broadcast_in_dim3A_1620 : vector<128x1xi32> to vector<128x32xi32>
      %select_n3A_1622 = arith.select %eq3A_1619, %broadcast_in_dim3A_1621, %select_n3A_1609 : vector<128x32xi1>, vector<128x32xi32>
      %eq3A_1623 = vector.broadcast %broadcast_in_dim3A_1616 : vector<128x1xi32> to vector<128x2048xi32>
      %eq3A_1624 = arith.cmpi eq, %iota3A_1445, %eq3A_1623 : vector<128x2048xi32>
      %jit3A_1625 = arith.constant 0x7F800000 : f32
      %broadcast_in_dim3A_1626 = vector.broadcast %jit3A_1625 : f32 to vector<128x2048xf32>
      %select_n3A_1627 = arith.select %eq3A_1624, %broadcast_in_dim3A_1626, %select_n3A_1614 : vector<128x2048xi1>, vector<128x2048xf32>
      %argmin3A_1628 = tpu.reduce_index %select_n3A_1627 {axis = 1 : i32, kind = #tpu.reduction_kind<arg_min>} : vector<128x2048xf32> -> vector<128xi32>
      %broadcast_in_dim3A_1629 = vector.shape_cast %argmin3A_1628 : vector<128xi32> to vector<128x1xi32>
      %eq3A_1630 = arith.constant 30 : i32
      %eq3A_1631 = vector.broadcast %eq3A_1630 : i32 to vector<128x32xi32>
      %eq3A_1632 = arith.cmpi eq, %iota3A, %eq3A_1631 : vector<128x32xi32>
      %broadcast_in_dim3A_1633 = vector.shape_cast %broadcast_in_dim3A_1629 : vector<128x1xi32> to vector<128x1xi32>
      %broadcast_in_dim3A_1634 = vector.broadcast %broadcast_in_dim3A_1633 : vector<128x1xi32> to vector<128x32xi32>
      %select_n3A_1635 = arith.select %eq3A_1632, %broadcast_in_dim3A_1634, %select_n3A_1622 : vector<128x32xi1>, vector<128x32xi32>
      %eq3A_1636 = vector.broadcast %broadcast_in_dim3A_1629 : vector<128x1xi32> to vector<128x2048xi32>
      %eq3A_1637 = arith.cmpi eq, %iota3A_1445, %eq3A_1636 : vector<128x2048xi32>
      %jit3A_1638 = arith.constant 0x7F800000 : f32
      %broadcast_in_dim3A_1639 = vector.broadcast %jit3A_1638 : f32 to vector<128x2048xf32>
      %select_n3A_1640 = arith.select %eq3A_1637, %broadcast_in_dim3A_1639, %select_n3A_1627 : vector<128x2048xi1>, vector<128x2048xf32>
      %argmin3A_1641 = tpu.reduce_index %select_n3A_1640 {axis = 1 : i32, kind = #tpu.reduction_kind<arg_min>} : vector<128x2048xf32> -> vector<128xi32>
      %broadcast_in_dim3A_1642 = vector.shape_cast %argmin3A_1641 : vector<128xi32> to vector<128x1xi32>
      %eq3A_1643 = arith.constant 31 : i32
      %eq3A_1644 = vector.broadcast %eq3A_1643 : i32 to vector<128x32xi32>
      %eq3A_1645 = arith.cmpi eq, %iota3A, %eq3A_1644 : vector<128x32xi32>
      %broadcast_in_dim3A_1646 = vector.shape_cast %broadcast_in_dim3A_1642 : vector<128x1xi32> to vector<128x1xi32>
      %broadcast_in_dim3A_1647 = vector.broadcast %broadcast_in_dim3A_1646 : vector<128x1xi32> to vector<128x32xi32>
      %select_n3A_1648 = arith.select %eq3A_1645, %broadcast_in_dim3A_1647, %select_n3A_1635 : vector<128x32xi1>, vector<128x32xi32>
      %add3A_1649 = arith.constant 0 : i32
      %add3A_1650 = arith.addi %arg0, %add3A_1649 : i32
      %mul3A_1651 = arith.constant 2048 : i32
      %mul3A_1652 = arith.muli %add3A_1650, %mul3A_1651 : i32
      %add3A_1653 = vector.broadcast %mul3A_1652 : i32 to vector<128x32xi32>
      %add3A_1654 = arith.addi %select_n3A_1648, %add3A_1653 : vector<128x32xi32>
      %swap3A_1655 = arith.constant 0 : index
      %swap3A_1656 = arith.constant 0 : index
      %swap3A_1657 = arith.constant 0 : index
      %swap3A_1658 = vector.load %arg6[%swap3A_1655, %swap3A_1656, %swap3A_1657] : memref<1x128x32xi32, #tpu.memory_space<vmem>>, vector<1x128x32xi32>
      %swap3A_1659 = vector.shape_cast %swap3A_1658 : vector<1x128x32xi32> to vector<128x32xi32>
      %swap3A_1660 = vector.shape_cast %add3A_1654 : vector<128x32xi32> to vector<1x128x32xi32>
      tpu.vector_store %arg6[%swap3A_1655, %swap3A_1656, %swap3A_1657], %swap3A_1660 {strides = array<i32>} : memref<1x128x32xi32, #tpu.memory_space<vmem>>, vector<1x128x32xi32>,
    } else {
    }
    return
  }
  func.func @transform_0(%arg0: i32, %arg1: i32) -> (i32, i32, i32) {
    %c0_i32 = arith.constant 0 : i32
    %c0_i32_0 = arith.constant 0 : i32
    return %arg0, %arg1, %c0_i32 : i32, i32, i32
  }
  func.func @transform_1(%arg0: i32, %arg1: i32) -> (i32, i32, i32) {
    %c0_i32 = arith.constant 0 : i32
    %c0_i32_0 = arith.constant 0 : i32
    %c0_i32_1 = arith.constant 0 : i32
    return %arg0, %c0_i32, %c0_i32_0 : i32, i32, i32
  }
  func.func @transform_2(%arg0: i32, %arg1: i32) -> (i32, i32, i32) {
    %c0_i32 = arith.constant 0 : i32
    %c0_i32_0 = arith.constant 0 : i32
    return %arg0, %arg1, %c0_i32 : i32, i32, i32
  }
  func.func @transform_3(%arg0: i32, %arg1: i32) -> (i32, i32, i32) {
    %c0_i32 = arith.constant 0 : i32
    %c0_i32_0 = arith.constant 0 : i32
    %c0_i32_1 = arith.constant 0 : i32
    return %arg0, %c0_i32, %c0_i32_0 : i32, i32, i32
  }
  func.func @transform_4(%arg0: i32, %arg1: i32) -> (i32, i32, i32) {
    %c0_i32 = arith.constant 0 : i32
    %c0_i32_0 = arith.constant 0 : i32
    return %arg0, %arg1, %c0_i32 : i32, i32, i32
  }
}

module attributes {stable_mosaic.version = 14 : i64} {
  func.func @_prep_body(%arg0: i32, %arg1: i32, %arg2: memref<1x512x128xf32, #tpu.memory_space<vmem>>, %arg3: memref<1x512x3xf32, #tpu.memory_space<vmem>>, %arg4: memref<1x512x128xf32, #tpu.memory_space<vmem>>, %arg5: memref<1x512x3xf32, #tpu.memory_space<vmem>>, %arg6: memref<128x128xf32, #tpu.memory_space<vmem>>, %arg7: memref<128x128xf32, #tpu.memory_space<vmem>>, %arg8: memref<3x128xf32, #tpu.memory_space<vmem>>, %arg9: memref<1x128xf32, #tpu.memory_space<vmem>>, %arg10: memref<1x128xf32, #tpu.memory_space<vmem>>, %arg11: memref<1x512x128xf32, #tpu.memory_space<vmem>>, %arg12: memref<1x512x128xf32, #tpu.memory_space<vmem>>) attributes {dimension_semantics = [#tpu.dimension_semantics<parallel>, #tpu.dimension_semantics<parallel>], iteration_bounds = array<i64: 4, 4>, scalar_prefetch = 0 : i64, scratch_operands = 0 : i64, tpu.core_type = #tpu.core_type<tc>, window_params = [{transform_indices = @transform_0, window_bounds = array<i64: 1, 512, 128>}, {transform_indices = @transform_1, window_bounds = array<i64: 1, 512, 3>}, {transform_indices = @transform_2, window_bounds = array<i64: 1, 512, 128>}, {transform_indices = @transform_3, window_bounds = array<i64: 1, 512, 3>}, {pipeline_mode = #tpu.pipeline_mode<synchronous>, transform_indices = @transform_4, window_bounds = array<i64: 128, 128>}, {pipeline_mode = #tpu.pipeline_mode<synchronous>, transform_indices = @transform_5, window_bounds = array<i64: 128, 128>}, {pipeline_mode = #tpu.pipeline_mode<synchronous>, transform_indices = @transform_6, window_bounds = array<i64: 3, 128>}, {pipeline_mode = #tpu.pipeline_mode<synchronous>, transform_indices = @transform_7, window_bounds = array<i64: 1, 128>}, {pipeline_mode = #tpu.pipeline_mode<synchronous>, transform_indices = @transform_8, window_bounds = array<i64: 1, 128>}, {transform_indices = @transform_9, window_bounds = array<i64: 1, 512, 128>}, {transform_indices = @transform_10, window_bounds = array<i64: 1, 512, 128>}]} {
    %get3A = arith.constant 0 : index
    %get3A_0 = arith.constant 0 : index
    %get3A_1 = arith.constant 0 : index
    %get3A_2 = vector.load %arg2[%get3A, %get3A_0, %get3A_1] : memref<1x512x128xf32, #tpu.memory_space<vmem>>, vector<1x512x128xf32>
    %get3A_3 = vector.shape_cast %get3A_2 : vector<1x512x128xf32> to vector<512x128xf32>
    %get3A_4 = arith.constant 0 : index
    %get3A_5 = arith.constant 0 : index
    %get3A_6 = arith.constant 0 : index
    %get3A_7 = vector.load %arg4[%get3A_4, %get3A_5, %get3A_6] : memref<1x512x128xf32, #tpu.memory_space<vmem>>, vector<1x512x128xf32>
    %get3A_8 = vector.shape_cast %get3A_7 : vector<1x512x128xf32> to vector<512x128xf32>
    %get3A_9 = arith.constant 0 : index
    %get3A_10 = arith.constant 0 : index
    %get3A_11 = arith.constant 0 : index
    %get3A_12 = vector.load %arg3[%get3A_9, %get3A_10, %get3A_11] : memref<1x512x3xf32, #tpu.memory_space<vmem>>, vector<1x512x3xf32>
    %get3A_13 = vector.shape_cast %get3A_12 : vector<1x512x3xf32> to vector<512x3xf32>
    %get3A_14 = arith.constant 0 : index
    %get3A_15 = arith.constant 0 : index
    %get3A_16 = arith.constant 0 : index
    %get3A_17 = vector.load %arg5[%get3A_14, %get3A_15, %get3A_16] : memref<1x512x3xf32, #tpu.memory_space<vmem>>, vector<1x512x3xf32>
    %get3A_18 = vector.shape_cast %get3A_17 : vector<1x512x3xf32> to vector<512x3xf32>
    %slice3A = vector.extract_strided_slice %get3A_13 {offsets = [0, 0], sizes = [512, 1], strides = [1, 1]} : vector<512x3xf32> to vector<512x1xf32>
    %get3A_19 = arith.constant 0 : index
    %get3A_20 = arith.constant 0 : index
    %get3A_21 = vector.load %arg8[%get3A_19, %get3A_20] : memref<3x128xf32, #tpu.memory_space<vmem>>, vector<1x128xf32>
    %mul3A = vector.broadcast %slice3A : vector<512x1xf32> to vector<512x128xf32>
    %mul3A_22 = vector.broadcast %get3A_21 : vector<1x128xf32> to vector<512x128xf32>
    %mul3A_23 = arith.mulf %mul3A, %mul3A_22 : vector<512x128xf32>
    %slice3A_24 = vector.extract_strided_slice %get3A_13 {offsets = [0, 1], sizes = [512, 1], strides = [1, 1]} : vector<512x3xf32> to vector<512x1xf32>
    %get3A_25 = arith.constant 1 : index
    %get3A_26 = arith.constant 0 : index
    %get3A_27 = vector.load %arg8[%get3A_25, %get3A_26] : memref<3x128xf32, #tpu.memory_space<vmem>>, vector<1x128xf32>
    %mul3A_28 = vector.broadcast %slice3A_24 : vector<512x1xf32> to vector<512x128xf32>
    %mul3A_29 = vector.broadcast %get3A_27 : vector<1x128xf32> to vector<512x128xf32>
    %mul3A_30 = arith.mulf %mul3A_28, %mul3A_29 : vector<512x128xf32>
    %add3A = arith.addf %mul3A_23, %mul3A_30 : vector<512x128xf32>
    %slice3A_31 = vector.extract_strided_slice %get3A_13 {offsets = [0, 2], sizes = [512, 1], strides = [1, 1]} : vector<512x3xf32> to vector<512x1xf32>
    %get3A_32 = arith.constant 2 : index
    %get3A_33 = arith.constant 0 : index
    %get3A_34 = vector.load %arg8[%get3A_32, %get3A_33] : memref<3x128xf32, #tpu.memory_space<vmem>>, vector<1x128xf32>
    %mul3A_35 = vector.broadcast %slice3A_31 : vector<512x1xf32> to vector<512x128xf32>
    %mul3A_36 = vector.broadcast %get3A_34 : vector<1x128xf32> to vector<512x128xf32>
    %mul3A_37 = arith.mulf %mul3A_35, %mul3A_36 : vector<512x128xf32>
    %add3A_38 = arith.addf %add3A, %mul3A_37 : vector<512x128xf32>
    %slice3A_39 = vector.extract_strided_slice %get3A_18 {offsets = [0, 0], sizes = [512, 1], strides = [1, 1]} : vector<512x3xf32> to vector<512x1xf32>
    %get3A_40 = arith.constant 0 : index
    %get3A_41 = arith.constant 0 : index
    %get3A_42 = vector.load %arg8[%get3A_40, %get3A_41] : memref<3x128xf32, #tpu.memory_space<vmem>>, vector<1x128xf32>
    %mul3A_43 = vector.broadcast %slice3A_39 : vector<512x1xf32> to vector<512x128xf32>
    %mul3A_44 = vector.broadcast %get3A_42 : vector<1x128xf32> to vector<512x128xf32>
    %mul3A_45 = arith.mulf %mul3A_43, %mul3A_44 : vector<512x128xf32>
    %slice3A_46 = vector.extract_strided_slice %get3A_18 {offsets = [0, 1], sizes = [512, 1], strides = [1, 1]} : vector<512x3xf32> to vector<512x1xf32>
    %get3A_47 = arith.constant 1 : index
    %get3A_48 = arith.constant 0 : index
    %get3A_49 = vector.load %arg8[%get3A_47, %get3A_48] : memref<3x128xf32, #tpu.memory_space<vmem>>, vector<1x128xf32>
    %mul3A_50 = vector.broadcast %slice3A_46 : vector<512x1xf32> to vector<512x128xf32>
    %mul3A_51 = vector.broadcast %get3A_49 : vector<1x128xf32> to vector<512x128xf32>
    %mul3A_52 = arith.mulf %mul3A_50, %mul3A_51 : vector<512x128xf32>
    %add3A_53 = arith.addf %mul3A_45, %mul3A_52 : vector<512x128xf32>
    %slice3A_54 = vector.extract_strided_slice %get3A_18 {offsets = [0, 2], sizes = [512, 1], strides = [1, 1]} : vector<512x3xf32> to vector<512x1xf32>
    %get3A_55 = arith.constant 2 : index
    %get3A_56 = arith.constant 0 : index
    %get3A_57 = vector.load %arg8[%get3A_55, %get3A_56] : memref<3x128xf32, #tpu.memory_space<vmem>>, vector<1x128xf32>
    %mul3A_58 = vector.broadcast %slice3A_54 : vector<512x1xf32> to vector<512x128xf32>
    %mul3A_59 = vector.broadcast %get3A_57 : vector<1x128xf32> to vector<512x128xf32>
    %mul3A_60 = arith.mulf %mul3A_58, %mul3A_59 : vector<512x128xf32>
    %add3A_61 = arith.addf %add3A_53, %mul3A_60 : vector<512x128xf32>
    %get3A_62 = arith.constant 0 : index
    %get3A_63 = arith.constant 0 : index
    %get3A_64 = vector.load %arg6[%get3A_62, %get3A_63] : memref<128x128xf32, #tpu.memory_space<vmem>>, vector<128x128xf32>
    %dot_general3A = arith.constant dense<0.000000e+00> : vector<512x128xf32>
    %dot_general3A_65 = tpu.matmul %get3A_3, %get3A_64, %dot_general3A {dimension_numbers = #tpu.dot_dimension_numbers<[1], [0], [0], [1], [0, 0, 1, 1], [], []>, transpose_lhs_hint = false} : vector<512x128xf32>, vector<128x128xf32>, vector<512x128xf32> -> vector<512x128xf32>
    %add3A_66 = arith.addf %dot_general3A_65, %add3A_38 : vector<512x128xf32>
    %get3A_67 = arith.constant 0 : index
    %get3A_68 = arith.constant 0 : index
    %get3A_69 = vector.load %arg9[%get3A_67, %get3A_68] : memref<1x128xf32, #tpu.memory_space<vmem>>, vector<1x128xf32>
    %add3A_70 = vector.broadcast %get3A_69 : vector<1x128xf32> to vector<512x128xf32>
    %add3A_71 = arith.addf %add3A_66, %add3A_70 : vector<512x128xf32>
    %swap3A = arith.constant 0 : index
    %swap3A_72 = arith.constant 0 : index
    %swap3A_73 = arith.constant 0 : index
    %swap3A_74 = vector.load %arg11[%swap3A, %swap3A_72, %swap3A_73] : memref<1x512x128xf32, #tpu.memory_space<vmem>>, vector<1x512x128xf32>
    %swap3A_75 = vector.shape_cast %swap3A_74 : vector<1x512x128xf32> to vector<512x128xf32>
    %swap3A_76 = vector.shape_cast %add3A_71 : vector<512x128xf32> to vector<1x512x128xf32>
    tpu.vector_store %arg11[%swap3A, %swap3A_72, %swap3A_73], %swap3A_76 {strides = array<i32>} : memref<1x512x128xf32, #tpu.memory_space<vmem>>, vector<1x512x128xf32>,
    %get3A_77 = arith.constant 0 : index
    %get3A_78 = arith.constant 0 : index
    %get3A_79 = vector.load %arg7[%get3A_77, %get3A_78] : memref<128x128xf32, #tpu.memory_space<vmem>>, vector<128x128xf32>
    %dot_general3A_80 = arith.constant dense<0.000000e+00> : vector<512x128xf32>
    %dot_general3A_81 = tpu.matmul %get3A_8, %get3A_79, %dot_general3A_80 {dimension_numbers = #tpu.dot_dimension_numbers<[1], [0], [0], [1], [0, 0, 1, 1], [], []>, transpose_lhs_hint = false} : vector<512x128xf32>, vector<128x128xf32>, vector<512x128xf32> -> vector<512x128xf32>
    %sub3A = arith.subf %dot_general3A_81, %add3A_61 : vector<512x128xf32>
    %get3A_82 = arith.constant 0 : index
    %get3A_83 = arith.constant 0 : index
    %get3A_84 = vector.load %arg10[%get3A_82, %get3A_83] : memref<1x128xf32, #tpu.memory_space<vmem>>, vector<1x128xf32>
    %add3A_85 = vector.broadcast %get3A_84 : vector<1x128xf32> to vector<512x128xf32>
    %add3A_86 = arith.addf %sub3A, %add3A_85 : vector<512x128xf32>
    %swap3A_87 = arith.constant 0 : index
    %swap3A_88 = arith.constant 0 : index
    %swap3A_89 = arith.constant 0 : index
    %swap3A_90 = vector.load %arg12[%swap3A_87, %swap3A_88, %swap3A_89] : memref<1x512x128xf32, #tpu.memory_space<vmem>>, vector<1x512x128xf32>
    %swap3A_91 = vector.shape_cast %swap3A_90 : vector<1x512x128xf32> to vector<512x128xf32>
    %swap3A_92 = vector.shape_cast %add3A_86 : vector<512x128xf32> to vector<1x512x128xf32>
    tpu.vector_store %arg12[%swap3A_87, %swap3A_88, %swap3A_89], %swap3A_92 {strides = array<i32>} : memref<1x512x128xf32, #tpu.memory_space<vmem>>, vector<1x512x128xf32>,
    return
  }
  func.func @transform_0(%arg0: i32, %arg1: i32) -> (i32, i32, i32) {
    %c0_i32 = arith.constant 0 : i32
    %c0_i32_0 = arith.constant 0 : i32
    return %arg0, %arg1, %c0_i32 : i32, i32, i32
  }
  func.func @transform_1(%arg0: i32, %arg1: i32) -> (i32, i32, i32) {
    %c0_i32 = arith.constant 0 : i32
    %c0_i32_0 = arith.constant 0 : i32
    return %arg0, %arg1, %c0_i32 : i32, i32, i32
  }
  func.func @transform_2(%arg0: i32, %arg1: i32) -> (i32, i32, i32) {
    %c0_i32 = arith.constant 0 : i32
    %c0_i32_0 = arith.constant 0 : i32
    return %arg0, %arg1, %c0_i32 : i32, i32, i32
  }
  func.func @transform_3(%arg0: i32, %arg1: i32) -> (i32, i32, i32) {
    %c0_i32 = arith.constant 0 : i32
    %c0_i32_0 = arith.constant 0 : i32
    return %arg0, %arg1, %c0_i32 : i32, i32, i32
  }
  func.func @transform_4(%arg0: i32, %arg1: i32) -> (i32, i32) {
    %c0_i32 = arith.constant 0 : i32
    %c0_i32_0 = arith.constant 0 : i32
    %c0_i32_1 = arith.constant 0 : i32
    return %c0_i32, %c0_i32_0 : i32, i32
  }
  func.func @transform_5(%arg0: i32, %arg1: i32) -> (i32, i32) {
    %c0_i32 = arith.constant 0 : i32
    %c0_i32_0 = arith.constant 0 : i32
    %c0_i32_1 = arith.constant 0 : i32
    return %c0_i32, %c0_i32_0 : i32, i32
  }
  func.func @transform_6(%arg0: i32, %arg1: i32) -> (i32, i32) {
    %c0_i32 = arith.constant 0 : i32
    %c0_i32_0 = arith.constant 0 : i32
    %c0_i32_1 = arith.constant 0 : i32
    return %c0_i32, %c0_i32_0 : i32, i32
  }
  func.func @transform_7(%arg0: i32, %arg1: i32) -> (i32, i32) {
    %c0_i32 = arith.constant 0 : i32
    %c0_i32_0 = arith.constant 0 : i32
    %c0_i32_1 = arith.constant 0 : i32
    return %c0_i32, %c0_i32_0 : i32, i32
  }
  func.func @transform_8(%arg0: i32, %arg1: i32) -> (i32, i32) {
    %c0_i32 = arith.constant 0 : i32
    %c0_i32_0 = arith.constant 0 : i32
    %c0_i32_1 = arith.constant 0 : i32
    return %c0_i32, %c0_i32_0 : i32, i32
  }
  func.func @transform_9(%arg0: i32, %arg1: i32) -> (i32, i32, i32) {
    %c0_i32 = arith.constant 0 : i32
    %c0_i32_0 = arith.constant 0 : i32
    return %arg0, %arg1, %c0_i32 : i32, i32, i32
  }
  func.func @transform_10(%arg0: i32, %arg1: i32) -> (i32, i32, i32) {
    %c0_i32 = arith.constant 0 : i32
    %c0_i32_0 = arith.constant 0 : i32
    return %arg0, %arg1, %c0_i32 : i32, i32, i32
  }
}

module attributes {stable_mosaic.version = 14 : i64} {
  func.func @body(%arg0: i32, %arg1: i32, %arg2: memref<1x128x64xf32, #tpu.memory_space<vmem>>, %arg3: memref<1x2048x64xf32, #tpu.memory_space<vmem>>, %arg4: memref<1x128x3xf32, #tpu.memory_space<vmem>>, %arg5: memref<1x3x2048xf32, #tpu.memory_space<vmem>>, %arg6: memref<1x128x32xi32, #tpu.memory_space<vmem>>) attributes {dimension_semantics = [#tpu.dimension_semantics<parallel>, #tpu.dimension_semantics<parallel>], iteration_bounds = array<i64: 2, 16>, scalar_prefetch = 0 : i64, scratch_operands = 0 : i64, tpu.core_type = #tpu.core_type<tc>, window_params = [{transform_indices = @transform_0, window_bounds = array<i64: 1, 128, 64>}, {transform_indices = @transform_1, window_bounds = array<i64: 1, 2048, 64>}, {transform_indices = @transform_2, window_bounds = array<i64: 1, 128, 3>}, {transform_indices = @transform_3, window_bounds = array<i64: 1, 3, 2048>}, {transform_indices = @transform_4, window_bounds = array<i64: 1, 128, 32>}]} {
    %get3A = arith.constant 0 : index
    %get3A_0 = arith.constant 0 : index
    %get3A_1 = arith.constant 0 : index
    %get3A_2 = vector.load %arg4[%get3A, %get3A_0, %get3A_1] : memref<1x128x3xf32, #tpu.memory_space<vmem>>, vector<1x128x3xf32>
    %get3A_3 = vector.shape_cast %get3A_2 : vector<1x128x3xf32> to vector<128x3xf32>
    %broadcast_in_dim3A = arith.constant 0.000000e+00 : f32
    %broadcast_in_dim3A_4 = vector.broadcast %broadcast_in_dim3A : f32 to vector<128x2048xf32>
    %slice3A = vector.extract_strided_slice %get3A_3 {offsets = [0, 0], sizes = [128, 1], strides = [1, 1]} : vector<128x3xf32> to vector<128x1xf32>
    %get3A_5 = arith.constant 0 : index
    %get3A_6 = arith.constant 0 : index
    %get3A_7 = arith.constant 0 : index
    %get3A_8 = vector.load %arg5[%get3A_5, %get3A_6, %get3A_7] : memref<1x3x2048xf32, #tpu.memory_space<vmem>>, vector<1x1x2048xf32>
    %get3A_9 = vector.shape_cast %get3A_8 : vector<1x1x2048xf32> to vector<1x2048xf32>
    %sub3A = vector.broadcast %slice3A : vector<128x1xf32> to vector<128x2048xf32>
    %sub3A_10 = vector.broadcast %get3A_9 : vector<1x2048xf32> to vector<128x2048xf32>
    %sub3A_11 = arith.subf %sub3A, %sub3A_10 : vector<128x2048xf32>
    %mul3A = arith.mulf %sub3A_11, %sub3A_11 : vector<128x2048xf32>
    %add3A = arith.addf %broadcast_in_dim3A_4, %mul3A : vector<128x2048xf32>
    %slice3A_12 = vector.extract_strided_slice %get3A_3 {offsets = [0, 1], sizes = [128, 1], strides = [1, 1]} : vector<128x3xf32> to vector<128x1xf32>
    %get3A_13 = arith.constant 0 : index
    %get3A_14 = arith.constant 1 : index
    %get3A_15 = arith.constant 0 : index
    %get3A_16 = vector.load %arg5[%get3A_13, %get3A_14, %get3A_15] : memref<1x3x2048xf32, #tpu.memory_space<vmem>>, vector<1x1x2048xf32>
    %get3A_17 = vector.shape_cast %get3A_16 : vector<1x1x2048xf32> to vector<1x2048xf32>
    %sub3A_18 = vector.broadcast %slice3A_12 : vector<128x1xf32> to vector<128x2048xf32>
    %sub3A_19 = vector.broadcast %get3A_17 : vector<1x2048xf32> to vector<128x2048xf32>
    %sub3A_20 = arith.subf %sub3A_18, %sub3A_19 : vector<128x2048xf32>
    %mul3A_21 = arith.mulf %sub3A_20, %sub3A_20 : vector<128x2048xf32>
    %add3A_22 = arith.addf %add3A, %mul3A_21 : vector<128x2048xf32>
    %slice3A_23 = vector.extract_strided_slice %get3A_3 {offsets = [0, 2], sizes = [128, 1], strides = [1, 1]} : vector<128x3xf32> to vector<128x1xf32>
    %get3A_24 = arith.constant 0 : index
    %get3A_25 = arith.constant 2 : index
    %get3A_26 = arith.constant 0 : index
    %get3A_27 = vector.load %arg5[%get3A_24, %get3A_25, %get3A_26] : memref<1x3x2048xf32, #tpu.memory_space<vmem>>, vector<1x1x2048xf32>
    %get3A_28 = vector.shape_cast %get3A_27 : vector<1x1x2048xf32> to vector<1x2048xf32>
    %sub3A_29 = vector.broadcast %slice3A_23 : vector<128x1xf32> to vector<128x2048xf32>
    %sub3A_30 = vector.broadcast %get3A_28 : vector<1x2048xf32> to vector<128x2048xf32>
    %sub3A_31 = arith.subf %sub3A_29, %sub3A_30 : vector<128x2048xf32>
    %mul3A_32 = arith.mulf %sub3A_31, %sub3A_31 : vector<128x2048xf32>
    %add3A_33 = arith.addf %add3A_22, %mul3A_32 : vector<128x2048xf32>
    %sqrt3A = math.sqrt %add3A_33 : vector<128x2048xf32>
    %get3A_34 = arith.constant 0 : index
    %get3A_35 = arith.constant 0 : index
    %get3A_36 = arith.constant 0 : index
    %get3A_37 = vector.load %arg2[%get3A_34, %get3A_35, %get3A_36] : memref<1x128x64xf32, #tpu.memory_space<vmem>>, vector<1x128x64xf32>
    %get3A_38 = vector.shape_cast %get3A_37 : vector<1x128x64xf32> to vector<128x64xf32>
    %mul3A_39 = arith.mulf %get3A_38, %get3A_38 : vector<128x64xf32>
    %reduce_sum3A = arith.constant dense<0.000000e+00> : vector<128xf32>
    %reduce_sum3A_40 = vector.multi_reduction <add>, %mul3A_39, %reduce_sum3A [1] : vector<128x64xf32> to vector<128xf32>
    %broadcast_in_dim3A_41 = vector.shape_cast %reduce_sum3A_40 : vector<128xf32> to vector<128x1xf32>
    %sqrt3A_42 = math.sqrt %broadcast_in_dim3A_41 : vector<128x1xf32>
    %add3A_43 = arith.constant 9.99999993E-9 : f32
    %add3A_44 = vector.broadcast %add3A_43 : f32 to vector<128x1xf32>
    %add3A_45 = arith.addf %sqrt3A_42, %add3A_44 : vector<128x1xf32>
    %div3A = vector.broadcast %add3A_45 : vector<128x1xf32> to vector<128x64xf32>
    %div3A_46 = arith.divf %get3A_38, %div3A : vector<128x64xf32>
    %get3A_47 = arith.constant 0 : index
    %get3A_48 = arith.constant 0 : index
    %get3A_49 = arith.constant 0 : index
    %get3A_50 = vector.load %arg3[%get3A_47, %get3A_48, %get3A_49] : memref<1x2048x64xf32, #tpu.memory_space<vmem>>, vector<1x2048x64xf32>
    %get3A_51 = vector.shape_cast %get3A_50 : vector<1x2048x64xf32> to vector<2048x64xf32>
    %mul3A_52 = arith.mulf %get3A_51, %get3A_51 : vector<2048x64xf32>
    %reduce_sum3A_53 = arith.constant dense<0.000000e+00> : vector<2048xf32>
    %reduce_sum3A_54 = vector.multi_reduction <add>, %mul3A_52, %reduce_sum3A_53 [1] : vector<2048x64xf32> to vector<2048xf32>
    %broadcast_in_dim3A_55 = vector.shape_cast %reduce_sum3A_54 : vector<2048xf32> to vector<2048x1xf32>
    %sqrt3A_56 = math.sqrt %broadcast_in_dim3A_55 : vector<2048x1xf32>
    %add3A_57 = arith.constant 9.99999993E-9 : f32
    %add3A_58 = vector.broadcast %add3A_57 : f32 to vector<2048x1xf32>
    %add3A_59 = arith.addf %sqrt3A_56, %add3A_58 : vector<2048x1xf32>
    %div3A_60 = vector.broadcast %add3A_59 : vector<2048x1xf32> to vector<2048x64xf32>
    %div3A_61 = arith.divf %get3A_51, %div3A_60 : vector<2048x64xf32>
    %dot_general3A = arith.constant dense<0.000000e+00> : vector<128x2048xf32>
    %dot_general3A_62 = tpu.matmul %div3A_46, %div3A_61, %dot_general3A {dimension_numbers = #tpu.dot_dimension_numbers<[1], [1], [0], [0], [0, 0, 1, 0], [], []>, transpose_lhs_hint = false} : vector<128x64xf32>, vector<2048x64xf32>, vector<128x2048xf32> -> vector<128x2048xf32>
    %sub3A_63 = arith.constant 1.000000e+00 : f32
    %sub3A_64 = vector.broadcast %sub3A_63 : f32 to vector<128x2048xf32>
    %sub3A_65 = arith.subf %sub3A_64, %dot_general3A_62 : vector<128x2048xf32>
    %iota3A = tpu.iota {dimensions = array<i32: 1>} : vector<128x32xi32>
    %broadcast_in_dim3A_66 = arith.constant 0 : i32
    %broadcast_in_dim3A_67 = vector.broadcast %broadcast_in_dim3A_66 : i32 to vector<128x32xi32>
    %iota3A_68 = tpu.iota {dimensions = array<i32: 1>} : vector<128x2048xi32>
    %slice3A_69 = vector.extract_strided_slice %sqrt3A {offsets = [0, 0], sizes = [128, 1024], strides = [1, 1]} : vector<128x2048xf32> to vector<128x1024xf32>
    %slice3A_70 = vector.extract_strided_slice %sqrt3A {offsets = [0, 1024], sizes = [128, 1024], strides = [1, 1]} : vector<128x2048xf32> to vector<128x1024xf32>
    %min3A = arith.minimumf %slice3A_69, %slice3A_70 : vector<128x1024xf32>
    %slice3A_71 = vector.extract_strided_slice %min3A {offsets = [0, 0], sizes = [128, 512], strides = [1, 1]} : vector<128x1024xf32> to vector<128x512xf32>
    %slice3A_72 = vector.extract_strided_slice %min3A {offsets = [0, 512], sizes = [128, 512], strides = [1, 1]} : vector<128x1024xf32> to vector<128x512xf32>
    %min3A_73 = arith.minimumf %slice3A_71, %slice3A_72 : vector<128x512xf32>
    %slice3A_74 = vector.extract_strided_slice %min3A_73 {offsets = [0, 0], sizes = [128, 256], strides = [1, 1]} : vector<128x512xf32> to vector<128x256xf32>
    %slice3A_75 = vector.extract_strided_slice %min3A_73 {offsets = [0, 256], sizes = [128, 256], strides = [1, 1]} : vector<128x512xf32> to vector<128x256xf32>
    %min3A_76 = arith.minimumf %slice3A_74, %slice3A_75 : vector<128x256xf32>
    %slice3A_77 = vector.extract_strided_slice %min3A_76 {offsets = [0, 0], sizes = [128, 128], strides = [1, 1]} : vector<128x256xf32> to vector<128x128xf32>
    %slice3A_78 = vector.extract_strided_slice %min3A_76 {offsets = [0, 128], sizes = [128, 128], strides = [1, 1]} : vector<128x256xf32> to vector<128x128xf32>
    %min3A_79 = arith.minimumf %slice3A_77, %slice3A_78 : vector<128x128xf32>
    %tile3A = tpu.concatenate %min3A_79, %min3A_79, %min3A_79, %min3A_79, %min3A_79, %min3A_79, %min3A_79, %min3A_79, %min3A_79, %min3A_79, %min3A_79, %min3A_79, %min3A_79, %min3A_79, %min3A_79, %min3A_79 in 1 : vector<128x128xf32>, vector<128x128xf32>, vector<128x128xf32>, vector<128x128xf32>, vector<128x128xf32>, vector<128x128xf32>, vector<128x128xf32>, vector<128x128xf32>, vector<128x128xf32>, vector<128x128xf32>, vector<128x128xf32>, vector<128x128xf32>, vector<128x128xf32>, vector<128x128xf32>, vector<128x128xf32>, vector<128x128xf32> -> vector<128x2048xf32>
    %eq3A = arith.cmpf oeq, %sqrt3A, %tile3A : vector<128x2048xf32>
    %jit3A = arith.constant 2048 : i32
    %broadcast_in_dim3A_80 = vector.broadcast %jit3A : i32 to vector<128x2048xi32>
    %select_n3A = arith.select %eq3A, %iota3A_68, %broadcast_in_dim3A_80 : vector<128x2048xi1>, vector<128x2048xi32>
    %slice3A_81 = vector.extract_strided_slice %select_n3A {offsets = [0, 0], sizes = [128, 1024], strides = [1, 1]} : vector<128x2048xi32> to vector<128x1024xi32>
    %slice3A_82 = vector.extract_strided_slice %select_n3A {offsets = [0, 1024], sizes = [128, 1024], strides = [1, 1]} : vector<128x2048xi32> to vector<128x1024xi32>
    %min3A_83 = arith.minsi %slice3A_81, %slice3A_82 : vector<128x1024xi32>
    %slice3A_84 = vector.extract_strided_slice %min3A_83 {offsets = [0, 0], sizes = [128, 512], strides = [1, 1]} : vector<128x1024xi32> to vector<128x512xi32>
    %slice3A_85 = vector.extract_strided_slice %min3A_83 {offsets = [0, 512], sizes = [128, 512], strides = [1, 1]} : vector<128x1024xi32> to vector<128x512xi32>
    %min3A_86 = arith.minsi %slice3A_84, %slice3A_85 : vector<128x512xi32>
    %slice3A_87 = vector.extract_strided_slice %min3A_86 {offsets = [0, 0], sizes = [128, 256], strides = [1, 1]} : vector<128x512xi32> to vector<128x256xi32>
    %slice3A_88 = vector.extract_strided_slice %min3A_86 {offsets = [0, 256], sizes = [128, 256], strides = [1, 1]} : vector<128x512xi32> to vector<128x256xi32>
    %min3A_89 = arith.minsi %slice3A_87, %slice3A_88 : vector<128x256xi32>
    %slice3A_90 = vector.extract_strided_slice %min3A_89 {offsets = [0, 0], sizes = [128, 128], strides = [1, 1]} : vector<128x256xi32> to vector<128x128xi32>
    %slice3A_91 = vector.extract_strided_slice %min3A_89 {offsets = [0, 128], sizes = [128, 128], strides = [1, 1]} : vector<128x256xi32> to vector<128x128xi32>
    %min3A_92 = arith.minsi %slice3A_90, %slice3A_91 : vector<128x128xi32>
    %tile3A_93 = tpu.concatenate %min3A_92, %min3A_92, %min3A_92, %min3A_92, %min3A_92, %min3A_92, %min3A_92, %min3A_92, %min3A_92, %min3A_92, %min3A_92, %min3A_92, %min3A_92, %min3A_92, %min3A_92, %min3A_92 in 1 : vector<128x128xi32>, vector<128x128xi32>, vector<128x128xi32>, vector<128x128xi32>, vector<128x128xi32>, vector<128x128xi32>, vector<128x128xi32>, vector<128x128xi32>, vector<128x128xi32>, vector<128x128xi32>, vector<128x128xi32>, vector<128x128xi32>, vector<128x128xi32>, vector<128x128xi32>, vector<128x128xi32>, vector<128x128xi32> -> vector<128x2048xi32>
    %eq3A_94 = arith.cmpi eq, %select_n3A, %tile3A_93 : vector<128x2048xi32>
    %jit3A_95 = arith.constant 0x7F800000 : f32
    %broadcast_in_dim3A_96 = vector.broadcast %jit3A_95 : f32 to vector<128x2048xf32>
    %select_n3A_97 = arith.select %eq3A_94, %broadcast_in_dim3A_96, %sqrt3A : vector<128x2048xi1>, vector<128x2048xf32>
    %slice3A_98 = vector.extract_strided_slice %select_n3A_97 {offsets = [0, 0], sizes = [128, 1024], strides = [1, 1]} : vector<128x2048xf32> to vector<128x1024xf32>
    %slice3A_99 = vector.extract_strided_slice %select_n3A_97 {offsets = [0, 1024], sizes = [128, 1024], strides = [1, 1]} : vector<128x2048xf32> to vector<128x1024xf32>
    %min3A_100 = arith.minimumf %slice3A_98, %slice3A_99 : vector<128x1024xf32>
    %slice3A_101 = vector.extract_strided_slice %min3A_100 {offsets = [0, 0], sizes = [128, 512], strides = [1, 1]} : vector<128x1024xf32> to vector<128x512xf32>
    %slice3A_102 = vector.extract_strided_slice %min3A_100 {offsets = [0, 512], sizes = [128, 512], strides = [1, 1]} : vector<128x1024xf32> to vector<128x512xf32>
    %min3A_103 = arith.minimumf %slice3A_101, %slice3A_102 : vector<128x512xf32>
    %slice3A_104 = vector.extract_strided_slice %min3A_103 {offsets = [0, 0], sizes = [128, 256], strides = [1, 1]} : vector<128x512xf32> to vector<128x256xf32>
    %slice3A_105 = vector.extract_strided_slice %min3A_103 {offsets = [0, 256], sizes = [128, 256], strides = [1, 1]} : vector<128x512xf32> to vector<128x256xf32>
    %min3A_106 = arith.minimumf %slice3A_104, %slice3A_105 : vector<128x256xf32>
    %slice3A_107 = vector.extract_strided_slice %min3A_106 {offsets = [0, 0], sizes = [128, 128], strides = [1, 1]} : vector<128x256xf32> to vector<128x128xf32>
    %slice3A_108 = vector.extract_strided_slice %min3A_106 {offsets = [0, 128], sizes = [128, 128], strides = [1, 1]} : vector<128x256xf32> to vector<128x128xf32>
    %min3A_109 = arith.minimumf %slice3A_107, %slice3A_108 : vector<128x128xf32>
    %tile3A_110 = tpu.concatenate %min3A_109, %min3A_109, %min3A_109, %min3A_109, %min3A_109, %min3A_109, %min3A_109, %min3A_109, %min3A_109, %min3A_109, %min3A_109, %min3A_109, %min3A_109, %min3A_109, %min3A_109, %min3A_109 in 1 : vector<128x128xf32>, vector<128x128xf32>, vector<128x128xf32>, vector<128x128xf32>, vector<128x128xf32>, vector<128x128xf32>, vector<128x128xf32>, vector<128x128xf32>, vector<128x128xf32>, vector<128x128xf32>, vector<128x128xf32>, vector<128x128xf32>, vector<128x128xf32>, vector<128x128xf32>, vector<128x128xf32>, vector<128x128xf32> -> vector<128x2048xf32>
    %eq3A_111 = arith.cmpf oeq, %select_n3A_97, %tile3A_110 : vector<128x2048xf32>
    %jit3A_112 = arith.constant 2048 : i32
    %broadcast_in_dim3A_113 = vector.broadcast %jit3A_112 : i32 to vector<128x2048xi32>
    %select_n3A_114 = arith.select %eq3A_111, %iota3A_68, %broadcast_in_dim3A_113 : vector<128x2048xi1>, vector<128x2048xi32>
    %slice3A_115 = vector.extract_strided_slice %select_n3A_114 {offsets = [0, 0], sizes = [128, 1024], strides = [1, 1]} : vector<128x2048xi32> to vector<128x1024xi32>
    %slice3A_116 = vector.extract_strided_slice %select_n3A_114 {offsets = [0, 1024], sizes = [128, 1024], strides = [1, 1]} : vector<128x2048xi32> to vector<128x1024xi32>
    %min3A_117 = arith.minsi %slice3A_115, %slice3A_116 : vector<128x1024xi32>
    %slice3A_118 = vector.extract_strided_slice %min3A_117 {offsets = [0, 0], sizes = [128, 512], strides = [1, 1]} : vector<128x1024xi32> to vector<128x512xi32>
    %slice3A_119 = vector.extract_strided_slice %min3A_117 {offsets = [0, 512], sizes = [128, 512], strides = [1, 1]} : vector<128x1024xi32> to vector<128x512xi32>
    %min3A_120 = arith.minsi %slice3A_118, %slice3A_119 : vector<128x512xi32>
    %slice3A_121 = vector.extract_strided_slice %min3A_120 {offsets = [0, 0], sizes = [128, 256], strides = [1, 1]} : vector<128x512xi32> to vector<128x256xi32>
    %slice3A_122 = vector.extract_strided_slice %min3A_120 {offsets = [0, 256], sizes = [128, 256], strides = [1, 1]} : vector<128x512xi32> to vector<128x256xi32>
    %min3A_123 = arith.minsi %slice3A_121, %slice3A_122 : vector<128x256xi32>
    %slice3A_124 = vector.extract_strided_slice %min3A_123 {offsets = [0, 0], sizes = [128, 128], strides = [1, 1]} : vector<128x256xi32> to vector<128x128xi32>
    %slice3A_125 = vector.extract_strided_slice %min3A_123 {offsets = [0, 128], sizes = [128, 128], strides = [1, 1]} : vector<128x256xi32> to vector<128x128xi32>
    %min3A_126 = arith.minsi %slice3A_124, %slice3A_125 : vector<128x128xi32>
    %tile3A_127 = tpu.concatenate %min3A_126, %min3A_126, %min3A_126, %min3A_126, %min3A_126, %min3A_126, %min3A_126, %min3A_126, %min3A_126, %min3A_126, %min3A_126, %min3A_126, %min3A_126, %min3A_126, %min3A_126, %min3A_126 in 1 : vector<128x128xi32>, vector<128x128xi32>, vector<128x128xi32>, vector<128x128xi32>, vector<128x128xi32>, vector<128x128xi32>, vector<128x128xi32>, vector<128x128xi32>, vector<128x128xi32>, vector<128x128xi32>, vector<128x128xi32>, vector<128x128xi32>, vector<128x128xi32>, vector<128x128xi32>, vector<128x128xi32>, vector<128x128xi32> -> vector<128x2048xi32>
    %eq3A_128 = arith.cmpi eq, %select_n3A_114, %tile3A_127 : vector<128x2048xi32>
    %jit3A_129 = arith.constant 0x7F800000 : f32
    %broadcast_in_dim3A_130 = vector.broadcast %jit3A_129 : f32 to vector<128x2048xf32>
    %select_n3A_131 = arith.select %eq3A_128, %broadcast_in_dim3A_130, %select_n3A_97 : vector<128x2048xi1>, vector<128x2048xf32>
    %slice3A_132 = vector.extract_strided_slice %select_n3A_131 {offsets = [0, 0], sizes = [128, 1024], strides = [1, 1]} : vector<128x2048xf32> to vector<128x1024xf32>
    %slice3A_133 = vector.extract_strided_slice %select_n3A_131 {offsets = [0, 1024], sizes = [128, 1024], strides = [1, 1]} : vector<128x2048xf32> to vector<128x1024xf32>
    %min3A_134 = arith.minimumf %slice3A_132, %slice3A_133 : vector<128x1024xf32>
    %slice3A_135 = vector.extract_strided_slice %min3A_134 {offsets = [0, 0], sizes = [128, 512], strides = [1, 1]} : vector<128x1024xf32> to vector<128x512xf32>
    %slice3A_136 = vector.extract_strided_slice %min3A_134 {offsets = [0, 512], sizes = [128, 512], strides = [1, 1]} : vector<128x1024xf32> to vector<128x512xf32>
    %min3A_137 = arith.minimumf %slice3A_135, %slice3A_136 : vector<128x512xf32>
    %slice3A_138 = vector.extract_strided_slice %min3A_137 {offsets = [0, 0], sizes = [128, 256], strides = [1, 1]} : vector<128x512xf32> to vector<128x256xf32>
    %slice3A_139 = vector.extract_strided_slice %min3A_137 {offsets = [0, 256], sizes = [128, 256], strides = [1, 1]} : vector<128x512xf32> to vector<128x256xf32>
    %min3A_140 = arith.minimumf %slice3A_138, %slice3A_139 : vector<128x256xf32>
    %slice3A_141 = vector.extract_strided_slice %min3A_140 {offsets = [0, 0], sizes = [128, 128], strides = [1, 1]} : vector<128x256xf32> to vector<128x128xf32>
    %slice3A_142 = vector.extract_strided_slice %min3A_140 {offsets = [0, 128], sizes = [128, 128], strides = [1, 1]} : vector<128x256xf32> to vector<128x128xf32>
    %min3A_143 = arith.minimumf %slice3A_141, %slice3A_142 : vector<128x128xf32>
    %tile3A_144 = tpu.concatenate %min3A_143, %min3A_143, %min3A_143, %min3A_143, %min3A_143, %min3A_143, %min3A_143, %min3A_143, %min3A_143, %min3A_143, %min3A_143, %min3A_143, %min3A_143, %min3A_143, %min3A_143, %min3A_143 in 1 : vector<128x128xf32>, vector<128x128xf32>, vector<128x128xf32>, vector<128x128xf32>, vector<128x128xf32>, vector<128x128xf32>, vector<128x128xf32>, vector<128x128xf32>, vector<128x128xf32>, vector<128x128xf32>, vector<128x128xf32>, vector<128x128xf32>, vector<128x128xf32>, vector<128x128xf32>, vector<128x128xf32>, vector<128x128xf32> -> vector<128x2048xf32>
    %eq3A_145 = arith.cmpf oeq, %select_n3A_131, %tile3A_144 : vector<128x2048xf32>
    %jit3A_146 = arith.constant 2048 : i32
    %broadcast_in_dim3A_147 = vector.broadcast %jit3A_146 : i32 to vector<128x2048xi32>
    %select_n3A_148 = arith.select %eq3A_145, %iota3A_68, %broadcast_in_dim3A_147 : vector<128x2048xi1>, vector<128x2048xi32>
    %slice3A_149 = vector.extract_strided_slice %select_n3A_148 {offsets = [0, 0], sizes = [128, 1024], strides = [1, 1]} : vector<128x2048xi32> to vector<128x1024xi32>
    %slice3A_150 = vector.extract_strided_slice %select_n3A_148 {offsets = [0, 1024], sizes = [128, 1024], strides = [1, 1]} : vector<128x2048xi32> to vector<128x1024xi32>
    %min3A_151 = arith.minsi %slice3A_149, %slice3A_150 : vector<128x1024xi32>
    %slice3A_152 = vector.extract_strided_slice %min3A_151 {offsets = [0, 0], sizes = [128, 512], strides = [1, 1]} : vector<128x1024xi32> to vector<128x512xi32>
    %slice3A_153 = vector.extract_strided_slice %min3A_151 {offsets = [0, 512], sizes = [128, 512], strides = [1, 1]} : vector<128x1024xi32> to vector<128x512xi32>
    %min3A_154 = arith.minsi %slice3A_152, %slice3A_153 : vector<128x512xi32>
    %slice3A_155 = vector.extract_strided_slice %min3A_154 {offsets = [0, 0], sizes = [128, 256], strides = [1, 1]} : vector<128x512xi32> to vector<128x256xi32>
    %slice3A_156 = vector.extract_strided_slice %min3A_154 {offsets = [0, 256], sizes = [128, 256], strides = [1, 1]} : vector<128x512xi32> to vector<128x256xi32>
    %min3A_157 = arith.minsi %slice3A_155, %slice3A_156 : vector<128x256xi32>
    %slice3A_158 = vector.extract_strided_slice %min3A_157 {offsets = [0, 0], sizes = [128, 128], strides = [1, 1]} : vector<128x256xi32> to vector<128x128xi32>
    %slice3A_159 = vector.extract_strided_slice %min3A_157 {offsets = [0, 128], sizes = [128, 128], strides = [1, 1]} : vector<128x256xi32> to vector<128x128xi32>
    %min3A_160 = arith.minsi %slice3A_158, %slice3A_159 : vector<128x128xi32>
    %tile3A_161 = tpu.concatenate %min3A_160, %min3A_160, %min3A_160, %min3A_160, %min3A_160, %min3A_160, %min3A_160, %min3A_160, %min3A_160, %min3A_160, %min3A_160, %min3A_160, %min3A_160, %min3A_160, %min3A_160, %min3A_160 in 1 : vector<128x128xi32>, vector<128x128xi32>, vector<128x128xi32>, vector<128x128xi32>, vector<128x128xi32>, vector<128x128xi32>, vector<128x128xi32>, vector<128x128xi32>, vector<128x128xi32>, vector<128x128xi32>, vector<128x128xi32>, vector<128x128xi32>, vector<128x128xi32>, vector<128x128xi32>, vector<128x128xi32>, vector<128x128xi32> -> vector<128x2048xi32>
    %eq3A_162 = arith.cmpi eq, %select_n3A_148, %tile3A_161 : vector<128x2048xi32>
    %jit3A_163 = arith.constant 0x7F800000 : f32
    %broadcast_in_dim3A_164 = vector.broadcast %jit3A_163 : f32 to vector<128x2048xf32>
    %select_n3A_165 = arith.select %eq3A_162, %broadcast_in_dim3A_164, %select_n3A_131 : vector<128x2048xi1>, vector<128x2048xf32>
    %slice3A_166 = vector.extract_strided_slice %select_n3A_165 {offsets = [0, 0], sizes = [128, 1024], strides = [1, 1]} : vector<128x2048xf32> to vector<128x1024xf32>
    %slice3A_167 = vector.extract_strided_slice %select_n3A_165 {offsets = [0, 1024], sizes = [128, 1024], strides = [1, 1]} : vector<128x2048xf32> to vector<128x1024xf32>
    %min3A_168 = arith.minimumf %slice3A_166, %slice3A_167 : vector<128x1024xf32>
    %slice3A_169 = vector.extract_strided_slice %min3A_168 {offsets = [0, 0], sizes = [128, 512], strides = [1, 1]} : vector<128x1024xf32> to vector<128x512xf32>
    %slice3A_170 = vector.extract_strided_slice %min3A_168 {offsets = [0, 512], sizes = [128, 512], strides = [1, 1]} : vector<128x1024xf32> to vector<128x512xf32>
    %min3A_171 = arith.minimumf %slice3A_169, %slice3A_170 : vector<128x512xf32>
    %slice3A_172 = vector.extract_strided_slice %min3A_171 {offsets = [0, 0], sizes = [128, 256], strides = [1, 1]} : vector<128x512xf32> to vector<128x256xf32>
    %slice3A_173 = vector.extract_strided_slice %min3A_171 {offsets = [0, 256], sizes = [128, 256], strides = [1, 1]} : vector<128x512xf32> to vector<128x256xf32>
    %min3A_174 = arith.minimumf %slice3A_172, %slice3A_173 : vector<128x256xf32>
    %slice3A_175 = vector.extract_strided_slice %min3A_174 {offsets = [0, 0], sizes = [128, 128], strides = [1, 1]} : vector<128x256xf32> to vector<128x128xf32>
    %slice3A_176 = vector.extract_strided_slice %min3A_174 {offsets = [0, 128], sizes = [128, 128], strides = [1, 1]} : vector<128x256xf32> to vector<128x128xf32>
    %min3A_177 = arith.minimumf %slice3A_175, %slice3A_176 : vector<128x128xf32>
    %tile3A_178 = tpu.concatenate %min3A_177, %min3A_177, %min3A_177, %min3A_177, %min3A_177, %min3A_177, %min3A_177, %min3A_177, %min3A_177, %min3A_177, %min3A_177, %min3A_177, %min3A_177, %min3A_177, %min3A_177, %min3A_177 in 1 : vector<128x128xf32>, vector<128x128xf32>, vector<128x128xf32>, vector<128x128xf32>, vector<128x128xf32>, vector<128x128xf32>, vector<128x128xf32>, vector<128x128xf32>, vector<128x128xf32>, vector<128x128xf32>, vector<128x128xf32>, vector<128x128xf32>, vector<128x128xf32>, vector<128x128xf32>, vector<128x128xf32>, vector<128x128xf32> -> vector<128x2048xf32>
    %eq3A_179 = arith.cmpf oeq, %select_n3A_165, %tile3A_178 : vector<128x2048xf32>
    %jit3A_180 = arith.constant 2048 : i32
    %broadcast_in_dim3A_181 = vector.broadcast %jit3A_180 : i32 to vector<128x2048xi32>
    %select_n3A_182 = arith.select %eq3A_179, %iota3A_68, %broadcast_in_dim3A_181 : vector<128x2048xi1>, vector<128x2048xi32>
    %slice3A_183 = vector.extract_strided_slice %select_n3A_182 {offsets = [0, 0], sizes = [128, 1024], strides = [1, 1]} : vector<128x2048xi32> to vector<128x1024xi32>
    %slice3A_184 = vector.extract_strided_slice %select_n3A_182 {offsets = [0, 1024], sizes = [128, 1024], strides = [1, 1]} : vector<128x2048xi32> to vector<128x1024xi32>
    %min3A_185 = arith.minsi %slice3A_183, %slice3A_184 : vector<128x1024xi32>
    %slice3A_186 = vector.extract_strided_slice %min3A_185 {offsets = [0, 0], sizes = [128, 512], strides = [1, 1]} : vector<128x1024xi32> to vector<128x512xi32>
    %slice3A_187 = vector.extract_strided_slice %min3A_185 {offsets = [0, 512], sizes = [128, 512], strides = [1, 1]} : vector<128x1024xi32> to vector<128x512xi32>
    %min3A_188 = arith.minsi %slice3A_186, %slice3A_187 : vector<128x512xi32>
    %slice3A_189 = vector.extract_strided_slice %min3A_188 {offsets = [0, 0], sizes = [128, 256], strides = [1, 1]} : vector<128x512xi32> to vector<128x256xi32>
    %slice3A_190 = vector.extract_strided_slice %min3A_188 {offsets = [0, 256], sizes = [128, 256], strides = [1, 1]} : vector<128x512xi32> to vector<128x256xi32>
    %min3A_191 = arith.minsi %slice3A_189, %slice3A_190 : vector<128x256xi32>
    %slice3A_192 = vector.extract_strided_slice %min3A_191 {offsets = [0, 0], sizes = [128, 128], strides = [1, 1]} : vector<128x256xi32> to vector<128x128xi32>
    %slice3A_193 = vector.extract_strided_slice %min3A_191 {offsets = [0, 128], sizes = [128, 128], strides = [1, 1]} : vector<128x256xi32> to vector<128x128xi32>
    %min3A_194 = arith.minsi %slice3A_192, %slice3A_193 : vector<128x128xi32>
    %tile3A_195 = tpu.concatenate %min3A_194, %min3A_194, %min3A_194, %min3A_194, %min3A_194, %min3A_194, %min3A_194, %min3A_194, %min3A_194, %min3A_194, %min3A_194, %min3A_194, %min3A_194, %min3A_194, %min3A_194, %min3A_194 in 1 : vector<128x128xi32>, vector<128x128xi32>, vector<128x128xi32>, vector<128x128xi32>, vector<128x128xi32>, vector<128x128xi32>, vector<128x128xi32>, vector<128x128xi32>, vector<128x128xi32>, vector<128x128xi32>, vector<128x128xi32>, vector<128x128xi32>, vector<128x128xi32>, vector<128x128xi32>, vector<128x128xi32>, vector<128x128xi32> -> vector<128x2048xi32>
    %eq3A_196 = arith.cmpi eq, %select_n3A_182, %tile3A_195 : vector<128x2048xi32>
    %jit3A_197 = arith.constant 0x7F800000 : f32
    %broadcast_in_dim3A_198 = vector.broadcast %jit3A_197 : f32 to vector<128x2048xf32>
    %select_n3A_199 = arith.select %eq3A_196, %broadcast_in_dim3A_198, %select_n3A_165 : vector<128x2048xi1>, vector<128x2048xf32>
    %slice3A_200 = vector.extract_strided_slice %select_n3A_199 {offsets = [0, 0], sizes = [128, 1024], strides = [1, 1]} : vector<128x2048xf32> to vector<128x1024xf32>
    %slice3A_201 = vector.extract_strided_slice %select_n3A_199 {offsets = [0, 1024], sizes = [128, 1024], strides = [1, 1]} : vector<128x2048xf32> to vector<128x1024xf32>
    %min3A_202 = arith.minimumf %slice3A_200, %slice3A_201 : vector<128x1024xf32>
    %slice3A_203 = vector.extract_strided_slice %min3A_202 {offsets = [0, 0], sizes = [128, 512], strides = [1, 1]} : vector<128x1024xf32> to vector<128x512xf32>
    %slice3A_204 = vector.extract_strided_slice %min3A_202 {offsets = [0, 512], sizes = [128, 512], strides = [1, 1]} : vector<128x1024xf32> to vector<128x512xf32>
    %min3A_205 = arith.minimumf %slice3A_203, %slice3A_204 : vector<128x512xf32>
    %slice3A_206 = vector.extract_strided_slice %min3A_205 {offsets = [0, 0], sizes = [128, 256], strides = [1, 1]} : vector<128x512xf32> to vector<128x256xf32>
    %slice3A_207 = vector.extract_strided_slice %min3A_205 {offsets = [0, 256], sizes = [128, 256], strides = [1, 1]} : vector<128x512xf32> to vector<128x256xf32>
    %min3A_208 = arith.minimumf %slice3A_206, %slice3A_207 : vector<128x256xf32>
    %slice3A_209 = vector.extract_strided_slice %min3A_208 {offsets = [0, 0], sizes = [128, 128], strides = [1, 1]} : vector<128x256xf32> to vector<128x128xf32>
    %slice3A_210 = vector.extract_strided_slice %min3A_208 {offsets = [0, 128], sizes = [128, 128], strides = [1, 1]} : vector<128x256xf32> to vector<128x128xf32>
    %min3A_211 = arith.minimumf %slice3A_209, %slice3A_210 : vector<128x128xf32>
    %tile3A_212 = tpu.concatenate %min3A_211, %min3A_211, %min3A_211, %min3A_211, %min3A_211, %min3A_211, %min3A_211, %min3A_211, %min3A_211, %min3A_211, %min3A_211, %min3A_211, %min3A_211, %min3A_211, %min3A_211, %min3A_211 in 1 : vector<128x128xf32>, vector<128x128xf32>, vector<128x128xf32>, vector<128x128xf32>, vector<128x128xf32>, vector<128x128xf32>, vector<128x128xf32>, vector<128x128xf32>, vector<128x128xf32>, vector<128x128xf32>, vector<128x128xf32>, vector<128x128xf32>, vector<128x128xf32>, vector<128x128xf32>, vector<128x128xf32>, vector<128x128xf32> -> vector<128x2048xf32>
    %eq3A_213 = arith.cmpf oeq, %select_n3A_199, %tile3A_212 : vector<128x2048xf32>
    %jit3A_214 = arith.constant 2048 : i32
    %broadcast_in_dim3A_215 = vector.broadcast %jit3A_214 : i32 to vector<128x2048xi32>
    %select_n3A_216 = arith.select %eq3A_213, %iota3A_68, %broadcast_in_dim3A_215 : vector<128x2048xi1>, vector<128x2048xi32>
    %slice3A_217 = vector.extract_strided_slice %select_n3A_216 {offsets = [0, 0], sizes = [128, 1024], strides = [1, 1]} : vector<128x2048xi32> to vector<128x1024xi32>
    %slice3A_218 = vector.extract_strided_slice %select_n3A_216 {offsets = [0, 1024], sizes = [128, 1024], strides = [1, 1]} : vector<128x2048xi32> to vector<128x1024xi32>
    %min3A_219 = arith.minsi %slice3A_217, %slice3A_218 : vector<128x1024xi32>
    %slice3A_220 = vector.extract_strided_slice %min3A_219 {offsets = [0, 0], sizes = [128, 512], strides = [1, 1]} : vector<128x1024xi32> to vector<128x512xi32>
    %slice3A_221 = vector.extract_strided_slice %min3A_219 {offsets = [0, 512], sizes = [128, 512], strides = [1, 1]} : vector<128x1024xi32> to vector<128x512xi32>
    %min3A_222 = arith.minsi %slice3A_220, %slice3A_221 : vector<128x512xi32>
    %slice3A_223 = vector.extract_strided_slice %min3A_222 {offsets = [0, 0], sizes = [128, 256], strides = [1, 1]} : vector<128x512xi32> to vector<128x256xi32>
    %slice3A_224 = vector.extract_strided_slice %min3A_222 {offsets = [0, 256], sizes = [128, 256], strides = [1, 1]} : vector<128x512xi32> to vector<128x256xi32>
    %min3A_225 = arith.minsi %slice3A_223, %slice3A_224 : vector<128x256xi32>
    %slice3A_226 = vector.extract_strided_slice %min3A_225 {offsets = [0, 0], sizes = [128, 128], strides = [1, 1]} : vector<128x256xi32> to vector<128x128xi32>
    %slice3A_227 = vector.extract_strided_slice %min3A_225 {offsets = [0, 128], sizes = [128, 128], strides = [1, 1]} : vector<128x256xi32> to vector<128x128xi32>
    %min3A_228 = arith.minsi %slice3A_226, %slice3A_227 : vector<128x128xi32>
    %concatenate3A = tpu.concatenate %min3A_79, %min3A_109, %min3A_143, %min3A_177, %min3A_211 in 1 : vector<128x128xf32>, vector<128x128xf32>, vector<128x128xf32>, vector<128x128xf32>, vector<128x128xf32> -> vector<128x640xf32>
    %concatenate3A_229 = tpu.concatenate %min3A_92, %min3A_126, %min3A_160, %min3A_194, %min3A_228 in 1 : vector<128x128xi32>, vector<128x128xi32>, vector<128x128xi32>, vector<128x128xi32>, vector<128x128xi32> -> vector<128x640xi32>
    %reduce_min3A = arith.constant dense<0x7F800000> : vector<128xf32>
    %reduce_min3A_230 = vector.multi_reduction <minimumf>, %concatenate3A, %reduce_min3A [1] : vector<128x640xf32> to vector<128xf32>
    %broadcast_in_dim3A_231 = vector.shape_cast %reduce_min3A_230 : vector<128xf32> to vector<128x1xf32>
    %eq3A_232 = vector.broadcast %broadcast_in_dim3A_231 : vector<128x1xf32> to vector<128x640xf32>
    %eq3A_233 = arith.cmpf oeq, %concatenate3A, %eq3A_232 : vector<128x640xf32>
    %jit3A_234 = arith.constant 2048 : i32
    %broadcast_in_dim3A_235 = vector.broadcast %jit3A_234 : i32 to vector<128x640xi32>
    %select_n3A_236 = arith.select %eq3A_233, %concatenate3A_229, %broadcast_in_dim3A_235 : vector<128x640xi1>, vector<128x640xi32>
    %reduce_min3A_237 = arith.constant dense<2147483647> : vector<128xi32>
    %reduce_min3A_238 = vector.multi_reduction <minsi>, %select_n3A_236, %reduce_min3A_237 [1] : vector<128x640xi32> to vector<128xi32>
    %broadcast_in_dim3A_239 = vector.shape_cast %reduce_min3A_238 : vector<128xi32> to vector<128x1xi32>
    %eq3A_240 = arith.constant 0 : i32
    %eq3A_241 = vector.broadcast %eq3A_240 : i32 to vector<128x32xi32>
    %eq3A_242 = arith.cmpi eq, %iota3A, %eq3A_241 : vector<128x32xi32>
    %broadcast_in_dim3A_243 = vector.shape_cast %broadcast_in_dim3A_239 : vector<128x1xi32> to vector<128x1xi32>
    %broadcast_in_dim3A_244 = vector.broadcast %broadcast_in_dim3A_243 : vector<128x1xi32> to vector<128x32xi32>
    %select_n3A_245 = arith.select %eq3A_242, %broadcast_in_dim3A_244, %broadcast_in_dim3A_67 : vector<128x32xi1>, vector<128x32xi32>
    %eq3A_246 = vector.broadcast %broadcast_in_dim3A_231 : vector<128x1xf32> to vector<128x640xf32>
    %eq3A_247 = arith.cmpf oeq, %concatenate3A, %eq3A_246 : vector<128x640xf32>
    %eq3A_248 = vector.broadcast %broadcast_in_dim3A_239 : vector<128x1xi32> to vector<128x640xi32>
    %eq3A_249 = arith.cmpi eq, %concatenate3A_229, %eq3A_248 : vector<128x640xi32>
    %and3A = arith.andi %eq3A_247, %eq3A_249 : vector<128x640xi1>
    %jit3A_250 = arith.constant 0x7F800000 : f32
    %broadcast_in_dim3A_251 = vector.broadcast %jit3A_250 : f32 to vector<128x640xf32>
    %select_n3A_252 = arith.select %and3A, %broadcast_in_dim3A_251, %concatenate3A : vector<128x640xi1>, vector<128x640xf32>
    %reduce_min3A_253 = arith.constant dense<0x7F800000> : vector<128xf32>
    %reduce_min3A_254 = vector.multi_reduction <minimumf>, %select_n3A_252, %reduce_min3A_253 [1] : vector<128x640xf32> to vector<128xf32>
    %broadcast_in_dim3A_255 = vector.shape_cast %reduce_min3A_254 : vector<128xf32> to vector<128x1xf32>
    %eq3A_256 = vector.broadcast %broadcast_in_dim3A_255 : vector<128x1xf32> to vector<128x640xf32>
    %eq3A_257 = arith.cmpf oeq, %select_n3A_252, %eq3A_256 : vector<128x640xf32>
    %jit3A_258 = arith.constant 2048 : i32
    %broadcast_in_dim3A_259 = vector.broadcast %jit3A_258 : i32 to vector<128x640xi32>
    %select_n3A_260 = arith.select %eq3A_257, %concatenate3A_229, %broadcast_in_dim3A_259 : vector<128x640xi1>, vector<128x640xi32>
    %reduce_min3A_261 = arith.constant dense<2147483647> : vector<128xi32>
    %reduce_min3A_262 = vector.multi_reduction <minsi>, %select_n3A_260, %reduce_min3A_261 [1] : vector<128x640xi32> to vector<128xi32>
    %broadcast_in_dim3A_263 = vector.shape_cast %reduce_min3A_262 : vector<128xi32> to vector<128x1xi32>
    %eq3A_264 = arith.constant 1 : i32
    %eq3A_265 = vector.broadcast %eq3A_264 : i32 to vector<128x32xi32>
    %eq3A_266 = arith.cmpi eq, %iota3A, %eq3A_265 : vector<128x32xi32>
    %broadcast_in_dim3A_267 = vector.shape_cast %broadcast_in_dim3A_263 : vector<128x1xi32> to vector<128x1xi32>
    %broadcast_in_dim3A_268 = vector.broadcast %broadcast_in_dim3A_267 : vector<128x1xi32> to vector<128x32xi32>
    %select_n3A_269 = arith.select %eq3A_266, %broadcast_in_dim3A_268, %select_n3A_245 : vector<128x32xi1>, vector<128x32xi32>
    %eq3A_270 = vector.broadcast %broadcast_in_dim3A_255 : vector<128x1xf32> to vector<128x640xf32>
    %eq3A_271 = arith.cmpf oeq, %select_n3A_252, %eq3A_270 : vector<128x640xf32>
    %eq3A_272 = vector.broadcast %broadcast_in_dim3A_263 : vector<128x1xi32> to vector<128x640xi32>
    %eq3A_273 = arith.cmpi eq, %concatenate3A_229, %eq3A_272 : vector<128x640xi32>
    %and3A_274 = arith.andi %eq3A_271, %eq3A_273 : vector<128x640xi1>
    %jit3A_275 = arith.constant 0x7F800000 : f32
    %broadcast_in_dim3A_276 = vector.broadcast %jit3A_275 : f32 to vector<128x640xf32>
    %select_n3A_277 = arith.select %and3A_274, %broadcast_in_dim3A_276, %select_n3A_252 : vector<128x640xi1>, vector<128x640xf32>
    %reduce_min3A_278 = arith.constant dense<0x7F800000> : vector<128xf32>
    %reduce_min3A_279 = vector.multi_reduction <minimumf>, %select_n3A_277, %reduce_min3A_278 [1] : vector<128x640xf32> to vector<128xf32>
    %broadcast_in_dim3A_280 = vector.shape_cast %reduce_min3A_279 : vector<128xf32> to vector<128x1xf32>
    %eq3A_281 = vector.broadcast %broadcast_in_dim3A_280 : vector<128x1xf32> to vector<128x640xf32>
    %eq3A_282 = arith.cmpf oeq, %select_n3A_277, %eq3A_281 : vector<128x640xf32>
    %jit3A_283 = arith.constant 2048 : i32
    %broadcast_in_dim3A_284 = vector.broadcast %jit3A_283 : i32 to vector<128x640xi32>
    %select_n3A_285 = arith.select %eq3A_282, %concatenate3A_229, %broadcast_in_dim3A_284 : vector<128x640xi1>, vector<128x640xi32>
    %reduce_min3A_286 = arith.constant dense<2147483647> : vector<128xi32>
    %reduce_min3A_287 = vector.multi_reduction <minsi>, %select_n3A_285, %reduce_min3A_286 [1] : vector<128x640xi32> to vector<128xi32>
    %broadcast_in_dim3A_288 = vector.shape_cast %reduce_min3A_287 : vector<128xi32> to vector<128x1xi32>
    %eq3A_289 = arith.constant 2 : i32
    %eq3A_290 = vector.broadcast %eq3A_289 : i32 to vector<128x32xi32>
    %eq3A_291 = arith.cmpi eq, %iota3A, %eq3A_290 : vector<128x32xi32>
    %broadcast_in_dim3A_292 = vector.shape_cast %broadcast_in_dim3A_288 : vector<128x1xi32> to vector<128x1xi32>
    %broadcast_in_dim3A_293 = vector.broadcast %broadcast_in_dim3A_292 : vector<128x1xi32> to vector<128x32xi32>
    %select_n3A_294 = arith.select %eq3A_291, %broadcast_in_dim3A_293, %select_n3A_269 : vector<128x32xi1>, vector<128x32xi32>
    %eq3A_295 = vector.broadcast %broadcast_in_dim3A_280 : vector<128x1xf32> to vector<128x640xf32>
    %eq3A_296 = arith.cmpf oeq, %select_n3A_277, %eq3A_295 : vector<128x640xf32>
    %eq3A_297 = vector.broadcast %broadcast_in_dim3A_288 : vector<128x1xi32> to vector<128x640xi32>
    %eq3A_298 = arith.cmpi eq, %concatenate3A_229, %eq3A_297 : vector<128x640xi32>
    %and3A_299 = arith.andi %eq3A_296, %eq3A_298 : vector<128x640xi1>
    %jit3A_300 = arith.constant 0x7F800000 : f32
    %broadcast_in_dim3A_301 = vector.broadcast %jit3A_300 : f32 to vector<128x640xf32>
    %select_n3A_302 = arith.select %and3A_299, %broadcast_in_dim3A_301, %select_n3A_277 : vector<128x640xi1>, vector<128x640xf32>
    %reduce_min3A_303 = arith.constant dense<0x7F800000> : vector<128xf32>
    %reduce_min3A_304 = vector.multi_reduction <minimumf>, %select_n3A_302, %reduce_min3A_303 [1] : vector<128x640xf32> to vector<128xf32>
    %broadcast_in_dim3A_305 = vector.shape_cast %reduce_min3A_304 : vector<128xf32> to vector<128x1xf32>
    %eq3A_306 = vector.broadcast %broadcast_in_dim3A_305 : vector<128x1xf32> to vector<128x640xf32>
    %eq3A_307 = arith.cmpf oeq, %select_n3A_302, %eq3A_306 : vector<128x640xf32>
    %jit3A_308 = arith.constant 2048 : i32
    %broadcast_in_dim3A_309 = vector.broadcast %jit3A_308 : i32 to vector<128x640xi32>
    %select_n3A_310 = arith.select %eq3A_307, %concatenate3A_229, %broadcast_in_dim3A_309 : vector<128x640xi1>, vector<128x640xi32>
    %reduce_min3A_311 = arith.constant dense<2147483647> : vector<128xi32>
    %reduce_min3A_312 = vector.multi_reduction <minsi>, %select_n3A_310, %reduce_min3A_311 [1] : vector<128x640xi32> to vector<128xi32>
    %broadcast_in_dim3A_313 = vector.shape_cast %reduce_min3A_312 : vector<128xi32> to vector<128x1xi32>
    %eq3A_314 = arith.constant 3 : i32
    %eq3A_315 = vector.broadcast %eq3A_314 : i32 to vector<128x32xi32>
    %eq3A_316 = arith.cmpi eq, %iota3A, %eq3A_315 : vector<128x32xi32>
    %broadcast_in_dim3A_317 = vector.shape_cast %broadcast_in_dim3A_313 : vector<128x1xi32> to vector<128x1xi32>
    %broadcast_in_dim3A_318 = vector.broadcast %broadcast_in_dim3A_317 : vector<128x1xi32> to vector<128x32xi32>
    %select_n3A_319 = arith.select %eq3A_316, %broadcast_in_dim3A_318, %select_n3A_294 : vector<128x32xi1>, vector<128x32xi32>
    %eq3A_320 = vector.broadcast %broadcast_in_dim3A_305 : vector<128x1xf32> to vector<128x640xf32>
    %eq3A_321 = arith.cmpf oeq, %select_n3A_302, %eq3A_320 : vector<128x640xf32>
    %eq3A_322 = vector.broadcast %broadcast_in_dim3A_313 : vector<128x1xi32> to vector<128x640xi32>
    %eq3A_323 = arith.cmpi eq, %concatenate3A_229, %eq3A_322 : vector<128x640xi32>
    %and3A_324 = arith.andi %eq3A_321, %eq3A_323 : vector<128x640xi1>
    %jit3A_325 = arith.constant 0x7F800000 : f32
    %broadcast_in_dim3A_326 = vector.broadcast %jit3A_325 : f32 to vector<128x640xf32>
    %select_n3A_327 = arith.select %and3A_324, %broadcast_in_dim3A_326, %select_n3A_302 : vector<128x640xi1>, vector<128x640xf32>
    %reduce_min3A_328 = arith.constant dense<0x7F800000> : vector<128xf32>
    %reduce_min3A_329 = vector.multi_reduction <minimumf>, %select_n3A_327, %reduce_min3A_328 [1] : vector<128x640xf32> to vector<128xf32>
    %broadcast_in_dim3A_330 = vector.shape_cast %reduce_min3A_329 : vector<128xf32> to vector<128x1xf32>
    %eq3A_331 = vector.broadcast %broadcast_in_dim3A_330 : vector<128x1xf32> to vector<128x640xf32>
    %eq3A_332 = arith.cmpf oeq, %select_n3A_327, %eq3A_331 : vector<128x640xf32>
    %jit3A_333 = arith.constant 2048 : i32
    %broadcast_in_dim3A_334 = vector.broadcast %jit3A_333 : i32 to vector<128x640xi32>
    %select_n3A_335 = arith.select %eq3A_332, %concatenate3A_229, %broadcast_in_dim3A_334 : vector<128x640xi1>, vector<128x640xi32>
    %reduce_min3A_336 = arith.constant dense<2147483647> : vector<128xi32>
    %reduce_min3A_337 = vector.multi_reduction <minsi>, %select_n3A_335, %reduce_min3A_336 [1] : vector<128x640xi32> to vector<128xi32>
    %broadcast_in_dim3A_338 = vector.shape_cast %reduce_min3A_337 : vector<128xi32> to vector<128x1xi32>
    %eq3A_339 = arith.constant 4 : i32
    %eq3A_340 = vector.broadcast %eq3A_339 : i32 to vector<128x32xi32>
    %eq3A_341 = arith.cmpi eq, %iota3A, %eq3A_340 : vector<128x32xi32>
    %broadcast_in_dim3A_342 = vector.shape_cast %broadcast_in_dim3A_338 : vector<128x1xi32> to vector<128x1xi32>
    %broadcast_in_dim3A_343 = vector.broadcast %broadcast_in_dim3A_342 : vector<128x1xi32> to vector<128x32xi32>
    %select_n3A_344 = arith.select %eq3A_341, %broadcast_in_dim3A_343, %select_n3A_319 : vector<128x32xi1>, vector<128x32xi32>
    %eq3A_345 = vector.broadcast %broadcast_in_dim3A_330 : vector<128x1xf32> to vector<128x640xf32>
    %eq3A_346 = arith.cmpf oeq, %select_n3A_327, %eq3A_345 : vector<128x640xf32>
    %eq3A_347 = vector.broadcast %broadcast_in_dim3A_338 : vector<128x1xi32> to vector<128x640xi32>
    %eq3A_348 = arith.cmpi eq, %concatenate3A_229, %eq3A_347 : vector<128x640xi32>
    %and3A_349 = arith.andi %eq3A_346, %eq3A_348 : vector<128x640xi1>
    %jit3A_350 = arith.constant 0x7F800000 : f32
    %broadcast_in_dim3A_351 = vector.broadcast %jit3A_350 : f32 to vector<128x640xf32>
    %select_n3A_352 = arith.select %and3A_349, %broadcast_in_dim3A_351, %select_n3A_327 : vector<128x640xi1>, vector<128x640xf32>
    %reduce_min3A_353 = arith.constant dense<0x7F800000> : vector<128xf32>
    %reduce_min3A_354 = vector.multi_reduction <minimumf>, %select_n3A_352, %reduce_min3A_353 [1] : vector<128x640xf32> to vector<128xf32>
    %broadcast_in_dim3A_355 = vector.shape_cast %reduce_min3A_354 : vector<128xf32> to vector<128x1xf32>
    %eq3A_356 = vector.broadcast %broadcast_in_dim3A_355 : vector<128x1xf32> to vector<128x640xf32>
    %eq3A_357 = arith.cmpf oeq, %select_n3A_352, %eq3A_356 : vector<128x640xf32>
    %jit3A_358 = arith.constant 2048 : i32
    %broadcast_in_dim3A_359 = vector.broadcast %jit3A_358 : i32 to vector<128x640xi32>
    %select_n3A_360 = arith.select %eq3A_357, %concatenate3A_229, %broadcast_in_dim3A_359 : vector<128x640xi1>, vector<128x640xi32>
    %reduce_min3A_361 = arith.constant dense<2147483647> : vector<128xi32>
    %reduce_min3A_362 = vector.multi_reduction <minsi>, %select_n3A_360, %reduce_min3A_361 [1] : vector<128x640xi32> to vector<128xi32>
    %broadcast_in_dim3A_363 = vector.shape_cast %reduce_min3A_362 : vector<128xi32> to vector<128x1xi32>
    %eq3A_364 = arith.constant 5 : i32
    %eq3A_365 = vector.broadcast %eq3A_364 : i32 to vector<128x32xi32>
    %eq3A_366 = arith.cmpi eq, %iota3A, %eq3A_365 : vector<128x32xi32>
    %broadcast_in_dim3A_367 = vector.shape_cast %broadcast_in_dim3A_363 : vector<128x1xi32> to vector<128x1xi32>
    %broadcast_in_dim3A_368 = vector.broadcast %broadcast_in_dim3A_367 : vector<128x1xi32> to vector<128x32xi32>
    %select_n3A_369 = arith.select %eq3A_366, %broadcast_in_dim3A_368, %select_n3A_344 : vector<128x32xi1>, vector<128x32xi32>
    %eq3A_370 = vector.broadcast %broadcast_in_dim3A_355 : vector<128x1xf32> to vector<128x640xf32>
    %eq3A_371 = arith.cmpf oeq, %select_n3A_352, %eq3A_370 : vector<128x640xf32>
    %eq3A_372 = vector.broadcast %broadcast_in_dim3A_363 : vector<128x1xi32> to vector<128x640xi32>
    %eq3A_373 = arith.cmpi eq, %concatenate3A_229, %eq3A_372 : vector<128x640xi32>
    %and3A_374 = arith.andi %eq3A_371, %eq3A_373 : vector<128x640xi1>
    %jit3A_375 = arith.constant 0x7F800000 : f32
    %broadcast_in_dim3A_376 = vector.broadcast %jit3A_375 : f32 to vector<128x640xf32>
    %select_n3A_377 = arith.select %and3A_374, %broadcast_in_dim3A_376, %select_n3A_352 : vector<128x640xi1>, vector<128x640xf32>
    %reduce_min3A_378 = arith.constant dense<0x7F800000> : vector<128xf32>
    %reduce_min3A_379 = vector.multi_reduction <minimumf>, %select_n3A_377, %reduce_min3A_378 [1] : vector<128x640xf32> to vector<128xf32>
    %broadcast_in_dim3A_380 = vector.shape_cast %reduce_min3A_379 : vector<128xf32> to vector<128x1xf32>
    %eq3A_381 = vector.broadcast %broadcast_in_dim3A_380 : vector<128x1xf32> to vector<128x640xf32>
    %eq3A_382 = arith.cmpf oeq, %select_n3A_377, %eq3A_381 : vector<128x640xf32>
    %jit3A_383 = arith.constant 2048 : i32
    %broadcast_in_dim3A_384 = vector.broadcast %jit3A_383 : i32 to vector<128x640xi32>
    %select_n3A_385 = arith.select %eq3A_382, %concatenate3A_229, %broadcast_in_dim3A_384 : vector<128x640xi1>, vector<128x640xi32>
    %reduce_min3A_386 = arith.constant dense<2147483647> : vector<128xi32>
    %reduce_min3A_387 = vector.multi_reduction <minsi>, %select_n3A_385, %reduce_min3A_386 [1] : vector<128x640xi32> to vector<128xi32>
    %broadcast_in_dim3A_388 = vector.shape_cast %reduce_min3A_387 : vector<128xi32> to vector<128x1xi32>
    %eq3A_389 = arith.constant 6 : i32
    %eq3A_390 = vector.broadcast %eq3A_389 : i32 to vector<128x32xi32>
    %eq3A_391 = arith.cmpi eq, %iota3A, %eq3A_390 : vector<128x32xi32>
    %broadcast_in_dim3A_392 = vector.shape_cast %broadcast_in_dim3A_388 : vector<128x1xi32> to vector<128x1xi32>
    %broadcast_in_dim3A_393 = vector.broadcast %broadcast_in_dim3A_392 : vector<128x1xi32> to vector<128x32xi32>
    %select_n3A_394 = arith.select %eq3A_391, %broadcast_in_dim3A_393, %select_n3A_369 : vector<128x32xi1>, vector<128x32xi32>
    %eq3A_395 = vector.broadcast %broadcast_in_dim3A_380 : vector<128x1xf32> to vector<128x640xf32>
    %eq3A_396 = arith.cmpf oeq, %select_n3A_377, %eq3A_395 : vector<128x640xf32>
    %eq3A_397 = vector.broadcast %broadcast_in_dim3A_388 : vector<128x1xi32> to vector<128x640xi32>
    %eq3A_398 = arith.cmpi eq, %concatenate3A_229, %eq3A_397 : vector<128x640xi32>
    %and3A_399 = arith.andi %eq3A_396, %eq3A_398 : vector<128x640xi1>
    %jit3A_400 = arith.constant 0x7F800000 : f32
    %broadcast_in_dim3A_401 = vector.broadcast %jit3A_400 : f32 to vector<128x640xf32>
    %select_n3A_402 = arith.select %and3A_399, %broadcast_in_dim3A_401, %select_n3A_377 : vector<128x640xi1>, vector<128x640xf32>
    %reduce_min3A_403 = arith.constant dense<0x7F800000> : vector<128xf32>
    %reduce_min3A_404 = vector.multi_reduction <minimumf>, %select_n3A_402, %reduce_min3A_403 [1] : vector<128x640xf32> to vector<128xf32>
    %broadcast_in_dim3A_405 = vector.shape_cast %reduce_min3A_404 : vector<128xf32> to vector<128x1xf32>
    %eq3A_406 = vector.broadcast %broadcast_in_dim3A_405 : vector<128x1xf32> to vector<128x640xf32>
    %eq3A_407 = arith.cmpf oeq, %select_n3A_402, %eq3A_406 : vector<128x640xf32>
    %jit3A_408 = arith.constant 2048 : i32
    %broadcast_in_dim3A_409 = vector.broadcast %jit3A_408 : i32 to vector<128x640xi32>
    %select_n3A_410 = arith.select %eq3A_407, %concatenate3A_229, %broadcast_in_dim3A_409 : vector<128x640xi1>, vector<128x640xi32>
    %reduce_min3A_411 = arith.constant dense<2147483647> : vector<128xi32>
    %reduce_min3A_412 = vector.multi_reduction <minsi>, %select_n3A_410, %reduce_min3A_411 [1] : vector<128x640xi32> to vector<128xi32>
    %broadcast_in_dim3A_413 = vector.shape_cast %reduce_min3A_412 : vector<128xi32> to vector<128x1xi32>
    %eq3A_414 = arith.constant 7 : i32
    %eq3A_415 = vector.broadcast %eq3A_414 : i32 to vector<128x32xi32>
    %eq3A_416 = arith.cmpi eq, %iota3A, %eq3A_415 : vector<128x32xi32>
    %broadcast_in_dim3A_417 = vector.shape_cast %broadcast_in_dim3A_413 : vector<128x1xi32> to vector<128x1xi32>
    %broadcast_in_dim3A_418 = vector.broadcast %broadcast_in_dim3A_417 : vector<128x1xi32> to vector<128x32xi32>
    %select_n3A_419 = arith.select %eq3A_416, %broadcast_in_dim3A_418, %select_n3A_394 : vector<128x32xi1>, vector<128x32xi32>
    %eq3A_420 = vector.broadcast %broadcast_in_dim3A_405 : vector<128x1xf32> to vector<128x640xf32>
    %eq3A_421 = arith.cmpf oeq, %select_n3A_402, %eq3A_420 : vector<128x640xf32>
    %eq3A_422 = vector.broadcast %broadcast_in_dim3A_413 : vector<128x1xi32> to vector<128x640xi32>
    %eq3A_423 = arith.cmpi eq, %concatenate3A_229, %eq3A_422 : vector<128x640xi32>
    %and3A_424 = arith.andi %eq3A_421, %eq3A_423 : vector<128x640xi1>
    %jit3A_425 = arith.constant 0x7F800000 : f32
    %broadcast_in_dim3A_426 = vector.broadcast %jit3A_425 : f32 to vector<128x640xf32>
    %select_n3A_427 = arith.select %and3A_424, %broadcast_in_dim3A_426, %select_n3A_402 : vector<128x640xi1>, vector<128x640xf32>
    %reduce_min3A_428 = arith.constant dense<0x7F800000> : vector<128xf32>
    %reduce_min3A_429 = vector.multi_reduction <minimumf>, %select_n3A_427, %reduce_min3A_428 [1] : vector<128x640xf32> to vector<128xf32>
    %broadcast_in_dim3A_430 = vector.shape_cast %reduce_min3A_429 : vector<128xf32> to vector<128x1xf32>
    %eq3A_431 = vector.broadcast %broadcast_in_dim3A_430 : vector<128x1xf32> to vector<128x640xf32>
    %eq3A_432 = arith.cmpf oeq, %select_n3A_427, %eq3A_431 : vector<128x640xf32>
    %jit3A_433 = arith.constant 2048 : i32
    %broadcast_in_dim3A_434 = vector.broadcast %jit3A_433 : i32 to vector<128x640xi32>
    %select_n3A_435 = arith.select %eq3A_432, %concatenate3A_229, %broadcast_in_dim3A_434 : vector<128x640xi1>, vector<128x640xi32>
    %reduce_min3A_436 = arith.constant dense<2147483647> : vector<128xi32>
    %reduce_min3A_437 = vector.multi_reduction <minsi>, %select_n3A_435, %reduce_min3A_436 [1] : vector<128x640xi32> to vector<128xi32>
    %broadcast_in_dim3A_438 = vector.shape_cast %reduce_min3A_437 : vector<128xi32> to vector<128x1xi32>
    %eq3A_439 = arith.constant 8 : i32
    %eq3A_440 = vector.broadcast %eq3A_439 : i32 to vector<128x32xi32>
    %eq3A_441 = arith.cmpi eq, %iota3A, %eq3A_440 : vector<128x32xi32>
    %broadcast_in_dim3A_442 = vector.shape_cast %broadcast_in_dim3A_438 : vector<128x1xi32> to vector<128x1xi32>
    %broadcast_in_dim3A_443 = vector.broadcast %broadcast_in_dim3A_442 : vector<128x1xi32> to vector<128x32xi32>
    %select_n3A_444 = arith.select %eq3A_441, %broadcast_in_dim3A_443, %select_n3A_419 : vector<128x32xi1>, vector<128x32xi32>
    %eq3A_445 = vector.broadcast %broadcast_in_dim3A_430 : vector<128x1xf32> to vector<128x640xf32>
    %eq3A_446 = arith.cmpf oeq, %select_n3A_427, %eq3A_445 : vector<128x640xf32>
    %eq3A_447 = vector.broadcast %broadcast_in_dim3A_438 : vector<128x1xi32> to vector<128x640xi32>
    %eq3A_448 = arith.cmpi eq, %concatenate3A_229, %eq3A_447 : vector<128x640xi32>
    %and3A_449 = arith.andi %eq3A_446, %eq3A_448 : vector<128x640xi1>
    %jit3A_450 = arith.constant 0x7F800000 : f32
    %broadcast_in_dim3A_451 = vector.broadcast %jit3A_450 : f32 to vector<128x640xf32>
    %select_n3A_452 = arith.select %and3A_449, %broadcast_in_dim3A_451, %select_n3A_427 : vector<128x640xi1>, vector<128x640xf32>
    %reduce_min3A_453 = arith.constant dense<0x7F800000> : vector<128xf32>
    %reduce_min3A_454 = vector.multi_reduction <minimumf>, %select_n3A_452, %reduce_min3A_453 [1] : vector<128x640xf32> to vector<128xf32>
    %broadcast_in_dim3A_455 = vector.shape_cast %reduce_min3A_454 : vector<128xf32> to vector<128x1xf32>
    %eq3A_456 = vector.broadcast %broadcast_in_dim3A_455 : vector<128x1xf32> to vector<128x640xf32>
    %eq3A_457 = arith.cmpf oeq, %select_n3A_452, %eq3A_456 : vector<128x640xf32>
    %jit3A_458 = arith.constant 2048 : i32
    %broadcast_in_dim3A_459 = vector.broadcast %jit3A_458 : i32 to vector<128x640xi32>
    %select_n3A_460 = arith.select %eq3A_457, %concatenate3A_229, %broadcast_in_dim3A_459 : vector<128x640xi1>, vector<128x640xi32>
    %reduce_min3A_461 = arith.constant dense<2147483647> : vector<128xi32>
    %reduce_min3A_462 = vector.multi_reduction <minsi>, %select_n3A_460, %reduce_min3A_461 [1] : vector<128x640xi32> to vector<128xi32>
    %broadcast_in_dim3A_463 = vector.shape_cast %reduce_min3A_462 : vector<128xi32> to vector<128x1xi32>
    %eq3A_464 = arith.constant 9 : i32
    %eq3A_465 = vector.broadcast %eq3A_464 : i32 to vector<128x32xi32>
    %eq3A_466 = arith.cmpi eq, %iota3A, %eq3A_465 : vector<128x32xi32>
    %broadcast_in_dim3A_467 = vector.shape_cast %broadcast_in_dim3A_463 : vector<128x1xi32> to vector<128x1xi32>
    %broadcast_in_dim3A_468 = vector.broadcast %broadcast_in_dim3A_467 : vector<128x1xi32> to vector<128x32xi32>
    %select_n3A_469 = arith.select %eq3A_466, %broadcast_in_dim3A_468, %select_n3A_444 : vector<128x32xi1>, vector<128x32xi32>
    %eq3A_470 = vector.broadcast %broadcast_in_dim3A_455 : vector<128x1xf32> to vector<128x640xf32>
    %eq3A_471 = arith.cmpf oeq, %select_n3A_452, %eq3A_470 : vector<128x640xf32>
    %eq3A_472 = vector.broadcast %broadcast_in_dim3A_463 : vector<128x1xi32> to vector<128x640xi32>
    %eq3A_473 = arith.cmpi eq, %concatenate3A_229, %eq3A_472 : vector<128x640xi32>
    %and3A_474 = arith.andi %eq3A_471, %eq3A_473 : vector<128x640xi1>
    %jit3A_475 = arith.constant 0x7F800000 : f32
    %broadcast_in_dim3A_476 = vector.broadcast %jit3A_475 : f32 to vector<128x640xf32>
    %select_n3A_477 = arith.select %and3A_474, %broadcast_in_dim3A_476, %select_n3A_452 : vector<128x640xi1>, vector<128x640xf32>
    %reduce_min3A_478 = arith.constant dense<0x7F800000> : vector<128xf32>
    %reduce_min3A_479 = vector.multi_reduction <minimumf>, %select_n3A_477, %reduce_min3A_478 [1] : vector<128x640xf32> to vector<128xf32>
    %broadcast_in_dim3A_480 = vector.shape_cast %reduce_min3A_479 : vector<128xf32> to vector<128x1xf32>
    %eq3A_481 = vector.broadcast %broadcast_in_dim3A_480 : vector<128x1xf32> to vector<128x640xf32>
    %eq3A_482 = arith.cmpf oeq, %select_n3A_477, %eq3A_481 : vector<128x640xf32>
    %jit3A_483 = arith.constant 2048 : i32
    %broadcast_in_dim3A_484 = vector.broadcast %jit3A_483 : i32 to vector<128x640xi32>
    %select_n3A_485 = arith.select %eq3A_482, %concatenate3A_229, %broadcast_in_dim3A_484 : vector<128x640xi1>, vector<128x640xi32>
    %reduce_min3A_486 = arith.constant dense<2147483647> : vector<128xi32>
    %reduce_min3A_487 = vector.multi_reduction <minsi>, %select_n3A_485, %reduce_min3A_486 [1] : vector<128x640xi32> to vector<128xi32>
    %broadcast_in_dim3A_488 = vector.shape_cast %reduce_min3A_487 : vector<128xi32> to vector<128x1xi32>
    %eq3A_489 = arith.constant 10 : i32
    %eq3A_490 = vector.broadcast %eq3A_489 : i32 to vector<128x32xi32>
    %eq3A_491 = arith.cmpi eq, %iota3A, %eq3A_490 : vector<128x32xi32>
    %broadcast_in_dim3A_492 = vector.shape_cast %broadcast_in_dim3A_488 : vector<128x1xi32> to vector<128x1xi32>
    %broadcast_in_dim3A_493 = vector.broadcast %broadcast_in_dim3A_492 : vector<128x1xi32> to vector<128x32xi32>
    %select_n3A_494 = arith.select %eq3A_491, %broadcast_in_dim3A_493, %select_n3A_469 : vector<128x32xi1>, vector<128x32xi32>
    %eq3A_495 = vector.broadcast %broadcast_in_dim3A_480 : vector<128x1xf32> to vector<128x640xf32>
    %eq3A_496 = arith.cmpf oeq, %select_n3A_477, %eq3A_495 : vector<128x640xf32>
    %eq3A_497 = vector.broadcast %broadcast_in_dim3A_488 : vector<128x1xi32> to vector<128x640xi32>
    %eq3A_498 = arith.cmpi eq, %concatenate3A_229, %eq3A_497 : vector<128x640xi32>
    %and3A_499 = arith.andi %eq3A_496, %eq3A_498 : vector<128x640xi1>
    %jit3A_500 = arith.constant 0x7F800000 : f32
    %broadcast_in_dim3A_501 = vector.broadcast %jit3A_500 : f32 to vector<128x640xf32>
    %select_n3A_502 = arith.select %and3A_499, %broadcast_in_dim3A_501, %select_n3A_477 : vector<128x640xi1>, vector<128x640xf32>
    %reduce_min3A_503 = arith.constant dense<0x7F800000> : vector<128xf32>
    %reduce_min3A_504 = vector.multi_reduction <minimumf>, %select_n3A_502, %reduce_min3A_503 [1] : vector<128x640xf32> to vector<128xf32>
    %broadcast_in_dim3A_505 = vector.shape_cast %reduce_min3A_504 : vector<128xf32> to vector<128x1xf32>
    %eq3A_506 = vector.broadcast %broadcast_in_dim3A_505 : vector<128x1xf32> to vector<128x640xf32>
    %eq3A_507 = arith.cmpf oeq, %select_n3A_502, %eq3A_506 : vector<128x640xf32>
    %jit3A_508 = arith.constant 2048 : i32
    %broadcast_in_dim3A_509 = vector.broadcast %jit3A_508 : i32 to vector<128x640xi32>
    %select_n3A_510 = arith.select %eq3A_507, %concatenate3A_229, %broadcast_in_dim3A_509 : vector<128x640xi1>, vector<128x640xi32>
    %reduce_min3A_511 = arith.constant dense<2147483647> : vector<128xi32>
    %reduce_min3A_512 = vector.multi_reduction <minsi>, %select_n3A_510, %reduce_min3A_511 [1] : vector<128x640xi32> to vector<128xi32>
    %broadcast_in_dim3A_513 = vector.shape_cast %reduce_min3A_512 : vector<128xi32> to vector<128x1xi32>
    %eq3A_514 = arith.constant 11 : i32
    %eq3A_515 = vector.broadcast %eq3A_514 : i32 to vector<128x32xi32>
    %eq3A_516 = arith.cmpi eq, %iota3A, %eq3A_515 : vector<128x32xi32>
    %broadcast_in_dim3A_517 = vector.shape_cast %broadcast_in_dim3A_513 : vector<128x1xi32> to vector<128x1xi32>
    %broadcast_in_dim3A_518 = vector.broadcast %broadcast_in_dim3A_517 : vector<128x1xi32> to vector<128x32xi32>
    %select_n3A_519 = arith.select %eq3A_516, %broadcast_in_dim3A_518, %select_n3A_494 : vector<128x32xi1>, vector<128x32xi32>
    %eq3A_520 = vector.broadcast %broadcast_in_dim3A_505 : vector<128x1xf32> to vector<128x640xf32>
    %eq3A_521 = arith.cmpf oeq, %select_n3A_502, %eq3A_520 : vector<128x640xf32>
    %eq3A_522 = vector.broadcast %broadcast_in_dim3A_513 : vector<128x1xi32> to vector<128x640xi32>
    %eq3A_523 = arith.cmpi eq, %concatenate3A_229, %eq3A_522 : vector<128x640xi32>
    %and3A_524 = arith.andi %eq3A_521, %eq3A_523 : vector<128x640xi1>
    %jit3A_525 = arith.constant 0x7F800000 : f32
    %broadcast_in_dim3A_526 = vector.broadcast %jit3A_525 : f32 to vector<128x640xf32>
    %select_n3A_527 = arith.select %and3A_524, %broadcast_in_dim3A_526, %select_n3A_502 : vector<128x640xi1>, vector<128x640xf32>
    %reduce_min3A_528 = arith.constant dense<0x7F800000> : vector<128xf32>
    %reduce_min3A_529 = vector.multi_reduction <minimumf>, %select_n3A_527, %reduce_min3A_528 [1] : vector<128x640xf32> to vector<128xf32>
    %broadcast_in_dim3A_530 = vector.shape_cast %reduce_min3A_529 : vector<128xf32> to vector<128x1xf32>
    %eq3A_531 = vector.broadcast %broadcast_in_dim3A_530 : vector<128x1xf32> to vector<128x640xf32>
    %eq3A_532 = arith.cmpf oeq, %select_n3A_527, %eq3A_531 : vector<128x640xf32>
    %jit3A_533 = arith.constant 2048 : i32
    %broadcast_in_dim3A_534 = vector.broadcast %jit3A_533 : i32 to vector<128x640xi32>
    %select_n3A_535 = arith.select %eq3A_532, %concatenate3A_229, %broadcast_in_dim3A_534 : vector<128x640xi1>, vector<128x640xi32>
    %reduce_min3A_536 = arith.constant dense<2147483647> : vector<128xi32>
    %reduce_min3A_537 = vector.multi_reduction <minsi>, %select_n3A_535, %reduce_min3A_536 [1] : vector<128x640xi32> to vector<128xi32>
    %broadcast_in_dim3A_538 = vector.shape_cast %reduce_min3A_537 : vector<128xi32> to vector<128x1xi32>
    %eq3A_539 = arith.constant 12 : i32
    %eq3A_540 = vector.broadcast %eq3A_539 : i32 to vector<128x32xi32>
    %eq3A_541 = arith.cmpi eq, %iota3A, %eq3A_540 : vector<128x32xi32>
    %broadcast_in_dim3A_542 = vector.shape_cast %broadcast_in_dim3A_538 : vector<128x1xi32> to vector<128x1xi32>
    %broadcast_in_dim3A_543 = vector.broadcast %broadcast_in_dim3A_542 : vector<128x1xi32> to vector<128x32xi32>
    %select_n3A_544 = arith.select %eq3A_541, %broadcast_in_dim3A_543, %select_n3A_519 : vector<128x32xi1>, vector<128x32xi32>
    %eq3A_545 = vector.broadcast %broadcast_in_dim3A_530 : vector<128x1xf32> to vector<128x640xf32>
    %eq3A_546 = arith.cmpf oeq, %select_n3A_527, %eq3A_545 : vector<128x640xf32>
    %eq3A_547 = vector.broadcast %broadcast_in_dim3A_538 : vector<128x1xi32> to vector<128x640xi32>
    %eq3A_548 = arith.cmpi eq, %concatenate3A_229, %eq3A_547 : vector<128x640xi32>
    %and3A_549 = arith.andi %eq3A_546, %eq3A_548 : vector<128x640xi1>
    %jit3A_550 = arith.constant 0x7F800000 : f32
    %broadcast_in_dim3A_551 = vector.broadcast %jit3A_550 : f32 to vector<128x640xf32>
    %select_n3A_552 = arith.select %and3A_549, %broadcast_in_dim3A_551, %select_n3A_527 : vector<128x640xi1>, vector<128x640xf32>
    %reduce_min3A_553 = arith.constant dense<0x7F800000> : vector<128xf32>
    %reduce_min3A_554 = vector.multi_reduction <minimumf>, %select_n3A_552, %reduce_min3A_553 [1] : vector<128x640xf32> to vector<128xf32>
    %broadcast_in_dim3A_555 = vector.shape_cast %reduce_min3A_554 : vector<128xf32> to vector<128x1xf32>
    %eq3A_556 = vector.broadcast %broadcast_in_dim3A_555 : vector<128x1xf32> to vector<128x640xf32>
    %eq3A_557 = arith.cmpf oeq, %select_n3A_552, %eq3A_556 : vector<128x640xf32>
    %jit3A_558 = arith.constant 2048 : i32
    %broadcast_in_dim3A_559 = vector.broadcast %jit3A_558 : i32 to vector<128x640xi32>
    %select_n3A_560 = arith.select %eq3A_557, %concatenate3A_229, %broadcast_in_dim3A_559 : vector<128x640xi1>, vector<128x640xi32>
    %reduce_min3A_561 = arith.constant dense<2147483647> : vector<128xi32>
    %reduce_min3A_562 = vector.multi_reduction <minsi>, %select_n3A_560, %reduce_min3A_561 [1] : vector<128x640xi32> to vector<128xi32>
    %broadcast_in_dim3A_563 = vector.shape_cast %reduce_min3A_562 : vector<128xi32> to vector<128x1xi32>
    %eq3A_564 = arith.constant 13 : i32
    %eq3A_565 = vector.broadcast %eq3A_564 : i32 to vector<128x32xi32>
    %eq3A_566 = arith.cmpi eq, %iota3A, %eq3A_565 : vector<128x32xi32>
    %broadcast_in_dim3A_567 = vector.shape_cast %broadcast_in_dim3A_563 : vector<128x1xi32> to vector<128x1xi32>
    %broadcast_in_dim3A_568 = vector.broadcast %broadcast_in_dim3A_567 : vector<128x1xi32> to vector<128x32xi32>
    %select_n3A_569 = arith.select %eq3A_566, %broadcast_in_dim3A_568, %select_n3A_544 : vector<128x32xi1>, vector<128x32xi32>
    %eq3A_570 = vector.broadcast %broadcast_in_dim3A_555 : vector<128x1xf32> to vector<128x640xf32>
    %eq3A_571 = arith.cmpf oeq, %select_n3A_552, %eq3A_570 : vector<128x640xf32>
    %eq3A_572 = vector.broadcast %broadcast_in_dim3A_563 : vector<128x1xi32> to vector<128x640xi32>
    %eq3A_573 = arith.cmpi eq, %concatenate3A_229, %eq3A_572 : vector<128x640xi32>
    %and3A_574 = arith.andi %eq3A_571, %eq3A_573 : vector<128x640xi1>
    %jit3A_575 = arith.constant 0x7F800000 : f32
    %broadcast_in_dim3A_576 = vector.broadcast %jit3A_575 : f32 to vector<128x640xf32>
    %select_n3A_577 = arith.select %and3A_574, %broadcast_in_dim3A_576, %select_n3A_552 : vector<128x640xi1>, vector<128x640xf32>
    %reduce_min3A_578 = arith.constant dense<0x7F800000> : vector<128xf32>
    %reduce_min3A_579 = vector.multi_reduction <minimumf>, %select_n3A_577, %reduce_min3A_578 [1] : vector<128x640xf32> to vector<128xf32>
    %broadcast_in_dim3A_580 = vector.shape_cast %reduce_min3A_579 : vector<128xf32> to vector<128x1xf32>
    %eq3A_581 = vector.broadcast %broadcast_in_dim3A_580 : vector<128x1xf32> to vector<128x640xf32>
    %eq3A_582 = arith.cmpf oeq, %select_n3A_577, %eq3A_581 : vector<128x640xf32>
    %jit3A_583 = arith.constant 2048 : i32
    %broadcast_in_dim3A_584 = vector.broadcast %jit3A_583 : i32 to vector<128x640xi32>
    %select_n3A_585 = arith.select %eq3A_582, %concatenate3A_229, %broadcast_in_dim3A_584 : vector<128x640xi1>, vector<128x640xi32>
    %reduce_min3A_586 = arith.constant dense<2147483647> : vector<128xi32>
    %reduce_min3A_587 = vector.multi_reduction <minsi>, %select_n3A_585, %reduce_min3A_586 [1] : vector<128x640xi32> to vector<128xi32>
    %broadcast_in_dim3A_588 = vector.shape_cast %reduce_min3A_587 : vector<128xi32> to vector<128x1xi32>
    %eq3A_589 = arith.constant 14 : i32
    %eq3A_590 = vector.broadcast %eq3A_589 : i32 to vector<128x32xi32>
    %eq3A_591 = arith.cmpi eq, %iota3A, %eq3A_590 : vector<128x32xi32>
    %broadcast_in_dim3A_592 = vector.shape_cast %broadcast_in_dim3A_588 : vector<128x1xi32> to vector<128x1xi32>
    %broadcast_in_dim3A_593 = vector.broadcast %broadcast_in_dim3A_592 : vector<128x1xi32> to vector<128x32xi32>
    %select_n3A_594 = arith.select %eq3A_591, %broadcast_in_dim3A_593, %select_n3A_569 : vector<128x32xi1>, vector<128x32xi32>
    %eq3A_595 = vector.broadcast %broadcast_in_dim3A_580 : vector<128x1xf32> to vector<128x640xf32>
    %eq3A_596 = arith.cmpf oeq, %select_n3A_577, %eq3A_595 : vector<128x640xf32>
    %eq3A_597 = vector.broadcast %broadcast_in_dim3A_588 : vector<128x1xi32> to vector<128x640xi32>
    %eq3A_598 = arith.cmpi eq, %concatenate3A_229, %eq3A_597 : vector<128x640xi32>
    %and3A_599 = arith.andi %eq3A_596, %eq3A_598 : vector<128x640xi1>
    %jit3A_600 = arith.constant 0x7F800000 : f32
    %broadcast_in_dim3A_601 = vector.broadcast %jit3A_600 : f32 to vector<128x640xf32>
    %select_n3A_602 = arith.select %and3A_599, %broadcast_in_dim3A_601, %select_n3A_577 : vector<128x640xi1>, vector<128x640xf32>
    %reduce_min3A_603 = arith.constant dense<0x7F800000> : vector<128xf32>
    %reduce_min3A_604 = vector.multi_reduction <minimumf>, %select_n3A_602, %reduce_min3A_603 [1] : vector<128x640xf32> to vector<128xf32>
    %broadcast_in_dim3A_605 = vector.shape_cast %reduce_min3A_604 : vector<128xf32> to vector<128x1xf32>
    %eq3A_606 = vector.broadcast %broadcast_in_dim3A_605 : vector<128x1xf32> to vector<128x640xf32>
    %eq3A_607 = arith.cmpf oeq, %select_n3A_602, %eq3A_606 : vector<128x640xf32>
    %jit3A_608 = arith.constant 2048 : i32
    %broadcast_in_dim3A_609 = vector.broadcast %jit3A_608 : i32 to vector<128x640xi32>
    %select_n3A_610 = arith.select %eq3A_607, %concatenate3A_229, %broadcast_in_dim3A_609 : vector<128x640xi1>, vector<128x640xi32>
    %reduce_min3A_611 = arith.constant dense<2147483647> : vector<128xi32>
    %reduce_min3A_612 = vector.multi_reduction <minsi>, %select_n3A_610, %reduce_min3A_611 [1] : vector<128x640xi32> to vector<128xi32>
    %broadcast_in_dim3A_613 = vector.shape_cast %reduce_min3A_612 : vector<128xi32> to vector<128x1xi32>
    %eq3A_614 = arith.constant 15 : i32
    %eq3A_615 = vector.broadcast %eq3A_614 : i32 to vector<128x32xi32>
    %eq3A_616 = arith.cmpi eq, %iota3A, %eq3A_615 : vector<128x32xi32>
    %broadcast_in_dim3A_617 = vector.shape_cast %broadcast_in_dim3A_613 : vector<128x1xi32> to vector<128x1xi32>
    %broadcast_in_dim3A_618 = vector.broadcast %broadcast_in_dim3A_617 : vector<128x1xi32> to vector<128x32xi32>
    %select_n3A_619 = arith.select %eq3A_616, %broadcast_in_dim3A_618, %select_n3A_594 : vector<128x32xi1>, vector<128x32xi32>
    %eq3A_620 = vector.broadcast %broadcast_in_dim3A_605 : vector<128x1xf32> to vector<128x640xf32>
    %eq3A_621 = arith.cmpf oeq, %select_n3A_602, %eq3A_620 : vector<128x640xf32>
    %eq3A_622 = vector.broadcast %broadcast_in_dim3A_613 : vector<128x1xi32> to vector<128x640xi32>
    %eq3A_623 = arith.cmpi eq, %concatenate3A_229, %eq3A_622 : vector<128x640xi32>
    %and3A_624 = arith.andi %eq3A_621, %eq3A_623 : vector<128x640xi1>
    %jit3A_625 = arith.constant 0x7F800000 : f32
    %broadcast_in_dim3A_626 = vector.broadcast %jit3A_625 : f32 to vector<128x640xf32>
    %select_n3A_627 = arith.select %and3A_624, %broadcast_in_dim3A_626, %select_n3A_602 : vector<128x640xi1>, vector<128x640xf32>
    %slice3A_628 = vector.extract_strided_slice %select_n3A_627 {offsets = [0, 512], sizes = [128, 128], strides = [1, 1]} : vector<128x640xf32> to vector<128x128xf32>
    %abs3A = math.absf %slice3A_628 : vector<128x128xf32>
    %eq3A_629 = arith.constant 0x7F800000 : f32
    %eq3A_630 = vector.broadcast %eq3A_629 : f32 to vector<128x128xf32>
    %eq3A_631 = arith.cmpf oeq, %abs3A, %eq3A_630 : vector<128x128xf32>
    %reduce_or3A = arith.constant 1.000000e+00 : f32
    %reduce_or3A_632 = arith.constant 0.000000e+00 : f32
    %reduce_or3A_633 = vector.broadcast %reduce_or3A : f32 to vector<128x128xf32>
    %reduce_or3A_634 = vector.broadcast %reduce_or3A_632 : f32 to vector<128x128xf32>
    %reduce_or3A_635 = arith.select %eq3A_631, %reduce_or3A_633, %reduce_or3A_634 : vector<128x128xi1>, vector<128x128xf32>
    %reduce_or3A_636 = vector.shape_cast %reduce_or3A_635 : vector<128x128xf32> to vector<1x128x128xf32>
    %reduce_or3A_637 = arith.constant dense<0xFF800000> : vector<1xf32>
    %reduce_or3A_638 = vector.multi_reduction <maximumf>, %reduce_or3A_636, %reduce_or3A_637 [1, 2] : vector<1x128x128xf32> to vector<1xf32>
    %reduce_or3A_639 = vector.shape_cast %reduce_or3A_638 : vector<1xf32> to vector<1x1x1xf32>
    %reduce_or3A_640 = vector.extract %reduce_or3A_639[0, 0, 0] : f32 from vector<1x1x1xf32>
    %reduce_or3A_641 = arith.constant 0.000000e+00 : f32
    %reduce_or3A_642 = arith.cmpf ogt, %reduce_or3A_640, %reduce_or3A_641 : f32
    %iota3A_643 = tpu.iota {dimensions = array<i32: 1>} : vector<128x2048xi32>
    %slice3A_644 = vector.extract_strided_slice %sub3A_65 {offsets = [0, 0], sizes = [128, 1024], strides = [1, 1]} : vector<128x2048xf32> to vector<128x1024xf32>
    %slice3A_645 = vector.extract_strided_slice %sub3A_65 {offsets = [0, 1024], sizes = [128, 1024], strides = [1, 1]} : vector<128x2048xf32> to vector<128x1024xf32>
    %min3A_646 = arith.minimumf %slice3A_644, %slice3A_645 : vector<128x1024xf32>
    %slice3A_647 = vector.extract_strided_slice %min3A_646 {offsets = [0, 0], sizes = [128, 512], strides = [1, 1]} : vector<128x1024xf32> to vector<128x512xf32>
    %slice3A_648 = vector.extract_strided_slice %min3A_646 {offsets = [0, 512], sizes = [128, 512], strides = [1, 1]} : vector<128x1024xf32> to vector<128x512xf32>
    %min3A_649 = arith.minimumf %slice3A_647, %slice3A_648 : vector<128x512xf32>
    %slice3A_650 = vector.extract_strided_slice %min3A_649 {offsets = [0, 0], sizes = [128, 256], strides = [1, 1]} : vector<128x512xf32> to vector<128x256xf32>
    %slice3A_651 = vector.extract_strided_slice %min3A_649 {offsets = [0, 256], sizes = [128, 256], strides = [1, 1]} : vector<128x512xf32> to vector<128x256xf32>
    %min3A_652 = arith.minimumf %slice3A_650, %slice3A_651 : vector<128x256xf32>
    %slice3A_653 = vector.extract_strided_slice %min3A_652 {offsets = [0, 0], sizes = [128, 128], strides = [1, 1]} : vector<128x256xf32> to vector<128x128xf32>
    %slice3A_654 = vector.extract_strided_slice %min3A_652 {offsets = [0, 128], sizes = [128, 128], strides = [1, 1]} : vector<128x256xf32> to vector<128x128xf32>
    %min3A_655 = arith.minimumf %slice3A_653, %slice3A_654 : vector<128x128xf32>
    %tile3A_656 = tpu.concatenate %min3A_655, %min3A_655, %min3A_655, %min3A_655, %min3A_655, %min3A_655, %min3A_655, %min3A_655, %min3A_655, %min3A_655, %min3A_655, %min3A_655, %min3A_655, %min3A_655, %min3A_655, %min3A_655 in 1 : vector<128x128xf32>, vector<128x128xf32>, vector<128x128xf32>, vector<128x128xf32>, vector<128x128xf32>, vector<128x128xf32>, vector<128x128xf32>, vector<128x128xf32>, vector<128x128xf32>, vector<128x128xf32>, vector<128x128xf32>, vector<128x128xf32>, vector<128x128xf32>, vector<128x128xf32>, vector<128x128xf32>, vector<128x128xf32> -> vector<128x2048xf32>
    %eq3A_657 = arith.cmpf oeq, %sub3A_65, %tile3A_656 : vector<128x2048xf32>
    %jit3A_658 = arith.constant 2048 : i32
    %broadcast_in_dim3A_659 = vector.broadcast %jit3A_658 : i32 to vector<128x2048xi32>
    %select_n3A_660 = arith.select %eq3A_657, %iota3A_643, %broadcast_in_dim3A_659 : vector<128x2048xi1>, vector<128x2048xi32>
    %slice3A_661 = vector.extract_strided_slice %select_n3A_660 {offsets = [0, 0], sizes = [128, 1024], strides = [1, 1]} : vector<128x2048xi32> to vector<128x1024xi32>
    %slice3A_662 = vector.extract_strided_slice %select_n3A_660 {offsets = [0, 1024], sizes = [128, 1024], strides = [1, 1]} : vector<128x2048xi32> to vector<128x1024xi32>
    %min3A_663 = arith.minsi %slice3A_661, %slice3A_662 : vector<128x1024xi32>
    %slice3A_664 = vector.extract_strided_slice %min3A_663 {offsets = [0, 0], sizes = [128, 512], strides = [1, 1]} : vector<128x1024xi32> to vector<128x512xi32>
    %slice3A_665 = vector.extract_strided_slice %min3A_663 {offsets = [0, 512], sizes = [128, 512], strides = [1, 1]} : vector<128x1024xi32> to vector<128x512xi32>
    %min3A_666 = arith.minsi %slice3A_664, %slice3A_665 : vector<128x512xi32>
    %slice3A_667 = vector.extract_strided_slice %min3A_666 {offsets = [0, 0], sizes = [128, 256], strides = [1, 1]} : vector<128x512xi32> to vector<128x256xi32>
    %slice3A_668 = vector.extract_strided_slice %min3A_666 {offsets = [0, 256], sizes = [128, 256], strides = [1, 1]} : vector<128x512xi32> to vector<128x256xi32>
    %min3A_669 = arith.minsi %slice3A_667, %slice3A_668 : vector<128x256xi32>
    %slice3A_670 = vector.extract_strided_slice %min3A_669 {offsets = [0, 0], sizes = [128, 128], strides = [1, 1]} : vector<128x256xi32> to vector<128x128xi32>
    %slice3A_671 = vector.extract_strided_slice %min3A_669 {offsets = [0, 128], sizes = [128, 128], strides = [1, 1]} : vector<128x256xi32> to vector<128x128xi32>
    %min3A_672 = arith.minsi %slice3A_670, %slice3A_671 : vector<128x128xi32>
    %tile3A_673 = tpu.concatenate %min3A_672, %min3A_672, %min3A_672, %min3A_672, %min3A_672, %min3A_672, %min3A_672, %min3A_672, %min3A_672, %min3A_672, %min3A_672, %min3A_672, %min3A_672, %min3A_672, %min3A_672, %min3A_672 in 1 : vector<128x128xi32>, vector<128x128xi32>, vector<128x128xi32>, vector<128x128xi32>, vector<128x128xi32>, vector<128x128xi32>, vector<128x128xi32>, vector<128x128xi32>, vector<128x128xi32>, vector<128x128xi32>, vector<128x128xi32>, vector<128x128xi32>, vector<128x128xi32>, vector<128x128xi32>, vector<128x128xi32>, vector<128x128xi32> -> vector<128x2048xi32>
    %eq3A_674 = arith.cmpi eq, %select_n3A_660, %tile3A_673 : vector<128x2048xi32>
    %jit3A_675 = arith.constant 0x7F800000 : f32
    %broadcast_in_dim3A_676 = vector.broadcast %jit3A_675 : f32 to vector<128x2048xf32>
    %select_n3A_677 = arith.select %eq3A_674, %broadcast_in_dim3A_676, %sub3A_65 : vector<128x2048xi1>, vector<128x2048xf32>
    %slice3A_678 = vector.extract_strided_slice %select_n3A_677 {offsets = [0, 0], sizes = [128, 1024], strides = [1, 1]} : vector<128x2048xf32> to vector<128x1024xf32>
    %slice3A_679 = vector.extract_strided_slice %select_n3A_677 {offsets = [0, 1024], sizes = [128, 1024], strides = [1, 1]} : vector<128x2048xf32> to vector<128x1024xf32>
    %min3A_680 = arith.minimumf %slice3A_678, %slice3A_679 : vector<128x1024xf32>
    %slice3A_681 = vector.extract_strided_slice %min3A_680 {offsets = [0, 0], sizes = [128, 512], strides = [1, 1]} : vector<128x1024xf32> to vector<128x512xf32>
    %slice3A_682 = vector.extract_strided_slice %min3A_680 {offsets = [0, 512], sizes = [128, 512], strides = [1, 1]} : vector<128x1024xf32> to vector<128x512xf32>
    %min3A_683 = arith.minimumf %slice3A_681, %slice3A_682 : vector<128x512xf32>
    %slice3A_684 = vector.extract_strided_slice %min3A_683 {offsets = [0, 0], sizes = [128, 256], strides = [1, 1]} : vector<128x512xf32> to vector<128x256xf32>
    %slice3A_685 = vector.extract_strided_slice %min3A_683 {offsets = [0, 256], sizes = [128, 256], strides = [1, 1]} : vector<128x512xf32> to vector<128x256xf32>
    %min3A_686 = arith.minimumf %slice3A_684, %slice3A_685 : vector<128x256xf32>
    %slice3A_687 = vector.extract_strided_slice %min3A_686 {offsets = [0, 0], sizes = [128, 128], strides = [1, 1]} : vector<128x256xf32> to vector<128x128xf32>
    %slice3A_688 = vector.extract_strided_slice %min3A_686 {offsets = [0, 128], sizes = [128, 128], strides = [1, 1]} : vector<128x256xf32> to vector<128x128xf32>
    %min3A_689 = arith.minimumf %slice3A_687, %slice3A_688 : vector<128x128xf32>
    %tile3A_690 = tpu.concatenate %min3A_689, %min3A_689, %min3A_689, %min3A_689, %min3A_689, %min3A_689, %min3A_689, %min3A_689, %min3A_689, %min3A_689, %min3A_689, %min3A_689, %min3A_689, %min3A_689, %min3A_689, %min3A_689 in 1 : vector<128x128xf32>, vector<128x128xf32>, vector<128x128xf32>, vector<128x128xf32>, vector<128x128xf32>, vector<128x128xf32>, vector<128x128xf32>, vector<128x128xf32>, vector<128x128xf32>, vector<128x128xf32>, vector<128x128xf32>, vector<128x128xf32>, vector<128x128xf32>, vector<128x128xf32>, vector<128x128xf32>, vector<128x128xf32> -> vector<128x2048xf32>
    %eq3A_691 = arith.cmpf oeq, %select_n3A_677, %tile3A_690 : vector<128x2048xf32>
    %jit3A_692 = arith.constant 2048 : i32
    %broadcast_in_dim3A_693 = vector.broadcast %jit3A_692 : i32 to vector<128x2048xi32>
    %select_n3A_694 = arith.select %eq3A_691, %iota3A_643, %broadcast_in_dim3A_693 : vector<128x2048xi1>, vector<128x2048xi32>
    %slice3A_695 = vector.extract_strided_slice %select_n3A_694 {offsets = [0, 0], sizes = [128, 1024], strides = [1, 1]} : vector<128x2048xi32> to vector<128x1024xi32>
    %slice3A_696 = vector.extract_strided_slice %select_n3A_694 {offsets = [0, 1024], sizes = [128, 1024], strides = [1, 1]} : vector<128x2048xi32> to vector<128x1024xi32>
    %min3A_697 = arith.minsi %slice3A_695, %slice3A_696 : vector<128x1024xi32>
    %slice3A_698 = vector.extract_strided_slice %min3A_697 {offsets = [0, 0], sizes = [128, 512], strides = [1, 1]} : vector<128x1024xi32> to vector<128x512xi32>
    %slice3A_699 = vector.extract_strided_slice %min3A_697 {offsets = [0, 512], sizes = [128, 512], strides = [1, 1]} : vector<128x1024xi32> to vector<128x512xi32>
    %min3A_700 = arith.minsi %slice3A_698, %slice3A_699 : vector<128x512xi32>
    %slice3A_701 = vector.extract_strided_slice %min3A_700 {offsets = [0, 0], sizes = [128, 256], strides = [1, 1]} : vector<128x512xi32> to vector<128x256xi32>
    %slice3A_702 = vector.extract_strided_slice %min3A_700 {offsets = [0, 256], sizes = [128, 256], strides = [1, 1]} : vector<128x512xi32> to vector<128x256xi32>
    %min3A_703 = arith.minsi %slice3A_701, %slice3A_702 : vector<128x256xi32>
    %slice3A_704 = vector.extract_strided_slice %min3A_703 {offsets = [0, 0], sizes = [128, 128], strides = [1, 1]} : vector<128x256xi32> to vector<128x128xi32>
    %slice3A_705 = vector.extract_strided_slice %min3A_703 {offsets = [0, 128], sizes = [128, 128], strides = [1, 1]} : vector<128x256xi32> to vector<128x128xi32>
    %min3A_706 = arith.minsi %slice3A_704, %slice3A_705 : vector<128x128xi32>
    %tile3A_707 = tpu.concatenate %min3A_706, %min3A_706, %min3A_706, %min3A_706, %min3A_706, %min3A_706, %min3A_706, %min3A_706, %min3A_706, %min3A_706, %min3A_706, %min3A_706, %min3A_706, %min3A_706, %min3A_706, %min3A_706 in 1 : vector<128x128xi32>, vector<128x128xi32>, vector<128x128xi32>, vector<128x128xi32>, vector<128x128xi32>, vector<128x128xi32>, vector<128x128xi32>, vector<128x128xi32>, vector<128x128xi32>, vector<128x128xi32>, vector<128x128xi32>, vector<128x128xi32>, vector<128x128xi32>, vector<128x128xi32>, vector<128x128xi32>, vector<128x128xi32> -> vector<128x2048xi32>
    %eq3A_708 = arith.cmpi eq, %select_n3A_694, %tile3A_707 : vector<128x2048xi32>
    %jit3A_709 = arith.constant 0x7F800000 : f32
    %broadcast_in_dim3A_710 = vector.broadcast %jit3A_709 : f32 to vector<128x2048xf32>
    %select_n3A_711 = arith.select %eq3A_708, %broadcast_in_dim3A_710, %select_n3A_677 : vector<128x2048xi1>, vector<128x2048xf32>
    %slice3A_712 = vector.extract_strided_slice %select_n3A_711 {offsets = [0, 0], sizes = [128, 1024], strides = [1, 1]} : vector<128x2048xf32> to vector<128x1024xf32>
    %slice3A_713 = vector.extract_strided_slice %select_n3A_711 {offsets = [0, 1024], sizes = [128, 1024], strides = [1, 1]} : vector<128x2048xf32> to vector<128x1024xf32>
    %min3A_714 = arith.minimumf %slice3A_712, %slice3A_713 : vector<128x1024xf32>
    %slice3A_715 = vector.extract_strided_slice %min3A_714 {offsets = [0, 0], sizes = [128, 512], strides = [1, 1]} : vector<128x1024xf32> to vector<128x512xf32>
    %slice3A_716 = vector.extract_strided_slice %min3A_714 {offsets = [0, 512], sizes = [128, 512], strides = [1, 1]} : vector<128x1024xf32> to vector<128x512xf32>
    %min3A_717 = arith.minimumf %slice3A_715, %slice3A_716 : vector<128x512xf32>
    %slice3A_718 = vector.extract_strided_slice %min3A_717 {offsets = [0, 0], sizes = [128, 256], strides = [1, 1]} : vector<128x512xf32> to vector<128x256xf32>
    %slice3A_719 = vector.extract_strided_slice %min3A_717 {offsets = [0, 256], sizes = [128, 256], strides = [1, 1]} : vector<128x512xf32> to vector<128x256xf32>
    %min3A_720 = arith.minimumf %slice3A_718, %slice3A_719 : vector<128x256xf32>
    %slice3A_721 = vector.extract_strided_slice %min3A_720 {offsets = [0, 0], sizes = [128, 128], strides = [1, 1]} : vector<128x256xf32> to vector<128x128xf32>
    %slice3A_722 = vector.extract_strided_slice %min3A_720 {offsets = [0, 128], sizes = [128, 128], strides = [1, 1]} : vector<128x256xf32> to vector<128x128xf32>
    %min3A_723 = arith.minimumf %slice3A_721, %slice3A_722 : vector<128x128xf32>
    %tile3A_724 = tpu.concatenate %min3A_723, %min3A_723, %min3A_723, %min3A_723, %min3A_723, %min3A_723, %min3A_723, %min3A_723, %min3A_723, %min3A_723, %min3A_723, %min3A_723, %min3A_723, %min3A_723, %min3A_723, %min3A_723 in 1 : vector<128x128xf32>, vector<128x128xf32>, vector<128x128xf32>, vector<128x128xf32>, vector<128x128xf32>, vector<128x128xf32>, vector<128x128xf32>, vector<128x128xf32>, vector<128x128xf32>, vector<128x128xf32>, vector<128x128xf32>, vector<128x128xf32>, vector<128x128xf32>, vector<128x128xf32>, vector<128x128xf32>, vector<128x128xf32> -> vector<128x2048xf32>
    %eq3A_725 = arith.cmpf oeq, %select_n3A_711, %tile3A_724 : vector<128x2048xf32>
    %jit3A_726 = arith.constant 2048 : i32
    %broadcast_in_dim3A_727 = vector.broadcast %jit3A_726 : i32 to vector<128x2048xi32>
    %select_n3A_728 = arith.select %eq3A_725, %iota3A_643, %broadcast_in_dim3A_727 : vector<128x2048xi1>, vector<128x2048xi32>
    %slice3A_729 = vector.extract_strided_slice %select_n3A_728 {offsets = [0, 0], sizes = [128, 1024], strides = [1, 1]} : vector<128x2048xi32> to vector<128x1024xi32>
    %slice3A_730 = vector.extract_strided_slice %select_n3A_728 {offsets = [0, 1024], sizes = [128, 1024], strides = [1, 1]} : vector<128x2048xi32> to vector<128x1024xi32>
    %min3A_731 = arith.minsi %slice3A_729, %slice3A_730 : vector<128x1024xi32>
    %slice3A_732 = vector.extract_strided_slice %min3A_731 {offsets = [0, 0], sizes = [128, 512], strides = [1, 1]} : vector<128x1024xi32> to vector<128x512xi32>
    %slice3A_733 = vector.extract_strided_slice %min3A_731 {offsets = [0, 512], sizes = [128, 512], strides = [1, 1]} : vector<128x1024xi32> to vector<128x512xi32>
    %min3A_734 = arith.minsi %slice3A_732, %slice3A_733 : vector<128x512xi32>
    %slice3A_735 = vector.extract_strided_slice %min3A_734 {offsets = [0, 0], sizes = [128, 256], strides = [1, 1]} : vector<128x512xi32> to vector<128x256xi32>
    %slice3A_736 = vector.extract_strided_slice %min3A_734 {offsets = [0, 256], sizes = [128, 256], strides = [1, 1]} : vector<128x512xi32> to vector<128x256xi32>
    %min3A_737 = arith.minsi %slice3A_735, %slice3A_736 : vector<128x256xi32>
    %slice3A_738 = vector.extract_strided_slice %min3A_737 {offsets = [0, 0], sizes = [128, 128], strides = [1, 1]} : vector<128x256xi32> to vector<128x128xi32>
    %slice3A_739 = vector.extract_strided_slice %min3A_737 {offsets = [0, 128], sizes = [128, 128], strides = [1, 1]} : vector<128x256xi32> to vector<128x128xi32>
    %min3A_740 = arith.minsi %slice3A_738, %slice3A_739 : vector<128x128xi32>
    %tile3A_741 = tpu.concatenate %min3A_740, %min3A_740, %min3A_740, %min3A_740, %min3A_740, %min3A_740, %min3A_740, %min3A_740, %min3A_740, %min3A_740, %min3A_740, %min3A_740, %min3A_740, %min3A_740, %min3A_740, %min3A_740 in 1 : vector<128x128xi32>, vector<128x128xi32>, vector<128x128xi32>, vector<128x128xi32>, vector<128x128xi32>, vector<128x128xi32>, vector<128x128xi32>, vector<128x128xi32>, vector<128x128xi32>, vector<128x128xi32>, vector<128x128xi32>, vector<128x128xi32>, vector<128x128xi32>, vector<128x128xi32>, vector<128x128xi32>, vector<128x128xi32> -> vector<128x2048xi32>
    %eq3A_742 = arith.cmpi eq, %select_n3A_728, %tile3A_741 : vector<128x2048xi32>
    %jit3A_743 = arith.constant 0x7F800000 : f32
    %broadcast_in_dim3A_744 = vector.broadcast %jit3A_743 : f32 to vector<128x2048xf32>
    %select_n3A_745 = arith.select %eq3A_742, %broadcast_in_dim3A_744, %select_n3A_711 : vector<128x2048xi1>, vector<128x2048xf32>
    %slice3A_746 = vector.extract_strided_slice %select_n3A_745 {offsets = [0, 0], sizes = [128, 1024], strides = [1, 1]} : vector<128x2048xf32> to vector<128x1024xf32>
    %slice3A_747 = vector.extract_strided_slice %select_n3A_745 {offsets = [0, 1024], sizes = [128, 1024], strides = [1, 1]} : vector<128x2048xf32> to vector<128x1024xf32>
    %min3A_748 = arith.minimumf %slice3A_746, %slice3A_747 : vector<128x1024xf32>
    %slice3A_749 = vector.extract_strided_slice %min3A_748 {offsets = [0, 0], sizes = [128, 512], strides = [1, 1]} : vector<128x1024xf32> to vector<128x512xf32>
    %slice3A_750 = vector.extract_strided_slice %min3A_748 {offsets = [0, 512], sizes = [128, 512], strides = [1, 1]} : vector<128x1024xf32> to vector<128x512xf32>
    %min3A_751 = arith.minimumf %slice3A_749, %slice3A_750 : vector<128x512xf32>
    %slice3A_752 = vector.extract_strided_slice %min3A_751 {offsets = [0, 0], sizes = [128, 256], strides = [1, 1]} : vector<128x512xf32> to vector<128x256xf32>
    %slice3A_753 = vector.extract_strided_slice %min3A_751 {offsets = [0, 256], sizes = [128, 256], strides = [1, 1]} : vector<128x512xf32> to vector<128x256xf32>
    %min3A_754 = arith.minimumf %slice3A_752, %slice3A_753 : vector<128x256xf32>
    %slice3A_755 = vector.extract_strided_slice %min3A_754 {offsets = [0, 0], sizes = [128, 128], strides = [1, 1]} : vector<128x256xf32> to vector<128x128xf32>
    %slice3A_756 = vector.extract_strided_slice %min3A_754 {offsets = [0, 128], sizes = [128, 128], strides = [1, 1]} : vector<128x256xf32> to vector<128x128xf32>
    %min3A_757 = arith.minimumf %slice3A_755, %slice3A_756 : vector<128x128xf32>
    %tile3A_758 = tpu.concatenate %min3A_757, %min3A_757, %min3A_757, %min3A_757, %min3A_757, %min3A_757, %min3A_757, %min3A_757, %min3A_757, %min3A_757, %min3A_757, %min3A_757, %min3A_757, %min3A_757, %min3A_757, %min3A_757 in 1 : vector<128x128xf32>, vector<128x128xf32>, vector<128x128xf32>, vector<128x128xf32>, vector<128x128xf32>, vector<128x128xf32>, vector<128x128xf32>, vector<128x128xf32>, vector<128x128xf32>, vector<128x128xf32>, vector<128x128xf32>, vector<128x128xf32>, vector<128x128xf32>, vector<128x128xf32>, vector<128x128xf32>, vector<128x128xf32> -> vector<128x2048xf32>
    %eq3A_759 = arith.cmpf oeq, %select_n3A_745, %tile3A_758 : vector<128x2048xf32>
    %jit3A_760 = arith.constant 2048 : i32
    %broadcast_in_dim3A_761 = vector.broadcast %jit3A_760 : i32 to vector<128x2048xi32>
    %select_n3A_762 = arith.select %eq3A_759, %iota3A_643, %broadcast_in_dim3A_761 : vector<128x2048xi1>, vector<128x2048xi32>
    %slice3A_763 = vector.extract_strided_slice %select_n3A_762 {offsets = [0, 0], sizes = [128, 1024], strides = [1, 1]} : vector<128x2048xi32> to vector<128x1024xi32>
    %slice3A_764 = vector.extract_strided_slice %select_n3A_762 {offsets = [0, 1024], sizes = [128, 1024], strides = [1, 1]} : vector<128x2048xi32> to vector<128x1024xi32>
    %min3A_765 = arith.minsi %slice3A_763, %slice3A_764 : vector<128x1024xi32>
    %slice3A_766 = vector.extract_strided_slice %min3A_765 {offsets = [0, 0], sizes = [128, 512], strides = [1, 1]} : vector<128x1024xi32> to vector<128x512xi32>
    %slice3A_767 = vector.extract_strided_slice %min3A_765 {offsets = [0, 512], sizes = [128, 512], strides = [1, 1]} : vector<128x1024xi32> to vector<128x512xi32>
    %min3A_768 = arith.minsi %slice3A_766, %slice3A_767 : vector<128x512xi32>
    %slice3A_769 = vector.extract_strided_slice %min3A_768 {offsets = [0, 0], sizes = [128, 256], strides = [1, 1]} : vector<128x512xi32> to vector<128x256xi32>
    %slice3A_770 = vector.extract_strided_slice %min3A_768 {offsets = [0, 256], sizes = [128, 256], strides = [1, 1]} : vector<128x512xi32> to vector<128x256xi32>
    %min3A_771 = arith.minsi %slice3A_769, %slice3A_770 : vector<128x256xi32>
    %slice3A_772 = vector.extract_strided_slice %min3A_771 {offsets = [0, 0], sizes = [128, 128], strides = [1, 1]} : vector<128x256xi32> to vector<128x128xi32>
    %slice3A_773 = vector.extract_strided_slice %min3A_771 {offsets = [0, 128], sizes = [128, 128], strides = [1, 1]} : vector<128x256xi32> to vector<128x128xi32>
    %min3A_774 = arith.minsi %slice3A_772, %slice3A_773 : vector<128x128xi32>
    %tile3A_775 = tpu.concatenate %min3A_774, %min3A_774, %min3A_774, %min3A_774, %min3A_774, %min3A_774, %min3A_774, %min3A_774, %min3A_774, %min3A_774, %min3A_774, %min3A_774, %min3A_774, %min3A_774, %min3A_774, %min3A_774 in 1 : vector<128x128xi32>, vector<128x128xi32>, vector<128x128xi32>, vector<128x128xi32>, vector<128x128xi32>, vector<128x128xi32>, vector<128x128xi32>, vector<128x128xi32>, vector<128x128xi32>, vector<128x128xi32>, vector<128x128xi32>, vector<128x128xi32>, vector<128x128xi32>, vector<128x128xi32>, vector<128x128xi32>, vector<128x128xi32> -> vector<128x2048xi32>
    %eq3A_776 = arith.cmpi eq, %select_n3A_762, %tile3A_775 : vector<128x2048xi32>
    %jit3A_777 = arith.constant 0x7F800000 : f32
    %broadcast_in_dim3A_778 = vector.broadcast %jit3A_777 : f32 to vector<128x2048xf32>
    %select_n3A_779 = arith.select %eq3A_776, %broadcast_in_dim3A_778, %select_n3A_745 : vector<128x2048xi1>, vector<128x2048xf32>
    %slice3A_780 = vector.extract_strided_slice %select_n3A_779 {offsets = [0, 0], sizes = [128, 1024], strides = [1, 1]} : vector<128x2048xf32> to vector<128x1024xf32>
    %slice3A_781 = vector.extract_strided_slice %select_n3A_779 {offsets = [0, 1024], sizes = [128, 1024], strides = [1, 1]} : vector<128x2048xf32> to vector<128x1024xf32>
    %min3A_782 = arith.minimumf %slice3A_780, %slice3A_781 : vector<128x1024xf32>
    %slice3A_783 = vector.extract_strided_slice %min3A_782 {offsets = [0, 0], sizes = [128, 512], strides = [1, 1]} : vector<128x1024xf32> to vector<128x512xf32>
    %slice3A_784 = vector.extract_strided_slice %min3A_782 {offsets = [0, 512], sizes = [128, 512], strides = [1, 1]} : vector<128x1024xf32> to vector<128x512xf32>
    %min3A_785 = arith.minimumf %slice3A_783, %slice3A_784 : vector<128x512xf32>
    %slice3A_786 = vector.extract_strided_slice %min3A_785 {offsets = [0, 0], sizes = [128, 256], strides = [1, 1]} : vector<128x512xf32> to vector<128x256xf32>
    %slice3A_787 = vector.extract_strided_slice %min3A_785 {offsets = [0, 256], sizes = [128, 256], strides = [1, 1]} : vector<128x512xf32> to vector<128x256xf32>
    %min3A_788 = arith.minimumf %slice3A_786, %slice3A_787 : vector<128x256xf32>
    %slice3A_789 = vector.extract_strided_slice %min3A_788 {offsets = [0, 0], sizes = [128, 128], strides = [1, 1]} : vector<128x256xf32> to vector<128x128xf32>
    %slice3A_790 = vector.extract_strided_slice %min3A_788 {offsets = [0, 128], sizes = [128, 128], strides = [1, 1]} : vector<128x256xf32> to vector<128x128xf32>
    %min3A_791 = arith.minimumf %slice3A_789, %slice3A_790 : vector<128x128xf32>
    %tile3A_792 = tpu.concatenate %min3A_791, %min3A_791, %min3A_791, %min3A_791, %min3A_791, %min3A_791, %min3A_791, %min3A_791, %min3A_791, %min3A_791, %min3A_791, %min3A_791, %min3A_791, %min3A_791, %min3A_791, %min3A_791 in 1 : vector<128x128xf32>, vector<128x128xf32>, vector<128x128xf32>, vector<128x128xf32>, vector<128x128xf32>, vector<128x128xf32>, vector<128x128xf32>, vector<128x128xf32>, vector<128x128xf32>, vector<128x128xf32>, vector<128x128xf32>, vector<128x128xf32>, vector<128x128xf32>, vector<128x128xf32>, vector<128x128xf32>, vector<128x128xf32> -> vector<128x2048xf32>
    %eq3A_793 = arith.cmpf oeq, %select_n3A_779, %tile3A_792 : vector<128x2048xf32>
    %jit3A_794 = arith.constant 2048 : i32
    %broadcast_in_dim3A_795 = vector.broadcast %jit3A_794 : i32 to vector<128x2048xi32>
    %select_n3A_796 = arith.select %eq3A_793, %iota3A_643, %broadcast_in_dim3A_795 : vector<128x2048xi1>, vector<128x2048xi32>
    %slice3A_797 = vector.extract_strided_slice %select_n3A_796 {offsets = [0, 0], sizes = [128, 1024], strides = [1, 1]} : vector<128x2048xi32> to vector<128x1024xi32>
    %slice3A_798 = vector.extract_strided_slice %select_n3A_796 {offsets = [0, 1024], sizes = [128, 1024], strides = [1, 1]} : vector<128x2048xi32> to vector<128x1024xi32>
    %min3A_799 = arith.minsi %slice3A_797, %slice3A_798 : vector<128x1024xi32>
    %slice3A_800 = vector.extract_strided_slice %min3A_799 {offsets = [0, 0], sizes = [128, 512], strides = [1, 1]} : vector<128x1024xi32> to vector<128x512xi32>
    %slice3A_801 = vector.extract_strided_slice %min3A_799 {offsets = [0, 512], sizes = [128, 512], strides = [1, 1]} : vector<128x1024xi32> to vector<128x512xi32>
    %min3A_802 = arith.minsi %slice3A_800, %slice3A_801 : vector<128x512xi32>
    %slice3A_803 = vector.extract_strided_slice %min3A_802 {offsets = [0, 0], sizes = [128, 256], strides = [1, 1]} : vector<128x512xi32> to vector<128x256xi32>
    %slice3A_804 = vector.extract_strided_slice %min3A_802 {offsets = [0, 256], sizes = [128, 256], strides = [1, 1]} : vector<128x512xi32> to vector<128x256xi32>
    %min3A_805 = arith.minsi %slice3A_803, %slice3A_804 : vector<128x256xi32>
    %slice3A_806 = vector.extract_strided_slice %min3A_805 {offsets = [0, 0], sizes = [128, 128], strides = [1, 1]} : vector<128x256xi32> to vector<128x128xi32>
    %slice3A_807 = vector.extract_strided_slice %min3A_805 {offsets = [0, 128], sizes = [128, 128], strides = [1, 1]} : vector<128x256xi32> to vector<128x128xi32>
    %min3A_808 = arith.minsi %slice3A_806, %slice3A_807 : vector<128x128xi32>
    %concatenate3A_809 = tpu.concatenate %min3A_655, %min3A_689, %min3A_723, %min3A_757, %min3A_791 in 1 : vector<128x128xf32>, vector<128x128xf32>, vector<128x128xf32>, vector<128x128xf32>, vector<128x128xf32> -> vector<128x640xf32>
    %concatenate3A_810 = tpu.concatenate %min3A_672, %min3A_706, %min3A_740, %min3A_774, %min3A_808 in 1 : vector<128x128xi32>, vector<128x128xi32>, vector<128x128xi32>, vector<128x128xi32>, vector<128x128xi32> -> vector<128x640xi32>
    %reduce_min3A_811 = arith.constant dense<0x7F800000> : vector<128xf32>
    %reduce_min3A_812 = vector.multi_reduction <minimumf>, %concatenate3A_809, %reduce_min3A_811 [1] : vector<128x640xf32> to vector<128xf32>
    %broadcast_in_dim3A_813 = vector.shape_cast %reduce_min3A_812 : vector<128xf32> to vector<128x1xf32>
    %eq3A_814 = vector.broadcast %broadcast_in_dim3A_813 : vector<128x1xf32> to vector<128x640xf32>
    %eq3A_815 = arith.cmpf oeq, %concatenate3A_809, %eq3A_814 : vector<128x640xf32>
    %jit3A_816 = arith.constant 2048 : i32
    %broadcast_in_dim3A_817 = vector.broadcast %jit3A_816 : i32 to vector<128x640xi32>
    %select_n3A_818 = arith.select %eq3A_815, %concatenate3A_810, %broadcast_in_dim3A_817 : vector<128x640xi1>, vector<128x640xi32>
    %reduce_min3A_819 = arith.constant dense<2147483647> : vector<128xi32>
    %reduce_min3A_820 = vector.multi_reduction <minsi>, %select_n3A_818, %reduce_min3A_819 [1] : vector<128x640xi32> to vector<128xi32>
    %broadcast_in_dim3A_821 = vector.shape_cast %reduce_min3A_820 : vector<128xi32> to vector<128x1xi32>
    %eq3A_822 = arith.constant 16 : i32
    %eq3A_823 = vector.broadcast %eq3A_822 : i32 to vector<128x32xi32>
    %eq3A_824 = arith.cmpi eq, %iota3A, %eq3A_823 : vector<128x32xi32>
    %broadcast_in_dim3A_825 = vector.shape_cast %broadcast_in_dim3A_821 : vector<128x1xi32> to vector<128x1xi32>
    %broadcast_in_dim3A_826 = vector.broadcast %broadcast_in_dim3A_825 : vector<128x1xi32> to vector<128x32xi32>
    %select_n3A_827 = arith.select %eq3A_824, %broadcast_in_dim3A_826, %select_n3A_619 : vector<128x32xi1>, vector<128x32xi32>
    %eq3A_828 = vector.broadcast %broadcast_in_dim3A_813 : vector<128x1xf32> to vector<128x640xf32>
    %eq3A_829 = arith.cmpf oeq, %concatenate3A_809, %eq3A_828 : vector<128x640xf32>
    %eq3A_830 = vector.broadcast %broadcast_in_dim3A_821 : vector<128x1xi32> to vector<128x640xi32>
    %eq3A_831 = arith.cmpi eq, %concatenate3A_810, %eq3A_830 : vector<128x640xi32>
    %and3A_832 = arith.andi %eq3A_829, %eq3A_831 : vector<128x640xi1>
    %jit3A_833 = arith.constant 0x7F800000 : f32
    %broadcast_in_dim3A_834 = vector.broadcast %jit3A_833 : f32 to vector<128x640xf32>
    %select_n3A_835 = arith.select %and3A_832, %broadcast_in_dim3A_834, %concatenate3A_809 : vector<128x640xi1>, vector<128x640xf32>
    %reduce_min3A_836 = arith.constant dense<0x7F800000> : vector<128xf32>
    %reduce_min3A_837 = vector.multi_reduction <minimumf>, %select_n3A_835, %reduce_min3A_836 [1] : vector<128x640xf32> to vector<128xf32>
    %broadcast_in_dim3A_838 = vector.shape_cast %reduce_min3A_837 : vector<128xf32> to vector<128x1xf32>
    %eq3A_839 = vector.broadcast %broadcast_in_dim3A_838 : vector<128x1xf32> to vector<128x640xf32>
    %eq3A_840 = arith.cmpf oeq, %select_n3A_835, %eq3A_839 : vector<128x640xf32>
    %jit3A_841 = arith.constant 2048 : i32
    %broadcast_in_dim3A_842 = vector.broadcast %jit3A_841 : i32 to vector<128x640xi32>
    %select_n3A_843 = arith.select %eq3A_840, %concatenate3A_810, %broadcast_in_dim3A_842 : vector<128x640xi1>, vector<128x640xi32>
    %reduce_min3A_844 = arith.constant dense<2147483647> : vector<128xi32>
    %reduce_min3A_845 = vector.multi_reduction <minsi>, %select_n3A_843, %reduce_min3A_844 [1] : vector<128x640xi32> to vector<128xi32>
    %broadcast_in_dim3A_846 = vector.shape_cast %reduce_min3A_845 : vector<128xi32> to vector<128x1xi32>
    %eq3A_847 = arith.constant 17 : i32
    %eq3A_848 = vector.broadcast %eq3A_847 : i32 to vector<128x32xi32>
    %eq3A_849 = arith.cmpi eq, %iota3A, %eq3A_848 : vector<128x32xi32>
    %broadcast_in_dim3A_850 = vector.shape_cast %broadcast_in_dim3A_846 : vector<128x1xi32> to vector<128x1xi32>
    %broadcast_in_dim3A_851 = vector.broadcast %broadcast_in_dim3A_850 : vector<128x1xi32> to vector<128x32xi32>
    %select_n3A_852 = arith.select %eq3A_849, %broadcast_in_dim3A_851, %select_n3A_827 : vector<128x32xi1>, vector<128x32xi32>
    %eq3A_853 = vector.broadcast %broadcast_in_dim3A_838 : vector<128x1xf32> to vector<128x640xf32>
    %eq3A_854 = arith.cmpf oeq, %select_n3A_835, %eq3A_853 : vector<128x640xf32>
    %eq3A_855 = vector.broadcast %broadcast_in_dim3A_846 : vector<128x1xi32> to vector<128x640xi32>
    %eq3A_856 = arith.cmpi eq, %concatenate3A_810, %eq3A_855 : vector<128x640xi32>
    %and3A_857 = arith.andi %eq3A_854, %eq3A_856 : vector<128x640xi1>
    %jit3A_858 = arith.constant 0x7F800000 : f32
    %broadcast_in_dim3A_859 = vector.broadcast %jit3A_858 : f32 to vector<128x640xf32>
    %select_n3A_860 = arith.select %and3A_857, %broadcast_in_dim3A_859, %select_n3A_835 : vector<128x640xi1>, vector<128x640xf32>
    %reduce_min3A_861 = arith.constant dense<0x7F800000> : vector<128xf32>
    %reduce_min3A_862 = vector.multi_reduction <minimumf>, %select_n3A_860, %reduce_min3A_861 [1] : vector<128x640xf32> to vector<128xf32>
    %broadcast_in_dim3A_863 = vector.shape_cast %reduce_min3A_862 : vector<128xf32> to vector<128x1xf32>
    %eq3A_864 = vector.broadcast %broadcast_in_dim3A_863 : vector<128x1xf32> to vector<128x640xf32>
    %eq3A_865 = arith.cmpf oeq, %select_n3A_860, %eq3A_864 : vector<128x640xf32>
    %jit3A_866 = arith.constant 2048 : i32
    %broadcast_in_dim3A_867 = vector.broadcast %jit3A_866 : i32 to vector<128x640xi32>
    %select_n3A_868 = arith.select %eq3A_865, %concatenate3A_810, %broadcast_in_dim3A_867 : vector<128x640xi1>, vector<128x640xi32>
    %reduce_min3A_869 = arith.constant dense<2147483647> : vector<128xi32>
    %reduce_min3A_870 = vector.multi_reduction <minsi>, %select_n3A_868, %reduce_min3A_869 [1] : vector<128x640xi32> to vector<128xi32>
    %broadcast_in_dim3A_871 = vector.shape_cast %reduce_min3A_870 : vector<128xi32> to vector<128x1xi32>
    %eq3A_872 = arith.constant 18 : i32
    %eq3A_873 = vector.broadcast %eq3A_872 : i32 to vector<128x32xi32>
    %eq3A_874 = arith.cmpi eq, %iota3A, %eq3A_873 : vector<128x32xi32>
    %broadcast_in_dim3A_875 = vector.shape_cast %broadcast_in_dim3A_871 : vector<128x1xi32> to vector<128x1xi32>
    %broadcast_in_dim3A_876 = vector.broadcast %broadcast_in_dim3A_875 : vector<128x1xi32> to vector<128x32xi32>
    %select_n3A_877 = arith.select %eq3A_874, %broadcast_in_dim3A_876, %select_n3A_852 : vector<128x32xi1>, vector<128x32xi32>
    %eq3A_878 = vector.broadcast %broadcast_in_dim3A_863 : vector<128x1xf32> to vector<128x640xf32>
    %eq3A_879 = arith.cmpf oeq, %select_n3A_860, %eq3A_878 : vector<128x640xf32>
    %eq3A_880 = vector.broadcast %broadcast_in_dim3A_871 : vector<128x1xi32> to vector<128x640xi32>
    %eq3A_881 = arith.cmpi eq, %concatenate3A_810, %eq3A_880 : vector<128x640xi32>
    %and3A_882 = arith.andi %eq3A_879, %eq3A_881 : vector<128x640xi1>
    %jit3A_883 = arith.constant 0x7F800000 : f32
    %broadcast_in_dim3A_884 = vector.broadcast %jit3A_883 : f32 to vector<128x640xf32>
    %select_n3A_885 = arith.select %and3A_882, %broadcast_in_dim3A_884, %select_n3A_860 : vector<128x640xi1>, vector<128x640xf32>
    %reduce_min3A_886 = arith.constant dense<0x7F800000> : vector<128xf32>
    %reduce_min3A_887 = vector.multi_reduction <minimumf>, %select_n3A_885, %reduce_min3A_886 [1] : vector<128x640xf32> to vector<128xf32>
    %broadcast_in_dim3A_888 = vector.shape_cast %reduce_min3A_887 : vector<128xf32> to vector<128x1xf32>
    %eq3A_889 = vector.broadcast %broadcast_in_dim3A_888 : vector<128x1xf32> to vector<128x640xf32>
    %eq3A_890 = arith.cmpf oeq, %select_n3A_885, %eq3A_889 : vector<128x640xf32>
    %jit3A_891 = arith.constant 2048 : i32
    %broadcast_in_dim3A_892 = vector.broadcast %jit3A_891 : i32 to vector<128x640xi32>
    %select_n3A_893 = arith.select %eq3A_890, %concatenate3A_810, %broadcast_in_dim3A_892 : vector<128x640xi1>, vector<128x640xi32>
    %reduce_min3A_894 = arith.constant dense<2147483647> : vector<128xi32>
    %reduce_min3A_895 = vector.multi_reduction <minsi>, %select_n3A_893, %reduce_min3A_894 [1] : vector<128x640xi32> to vector<128xi32>
    %broadcast_in_dim3A_896 = vector.shape_cast %reduce_min3A_895 : vector<128xi32> to vector<128x1xi32>
    %eq3A_897 = arith.constant 19 : i32
    %eq3A_898 = vector.broadcast %eq3A_897 : i32 to vector<128x32xi32>
    %eq3A_899 = arith.cmpi eq, %iota3A, %eq3A_898 : vector<128x32xi32>
    %broadcast_in_dim3A_900 = vector.shape_cast %broadcast_in_dim3A_896 : vector<128x1xi32> to vector<128x1xi32>
    %broadcast_in_dim3A_901 = vector.broadcast %broadcast_in_dim3A_900 : vector<128x1xi32> to vector<128x32xi32>
    %select_n3A_902 = arith.select %eq3A_899, %broadcast_in_dim3A_901, %select_n3A_877 : vector<128x32xi1>, vector<128x32xi32>
    %eq3A_903 = vector.broadcast %broadcast_in_dim3A_888 : vector<128x1xf32> to vector<128x640xf32>
    %eq3A_904 = arith.cmpf oeq, %select_n3A_885, %eq3A_903 : vector<128x640xf32>
    %eq3A_905 = vector.broadcast %broadcast_in_dim3A_896 : vector<128x1xi32> to vector<128x640xi32>
    %eq3A_906 = arith.cmpi eq, %concatenate3A_810, %eq3A_905 : vector<128x640xi32>
    %and3A_907 = arith.andi %eq3A_904, %eq3A_906 : vector<128x640xi1>
    %jit3A_908 = arith.constant 0x7F800000 : f32
    %broadcast_in_dim3A_909 = vector.broadcast %jit3A_908 : f32 to vector<128x640xf32>
    %select_n3A_910 = arith.select %and3A_907, %broadcast_in_dim3A_909, %select_n3A_885 : vector<128x640xi1>, vector<128x640xf32>
    %reduce_min3A_911 = arith.constant dense<0x7F800000> : vector<128xf32>
    %reduce_min3A_912 = vector.multi_reduction <minimumf>, %select_n3A_910, %reduce_min3A_911 [1] : vector<128x640xf32> to vector<128xf32>
    %broadcast_in_dim3A_913 = vector.shape_cast %reduce_min3A_912 : vector<128xf32> to vector<128x1xf32>
    %eq3A_914 = vector.broadcast %broadcast_in_dim3A_913 : vector<128x1xf32> to vector<128x640xf32>
    %eq3A_915 = arith.cmpf oeq, %select_n3A_910, %eq3A_914 : vector<128x640xf32>
    %jit3A_916 = arith.constant 2048 : i32
    %broadcast_in_dim3A_917 = vector.broadcast %jit3A_916 : i32 to vector<128x640xi32>
    %select_n3A_918 = arith.select %eq3A_915, %concatenate3A_810, %broadcast_in_dim3A_917 : vector<128x640xi1>, vector<128x640xi32>
    %reduce_min3A_919 = arith.constant dense<2147483647> : vector<128xi32>
    %reduce_min3A_920 = vector.multi_reduction <minsi>, %select_n3A_918, %reduce_min3A_919 [1] : vector<128x640xi32> to vector<128xi32>
    %broadcast_in_dim3A_921 = vector.shape_cast %reduce_min3A_920 : vector<128xi32> to vector<128x1xi32>
    %eq3A_922 = arith.constant 20 : i32
    %eq3A_923 = vector.broadcast %eq3A_922 : i32 to vector<128x32xi32>
    %eq3A_924 = arith.cmpi eq, %iota3A, %eq3A_923 : vector<128x32xi32>
    %broadcast_in_dim3A_925 = vector.shape_cast %broadcast_in_dim3A_921 : vector<128x1xi32> to vector<128x1xi32>
    %broadcast_in_dim3A_926 = vector.broadcast %broadcast_in_dim3A_925 : vector<128x1xi32> to vector<128x32xi32>
    %select_n3A_927 = arith.select %eq3A_924, %broadcast_in_dim3A_926, %select_n3A_902 : vector<128x32xi1>, vector<128x32xi32>
    %eq3A_928 = vector.broadcast %broadcast_in_dim3A_913 : vector<128x1xf32> to vector<128x640xf32>
    %eq3A_929 = arith.cmpf oeq, %select_n3A_910, %eq3A_928 : vector<128x640xf32>
    %eq3A_930 = vector.broadcast %broadcast_in_dim3A_921 : vector<128x1xi32> to vector<128x640xi32>
    %eq3A_931 = arith.cmpi eq, %concatenate3A_810, %eq3A_930 : vector<128x640xi32>
    %and3A_932 = arith.andi %eq3A_929, %eq3A_931 : vector<128x640xi1>
    %jit3A_933 = arith.constant 0x7F800000 : f32
    %broadcast_in_dim3A_934 = vector.broadcast %jit3A_933 : f32 to vector<128x640xf32>
    %select_n3A_935 = arith.select %and3A_932, %broadcast_in_dim3A_934, %select_n3A_910 : vector<128x640xi1>, vector<128x640xf32>
    %reduce_min3A_936 = arith.constant dense<0x7F800000> : vector<128xf32>
    %reduce_min3A_937 = vector.multi_reduction <minimumf>, %select_n3A_935, %reduce_min3A_936 [1] : vector<128x640xf32> to vector<128xf32>
    %broadcast_in_dim3A_938 = vector.shape_cast %reduce_min3A_937 : vector<128xf32> to vector<128x1xf32>
    %eq3A_939 = vector.broadcast %broadcast_in_dim3A_938 : vector<128x1xf32> to vector<128x640xf32>
    %eq3A_940 = arith.cmpf oeq, %select_n3A_935, %eq3A_939 : vector<128x640xf32>
    %jit3A_941 = arith.constant 2048 : i32
    %broadcast_in_dim3A_942 = vector.broadcast %jit3A_941 : i32 to vector<128x640xi32>
    %select_n3A_943 = arith.select %eq3A_940, %concatenate3A_810, %broadcast_in_dim3A_942 : vector<128x640xi1>, vector<128x640xi32>
    %reduce_min3A_944 = arith.constant dense<2147483647> : vector<128xi32>
    %reduce_min3A_945 = vector.multi_reduction <minsi>, %select_n3A_943, %reduce_min3A_944 [1] : vector<128x640xi32> to vector<128xi32>
    %broadcast_in_dim3A_946 = vector.shape_cast %reduce_min3A_945 : vector<128xi32> to vector<128x1xi32>
    %eq3A_947 = arith.constant 21 : i32
    %eq3A_948 = vector.broadcast %eq3A_947 : i32 to vector<128x32xi32>
    %eq3A_949 = arith.cmpi eq, %iota3A, %eq3A_948 : vector<128x32xi32>
    %broadcast_in_dim3A_950 = vector.shape_cast %broadcast_in_dim3A_946 : vector<128x1xi32> to vector<128x1xi32>
    %broadcast_in_dim3A_951 = vector.broadcast %broadcast_in_dim3A_950 : vector<128x1xi32> to vector<128x32xi32>
    %select_n3A_952 = arith.select %eq3A_949, %broadcast_in_dim3A_951, %select_n3A_927 : vector<128x32xi1>, vector<128x32xi32>
    %eq3A_953 = vector.broadcast %broadcast_in_dim3A_938 : vector<128x1xf32> to vector<128x640xf32>
    %eq3A_954 = arith.cmpf oeq, %select_n3A_935, %eq3A_953 : vector<128x640xf32>
    %eq3A_955 = vector.broadcast %broadcast_in_dim3A_946 : vector<128x1xi32> to vector<128x640xi32>
    %eq3A_956 = arith.cmpi eq, %concatenate3A_810, %eq3A_955 : vector<128x640xi32>
    %and3A_957 = arith.andi %eq3A_954, %eq3A_956 : vector<128x640xi1>
    %jit3A_958 = arith.constant 0x7F800000 : f32
    %broadcast_in_dim3A_959 = vector.broadcast %jit3A_958 : f32 to vector<128x640xf32>
    %select_n3A_960 = arith.select %and3A_957, %broadcast_in_dim3A_959, %select_n3A_935 : vector<128x640xi1>, vector<128x640xf32>
    %reduce_min3A_961 = arith.constant dense<0x7F800000> : vector<128xf32>
    %reduce_min3A_962 = vector.multi_reduction <minimumf>, %select_n3A_960, %reduce_min3A_961 [1] : vector<128x640xf32> to vector<128xf32>
    %broadcast_in_dim3A_963 = vector.shape_cast %reduce_min3A_962 : vector<128xf32> to vector<128x1xf32>
    %eq3A_964 = vector.broadcast %broadcast_in_dim3A_963 : vector<128x1xf32> to vector<128x640xf32>
    %eq3A_965 = arith.cmpf oeq, %select_n3A_960, %eq3A_964 : vector<128x640xf32>
    %jit3A_966 = arith.constant 2048 : i32
    %broadcast_in_dim3A_967 = vector.broadcast %jit3A_966 : i32 to vector<128x640xi32>
    %select_n3A_968 = arith.select %eq3A_965, %concatenate3A_810, %broadcast_in_dim3A_967 : vector<128x640xi1>, vector<128x640xi32>
    %reduce_min3A_969 = arith.constant dense<2147483647> : vector<128xi32>
    %reduce_min3A_970 = vector.multi_reduction <minsi>, %select_n3A_968, %reduce_min3A_969 [1] : vector<128x640xi32> to vector<128xi32>
    %broadcast_in_dim3A_971 = vector.shape_cast %reduce_min3A_970 : vector<128xi32> to vector<128x1xi32>
    %eq3A_972 = arith.constant 22 : i32
    %eq3A_973 = vector.broadcast %eq3A_972 : i32 to vector<128x32xi32>
    %eq3A_974 = arith.cmpi eq, %iota3A, %eq3A_973 : vector<128x32xi32>
    %broadcast_in_dim3A_975 = vector.shape_cast %broadcast_in_dim3A_971 : vector<128x1xi32> to vector<128x1xi32>
    %broadcast_in_dim3A_976 = vector.broadcast %broadcast_in_dim3A_975 : vector<128x1xi32> to vector<128x32xi32>
    %select_n3A_977 = arith.select %eq3A_974, %broadcast_in_dim3A_976, %select_n3A_952 : vector<128x32xi1>, vector<128x32xi32>
    %eq3A_978 = vector.broadcast %broadcast_in_dim3A_963 : vector<128x1xf32> to vector<128x640xf32>
    %eq3A_979 = arith.cmpf oeq, %select_n3A_960, %eq3A_978 : vector<128x640xf32>
    %eq3A_980 = vector.broadcast %broadcast_in_dim3A_971 : vector<128x1xi32> to vector<128x640xi32>
    %eq3A_981 = arith.cmpi eq, %concatenate3A_810, %eq3A_980 : vector<128x640xi32>
    %and3A_982 = arith.andi %eq3A_979, %eq3A_981 : vector<128x640xi1>
    %jit3A_983 = arith.constant 0x7F800000 : f32
    %broadcast_in_dim3A_984 = vector.broadcast %jit3A_983 : f32 to vector<128x640xf32>
    %select_n3A_985 = arith.select %and3A_982, %broadcast_in_dim3A_984, %select_n3A_960 : vector<128x640xi1>, vector<128x640xf32>
    %reduce_min3A_986 = arith.constant dense<0x7F800000> : vector<128xf32>
    %reduce_min3A_987 = vector.multi_reduction <minimumf>, %select_n3A_985, %reduce_min3A_986 [1] : vector<128x640xf32> to vector<128xf32>
    %broadcast_in_dim3A_988 = vector.shape_cast %reduce_min3A_987 : vector<128xf32> to vector<128x1xf32>
    %eq3A_989 = vector.broadcast %broadcast_in_dim3A_988 : vector<128x1xf32> to vector<128x640xf32>
    %eq3A_990 = arith.cmpf oeq, %select_n3A_985, %eq3A_989 : vector<128x640xf32>
    %jit3A_991 = arith.constant 2048 : i32
    %broadcast_in_dim3A_992 = vector.broadcast %jit3A_991 : i32 to vector<128x640xi32>
    %select_n3A_993 = arith.select %eq3A_990, %concatenate3A_810, %broadcast_in_dim3A_992 : vector<128x640xi1>, vector<128x640xi32>
    %reduce_min3A_994 = arith.constant dense<2147483647> : vector<128xi32>
    %reduce_min3A_995 = vector.multi_reduction <minsi>, %select_n3A_993, %reduce_min3A_994 [1] : vector<128x640xi32> to vector<128xi32>
    %broadcast_in_dim3A_996 = vector.shape_cast %reduce_min3A_995 : vector<128xi32> to vector<128x1xi32>
    %eq3A_997 = arith.constant 23 : i32
    %eq3A_998 = vector.broadcast %eq3A_997 : i32 to vector<128x32xi32>
    %eq3A_999 = arith.cmpi eq, %iota3A, %eq3A_998 : vector<128x32xi32>
    %broadcast_in_dim3A_1000 = vector.shape_cast %broadcast_in_dim3A_996 : vector<128x1xi32> to vector<128x1xi32>
    %broadcast_in_dim3A_1001 = vector.broadcast %broadcast_in_dim3A_1000 : vector<128x1xi32> to vector<128x32xi32>
    %select_n3A_1002 = arith.select %eq3A_999, %broadcast_in_dim3A_1001, %select_n3A_977 : vector<128x32xi1>, vector<128x32xi32>
    %eq3A_1003 = vector.broadcast %broadcast_in_dim3A_988 : vector<128x1xf32> to vector<128x640xf32>
    %eq3A_1004 = arith.cmpf oeq, %select_n3A_985, %eq3A_1003 : vector<128x640xf32>
    %eq3A_1005 = vector.broadcast %broadcast_in_dim3A_996 : vector<128x1xi32> to vector<128x640xi32>
    %eq3A_1006 = arith.cmpi eq, %concatenate3A_810, %eq3A_1005 : vector<128x640xi32>
    %and3A_1007 = arith.andi %eq3A_1004, %eq3A_1006 : vector<128x640xi1>
    %jit3A_1008 = arith.constant 0x7F800000 : f32
    %broadcast_in_dim3A_1009 = vector.broadcast %jit3A_1008 : f32 to vector<128x640xf32>
    %select_n3A_1010 = arith.select %and3A_1007, %broadcast_in_dim3A_1009, %select_n3A_985 : vector<128x640xi1>, vector<128x640xf32>
    %reduce_min3A_1011 = arith.constant dense<0x7F800000> : vector<128xf32>
    %reduce_min3A_1012 = vector.multi_reduction <minimumf>, %select_n3A_1010, %reduce_min3A_1011 [1] : vector<128x640xf32> to vector<128xf32>
    %broadcast_in_dim3A_1013 = vector.shape_cast %reduce_min3A_1012 : vector<128xf32> to vector<128x1xf32>
    %eq3A_1014 = vector.broadcast %broadcast_in_dim3A_1013 : vector<128x1xf32> to vector<128x640xf32>
    %eq3A_1015 = arith.cmpf oeq, %select_n3A_1010, %eq3A_1014 : vector<128x640xf32>
    %jit3A_1016 = arith.constant 2048 : i32
    %broadcast_in_dim3A_1017 = vector.broadcast %jit3A_1016 : i32 to vector<128x640xi32>
    %select_n3A_1018 = arith.select %eq3A_1015, %concatenate3A_810, %broadcast_in_dim3A_1017 : vector<128x640xi1>, vector<128x640xi32>
    %reduce_min3A_1019 = arith.constant dense<2147483647> : vector<128xi32>
    %reduce_min3A_1020 = vector.multi_reduction <minsi>, %select_n3A_1018, %reduce_min3A_1019 [1] : vector<128x640xi32> to vector<128xi32>
    %broadcast_in_dim3A_1021 = vector.shape_cast %reduce_min3A_1020 : vector<128xi32> to vector<128x1xi32>
    %eq3A_1022 = arith.constant 24 : i32
    %eq3A_1023 = vector.broadcast %eq3A_1022 : i32 to vector<128x32xi32>
    %eq3A_1024 = arith.cmpi eq, %iota3A, %eq3A_1023 : vector<128x32xi32>
    %broadcast_in_dim3A_1025 = vector.shape_cast %broadcast_in_dim3A_1021 : vector<128x1xi32> to vector<128x1xi32>
    %broadcast_in_dim3A_1026 = vector.broadcast %broadcast_in_dim3A_1025 : vector<128x1xi32> to vector<128x32xi32>
    %select_n3A_1027 = arith.select %eq3A_1024, %broadcast_in_dim3A_1026, %select_n3A_1002 : vector<128x32xi1>, vector<128x32xi32>
    %eq3A_1028 = vector.broadcast %broadcast_in_dim3A_1013 : vector<128x1xf32> to vector<128x640xf32>
    %eq3A_1029 = arith.cmpf oeq, %select_n3A_1010, %eq3A_1028 : vector<128x640xf32>
    %eq3A_1030 = vector.broadcast %broadcast_in_dim3A_1021 : vector<128x1xi32> to vector<128x640xi32>
    %eq3A_1031 = arith.cmpi eq, %concatenate3A_810, %eq3A_1030 : vector<128x640xi32>
    %and3A_1032 = arith.andi %eq3A_1029, %eq3A_1031 : vector<128x640xi1>
    %jit3A_1033 = arith.constant 0x7F800000 : f32
    %broadcast_in_dim3A_1034 = vector.broadcast %jit3A_1033 : f32 to vector<128x640xf32>
    %select_n3A_1035 = arith.select %and3A_1032, %broadcast_in_dim3A_1034, %select_n3A_1010 : vector<128x640xi1>, vector<128x640xf32>
    %reduce_min3A_1036 = arith.constant dense<0x7F800000> : vector<128xf32>
    %reduce_min3A_1037 = vector.multi_reduction <minimumf>, %select_n3A_1035, %reduce_min3A_1036 [1] : vector<128x640xf32> to vector<128xf32>
    %broadcast_in_dim3A_1038 = vector.shape_cast %reduce_min3A_1037 : vector<128xf32> to vector<128x1xf32>
    %eq3A_1039 = vector.broadcast %broadcast_in_dim3A_1038 : vector<128x1xf32> to vector<128x640xf32>
    %eq3A_1040 = arith.cmpf oeq, %select_n3A_1035, %eq3A_1039 : vector<128x640xf32>
    %jit3A_1041 = arith.constant 2048 : i32
    %broadcast_in_dim3A_1042 = vector.broadcast %jit3A_1041 : i32 to vector<128x640xi32>
    %select_n3A_1043 = arith.select %eq3A_1040, %concatenate3A_810, %broadcast_in_dim3A_1042 : vector<128x640xi1>, vector<128x640xi32>
    %reduce_min3A_1044 = arith.constant dense<2147483647> : vector<128xi32>
    %reduce_min3A_1045 = vector.multi_reduction <minsi>, %select_n3A_1043, %reduce_min3A_1044 [1] : vector<128x640xi32> to vector<128xi32>
    %broadcast_in_dim3A_1046 = vector.shape_cast %reduce_min3A_1045 : vector<128xi32> to vector<128x1xi32>
    %eq3A_1047 = arith.constant 25 : i32
    %eq3A_1048 = vector.broadcast %eq3A_1047 : i32 to vector<128x32xi32>
    %eq3A_1049 = arith.cmpi eq, %iota3A, %eq3A_1048 : vector<128x32xi32>
    %broadcast_in_dim3A_1050 = vector.shape_cast %broadcast_in_dim3A_1046 : vector<128x1xi32> to vector<128x1xi32>
    %broadcast_in_dim3A_1051 = vector.broadcast %broadcast_in_dim3A_1050 : vector<128x1xi32> to vector<128x32xi32>
    %select_n3A_1052 = arith.select %eq3A_1049, %broadcast_in_dim3A_1051, %select_n3A_1027 : vector<128x32xi1>, vector<128x32xi32>
    %eq3A_1053 = vector.broadcast %broadcast_in_dim3A_1038 : vector<128x1xf32> to vector<128x640xf32>
    %eq3A_1054 = arith.cmpf oeq, %select_n3A_1035, %eq3A_1053 : vector<128x640xf32>
    %eq3A_1055 = vector.broadcast %broadcast_in_dim3A_1046 : vector<128x1xi32> to vector<128x640xi32>
    %eq3A_1056 = arith.cmpi eq, %concatenate3A_810, %eq3A_1055 : vector<128x640xi32>
    %and3A_1057 = arith.andi %eq3A_1054, %eq3A_1056 : vector<128x640xi1>
    %jit3A_1058 = arith.constant 0x7F800000 : f32
    %broadcast_in_dim3A_1059 = vector.broadcast %jit3A_1058 : f32 to vector<128x640xf32>
    %select_n3A_1060 = arith.select %and3A_1057, %broadcast_in_dim3A_1059, %select_n3A_1035 : vector<128x640xi1>, vector<128x640xf32>
    %reduce_min3A_1061 = arith.constant dense<0x7F800000> : vector<128xf32>
    %reduce_min3A_1062 = vector.multi_reduction <minimumf>, %select_n3A_1060, %reduce_min3A_1061 [1] : vector<128x640xf32> to vector<128xf32>
    %broadcast_in_dim3A_1063 = vector.shape_cast %reduce_min3A_1062 : vector<128xf32> to vector<128x1xf32>
    %eq3A_1064 = vector.broadcast %broadcast_in_dim3A_1063 : vector<128x1xf32> to vector<128x640xf32>
    %eq3A_1065 = arith.cmpf oeq, %select_n3A_1060, %eq3A_1064 : vector<128x640xf32>
    %jit3A_1066 = arith.constant 2048 : i32
    %broadcast_in_dim3A_1067 = vector.broadcast %jit3A_1066 : i32 to vector<128x640xi32>
    %select_n3A_1068 = arith.select %eq3A_1065, %concatenate3A_810, %broadcast_in_dim3A_1067 : vector<128x640xi1>, vector<128x640xi32>
    %reduce_min3A_1069 = arith.constant dense<2147483647> : vector<128xi32>
    %reduce_min3A_1070 = vector.multi_reduction <minsi>, %select_n3A_1068, %reduce_min3A_1069 [1] : vector<128x640xi32> to vector<128xi32>
    %broadcast_in_dim3A_1071 = vector.shape_cast %reduce_min3A_1070 : vector<128xi32> to vector<128x1xi32>
    %eq3A_1072 = arith.constant 26 : i32
    %eq3A_1073 = vector.broadcast %eq3A_1072 : i32 to vector<128x32xi32>
    %eq3A_1074 = arith.cmpi eq, %iota3A, %eq3A_1073 : vector<128x32xi32>
    %broadcast_in_dim3A_1075 = vector.shape_cast %broadcast_in_dim3A_1071 : vector<128x1xi32> to vector<128x1xi32>
    %broadcast_in_dim3A_1076 = vector.broadcast %broadcast_in_dim3A_1075 : vector<128x1xi32> to vector<128x32xi32>
    %select_n3A_1077 = arith.select %eq3A_1074, %broadcast_in_dim3A_1076, %select_n3A_1052 : vector<128x32xi1>, vector<128x32xi32>
    %eq3A_1078 = vector.broadcast %broadcast_in_dim3A_1063 : vector<128x1xf32> to vector<128x640xf32>
    %eq3A_1079 = arith.cmpf oeq, %select_n3A_1060, %eq3A_1078 : vector<128x640xf32>
    %eq3A_1080 = vector.broadcast %broadcast_in_dim3A_1071 : vector<128x1xi32> to vector<128x640xi32>
    %eq3A_1081 = arith.cmpi eq, %concatenate3A_810, %eq3A_1080 : vector<128x640xi32>
    %and3A_1082 = arith.andi %eq3A_1079, %eq3A_1081 : vector<128x640xi1>
    %jit3A_1083 = arith.constant 0x7F800000 : f32
    %broadcast_in_dim3A_1084 = vector.broadcast %jit3A_1083 : f32 to vector<128x640xf32>
    %select_n3A_1085 = arith.select %and3A_1082, %broadcast_in_dim3A_1084, %select_n3A_1060 : vector<128x640xi1>, vector<128x640xf32>
    %reduce_min3A_1086 = arith.constant dense<0x7F800000> : vector<128xf32>
    %reduce_min3A_1087 = vector.multi_reduction <minimumf>, %select_n3A_1085, %reduce_min3A_1086 [1] : vector<128x640xf32> to vector<128xf32>
    %broadcast_in_dim3A_1088 = vector.shape_cast %reduce_min3A_1087 : vector<128xf32> to vector<128x1xf32>
    %eq3A_1089 = vector.broadcast %broadcast_in_dim3A_1088 : vector<128x1xf32> to vector<128x640xf32>
    %eq3A_1090 = arith.cmpf oeq, %select_n3A_1085, %eq3A_1089 : vector<128x640xf32>
    %jit3A_1091 = arith.constant 2048 : i32
    %broadcast_in_dim3A_1092 = vector.broadcast %jit3A_1091 : i32 to vector<128x640xi32>
    %select_n3A_1093 = arith.select %eq3A_1090, %concatenate3A_810, %broadcast_in_dim3A_1092 : vector<128x640xi1>, vector<128x640xi32>
    %reduce_min3A_1094 = arith.constant dense<2147483647> : vector<128xi32>
    %reduce_min3A_1095 = vector.multi_reduction <minsi>, %select_n3A_1093, %reduce_min3A_1094 [1] : vector<128x640xi32> to vector<128xi32>
    %broadcast_in_dim3A_1096 = vector.shape_cast %reduce_min3A_1095 : vector<128xi32> to vector<128x1xi32>
    %eq3A_1097 = arith.constant 27 : i32
    %eq3A_1098 = vector.broadcast %eq3A_1097 : i32 to vector<128x32xi32>
    %eq3A_1099 = arith.cmpi eq, %iota3A, %eq3A_1098 : vector<128x32xi32>
    %broadcast_in_dim3A_1100 = vector.shape_cast %broadcast_in_dim3A_1096 : vector<128x1xi32> to vector<128x1xi32>
    %broadcast_in_dim3A_1101 = vector.broadcast %broadcast_in_dim3A_1100 : vector<128x1xi32> to vector<128x32xi32>
    %select_n3A_1102 = arith.select %eq3A_1099, %broadcast_in_dim3A_1101, %select_n3A_1077 : vector<128x32xi1>, vector<128x32xi32>
    %eq3A_1103 = vector.broadcast %broadcast_in_dim3A_1088 : vector<128x1xf32> to vector<128x640xf32>
    %eq3A_1104 = arith.cmpf oeq, %select_n3A_1085, %eq3A_1103 : vector<128x640xf32>
    %eq3A_1105 = vector.broadcast %broadcast_in_dim3A_1096 : vector<128x1xi32> to vector<128x640xi32>
    %eq3A_1106 = arith.cmpi eq, %concatenate3A_810, %eq3A_1105 : vector<128x640xi32>
    %and3A_1107 = arith.andi %eq3A_1104, %eq3A_1106 : vector<128x640xi1>
    %jit3A_1108 = arith.constant 0x7F800000 : f32
    %broadcast_in_dim3A_1109 = vector.broadcast %jit3A_1108 : f32 to vector<128x640xf32>
    %select_n3A_1110 = arith.select %and3A_1107, %broadcast_in_dim3A_1109, %select_n3A_1085 : vector<128x640xi1>, vector<128x640xf32>
    %reduce_min3A_1111 = arith.constant dense<0x7F800000> : vector<128xf32>
    %reduce_min3A_1112 = vector.multi_reduction <minimumf>, %select_n3A_1110, %reduce_min3A_1111 [1] : vector<128x640xf32> to vector<128xf32>
    %broadcast_in_dim3A_1113 = vector.shape_cast %reduce_min3A_1112 : vector<128xf32> to vector<128x1xf32>
    %eq3A_1114 = vector.broadcast %broadcast_in_dim3A_1113 : vector<128x1xf32> to vector<128x640xf32>
    %eq3A_1115 = arith.cmpf oeq, %select_n3A_1110, %eq3A_1114 : vector<128x640xf32>
    %jit3A_1116 = arith.constant 2048 : i32
    %broadcast_in_dim3A_1117 = vector.broadcast %jit3A_1116 : i32 to vector<128x640xi32>
    %select_n3A_1118 = arith.select %eq3A_1115, %concatenate3A_810, %broadcast_in_dim3A_1117 : vector<128x640xi1>, vector<128x640xi32>
    %reduce_min3A_1119 = arith.constant dense<2147483647> : vector<128xi32>
    %reduce_min3A_1120 = vector.multi_reduction <minsi>, %select_n3A_1118, %reduce_min3A_1119 [1] : vector<128x640xi32> to vector<128xi32>
    %broadcast_in_dim3A_1121 = vector.shape_cast %reduce_min3A_1120 : vector<128xi32> to vector<128x1xi32>
    %eq3A_1122 = arith.constant 28 : i32
    %eq3A_1123 = vector.broadcast %eq3A_1122 : i32 to vector<128x32xi32>
    %eq3A_1124 = arith.cmpi eq, %iota3A, %eq3A_1123 : vector<128x32xi32>
    %broadcast_in_dim3A_1125 = vector.shape_cast %broadcast_in_dim3A_1121 : vector<128x1xi32> to vector<128x1xi32>
    %broadcast_in_dim3A_1126 = vector.broadcast %broadcast_in_dim3A_1125 : vector<128x1xi32> to vector<128x32xi32>
    %select_n3A_1127 = arith.select %eq3A_1124, %broadcast_in_dim3A_1126, %select_n3A_1102 : vector<128x32xi1>, vector<128x32xi32>
    %eq3A_1128 = vector.broadcast %broadcast_in_dim3A_1113 : vector<128x1xf32> to vector<128x640xf32>
    %eq3A_1129 = arith.cmpf oeq, %select_n3A_1110, %eq3A_1128 : vector<128x640xf32>
    %eq3A_1130 = vector.broadcast %broadcast_in_dim3A_1121 : vector<128x1xi32> to vector<128x640xi32>
    %eq3A_1131 = arith.cmpi eq, %concatenate3A_810, %eq3A_1130 : vector<128x640xi32>
    %and3A_1132 = arith.andi %eq3A_1129, %eq3A_1131 : vector<128x640xi1>
    %jit3A_1133 = arith.constant 0x7F800000 : f32
    %broadcast_in_dim3A_1134 = vector.broadcast %jit3A_1133 : f32 to vector<128x640xf32>
    %select_n3A_1135 = arith.select %and3A_1132, %broadcast_in_dim3A_1134, %select_n3A_1110 : vector<128x640xi1>, vector<128x640xf32>
    %reduce_min3A_1136 = arith.constant dense<0x7F800000> : vector<128xf32>
    %reduce_min3A_1137 = vector.multi_reduction <minimumf>, %select_n3A_1135, %reduce_min3A_1136 [1] : vector<128x640xf32> to vector<128xf32>
    %broadcast_in_dim3A_1138 = vector.shape_cast %reduce_min3A_1137 : vector<128xf32> to vector<128x1xf32>
    %eq3A_1139 = vector.broadcast %broadcast_in_dim3A_1138 : vector<128x1xf32> to vector<128x640xf32>
    %eq3A_1140 = arith.cmpf oeq, %select_n3A_1135, %eq3A_1139 : vector<128x640xf32>
    %jit3A_1141 = arith.constant 2048 : i32
    %broadcast_in_dim3A_1142 = vector.broadcast %jit3A_1141 : i32 to vector<128x640xi32>
    %select_n3A_1143 = arith.select %eq3A_1140, %concatenate3A_810, %broadcast_in_dim3A_1142 : vector<128x640xi1>, vector<128x640xi32>
    %reduce_min3A_1144 = arith.constant dense<2147483647> : vector<128xi32>
    %reduce_min3A_1145 = vector.multi_reduction <minsi>, %select_n3A_1143, %reduce_min3A_1144 [1] : vector<128x640xi32> to vector<128xi32>
    %broadcast_in_dim3A_1146 = vector.shape_cast %reduce_min3A_1145 : vector<128xi32> to vector<128x1xi32>
    %eq3A_1147 = arith.constant 29 : i32
    %eq3A_1148 = vector.broadcast %eq3A_1147 : i32 to vector<128x32xi32>
    %eq3A_1149 = arith.cmpi eq, %iota3A, %eq3A_1148 : vector<128x32xi32>
    %broadcast_in_dim3A_1150 = vector.shape_cast %broadcast_in_dim3A_1146 : vector<128x1xi32> to vector<128x1xi32>
    %broadcast_in_dim3A_1151 = vector.broadcast %broadcast_in_dim3A_1150 : vector<128x1xi32> to vector<128x32xi32>
    %select_n3A_1152 = arith.select %eq3A_1149, %broadcast_in_dim3A_1151, %select_n3A_1127 : vector<128x32xi1>, vector<128x32xi32>
    %eq3A_1153 = vector.broadcast %broadcast_in_dim3A_1138 : vector<128x1xf32> to vector<128x640xf32>
    %eq3A_1154 = arith.cmpf oeq, %select_n3A_1135, %eq3A_1153 : vector<128x640xf32>
    %eq3A_1155 = vector.broadcast %broadcast_in_dim3A_1146 : vector<128x1xi32> to vector<128x640xi32>
    %eq3A_1156 = arith.cmpi eq, %concatenate3A_810, %eq3A_1155 : vector<128x640xi32>
    %and3A_1157 = arith.andi %eq3A_1154, %eq3A_1156 : vector<128x640xi1>
    %jit3A_1158 = arith.constant 0x7F800000 : f32
    %broadcast_in_dim3A_1159 = vector.broadcast %jit3A_1158 : f32 to vector<128x640xf32>
    %select_n3A_1160 = arith.select %and3A_1157, %broadcast_in_dim3A_1159, %select_n3A_1135 : vector<128x640xi1>, vector<128x640xf32>
    %reduce_min3A_1161 = arith.constant dense<0x7F800000> : vector<128xf32>
    %reduce_min3A_1162 = vector.multi_reduction <minimumf>, %select_n3A_1160, %reduce_min3A_1161 [1] : vector<128x640xf32> to vector<128xf32>
    %broadcast_in_dim3A_1163 = vector.shape_cast %reduce_min3A_1162 : vector<128xf32> to vector<128x1xf32>
    %eq3A_1164 = vector.broadcast %broadcast_in_dim3A_1163 : vector<128x1xf32> to vector<128x640xf32>
    %eq3A_1165 = arith.cmpf oeq, %select_n3A_1160, %eq3A_1164 : vector<128x640xf32>
    %jit3A_1166 = arith.constant 2048 : i32
    %broadcast_in_dim3A_1167 = vector.broadcast %jit3A_1166 : i32 to vector<128x640xi32>
    %select_n3A_1168 = arith.select %eq3A_1165, %concatenate3A_810, %broadcast_in_dim3A_1167 : vector<128x640xi1>, vector<128x640xi32>
    %reduce_min3A_1169 = arith.constant dense<2147483647> : vector<128xi32>
    %reduce_min3A_1170 = vector.multi_reduction <minsi>, %select_n3A_1168, %reduce_min3A_1169 [1] : vector<128x640xi32> to vector<128xi32>
    %broadcast_in_dim3A_1171 = vector.shape_cast %reduce_min3A_1170 : vector<128xi32> to vector<128x1xi32>
    %eq3A_1172 = arith.constant 30 : i32
    %eq3A_1173 = vector.broadcast %eq3A_1172 : i32 to vector<128x32xi32>
    %eq3A_1174 = arith.cmpi eq, %iota3A, %eq3A_1173 : vector<128x32xi32>
    %broadcast_in_dim3A_1175 = vector.shape_cast %broadcast_in_dim3A_1171 : vector<128x1xi32> to vector<128x1xi32>
    %broadcast_in_dim3A_1176 = vector.broadcast %broadcast_in_dim3A_1175 : vector<128x1xi32> to vector<128x32xi32>
    %select_n3A_1177 = arith.select %eq3A_1174, %broadcast_in_dim3A_1176, %select_n3A_1152 : vector<128x32xi1>, vector<128x32xi32>
    %eq3A_1178 = vector.broadcast %broadcast_in_dim3A_1163 : vector<128x1xf32> to vector<128x640xf32>
    %eq3A_1179 = arith.cmpf oeq, %select_n3A_1160, %eq3A_1178 : vector<128x640xf32>
    %eq3A_1180 = vector.broadcast %broadcast_in_dim3A_1171 : vector<128x1xi32> to vector<128x640xi32>
    %eq3A_1181 = arith.cmpi eq, %concatenate3A_810, %eq3A_1180 : vector<128x640xi32>
    %and3A_1182 = arith.andi %eq3A_1179, %eq3A_1181 : vector<128x640xi1>
    %jit3A_1183 = arith.constant 0x7F800000 : f32
    %broadcast_in_dim3A_1184 = vector.broadcast %jit3A_1183 : f32 to vector<128x640xf32>
    %select_n3A_1185 = arith.select %and3A_1182, %broadcast_in_dim3A_1184, %select_n3A_1160 : vector<128x640xi1>, vector<128x640xf32>
    %reduce_min3A_1186 = arith.constant dense<0x7F800000> : vector<128xf32>
    %reduce_min3A_1187 = vector.multi_reduction <minimumf>, %select_n3A_1185, %reduce_min3A_1186 [1] : vector<128x640xf32> to vector<128xf32>
    %broadcast_in_dim3A_1188 = vector.shape_cast %reduce_min3A_1187 : vector<128xf32> to vector<128x1xf32>
    %eq3A_1189 = vector.broadcast %broadcast_in_dim3A_1188 : vector<128x1xf32> to vector<128x640xf32>
    %eq3A_1190 = arith.cmpf oeq, %select_n3A_1185, %eq3A_1189 : vector<128x640xf32>
    %jit3A_1191 = arith.constant 2048 : i32
    %broadcast_in_dim3A_1192 = vector.broadcast %jit3A_1191 : i32 to vector<128x640xi32>
    %select_n3A_1193 = arith.select %eq3A_1190, %concatenate3A_810, %broadcast_in_dim3A_1192 : vector<128x640xi1>, vector<128x640xi32>
    %reduce_min3A_1194 = arith.constant dense<2147483647> : vector<128xi32>
    %reduce_min3A_1195 = vector.multi_reduction <minsi>, %select_n3A_1193, %reduce_min3A_1194 [1] : vector<128x640xi32> to vector<128xi32>
    %broadcast_in_dim3A_1196 = vector.shape_cast %reduce_min3A_1195 : vector<128xi32> to vector<128x1xi32>
    %eq3A_1197 = arith.constant 31 : i32
    %eq3A_1198 = vector.broadcast %eq3A_1197 : i32 to vector<128x32xi32>
    %eq3A_1199 = arith.cmpi eq, %iota3A, %eq3A_1198 : vector<128x32xi32>
    %broadcast_in_dim3A_1200 = vector.shape_cast %broadcast_in_dim3A_1196 : vector<128x1xi32> to vector<128x1xi32>
    %broadcast_in_dim3A_1201 = vector.broadcast %broadcast_in_dim3A_1200 : vector<128x1xi32> to vector<128x32xi32>
    %select_n3A_1202 = arith.select %eq3A_1199, %broadcast_in_dim3A_1201, %select_n3A_1177 : vector<128x32xi1>, vector<128x32xi32>
    %eq3A_1203 = vector.broadcast %broadcast_in_dim3A_1188 : vector<128x1xf32> to vector<128x640xf32>
    %eq3A_1204 = arith.cmpf oeq, %select_n3A_1185, %eq3A_1203 : vector<128x640xf32>
    %eq3A_1205 = vector.broadcast %broadcast_in_dim3A_1196 : vector<128x1xi32> to vector<128x640xi32>
    %eq3A_1206 = arith.cmpi eq, %concatenate3A_810, %eq3A_1205 : vector<128x640xi32>
    %and3A_1207 = arith.andi %eq3A_1204, %eq3A_1206 : vector<128x640xi1>
    %jit3A_1208 = arith.constant 0x7F800000 : f32
    %broadcast_in_dim3A_1209 = vector.broadcast %jit3A_1208 : f32 to vector<128x640xf32>
    %select_n3A_1210 = arith.select %and3A_1207, %broadcast_in_dim3A_1209, %select_n3A_1185 : vector<128x640xi1>, vector<128x640xf32>
    %slice3A_1211 = vector.extract_strided_slice %select_n3A_1210 {offsets = [0, 512], sizes = [128, 128], strides = [1, 1]} : vector<128x640xf32> to vector<128x128xf32>
    %abs3A_1212 = math.absf %slice3A_1211 : vector<128x128xf32>
    %eq3A_1213 = arith.constant 0x7F800000 : f32
    %eq3A_1214 = vector.broadcast %eq3A_1213 : f32 to vector<128x128xf32>
    %eq3A_1215 = arith.cmpf oeq, %abs3A_1212, %eq3A_1214 : vector<128x128xf32>
    %reduce_or3A_1216 = arith.constant 1.000000e+00 : f32
    %reduce_or3A_1217 = arith.constant 0.000000e+00 : f32
    %reduce_or3A_1218 = vector.broadcast %reduce_or3A_1216 : f32 to vector<128x128xf32>
    %reduce_or3A_1219 = vector.broadcast %reduce_or3A_1217 : f32 to vector<128x128xf32>
    %reduce_or3A_1220 = arith.select %eq3A_1215, %reduce_or3A_1218, %reduce_or3A_1219 : vector<128x128xi1>, vector<128x128xf32>
    %reduce_or3A_1221 = vector.shape_cast %reduce_or3A_1220 : vector<128x128xf32> to vector<1x128x128xf32>
    %reduce_or3A_1222 = arith.constant dense<0xFF800000> : vector<1xf32>
    %reduce_or3A_1223 = vector.multi_reduction <maximumf>, %reduce_or3A_1221, %reduce_or3A_1222 [1, 2] : vector<1x128x128xf32> to vector<1xf32>
    %reduce_or3A_1224 = vector.shape_cast %reduce_or3A_1223 : vector<1xf32> to vector<1x1x1xf32>
    %reduce_or3A_1225 = vector.extract %reduce_or3A_1224[0, 0, 0] : f32 from vector<1x1x1xf32>
    %reduce_or3A_1226 = arith.constant 0.000000e+00 : f32
    %reduce_or3A_1227 = arith.cmpf ogt, %reduce_or3A_1225, %reduce_or3A_1226 : f32
    %add3A_1228 = arith.constant 2 : i32
    %add3A_1229 = arith.addi %arg0, %add3A_1228 : i32
    %mul3A_1230 = arith.constant 2048 : i32
    %mul3A_1231 = arith.muli %add3A_1229, %mul3A_1230 : i32
    %add3A_1232 = vector.broadcast %mul3A_1231 : i32 to vector<128x32xi32>
    %add3A_1233 = arith.addi %select_n3A_1202, %add3A_1232 : vector<128x32xi32>
    %swap3A = arith.constant 0 : index
    %swap3A_1234 = arith.constant 0 : index
    %swap3A_1235 = arith.constant 0 : index
    %swap3A_1236 = vector.load %arg6[%swap3A, %swap3A_1234, %swap3A_1235] : memref<1x128x32xi32, #tpu.memory_space<vmem>>, vector<1x128x32xi32>
    %swap3A_1237 = vector.shape_cast %swap3A_1236 : vector<1x128x32xi32> to vector<128x32xi32>
    %swap3A_1238 = vector.shape_cast %add3A_1233 : vector<128x32xi32> to vector<1x128x32xi32>
    tpu.vector_store %arg6[%swap3A, %swap3A_1234, %swap3A_1235], %swap3A_1238 {strides = array<i32>} : memref<1x128x32xi32, #tpu.memory_space<vmem>>, vector<1x128x32xi32>,
    %or3A = arith.ori %reduce_or3A_642, %reduce_or3A_1227 : i1
    %convert_element_type3A = arith.extui %or3A : i1 to i32
    %cond3A = arith.constant 0 : i32
    %cond3A_1239 = arith.cmpi ne, %convert_element_type3A, %cond3A : i32
    scf.if %cond3A_1239 {
      %broadcast_in_dim3A_1240 = arith.constant 0 : i32
      %broadcast_in_dim3A_1241 = vector.broadcast %broadcast_in_dim3A_1240 : i32 to vector<128x32xi32>
      %iota3A_1242 = tpu.iota {dimensions = array<i32: 1>} : vector<128x2048xi32>
      %argmin3A = tpu.reduce_index %sqrt3A {axis = 1 : i32, kind = #tpu.reduction_kind<arg_min>} : vector<128x2048xf32> -> vector<128xi32>
      %broadcast_in_dim3A_1243 = vector.shape_cast %argmin3A : vector<128xi32> to vector<128x1xi32>
      %eq3A_1244 = arith.constant 0 : i32
      %eq3A_1245 = vector.broadcast %eq3A_1244 : i32 to vector<128x32xi32>
      %eq3A_1246 = arith.cmpi eq, %iota3A, %eq3A_1245 : vector<128x32xi32>
      %broadcast_in_dim3A_1247 = vector.shape_cast %broadcast_in_dim3A_1243 : vector<128x1xi32> to vector<128x1xi32>
      %broadcast_in_dim3A_1248 = vector.broadcast %broadcast_in_dim3A_1247 : vector<128x1xi32> to vector<128x32xi32>
      %select_n3A_1249 = arith.select %eq3A_1246, %broadcast_in_dim3A_1248, %broadcast_in_dim3A_1241 : vector<128x32xi1>, vector<128x32xi32>
      %eq3A_1250 = vector.broadcast %broadcast_in_dim3A_1243 : vector<128x1xi32> to vector<128x2048xi32>
      %eq3A_1251 = arith.cmpi eq, %iota3A_1242, %eq3A_1250 : vector<128x2048xi32>
      %jit3A_1252 = arith.constant 0x7F800000 : f32
      %broadcast_in_dim3A_1253 = vector.broadcast %jit3A_1252 : f32 to vector<128x2048xf32>
      %select_n3A_1254 = arith.select %eq3A_1251, %broadcast_in_dim3A_1253, %sqrt3A : vector<128x2048xi1>, vector<128x2048xf32>
      %argmin3A_1255 = tpu.reduce_index %select_n3A_1254 {axis = 1 : i32, kind = #tpu.reduction_kind<arg_min>} : vector<128x2048xf32> -> vector<128xi32>
      %broadcast_in_dim3A_1256 = vector.shape_cast %argmin3A_1255 : vector<128xi32> to vector<128x1xi32>
      %eq3A_1257 = arith.constant 1 : i32
      %eq3A_1258 = vector.broadcast %eq3A_1257 : i32 to vector<128x32xi32>
      %eq3A_1259 = arith.cmpi eq, %iota3A, %eq3A_1258 : vector<128x32xi32>
      %broadcast_in_dim3A_1260 = vector.shape_cast %broadcast_in_dim3A_1256 : vector<128x1xi32> to vector<128x1xi32>
      %broadcast_in_dim3A_1261 = vector.broadcast %broadcast_in_dim3A_1260 : vector<128x1xi32> to vector<128x32xi32>
      %select_n3A_1262 = arith.select %eq3A_1259, %broadcast_in_dim3A_1261, %select_n3A_1249 : vector<128x32xi1>, vector<128x32xi32>
      %eq3A_1263 = vector.broadcast %broadcast_in_dim3A_1256 : vector<128x1xi32> to vector<128x2048xi32>
      %eq3A_1264 = arith.cmpi eq, %iota3A_1242, %eq3A_1263 : vector<128x2048xi32>
      %jit3A_1265 = arith.constant 0x7F800000 : f32
      %broadcast_in_dim3A_1266 = vector.broadcast %jit3A_1265 : f32 to vector<128x2048xf32>
      %select_n3A_1267 = arith.select %eq3A_1264, %broadcast_in_dim3A_1266, %select_n3A_1254 : vector<128x2048xi1>, vector<128x2048xf32>
      %argmin3A_1268 = tpu.reduce_index %select_n3A_1267 {axis = 1 : i32, kind = #tpu.reduction_kind<arg_min>} : vector<128x2048xf32> -> vector<128xi32>
      %broadcast_in_dim3A_1269 = vector.shape_cast %argmin3A_1268 : vector<128xi32> to vector<128x1xi32>
      %eq3A_1270 = arith.constant 2 : i32
      %eq3A_1271 = vector.broadcast %eq3A_1270 : i32 to vector<128x32xi32>
      %eq3A_1272 = arith.cmpi eq, %iota3A, %eq3A_1271 : vector<128x32xi32>
      %broadcast_in_dim3A_1273 = vector.shape_cast %broadcast_in_dim3A_1269 : vector<128x1xi32> to vector<128x1xi32>
      %broadcast_in_dim3A_1274 = vector.broadcast %broadcast_in_dim3A_1273 : vector<128x1xi32> to vector<128x32xi32>
      %select_n3A_1275 = arith.select %eq3A_1272, %broadcast_in_dim3A_1274, %select_n3A_1262 : vector<128x32xi1>, vector<128x32xi32>
      %eq3A_1276 = vector.broadcast %broadcast_in_dim3A_1269 : vector<128x1xi32> to vector<128x2048xi32>
      %eq3A_1277 = arith.cmpi eq, %iota3A_1242, %eq3A_1276 : vector<128x2048xi32>
      %jit3A_1278 = arith.constant 0x7F800000 : f32
      %broadcast_in_dim3A_1279 = vector.broadcast %jit3A_1278 : f32 to vector<128x2048xf32>
      %select_n3A_1280 = arith.select %eq3A_1277, %broadcast_in_dim3A_1279, %select_n3A_1267 : vector<128x2048xi1>, vector<128x2048xf32>
      %argmin3A_1281 = tpu.reduce_index %select_n3A_1280 {axis = 1 : i32, kind = #tpu.reduction_kind<arg_min>} : vector<128x2048xf32> -> vector<128xi32>
      %broadcast_in_dim3A_1282 = vector.shape_cast %argmin3A_1281 : vector<128xi32> to vector<128x1xi32>
      %eq3A_1283 = arith.constant 3 : i32
      %eq3A_1284 = vector.broadcast %eq3A_1283 : i32 to vector<128x32xi32>
      %eq3A_1285 = arith.cmpi eq, %iota3A, %eq3A_1284 : vector<128x32xi32>
      %broadcast_in_dim3A_1286 = vector.shape_cast %broadcast_in_dim3A_1282 : vector<128x1xi32> to vector<128x1xi32>
      %broadcast_in_dim3A_1287 = vector.broadcast %broadcast_in_dim3A_1286 : vector<128x1xi32> to vector<128x32xi32>
      %select_n3A_1288 = arith.select %eq3A_1285, %broadcast_in_dim3A_1287, %select_n3A_1275 : vector<128x32xi1>, vector<128x32xi32>
      %eq3A_1289 = vector.broadcast %broadcast_in_dim3A_1282 : vector<128x1xi32> to vector<128x2048xi32>
      %eq3A_1290 = arith.cmpi eq, %iota3A_1242, %eq3A_1289 : vector<128x2048xi32>
      %jit3A_1291 = arith.constant 0x7F800000 : f32
      %broadcast_in_dim3A_1292 = vector.broadcast %jit3A_1291 : f32 to vector<128x2048xf32>
      %select_n3A_1293 = arith.select %eq3A_1290, %broadcast_in_dim3A_1292, %select_n3A_1280 : vector<128x2048xi1>, vector<128x2048xf32>
      %argmin3A_1294 = tpu.reduce_index %select_n3A_1293 {axis = 1 : i32, kind = #tpu.reduction_kind<arg_min>} : vector<128x2048xf32> -> vector<128xi32>
      %broadcast_in_dim3A_1295 = vector.shape_cast %argmin3A_1294 : vector<128xi32> to vector<128x1xi32>
      %eq3A_1296 = arith.constant 4 : i32
      %eq3A_1297 = vector.broadcast %eq3A_1296 : i32 to vector<128x32xi32>
      %eq3A_1298 = arith.cmpi eq, %iota3A, %eq3A_1297 : vector<128x32xi32>
      %broadcast_in_dim3A_1299 = vector.shape_cast %broadcast_in_dim3A_1295 : vector<128x1xi32> to vector<128x1xi32>
      %broadcast_in_dim3A_1300 = vector.broadcast %broadcast_in_dim3A_1299 : vector<128x1xi32> to vector<128x32xi32>
      %select_n3A_1301 = arith.select %eq3A_1298, %broadcast_in_dim3A_1300, %select_n3A_1288 : vector<128x32xi1>, vector<128x32xi32>
      %eq3A_1302 = vector.broadcast %broadcast_in_dim3A_1295 : vector<128x1xi32> to vector<128x2048xi32>
      %eq3A_1303 = arith.cmpi eq, %iota3A_1242, %eq3A_1302 : vector<128x2048xi32>
      %jit3A_1304 = arith.constant 0x7F800000 : f32
      %broadcast_in_dim3A_1305 = vector.broadcast %jit3A_1304 : f32 to vector<128x2048xf32>
      %select_n3A_1306 = arith.select %eq3A_1303, %broadcast_in_dim3A_1305, %select_n3A_1293 : vector<128x2048xi1>, vector<128x2048xf32>
      %argmin3A_1307 = tpu.reduce_index %select_n3A_1306 {axis = 1 : i32, kind = #tpu.reduction_kind<arg_min>} : vector<128x2048xf32> -> vector<128xi32>
      %broadcast_in_dim3A_1308 = vector.shape_cast %argmin3A_1307 : vector<128xi32> to vector<128x1xi32>
      %eq3A_1309 = arith.constant 5 : i32
      %eq3A_1310 = vector.broadcast %eq3A_1309 : i32 to vector<128x32xi32>
      %eq3A_1311 = arith.cmpi eq, %iota3A, %eq3A_1310 : vector<128x32xi32>
      %broadcast_in_dim3A_1312 = vector.shape_cast %broadcast_in_dim3A_1308 : vector<128x1xi32> to vector<128x1xi32>
      %broadcast_in_dim3A_1313 = vector.broadcast %broadcast_in_dim3A_1312 : vector<128x1xi32> to vector<128x32xi32>
      %select_n3A_1314 = arith.select %eq3A_1311, %broadcast_in_dim3A_1313, %select_n3A_1301 : vector<128x32xi1>, vector<128x32xi32>
      %eq3A_1315 = vector.broadcast %broadcast_in_dim3A_1308 : vector<128x1xi32> to vector<128x2048xi32>
      %eq3A_1316 = arith.cmpi eq, %iota3A_1242, %eq3A_1315 : vector<128x2048xi32>
      %jit3A_1317 = arith.constant 0x7F800000 : f32
      %broadcast_in_dim3A_1318 = vector.broadcast %jit3A_1317 : f32 to vector<128x2048xf32>
      %select_n3A_1319 = arith.select %eq3A_1316, %broadcast_in_dim3A_1318, %select_n3A_1306 : vector<128x2048xi1>, vector<128x2048xf32>
      %argmin3A_1320 = tpu.reduce_index %select_n3A_1319 {axis = 1 : i32, kind = #tpu.reduction_kind<arg_min>} : vector<128x2048xf32> -> vector<128xi32>
      %broadcast_in_dim3A_1321 = vector.shape_cast %argmin3A_1320 : vector<128xi32> to vector<128x1xi32>
      %eq3A_1322 = arith.constant 6 : i32
      %eq3A_1323 = vector.broadcast %eq3A_1322 : i32 to vector<128x32xi32>
      %eq3A_1324 = arith.cmpi eq, %iota3A, %eq3A_1323 : vector<128x32xi32>
      %broadcast_in_dim3A_1325 = vector.shape_cast %broadcast_in_dim3A_1321 : vector<128x1xi32> to vector<128x1xi32>
      %broadcast_in_dim3A_1326 = vector.broadcast %broadcast_in_dim3A_1325 : vector<128x1xi32> to vector<128x32xi32>
      %select_n3A_1327 = arith.select %eq3A_1324, %broadcast_in_dim3A_1326, %select_n3A_1314 : vector<128x32xi1>, vector<128x32xi32>
      %eq3A_1328 = vector.broadcast %broadcast_in_dim3A_1321 : vector<128x1xi32> to vector<128x2048xi32>
      %eq3A_1329 = arith.cmpi eq, %iota3A_1242, %eq3A_1328 : vector<128x2048xi32>
      %jit3A_1330 = arith.constant 0x7F800000 : f32
      %broadcast_in_dim3A_1331 = vector.broadcast %jit3A_1330 : f32 to vector<128x2048xf32>
      %select_n3A_1332 = arith.select %eq3A_1329, %broadcast_in_dim3A_1331, %select_n3A_1319 : vector<128x2048xi1>, vector<128x2048xf32>
      %argmin3A_1333 = tpu.reduce_index %select_n3A_1332 {axis = 1 : i32, kind = #tpu.reduction_kind<arg_min>} : vector<128x2048xf32> -> vector<128xi32>
      %broadcast_in_dim3A_1334 = vector.shape_cast %argmin3A_1333 : vector<128xi32> to vector<128x1xi32>
      %eq3A_1335 = arith.constant 7 : i32
      %eq3A_1336 = vector.broadcast %eq3A_1335 : i32 to vector<128x32xi32>
      %eq3A_1337 = arith.cmpi eq, %iota3A, %eq3A_1336 : vector<128x32xi32>
      %broadcast_in_dim3A_1338 = vector.shape_cast %broadcast_in_dim3A_1334 : vector<128x1xi32> to vector<128x1xi32>
      %broadcast_in_dim3A_1339 = vector.broadcast %broadcast_in_dim3A_1338 : vector<128x1xi32> to vector<128x32xi32>
      %select_n3A_1340 = arith.select %eq3A_1337, %broadcast_in_dim3A_1339, %select_n3A_1327 : vector<128x32xi1>, vector<128x32xi32>
      %eq3A_1341 = vector.broadcast %broadcast_in_dim3A_1334 : vector<128x1xi32> to vector<128x2048xi32>
      %eq3A_1342 = arith.cmpi eq, %iota3A_1242, %eq3A_1341 : vector<128x2048xi32>
      %jit3A_1343 = arith.constant 0x7F800000 : f32
      %broadcast_in_dim3A_1344 = vector.broadcast %jit3A_1343 : f32 to vector<128x2048xf32>
      %select_n3A_1345 = arith.select %eq3A_1342, %broadcast_in_dim3A_1344, %select_n3A_1332 : vector<128x2048xi1>, vector<128x2048xf32>
      %argmin3A_1346 = tpu.reduce_index %select_n3A_1345 {axis = 1 : i32, kind = #tpu.reduction_kind<arg_min>} : vector<128x2048xf32> -> vector<128xi32>
      %broadcast_in_dim3A_1347 = vector.shape_cast %argmin3A_1346 : vector<128xi32> to vector<128x1xi32>
      %eq3A_1348 = arith.constant 8 : i32
      %eq3A_1349 = vector.broadcast %eq3A_1348 : i32 to vector<128x32xi32>
      %eq3A_1350 = arith.cmpi eq, %iota3A, %eq3A_1349 : vector<128x32xi32>
      %broadcast_in_dim3A_1351 = vector.shape_cast %broadcast_in_dim3A_1347 : vector<128x1xi32> to vector<128x1xi32>
      %broadcast_in_dim3A_1352 = vector.broadcast %broadcast_in_dim3A_1351 : vector<128x1xi32> to vector<128x32xi32>
      %select_n3A_1353 = arith.select %eq3A_1350, %broadcast_in_dim3A_1352, %select_n3A_1340 : vector<128x32xi1>, vector<128x32xi32>
      %eq3A_1354 = vector.broadcast %broadcast_in_dim3A_1347 : vector<128x1xi32> to vector<128x2048xi32>
      %eq3A_1355 = arith.cmpi eq, %iota3A_1242, %eq3A_1354 : vector<128x2048xi32>
      %jit3A_1356 = arith.constant 0x7F800000 : f32
      %broadcast_in_dim3A_1357 = vector.broadcast %jit3A_1356 : f32 to vector<128x2048xf32>
      %select_n3A_1358 = arith.select %eq3A_1355, %broadcast_in_dim3A_1357, %select_n3A_1345 : vector<128x2048xi1>, vector<128x2048xf32>
      %argmin3A_1359 = tpu.reduce_index %select_n3A_1358 {axis = 1 : i32, kind = #tpu.reduction_kind<arg_min>} : vector<128x2048xf32> -> vector<128xi32>
      %broadcast_in_dim3A_1360 = vector.shape_cast %argmin3A_1359 : vector<128xi32> to vector<128x1xi32>
      %eq3A_1361 = arith.constant 9 : i32
      %eq3A_1362 = vector.broadcast %eq3A_1361 : i32 to vector<128x32xi32>
      %eq3A_1363 = arith.cmpi eq, %iota3A, %eq3A_1362 : vector<128x32xi32>
      %broadcast_in_dim3A_1364 = vector.shape_cast %broadcast_in_dim3A_1360 : vector<128x1xi32> to vector<128x1xi32>
      %broadcast_in_dim3A_1365 = vector.broadcast %broadcast_in_dim3A_1364 : vector<128x1xi32> to vector<128x32xi32>
      %select_n3A_1366 = arith.select %eq3A_1363, %broadcast_in_dim3A_1365, %select_n3A_1353 : vector<128x32xi1>, vector<128x32xi32>
      %eq3A_1367 = vector.broadcast %broadcast_in_dim3A_1360 : vector<128x1xi32> to vector<128x2048xi32>
      %eq3A_1368 = arith.cmpi eq, %iota3A_1242, %eq3A_1367 : vector<128x2048xi32>
      %jit3A_1369 = arith.constant 0x7F800000 : f32
      %broadcast_in_dim3A_1370 = vector.broadcast %jit3A_1369 : f32 to vector<128x2048xf32>
      %select_n3A_1371 = arith.select %eq3A_1368, %broadcast_in_dim3A_1370, %select_n3A_1358 : vector<128x2048xi1>, vector<128x2048xf32>
      %argmin3A_1372 = tpu.reduce_index %select_n3A_1371 {axis = 1 : i32, kind = #tpu.reduction_kind<arg_min>} : vector<128x2048xf32> -> vector<128xi32>
      %broadcast_in_dim3A_1373 = vector.shape_cast %argmin3A_1372 : vector<128xi32> to vector<128x1xi32>
      %eq3A_1374 = arith.constant 10 : i32
      %eq3A_1375 = vector.broadcast %eq3A_1374 : i32 to vector<128x32xi32>
      %eq3A_1376 = arith.cmpi eq, %iota3A, %eq3A_1375 : vector<128x32xi32>
      %broadcast_in_dim3A_1377 = vector.shape_cast %broadcast_in_dim3A_1373 : vector<128x1xi32> to vector<128x1xi32>
      %broadcast_in_dim3A_1378 = vector.broadcast %broadcast_in_dim3A_1377 : vector<128x1xi32> to vector<128x32xi32>
      %select_n3A_1379 = arith.select %eq3A_1376, %broadcast_in_dim3A_1378, %select_n3A_1366 : vector<128x32xi1>, vector<128x32xi32>
      %eq3A_1380 = vector.broadcast %broadcast_in_dim3A_1373 : vector<128x1xi32> to vector<128x2048xi32>
      %eq3A_1381 = arith.cmpi eq, %iota3A_1242, %eq3A_1380 : vector<128x2048xi32>
      %jit3A_1382 = arith.constant 0x7F800000 : f32
      %broadcast_in_dim3A_1383 = vector.broadcast %jit3A_1382 : f32 to vector<128x2048xf32>
      %select_n3A_1384 = arith.select %eq3A_1381, %broadcast_in_dim3A_1383, %select_n3A_1371 : vector<128x2048xi1>, vector<128x2048xf32>
      %argmin3A_1385 = tpu.reduce_index %select_n3A_1384 {axis = 1 : i32, kind = #tpu.reduction_kind<arg_min>} : vector<128x2048xf32> -> vector<128xi32>
      %broadcast_in_dim3A_1386 = vector.shape_cast %argmin3A_1385 : vector<128xi32> to vector<128x1xi32>
      %eq3A_1387 = arith.constant 11 : i32
      %eq3A_1388 = vector.broadcast %eq3A_1387 : i32 to vector<128x32xi32>
      %eq3A_1389 = arith.cmpi eq, %iota3A, %eq3A_1388 : vector<128x32xi32>
      %broadcast_in_dim3A_1390 = vector.shape_cast %broadcast_in_dim3A_1386 : vector<128x1xi32> to vector<128x1xi32>
      %broadcast_in_dim3A_1391 = vector.broadcast %broadcast_in_dim3A_1390 : vector<128x1xi32> to vector<128x32xi32>
      %select_n3A_1392 = arith.select %eq3A_1389, %broadcast_in_dim3A_1391, %select_n3A_1379 : vector<128x32xi1>, vector<128x32xi32>
      %eq3A_1393 = vector.broadcast %broadcast_in_dim3A_1386 : vector<128x1xi32> to vector<128x2048xi32>
      %eq3A_1394 = arith.cmpi eq, %iota3A_1242, %eq3A_1393 : vector<128x2048xi32>
      %jit3A_1395 = arith.constant 0x7F800000 : f32
      %broadcast_in_dim3A_1396 = vector.broadcast %jit3A_1395 : f32 to vector<128x2048xf32>
      %select_n3A_1397 = arith.select %eq3A_1394, %broadcast_in_dim3A_1396, %select_n3A_1384 : vector<128x2048xi1>, vector<128x2048xf32>
      %argmin3A_1398 = tpu.reduce_index %select_n3A_1397 {axis = 1 : i32, kind = #tpu.reduction_kind<arg_min>} : vector<128x2048xf32> -> vector<128xi32>
      %broadcast_in_dim3A_1399 = vector.shape_cast %argmin3A_1398 : vector<128xi32> to vector<128x1xi32>
      %eq3A_1400 = arith.constant 12 : i32
      %eq3A_1401 = vector.broadcast %eq3A_1400 : i32 to vector<128x32xi32>
      %eq3A_1402 = arith.cmpi eq, %iota3A, %eq3A_1401 : vector<128x32xi32>
      %broadcast_in_dim3A_1403 = vector.shape_cast %broadcast_in_dim3A_1399 : vector<128x1xi32> to vector<128x1xi32>
      %broadcast_in_dim3A_1404 = vector.broadcast %broadcast_in_dim3A_1403 : vector<128x1xi32> to vector<128x32xi32>
      %select_n3A_1405 = arith.select %eq3A_1402, %broadcast_in_dim3A_1404, %select_n3A_1392 : vector<128x32xi1>, vector<128x32xi32>
      %eq3A_1406 = vector.broadcast %broadcast_in_dim3A_1399 : vector<128x1xi32> to vector<128x2048xi32>
      %eq3A_1407 = arith.cmpi eq, %iota3A_1242, %eq3A_1406 : vector<128x2048xi32>
      %jit3A_1408 = arith.constant 0x7F800000 : f32
      %broadcast_in_dim3A_1409 = vector.broadcast %jit3A_1408 : f32 to vector<128x2048xf32>
      %select_n3A_1410 = arith.select %eq3A_1407, %broadcast_in_dim3A_1409, %select_n3A_1397 : vector<128x2048xi1>, vector<128x2048xf32>
      %argmin3A_1411 = tpu.reduce_index %select_n3A_1410 {axis = 1 : i32, kind = #tpu.reduction_kind<arg_min>} : vector<128x2048xf32> -> vector<128xi32>
      %broadcast_in_dim3A_1412 = vector.shape_cast %argmin3A_1411 : vector<128xi32> to vector<128x1xi32>
      %eq3A_1413 = arith.constant 13 : i32
      %eq3A_1414 = vector.broadcast %eq3A_1413 : i32 to vector<128x32xi32>
      %eq3A_1415 = arith.cmpi eq, %iota3A, %eq3A_1414 : vector<128x32xi32>
      %broadcast_in_dim3A_1416 = vector.shape_cast %broadcast_in_dim3A_1412 : vector<128x1xi32> to vector<128x1xi32>
      %broadcast_in_dim3A_1417 = vector.broadcast %broadcast_in_dim3A_1416 : vector<128x1xi32> to vector<128x32xi32>
      %select_n3A_1418 = arith.select %eq3A_1415, %broadcast_in_dim3A_1417, %select_n3A_1405 : vector<128x32xi1>, vector<128x32xi32>
      %eq3A_1419 = vector.broadcast %broadcast_in_dim3A_1412 : vector<128x1xi32> to vector<128x2048xi32>
      %eq3A_1420 = arith.cmpi eq, %iota3A_1242, %eq3A_1419 : vector<128x2048xi32>
      %jit3A_1421 = arith.constant 0x7F800000 : f32
      %broadcast_in_dim3A_1422 = vector.broadcast %jit3A_1421 : f32 to vector<128x2048xf32>
      %select_n3A_1423 = arith.select %eq3A_1420, %broadcast_in_dim3A_1422, %select_n3A_1410 : vector<128x2048xi1>, vector<128x2048xf32>
      %argmin3A_1424 = tpu.reduce_index %select_n3A_1423 {axis = 1 : i32, kind = #tpu.reduction_kind<arg_min>} : vector<128x2048xf32> -> vector<128xi32>
      %broadcast_in_dim3A_1425 = vector.shape_cast %argmin3A_1424 : vector<128xi32> to vector<128x1xi32>
      %eq3A_1426 = arith.constant 14 : i32
      %eq3A_1427 = vector.broadcast %eq3A_1426 : i32 to vector<128x32xi32>
      %eq3A_1428 = arith.cmpi eq, %iota3A, %eq3A_1427 : vector<128x32xi32>
      %broadcast_in_dim3A_1429 = vector.shape_cast %broadcast_in_dim3A_1425 : vector<128x1xi32> to vector<128x1xi32>
      %broadcast_in_dim3A_1430 = vector.broadcast %broadcast_in_dim3A_1429 : vector<128x1xi32> to vector<128x32xi32>
      %select_n3A_1431 = arith.select %eq3A_1428, %broadcast_in_dim3A_1430, %select_n3A_1418 : vector<128x32xi1>, vector<128x32xi32>
      %eq3A_1432 = vector.broadcast %broadcast_in_dim3A_1425 : vector<128x1xi32> to vector<128x2048xi32>
      %eq3A_1433 = arith.cmpi eq, %iota3A_1242, %eq3A_1432 : vector<128x2048xi32>
      %jit3A_1434 = arith.constant 0x7F800000 : f32
      %broadcast_in_dim3A_1435 = vector.broadcast %jit3A_1434 : f32 to vector<128x2048xf32>
      %select_n3A_1436 = arith.select %eq3A_1433, %broadcast_in_dim3A_1435, %select_n3A_1423 : vector<128x2048xi1>, vector<128x2048xf32>
      %argmin3A_1437 = tpu.reduce_index %select_n3A_1436 {axis = 1 : i32, kind = #tpu.reduction_kind<arg_min>} : vector<128x2048xf32> -> vector<128xi32>
      %broadcast_in_dim3A_1438 = vector.shape_cast %argmin3A_1437 : vector<128xi32> to vector<128x1xi32>
      %eq3A_1439 = arith.constant 15 : i32
      %eq3A_1440 = vector.broadcast %eq3A_1439 : i32 to vector<128x32xi32>
      %eq3A_1441 = arith.cmpi eq, %iota3A, %eq3A_1440 : vector<128x32xi32>
      %broadcast_in_dim3A_1442 = vector.shape_cast %broadcast_in_dim3A_1438 : vector<128x1xi32> to vector<128x1xi32>
      %broadcast_in_dim3A_1443 = vector.broadcast %broadcast_in_dim3A_1442 : vector<128x1xi32> to vector<128x32xi32>
      %select_n3A_1444 = arith.select %eq3A_1441, %broadcast_in_dim3A_1443, %select_n3A_1431 : vector<128x32xi1>, vector<128x32xi32>
      %iota3A_1445 = tpu.iota {dimensions = array<i32: 1>} : vector<128x2048xi32>
      %argmin3A_1446 = tpu.reduce_index %sub3A_65 {axis = 1 : i32, kind = #tpu.reduction_kind<arg_min>} : vector<128x2048xf32> -> vector<128xi32>
      %broadcast_in_dim3A_1447 = vector.shape_cast %argmin3A_1446 : vector<128xi32> to vector<128x1xi32>
      %eq3A_1448 = arith.constant 16 : i32
      %eq3A_1449 = vector.broadcast %eq3A_1448 : i32 to vector<128x32xi32>
      %eq3A_1450 = arith.cmpi eq, %iota3A, %eq3A_1449 : vector<128x32xi32>
      %broadcast_in_dim3A_1451 = vector.shape_cast %broadcast_in_dim3A_1447 : vector<128x1xi32> to vector<128x1xi32>
      %broadcast_in_dim3A_1452 = vector.broadcast %broadcast_in_dim3A_1451 : vector<128x1xi32> to vector<128x32xi32>
      %select_n3A_1453 = arith.select %eq3A_1450, %broadcast_in_dim3A_1452, %select_n3A_1444 : vector<128x32xi1>, vector<128x32xi32>
      %eq3A_1454 = vector.broadcast %broadcast_in_dim3A_1447 : vector<128x1xi32> to vector<128x2048xi32>
      %eq3A_1455 = arith.cmpi eq, %iota3A_1445, %eq3A_1454 : vector<128x2048xi32>
      %jit3A_1456 = arith.constant 0x7F800000 : f32
      %broadcast_in_dim3A_1457 = vector.broadcast %jit3A_1456 : f32 to vector<128x2048xf32>
      %select_n3A_1458 = arith.select %eq3A_1455, %broadcast_in_dim3A_1457, %sub3A_65 : vector<128x2048xi1>, vector<128x2048xf32>
      %argmin3A_1459 = tpu.reduce_index %select_n3A_1458 {axis = 1 : i32, kind = #tpu.reduction_kind<arg_min>} : vector<128x2048xf32> -> vector<128xi32>
      %broadcast_in_dim3A_1460 = vector.shape_cast %argmin3A_1459 : vector<128xi32> to vector<128x1xi32>
      %eq3A_1461 = arith.constant 17 : i32
      %eq3A_1462 = vector.broadcast %eq3A_1461 : i32 to vector<128x32xi32>
      %eq3A_1463 = arith.cmpi eq, %iota3A, %eq3A_1462 : vector<128x32xi32>
      %broadcast_in_dim3A_1464 = vector.shape_cast %broadcast_in_dim3A_1460 : vector<128x1xi32> to vector<128x1xi32>
      %broadcast_in_dim3A_1465 = vector.broadcast %broadcast_in_dim3A_1464 : vector<128x1xi32> to vector<128x32xi32>
      %select_n3A_1466 = arith.select %eq3A_1463, %broadcast_in_dim3A_1465, %select_n3A_1453 : vector<128x32xi1>, vector<128x32xi32>
      %eq3A_1467 = vector.broadcast %broadcast_in_dim3A_1460 : vector<128x1xi32> to vector<128x2048xi32>
      %eq3A_1468 = arith.cmpi eq, %iota3A_1445, %eq3A_1467 : vector<128x2048xi32>
      %jit3A_1469 = arith.constant 0x7F800000 : f32
      %broadcast_in_dim3A_1470 = vector.broadcast %jit3A_1469 : f32 to vector<128x2048xf32>
      %select_n3A_1471 = arith.select %eq3A_1468, %broadcast_in_dim3A_1470, %select_n3A_1458 : vector<128x2048xi1>, vector<128x2048xf32>
      %argmin3A_1472 = tpu.reduce_index %select_n3A_1471 {axis = 1 : i32, kind = #tpu.reduction_kind<arg_min>} : vector<128x2048xf32> -> vector<128xi32>
      %broadcast_in_dim3A_1473 = vector.shape_cast %argmin3A_1472 : vector<128xi32> to vector<128x1xi32>
      %eq3A_1474 = arith.constant 18 : i32
      %eq3A_1475 = vector.broadcast %eq3A_1474 : i32 to vector<128x32xi32>
      %eq3A_1476 = arith.cmpi eq, %iota3A, %eq3A_1475 : vector<128x32xi32>
      %broadcast_in_dim3A_1477 = vector.shape_cast %broadcast_in_dim3A_1473 : vector<128x1xi32> to vector<128x1xi32>
      %broadcast_in_dim3A_1478 = vector.broadcast %broadcast_in_dim3A_1477 : vector<128x1xi32> to vector<128x32xi32>
      %select_n3A_1479 = arith.select %eq3A_1476, %broadcast_in_dim3A_1478, %select_n3A_1466 : vector<128x32xi1>, vector<128x32xi32>
      %eq3A_1480 = vector.broadcast %broadcast_in_dim3A_1473 : vector<128x1xi32> to vector<128x2048xi32>
      %eq3A_1481 = arith.cmpi eq, %iota3A_1445, %eq3A_1480 : vector<128x2048xi32>
      %jit3A_1482 = arith.constant 0x7F800000 : f32
      %broadcast_in_dim3A_1483 = vector.broadcast %jit3A_1482 : f32 to vector<128x2048xf32>
      %select_n3A_1484 = arith.select %eq3A_1481, %broadcast_in_dim3A_1483, %select_n3A_1471 : vector<128x2048xi1>, vector<128x2048xf32>
      %argmin3A_1485 = tpu.reduce_index %select_n3A_1484 {axis = 1 : i32, kind = #tpu.reduction_kind<arg_min>} : vector<128x2048xf32> -> vector<128xi32>
      %broadcast_in_dim3A_1486 = vector.shape_cast %argmin3A_1485 : vector<128xi32> to vector<128x1xi32>
      %eq3A_1487 = arith.constant 19 : i32
      %eq3A_1488 = vector.broadcast %eq3A_1487 : i32 to vector<128x32xi32>
      %eq3A_1489 = arith.cmpi eq, %iota3A, %eq3A_1488 : vector<128x32xi32>
      %broadcast_in_dim3A_1490 = vector.shape_cast %broadcast_in_dim3A_1486 : vector<128x1xi32> to vector<128x1xi32>
      %broadcast_in_dim3A_1491 = vector.broadcast %broadcast_in_dim3A_1490 : vector<128x1xi32> to vector<128x32xi32>
      %select_n3A_1492 = arith.select %eq3A_1489, %broadcast_in_dim3A_1491, %select_n3A_1479 : vector<128x32xi1>, vector<128x32xi32>
      %eq3A_1493 = vector.broadcast %broadcast_in_dim3A_1486 : vector<128x1xi32> to vector<128x2048xi32>
      %eq3A_1494 = arith.cmpi eq, %iota3A_1445, %eq3A_1493 : vector<128x2048xi32>
      %jit3A_1495 = arith.constant 0x7F800000 : f32
      %broadcast_in_dim3A_1496 = vector.broadcast %jit3A_1495 : f32 to vector<128x2048xf32>
      %select_n3A_1497 = arith.select %eq3A_1494, %broadcast_in_dim3A_1496, %select_n3A_1484 : vector<128x2048xi1>, vector<128x2048xf32>
      %argmin3A_1498 = tpu.reduce_index %select_n3A_1497 {axis = 1 : i32, kind = #tpu.reduction_kind<arg_min>} : vector<128x2048xf32> -> vector<128xi32>
      %broadcast_in_dim3A_1499 = vector.shape_cast %argmin3A_1498 : vector<128xi32> to vector<128x1xi32>
      %eq3A_1500 = arith.constant 20 : i32
      %eq3A_1501 = vector.broadcast %eq3A_1500 : i32 to vector<128x32xi32>
      %eq3A_1502 = arith.cmpi eq, %iota3A, %eq3A_1501 : vector<128x32xi32>
      %broadcast_in_dim3A_1503 = vector.shape_cast %broadcast_in_dim3A_1499 : vector<128x1xi32> to vector<128x1xi32>
      %broadcast_in_dim3A_1504 = vector.broadcast %broadcast_in_dim3A_1503 : vector<128x1xi32> to vector<128x32xi32>
      %select_n3A_1505 = arith.select %eq3A_1502, %broadcast_in_dim3A_1504, %select_n3A_1492 : vector<128x32xi1>, vector<128x32xi32>
      %eq3A_1506 = vector.broadcast %broadcast_in_dim3A_1499 : vector<128x1xi32> to vector<128x2048xi32>
      %eq3A_1507 = arith.cmpi eq, %iota3A_1445, %eq3A_1506 : vector<128x2048xi32>
      %jit3A_1508 = arith.constant 0x7F800000 : f32
      %broadcast_in_dim3A_1509 = vector.broadcast %jit3A_1508 : f32 to vector<128x2048xf32>
      %select_n3A_1510 = arith.select %eq3A_1507, %broadcast_in_dim3A_1509, %select_n3A_1497 : vector<128x2048xi1>, vector<128x2048xf32>
      %argmin3A_1511 = tpu.reduce_index %select_n3A_1510 {axis = 1 : i32, kind = #tpu.reduction_kind<arg_min>} : vector<128x2048xf32> -> vector<128xi32>
      %broadcast_in_dim3A_1512 = vector.shape_cast %argmin3A_1511 : vector<128xi32> to vector<128x1xi32>
      %eq3A_1513 = arith.constant 21 : i32
      %eq3A_1514 = vector.broadcast %eq3A_1513 : i32 to vector<128x32xi32>
      %eq3A_1515 = arith.cmpi eq, %iota3A, %eq3A_1514 : vector<128x32xi32>
      %broadcast_in_dim3A_1516 = vector.shape_cast %broadcast_in_dim3A_1512 : vector<128x1xi32> to vector<128x1xi32>
      %broadcast_in_dim3A_1517 = vector.broadcast %broadcast_in_dim3A_1516 : vector<128x1xi32> to vector<128x32xi32>
      %select_n3A_1518 = arith.select %eq3A_1515, %broadcast_in_dim3A_1517, %select_n3A_1505 : vector<128x32xi1>, vector<128x32xi32>
      %eq3A_1519 = vector.broadcast %broadcast_in_dim3A_1512 : vector<128x1xi32> to vector<128x2048xi32>
      %eq3A_1520 = arith.cmpi eq, %iota3A_1445, %eq3A_1519 : vector<128x2048xi32>
      %jit3A_1521 = arith.constant 0x7F800000 : f32
      %broadcast_in_dim3A_1522 = vector.broadcast %jit3A_1521 : f32 to vector<128x2048xf32>
      %select_n3A_1523 = arith.select %eq3A_1520, %broadcast_in_dim3A_1522, %select_n3A_1510 : vector<128x2048xi1>, vector<128x2048xf32>
      %argmin3A_1524 = tpu.reduce_index %select_n3A_1523 {axis = 1 : i32, kind = #tpu.reduction_kind<arg_min>} : vector<128x2048xf32> -> vector<128xi32>
      %broadcast_in_dim3A_1525 = vector.shape_cast %argmin3A_1524 : vector<128xi32> to vector<128x1xi32>
      %eq3A_1526 = arith.constant 22 : i32
      %eq3A_1527 = vector.broadcast %eq3A_1526 : i32 to vector<128x32xi32>
      %eq3A_1528 = arith.cmpi eq, %iota3A, %eq3A_1527 : vector<128x32xi32>
      %broadcast_in_dim3A_1529 = vector.shape_cast %broadcast_in_dim3A_1525 : vector<128x1xi32> to vector<128x1xi32>
      %broadcast_in_dim3A_1530 = vector.broadcast %broadcast_in_dim3A_1529 : vector<128x1xi32> to vector<128x32xi32>
      %select_n3A_1531 = arith.select %eq3A_1528, %broadcast_in_dim3A_1530, %select_n3A_1518 : vector<128x32xi1>, vector<128x32xi32>
      %eq3A_1532 = vector.broadcast %broadcast_in_dim3A_1525 : vector<128x1xi32> to vector<128x2048xi32>
      %eq3A_1533 = arith.cmpi eq, %iota3A_1445, %eq3A_1532 : vector<128x2048xi32>
      %jit3A_1534 = arith.constant 0x7F800000 : f32
      %broadcast_in_dim3A_1535 = vector.broadcast %jit3A_1534 : f32 to vector<128x2048xf32>
      %select_n3A_1536 = arith.select %eq3A_1533, %broadcast_in_dim3A_1535, %select_n3A_1523 : vector<128x2048xi1>, vector<128x2048xf32>
      %argmin3A_1537 = tpu.reduce_index %select_n3A_1536 {axis = 1 : i32, kind = #tpu.reduction_kind<arg_min>} : vector<128x2048xf32> -> vector<128xi32>
      %broadcast_in_dim3A_1538 = vector.shape_cast %argmin3A_1537 : vector<128xi32> to vector<128x1xi32>
      %eq3A_1539 = arith.constant 23 : i32
      %eq3A_1540 = vector.broadcast %eq3A_1539 : i32 to vector<128x32xi32>
      %eq3A_1541 = arith.cmpi eq, %iota3A, %eq3A_1540 : vector<128x32xi32>
      %broadcast_in_dim3A_1542 = vector.shape_cast %broadcast_in_dim3A_1538 : vector<128x1xi32> to vector<128x1xi32>
      %broadcast_in_dim3A_1543 = vector.broadcast %broadcast_in_dim3A_1542 : vector<128x1xi32> to vector<128x32xi32>
      %select_n3A_1544 = arith.select %eq3A_1541, %broadcast_in_dim3A_1543, %select_n3A_1531 : vector<128x32xi1>, vector<128x32xi32>
      %eq3A_1545 = vector.broadcast %broadcast_in_dim3A_1538 : vector<128x1xi32> to vector<128x2048xi32>
      %eq3A_1546 = arith.cmpi eq, %iota3A_1445, %eq3A_1545 : vector<128x2048xi32>
      %jit3A_1547 = arith.constant 0x7F800000 : f32
      %broadcast_in_dim3A_1548 = vector.broadcast %jit3A_1547 : f32 to vector<128x2048xf32>
      %select_n3A_1549 = arith.select %eq3A_1546, %broadcast_in_dim3A_1548, %select_n3A_1536 : vector<128x2048xi1>, vector<128x2048xf32>
      %argmin3A_1550 = tpu.reduce_index %select_n3A_1549 {axis = 1 : i32, kind = #tpu.reduction_kind<arg_min>} : vector<128x2048xf32> -> vector<128xi32>
      %broadcast_in_dim3A_1551 = vector.shape_cast %argmin3A_1550 : vector<128xi32> to vector<128x1xi32>
      %eq3A_1552 = arith.constant 24 : i32
      %eq3A_1553 = vector.broadcast %eq3A_1552 : i32 to vector<128x32xi32>
      %eq3A_1554 = arith.cmpi eq, %iota3A, %eq3A_1553 : vector<128x32xi32>
      %broadcast_in_dim3A_1555 = vector.shape_cast %broadcast_in_dim3A_1551 : vector<128x1xi32> to vector<128x1xi32>
      %broadcast_in_dim3A_1556 = vector.broadcast %broadcast_in_dim3A_1555 : vector<128x1xi32> to vector<128x32xi32>
      %select_n3A_1557 = arith.select %eq3A_1554, %broadcast_in_dim3A_1556, %select_n3A_1544 : vector<128x32xi1>, vector<128x32xi32>
      %eq3A_1558 = vector.broadcast %broadcast_in_dim3A_1551 : vector<128x1xi32> to vector<128x2048xi32>
      %eq3A_1559 = arith.cmpi eq, %iota3A_1445, %eq3A_1558 : vector<128x2048xi32>
      %jit3A_1560 = arith.constant 0x7F800000 : f32
      %broadcast_in_dim3A_1561 = vector.broadcast %jit3A_1560 : f32 to vector<128x2048xf32>
      %select_n3A_1562 = arith.select %eq3A_1559, %broadcast_in_dim3A_1561, %select_n3A_1549 : vector<128x2048xi1>, vector<128x2048xf32>
      %argmin3A_1563 = tpu.reduce_index %select_n3A_1562 {axis = 1 : i32, kind = #tpu.reduction_kind<arg_min>} : vector<128x2048xf32> -> vector<128xi32>
      %broadcast_in_dim3A_1564 = vector.shape_cast %argmin3A_1563 : vector<128xi32> to vector<128x1xi32>
      %eq3A_1565 = arith.constant 25 : i32
      %eq3A_1566 = vector.broadcast %eq3A_1565 : i32 to vector<128x32xi32>
      %eq3A_1567 = arith.cmpi eq, %iota3A, %eq3A_1566 : vector<128x32xi32>
      %broadcast_in_dim3A_1568 = vector.shape_cast %broadcast_in_dim3A_1564 : vector<128x1xi32> to vector<128x1xi32>
      %broadcast_in_dim3A_1569 = vector.broadcast %broadcast_in_dim3A_1568 : vector<128x1xi32> to vector<128x32xi32>
      %select_n3A_1570 = arith.select %eq3A_1567, %broadcast_in_dim3A_1569, %select_n3A_1557 : vector<128x32xi1>, vector<128x32xi32>
      %eq3A_1571 = vector.broadcast %broadcast_in_dim3A_1564 : vector<128x1xi32> to vector<128x2048xi32>
      %eq3A_1572 = arith.cmpi eq, %iota3A_1445, %eq3A_1571 : vector<128x2048xi32>
      %jit3A_1573 = arith.constant 0x7F800000 : f32
      %broadcast_in_dim3A_1574 = vector.broadcast %jit3A_1573 : f32 to vector<128x2048xf32>
      %select_n3A_1575 = arith.select %eq3A_1572, %broadcast_in_dim3A_1574, %select_n3A_1562 : vector<128x2048xi1>, vector<128x2048xf32>
      %argmin3A_1576 = tpu.reduce_index %select_n3A_1575 {axis = 1 : i32, kind = #tpu.reduction_kind<arg_min>} : vector<128x2048xf32> -> vector<128xi32>
      %broadcast_in_dim3A_1577 = vector.shape_cast %argmin3A_1576 : vector<128xi32> to vector<128x1xi32>
      %eq3A_1578 = arith.constant 26 : i32
      %eq3A_1579 = vector.broadcast %eq3A_1578 : i32 to vector<128x32xi32>
      %eq3A_1580 = arith.cmpi eq, %iota3A, %eq3A_1579 : vector<128x32xi32>
      %broadcast_in_dim3A_1581 = vector.shape_cast %broadcast_in_dim3A_1577 : vector<128x1xi32> to vector<128x1xi32>
      %broadcast_in_dim3A_1582 = vector.broadcast %broadcast_in_dim3A_1581 : vector<128x1xi32> to vector<128x32xi32>
      %select_n3A_1583 = arith.select %eq3A_1580, %broadcast_in_dim3A_1582, %select_n3A_1570 : vector<128x32xi1>, vector<128x32xi32>
      %eq3A_1584 = vector.broadcast %broadcast_in_dim3A_1577 : vector<128x1xi32> to vector<128x2048xi32>
      %eq3A_1585 = arith.cmpi eq, %iota3A_1445, %eq3A_1584 : vector<128x2048xi32>
      %jit3A_1586 = arith.constant 0x7F800000 : f32
      %broadcast_in_dim3A_1587 = vector.broadcast %jit3A_1586 : f32 to vector<128x2048xf32>
      %select_n3A_1588 = arith.select %eq3A_1585, %broadcast_in_dim3A_1587, %select_n3A_1575 : vector<128x2048xi1>, vector<128x2048xf32>
      %argmin3A_1589 = tpu.reduce_index %select_n3A_1588 {axis = 1 : i32, kind = #tpu.reduction_kind<arg_min>} : vector<128x2048xf32> -> vector<128xi32>
      %broadcast_in_dim3A_1590 = vector.shape_cast %argmin3A_1589 : vector<128xi32> to vector<128x1xi32>
      %eq3A_1591 = arith.constant 27 : i32
      %eq3A_1592 = vector.broadcast %eq3A_1591 : i32 to vector<128x32xi32>
      %eq3A_1593 = arith.cmpi eq, %iota3A, %eq3A_1592 : vector<128x32xi32>
      %broadcast_in_dim3A_1594 = vector.shape_cast %broadcast_in_dim3A_1590 : vector<128x1xi32> to vector<128x1xi32>
      %broadcast_in_dim3A_1595 = vector.broadcast %broadcast_in_dim3A_1594 : vector<128x1xi32> to vector<128x32xi32>
      %select_n3A_1596 = arith.select %eq3A_1593, %broadcast_in_dim3A_1595, %select_n3A_1583 : vector<128x32xi1>, vector<128x32xi32>
      %eq3A_1597 = vector.broadcast %broadcast_in_dim3A_1590 : vector<128x1xi32> to vector<128x2048xi32>
      %eq3A_1598 = arith.cmpi eq, %iota3A_1445, %eq3A_1597 : vector<128x2048xi32>
      %jit3A_1599 = arith.constant 0x7F800000 : f32
      %broadcast_in_dim3A_1600 = vector.broadcast %jit3A_1599 : f32 to vector<128x2048xf32>
      %select_n3A_1601 = arith.select %eq3A_1598, %broadcast_in_dim3A_1600, %select_n3A_1588 : vector<128x2048xi1>, vector<128x2048xf32>
      %argmin3A_1602 = tpu.reduce_index %select_n3A_1601 {axis = 1 : i32, kind = #tpu.reduction_kind<arg_min>} : vector<128x2048xf32> -> vector<128xi32>
      %broadcast_in_dim3A_1603 = vector.shape_cast %argmin3A_1602 : vector<128xi32> to vector<128x1xi32>
      %eq3A_1604 = arith.constant 28 : i32
      %eq3A_1605 = vector.broadcast %eq3A_1604 : i32 to vector<128x32xi32>
      %eq3A_1606 = arith.cmpi eq, %iota3A, %eq3A_1605 : vector<128x32xi32>
      %broadcast_in_dim3A_1607 = vector.shape_cast %broadcast_in_dim3A_1603 : vector<128x1xi32> to vector<128x1xi32>
      %broadcast_in_dim3A_1608 = vector.broadcast %broadcast_in_dim3A_1607 : vector<128x1xi32> to vector<128x32xi32>
      %select_n3A_1609 = arith.select %eq3A_1606, %broadcast_in_dim3A_1608, %select_n3A_1596 : vector<128x32xi1>, vector<128x32xi32>
      %eq3A_1610 = vector.broadcast %broadcast_in_dim3A_1603 : vector<128x1xi32> to vector<128x2048xi32>
      %eq3A_1611 = arith.cmpi eq, %iota3A_1445, %eq3A_1610 : vector<128x2048xi32>
      %jit3A_1612 = arith.constant 0x7F800000 : f32
      %broadcast_in_dim3A_1613 = vector.broadcast %jit3A_1612 : f32 to vector<128x2048xf32>
      %select_n3A_1614 = arith.select %eq3A_1611, %broadcast_in_dim3A_1613, %select_n3A_1601 : vector<128x2048xi1>, vector<128x2048xf32>
      %argmin3A_1615 = tpu.reduce_index %select_n3A_1614 {axis = 1 : i32, kind = #tpu.reduction_kind<arg_min>} : vector<128x2048xf32> -> vector<128xi32>
      %broadcast_in_dim3A_1616 = vector.shape_cast %argmin3A_1615 : vector<128xi32> to vector<128x1xi32>
      %eq3A_1617 = arith.constant 29 : i32
      %eq3A_1618 = vector.broadcast %eq3A_1617 : i32 to vector<128x32xi32>
      %eq3A_1619 = arith.cmpi eq, %iota3A, %eq3A_1618 : vector<128x32xi32>
      %broadcast_in_dim3A_1620 = vector.shape_cast %broadcast_in_dim3A_1616 : vector<128x1xi32> to vector<128x1xi32>
      %broadcast_in_dim3A_1621 = vector.broadcast %broadcast_in_dim3A_1620 : vector<128x1xi32> to vector<128x32xi32>
      %select_n3A_1622 = arith.select %eq3A_1619, %broadcast_in_dim3A_1621, %select_n3A_1609 : vector<128x32xi1>, vector<128x32xi32>
      %eq3A_1623 = vector.broadcast %broadcast_in_dim3A_1616 : vector<128x1xi32> to vector<128x2048xi32>
      %eq3A_1624 = arith.cmpi eq, %iota3A_1445, %eq3A_1623 : vector<128x2048xi32>
      %jit3A_1625 = arith.constant 0x7F800000 : f32
      %broadcast_in_dim3A_1626 = vector.broadcast %jit3A_1625 : f32 to vector<128x2048xf32>
      %select_n3A_1627 = arith.select %eq3A_1624, %broadcast_in_dim3A_1626, %select_n3A_1614 : vector<128x2048xi1>, vector<128x2048xf32>
      %argmin3A_1628 = tpu.reduce_index %select_n3A_1627 {axis = 1 : i32, kind = #tpu.reduction_kind<arg_min>} : vector<128x2048xf32> -> vector<128xi32>
      %broadcast_in_dim3A_1629 = vector.shape_cast %argmin3A_1628 : vector<128xi32> to vector<128x1xi32>
      %eq3A_1630 = arith.constant 30 : i32
      %eq3A_1631 = vector.broadcast %eq3A_1630 : i32 to vector<128x32xi32>
      %eq3A_1632 = arith.cmpi eq, %iota3A, %eq3A_1631 : vector<128x32xi32>
      %broadcast_in_dim3A_1633 = vector.shape_cast %broadcast_in_dim3A_1629 : vector<128x1xi32> to vector<128x1xi32>
      %broadcast_in_dim3A_1634 = vector.broadcast %broadcast_in_dim3A_1633 : vector<128x1xi32> to vector<128x32xi32>
      %select_n3A_1635 = arith.select %eq3A_1632, %broadcast_in_dim3A_1634, %select_n3A_1622 : vector<128x32xi1>, vector<128x32xi32>
      %eq3A_1636 = vector.broadcast %broadcast_in_dim3A_1629 : vector<128x1xi32> to vector<128x2048xi32>
      %eq3A_1637 = arith.cmpi eq, %iota3A_1445, %eq3A_1636 : vector<128x2048xi32>
      %jit3A_1638 = arith.constant 0x7F800000 : f32
      %broadcast_in_dim3A_1639 = vector.broadcast %jit3A_1638 : f32 to vector<128x2048xf32>
      %select_n3A_1640 = arith.select %eq3A_1637, %broadcast_in_dim3A_1639, %select_n3A_1627 : vector<128x2048xi1>, vector<128x2048xf32>
      %argmin3A_1641 = tpu.reduce_index %select_n3A_1640 {axis = 1 : i32, kind = #tpu.reduction_kind<arg_min>} : vector<128x2048xf32> -> vector<128xi32>
      %broadcast_in_dim3A_1642 = vector.shape_cast %argmin3A_1641 : vector<128xi32> to vector<128x1xi32>
      %eq3A_1643 = arith.constant 31 : i32
      %eq3A_1644 = vector.broadcast %eq3A_1643 : i32 to vector<128x32xi32>
      %eq3A_1645 = arith.cmpi eq, %iota3A, %eq3A_1644 : vector<128x32xi32>
      %broadcast_in_dim3A_1646 = vector.shape_cast %broadcast_in_dim3A_1642 : vector<128x1xi32> to vector<128x1xi32>
      %broadcast_in_dim3A_1647 = vector.broadcast %broadcast_in_dim3A_1646 : vector<128x1xi32> to vector<128x32xi32>
      %select_n3A_1648 = arith.select %eq3A_1645, %broadcast_in_dim3A_1647, %select_n3A_1635 : vector<128x32xi1>, vector<128x32xi32>
      %add3A_1649 = arith.constant 2 : i32
      %add3A_1650 = arith.addi %arg0, %add3A_1649 : i32
      %mul3A_1651 = arith.constant 2048 : i32
      %mul3A_1652 = arith.muli %add3A_1650, %mul3A_1651 : i32
      %add3A_1653 = vector.broadcast %mul3A_1652 : i32 to vector<128x32xi32>
      %add3A_1654 = arith.addi %select_n3A_1648, %add3A_1653 : vector<128x32xi32>
      %swap3A_1655 = arith.constant 0 : index
      %swap3A_1656 = arith.constant 0 : index
      %swap3A_1657 = arith.constant 0 : index
      %swap3A_1658 = vector.load %arg6[%swap3A_1655, %swap3A_1656, %swap3A_1657] : memref<1x128x32xi32, #tpu.memory_space<vmem>>, vector<1x128x32xi32>
      %swap3A_1659 = vector.shape_cast %swap3A_1658 : vector<1x128x32xi32> to vector<128x32xi32>
      %swap3A_1660 = vector.shape_cast %add3A_1654 : vector<128x32xi32> to vector<1x128x32xi32>
      tpu.vector_store %arg6[%swap3A_1655, %swap3A_1656, %swap3A_1657], %swap3A_1660 {strides = array<i32>} : memref<1x128x32xi32, #tpu.memory_space<vmem>>, vector<1x128x32xi32>,
    } else {
    }
    return
  }
  func.func @transform_0(%arg0: i32, %arg1: i32) -> (i32, i32, i32) {
    %c0_i32 = arith.constant 0 : i32
    %c0_i32_0 = arith.constant 0 : i32
    return %arg0, %arg1, %c0_i32 : i32, i32, i32
  }
  func.func @transform_1(%arg0: i32, %arg1: i32) -> (i32, i32, i32) {
    %c0_i32 = arith.constant 0 : i32
    %c0_i32_0 = arith.constant 0 : i32
    %c0_i32_1 = arith.constant 0 : i32
    return %arg0, %c0_i32, %c0_i32_0 : i32, i32, i32
  }
  func.func @transform_2(%arg0: i32, %arg1: i32) -> (i32, i32, i32) {
    %c0_i32 = arith.constant 0 : i32
    %c0_i32_0 = arith.constant 0 : i32
    return %arg0, %arg1, %c0_i32 : i32, i32, i32
  }
  func.func @transform_3(%arg0: i32, %arg1: i32) -> (i32, i32, i32) {
    %c0_i32 = arith.constant 0 : i32
    %c0_i32_0 = arith.constant 0 : i32
    %c0_i32_1 = arith.constant 0 : i32
    return %arg0, %c0_i32, %c0_i32_0 : i32, i32, i32
  }
  func.func @transform_4(%arg0: i32, %arg1: i32) -> (i32, i32, i32) {
    %c0_i32 = arith.constant 0 : i32
    %c0_i32_0 = arith.constant 0 : i32
    return %arg0, %arg1, %c0_i32 : i32, i32, i32
  }
}

module attributes {stable_mosaic.version = 14 : i64} {
  func.func @_stats0_body(%arg0: i32, %arg1: i32, %arg2: memref<1x2048x128xf32, #tpu.memory_space<vmem>>, %arg3: memref<1x64x128xf32, #tpu.memory_space<vmem>>, %arg4: memref<1x1x128xf32, #tpu.memory_space<vmem>>, %arg5: memref<1x1x128xf32, #tpu.memory_space<vmem>>) attributes {dimension_semantics = [#tpu.dimension_semantics<parallel>, #tpu.dimension_semantics<arbitrary>], iteration_bounds = array<i64: 2, 32>, scalar_prefetch = 0 : i64, scratch_operands = 0 : i64, tpu.core_type = #tpu.core_type<tc>, window_params = [{transform_indices = @transform_0, window_bounds = array<i64: 1, 2048, 128>}, {transform_indices = @transform_1, window_bounds = array<i64: 1, 64, 128>}, {transform_indices = @transform_2, window_bounds = array<i64: 1, 1, 128>}, {transform_indices = @transform_3, window_bounds = array<i64: 1, 1, 128>}]} {
    %get3A = arith.constant 0 : index
    %get3A_0 = arith.constant 0 : index
    %get3A_1 = arith.constant 0 : index
    %get3A_2 = vector.load %arg2[%get3A, %get3A_0, %get3A_1] : memref<1x2048x128xf32, #tpu.memory_space<vmem>>, vector<1x2048x128xf32>
    %get3A_3 = vector.shape_cast %get3A_2 : vector<1x2048x128xf32> to vector<2048x128xf32>
    %get3A_4 = arith.constant 0 : index
    %get3A_5 = arith.constant 0 : index
    %get3A_6 = arith.constant 0 : index
    %get3A_7 = vector.load %arg3[%get3A_4, %get3A_5, %get3A_6] : memref<1x64x128xf32, #tpu.memory_space<vmem>>, vector<1x64x128xf32>
    %get3A_8 = vector.shape_cast %get3A_7 : vector<1x64x128xf32> to vector<64x128xf32>
    %broadcast_in_dim3A = vector.shape_cast %get3A_8 : vector<64x128xf32> to vector<64x1x128xf32>
    %broadcast_in_dim3A_9 = vector.shape_cast %broadcast_in_dim3A : vector<64x1x128xf32> to vector<64x1x128xf32>
    %broadcast_in_dim3A_10 = vector.broadcast %broadcast_in_dim3A_9 : vector<64x1x128xf32> to vector<64x32x128xf32>
    %reshape3A = vector.shape_cast %broadcast_in_dim3A_10 : vector<64x32x128xf32> to vector<2048x128xf32>
    %add3A = arith.addf %get3A_3, %reshape3A : vector<2048x128xf32>
    %reduce_sum3A = arith.constant dense<0.000000e+00> : vector<128xf32>
    %reduce_sum3A_11 = vector.multi_reduction <add>, %add3A, %reduce_sum3A [0] : vector<2048x128xf32> to vector<128xf32>
    %broadcast_in_dim3A_12 = vector.shape_cast %reduce_sum3A_11 : vector<128xf32> to vector<1x128xf32>
    %mul3A = arith.mulf %add3A, %add3A : vector<2048x128xf32>
    %reduce_sum3A_13 = arith.constant dense<0.000000e+00> : vector<128xf32>
    %reduce_sum3A_14 = vector.multi_reduction <add>, %mul3A, %reduce_sum3A_13 [0] : vector<2048x128xf32> to vector<128xf32>
    %broadcast_in_dim3A_15 = vector.shape_cast %reduce_sum3A_14 : vector<128xf32> to vector<1x128xf32>
    %eq3A = arith.constant 0 : i32
    %eq3A_16 = arith.cmpi eq, %arg1, %eq3A : i32
    %convert_element_type3A = arith.extui %eq3A_16 : i1 to i32
    %cond3A = arith.constant 0 : i32
    %cond3A_17 = arith.cmpi ne, %convert_element_type3A, %cond3A : i32
    scf.if %cond3A_17 {
      %broadcast_in_dim3A_41 = arith.constant 0.000000e+00 : f32
      %broadcast_in_dim3A_42 = vector.broadcast %broadcast_in_dim3A_41 : f32 to vector<1x128xf32>
      %swap3A_43 = arith.constant 0 : index
      %swap3A_44 = arith.constant 0 : index
      %swap3A_45 = arith.constant 0 : index
      %swap3A_46 = vector.load %arg4[%swap3A_43, %swap3A_44, %swap3A_45] : memref<1x1x128xf32, #tpu.memory_space<vmem>>, vector<1x1x128xf32>
      %swap3A_47 = vector.shape_cast %swap3A_46 : vector<1x1x128xf32> to vector<1x128xf32>
      %swap3A_48 = vector.shape_cast %broadcast_in_dim3A_42 : vector<1x128xf32> to vector<1x1x128xf32>
      tpu.vector_store %arg4[%swap3A_43, %swap3A_44, %swap3A_45], %swap3A_48 {strides = array<i32>} : memref<1x1x128xf32, #tpu.memory_space<vmem>>, vector<1x1x128xf32>,
      %broadcast_in_dim3A_49 = arith.constant 0.000000e+00 : f32
      %broadcast_in_dim3A_50 = vector.broadcast %broadcast_in_dim3A_49 : f32 to vector<1x128xf32>
      %swap3A_51 = arith.constant 0 : index
      %swap3A_52 = arith.constant 0 : index
      %swap3A_53 = arith.constant 0 : index
      %swap3A_54 = vector.load %arg5[%swap3A_51, %swap3A_52, %swap3A_53] : memref<1x1x128xf32, #tpu.memory_space<vmem>>, vector<1x1x128xf32>
      %swap3A_55 = vector.shape_cast %swap3A_54 : vector<1x1x128xf32> to vector<1x128xf32>
      %swap3A_56 = vector.shape_cast %broadcast_in_dim3A_50 : vector<1x128xf32> to vector<1x1x128xf32>
      tpu.vector_store %arg5[%swap3A_51, %swap3A_52, %swap3A_53], %swap3A_56 {strides = array<i32>} : memref<1x1x128xf32, #tpu.memory_space<vmem>>, vector<1x1x128xf32>,
    } else {
    }
    %get3A_18 = arith.constant 0 : index
    %get3A_19 = arith.constant 0 : index
    %get3A_20 = arith.constant 0 : index
    %get3A_21 = vector.load %arg4[%get3A_18, %get3A_19, %get3A_20] : memref<1x1x128xf32, #tpu.memory_space<vmem>>, vector<1x1x128xf32>
    %get3A_22 = vector.shape_cast %get3A_21 : vector<1x1x128xf32> to vector<1x128xf32>
    %add3A_23 = arith.addf %get3A_22, %broadcast_in_dim3A_12 : vector<1x128xf32>
    %swap3A = arith.constant 0 : index
    %swap3A_24 = arith.constant 0 : index
    %swap3A_25 = arith.constant 0 : index
    %swap3A_26 = vector.load %arg4[%swap3A, %swap3A_24, %swap3A_25] : memref<1x1x128xf32, #tpu.memory_space<vmem>>, vector<1x1x128xf32>
    %swap3A_27 = vector.shape_cast %swap3A_26 : vector<1x1x128xf32> to vector<1x128xf32>
    %swap3A_28 = vector.shape_cast %add3A_23 : vector<1x128xf32> to vector<1x1x128xf32>
    tpu.vector_store %arg4[%swap3A, %swap3A_24, %swap3A_25], %swap3A_28 {strides = array<i32>} : memref<1x1x128xf32, #tpu.memory_space<vmem>>, vector<1x1x128xf32>,
    %get3A_29 = arith.constant 0 : index
    %get3A_30 = arith.constant 0 : index
    %get3A_31 = arith.constant 0 : index
    %get3A_32 = vector.load %arg5[%get3A_29, %get3A_30, %get3A_31] : memref<1x1x128xf32, #tpu.memory_space<vmem>>, vector<1x1x128xf32>
    %get3A_33 = vector.shape_cast %get3A_32 : vector<1x1x128xf32> to vector<1x128xf32>
    %add3A_34 = arith.addf %get3A_33, %broadcast_in_dim3A_15 : vector<1x128xf32>
    %swap3A_35 = arith.constant 0 : index
    %swap3A_36 = arith.constant 0 : index
    %swap3A_37 = arith.constant 0 : index
    %swap3A_38 = vector.load %arg5[%swap3A_35, %swap3A_36, %swap3A_37] : memref<1x1x128xf32, #tpu.memory_space<vmem>>, vector<1x1x128xf32>
    %swap3A_39 = vector.shape_cast %swap3A_38 : vector<1x1x128xf32> to vector<1x128xf32>
    %swap3A_40 = vector.shape_cast %add3A_34 : vector<1x128xf32> to vector<1x1x128xf32>
    tpu.vector_store %arg5[%swap3A_35, %swap3A_36, %swap3A_37], %swap3A_40 {strides = array<i32>} : memref<1x1x128xf32, #tpu.memory_space<vmem>>, vector<1x1x128xf32>,
    return
  }
  func.func @transform_0(%arg0: i32, %arg1: i32) -> (i32, i32, i32) {
    %c0_i32 = arith.constant 0 : i32
    %c0_i32_0 = arith.constant 0 : i32
    return %arg0, %arg1, %c0_i32 : i32, i32, i32
  }
  func.func @transform_1(%arg0: i32, %arg1: i32) -> (i32, i32, i32) {
    %c0_i32 = arith.constant 0 : i32
    %c0_i32_0 = arith.constant 0 : i32
    return %arg0, %arg1, %c0_i32 : i32, i32, i32
  }
  func.func @transform_2(%arg0: i32, %arg1: i32) -> (i32, i32, i32) {
    %c0_i32 = arith.constant 0 : i32
    %c0_i32_0 = arith.constant 0 : i32
    %c0_i32_1 = arith.constant 0 : i32
    return %arg0, %c0_i32, %c0_i32_0 : i32, i32, i32
  }
  func.func @transform_3(%arg0: i32, %arg1: i32) -> (i32, i32, i32) {
    %c0_i32 = arith.constant 0 : i32
    %c0_i32_0 = arith.constant 0 : i32
    %c0_i32_1 = arith.constant 0 : i32
    return %arg0, %c0_i32, %c0_i32_0 : i32, i32, i32
  }
}

module attributes {stable_mosaic.version = 14 : i64} {
  func.func @_mlp0_body(%arg0: i32, %arg1: i32, %arg2: memref<1x2048x128xf32, #tpu.memory_space<vmem>>, %arg3: memref<1x64x128xf32, #tpu.memory_space<vmem>>, %arg4: memref<1x1x128xf32, #tpu.memory_space<vmem>>, %arg5: memref<1x1x128xf32, #tpu.memory_space<vmem>>, %arg6: memref<128x128xf32, #tpu.memory_space<vmem>>, %arg7: memref<1x128xf32, #tpu.memory_space<vmem>>, %arg8: memref<1x2048x128xf32, #tpu.memory_space<vmem>>, %arg9: memref<1x1x128xf32, #tpu.memory_space<vmem>>, %arg10: memref<1x1x128xf32, #tpu.memory_space<vmem>>) attributes {dimension_semantics = [#tpu.dimension_semantics<parallel>, #tpu.dimension_semantics<arbitrary>], iteration_bounds = array<i64: 2, 32>, scalar_prefetch = 0 : i64, scratch_operands = 0 : i64, tpu.core_type = #tpu.core_type<tc>, window_params = [{transform_indices = @transform_0, window_bounds = array<i64: 1, 2048, 128>}, {transform_indices = @transform_1, window_bounds = array<i64: 1, 64, 128>}, {transform_indices = @transform_2, window_bounds = array<i64: 1, 1, 128>}, {transform_indices = @transform_3, window_bounds = array<i64: 1, 1, 128>}, {pipeline_mode = #tpu.pipeline_mode<synchronous>, transform_indices = @transform_4, window_bounds = array<i64: 128, 128>}, {pipeline_mode = #tpu.pipeline_mode<synchronous>, transform_indices = @transform_5, window_bounds = array<i64: 1, 128>}, {transform_indices = @transform_6, window_bounds = array<i64: 1, 2048, 128>}, {transform_indices = @transform_7, window_bounds = array<i64: 1, 1, 128>}, {transform_indices = @transform_8, window_bounds = array<i64: 1, 1, 128>}]} {
    %get3A = arith.constant 0 : index
    %get3A_0 = arith.constant 0 : index
    %get3A_1 = arith.constant 0 : index
    %get3A_2 = vector.load %arg2[%get3A, %get3A_0, %get3A_1] : memref<1x2048x128xf32, #tpu.memory_space<vmem>>, vector<1x2048x128xf32>
    %get3A_3 = vector.shape_cast %get3A_2 : vector<1x2048x128xf32> to vector<2048x128xf32>
    %get3A_4 = arith.constant 0 : index
    %get3A_5 = arith.constant 0 : index
    %get3A_6 = arith.constant 0 : index
    %get3A_7 = vector.load %arg3[%get3A_4, %get3A_5, %get3A_6] : memref<1x64x128xf32, #tpu.memory_space<vmem>>, vector<1x64x128xf32>
    %get3A_8 = vector.shape_cast %get3A_7 : vector<1x64x128xf32> to vector<64x128xf32>
    %broadcast_in_dim3A = vector.shape_cast %get3A_8 : vector<64x128xf32> to vector<64x1x128xf32>
    %broadcast_in_dim3A_9 = vector.shape_cast %broadcast_in_dim3A : vector<64x1x128xf32> to vector<64x1x128xf32>
    %broadcast_in_dim3A_10 = vector.broadcast %broadcast_in_dim3A_9 : vector<64x1x128xf32> to vector<64x32x128xf32>
    %reshape3A = vector.shape_cast %broadcast_in_dim3A_10 : vector<64x32x128xf32> to vector<2048x128xf32>
    %add3A = arith.addf %get3A_3, %reshape3A : vector<2048x128xf32>
    %get3A_11 = arith.constant 0 : index
    %get3A_12 = arith.constant 0 : index
    %get3A_13 = arith.constant 0 : index
    %get3A_14 = vector.load %arg4[%get3A_11, %get3A_12, %get3A_13] : memref<1x1x128xf32, #tpu.memory_space<vmem>>, vector<1x1x128xf32>
    %get3A_15 = vector.shape_cast %get3A_14 : vector<1x1x128xf32> to vector<1x128xf32>
    %mul3A = vector.broadcast %get3A_15 : vector<1x128xf32> to vector<2048x128xf32>
    %mul3A_16 = arith.mulf %add3A, %mul3A : vector<2048x128xf32>
    %get3A_17 = arith.constant 0 : index
    %get3A_18 = arith.constant 0 : index
    %get3A_19 = arith.constant 0 : index
    %get3A_20 = vector.load %arg5[%get3A_17, %get3A_18, %get3A_19] : memref<1x1x128xf32, #tpu.memory_space<vmem>>, vector<1x1x128xf32>
    %get3A_21 = vector.shape_cast %get3A_20 : vector<1x1x128xf32> to vector<1x128xf32>
    %add3A_22 = vector.broadcast %get3A_21 : vector<1x128xf32> to vector<2048x128xf32>
    %add3A_23 = arith.addf %mul3A_16, %add3A_22 : vector<2048x128xf32>
    %ge3A = arith.constant 0.000000e+00 : f32
    %ge3A_24 = vector.broadcast %ge3A : f32 to vector<2048x128xf32>
    %ge3A_25 = arith.cmpf oge, %add3A_23, %ge3A_24 : vector<2048x128xf32>
    %mul3A_26 = arith.constant 1.000000e-01 : f32
    %mul3A_27 = vector.broadcast %mul3A_26 : f32 to vector<2048x128xf32>
    %mul3A_28 = arith.mulf %mul3A_27, %add3A_23 : vector<2048x128xf32>
    %select_n3A = arith.select %ge3A_25, %add3A_23, %mul3A_28 : vector<2048x128xi1>, vector<2048x128xf32>
    %get3A_29 = arith.constant 0 : index
    %get3A_30 = arith.constant 0 : index
    %get3A_31 = vector.load %arg6[%get3A_29, %get3A_30] : memref<128x128xf32, #tpu.memory_space<vmem>>, vector<128x128xf32>
    %dot_general3A = arith.constant dense<0.000000e+00> : vector<2048x128xf32>
    %dot_general3A_32 = tpu.matmul %select_n3A, %get3A_31, %dot_general3A {dimension_numbers = #tpu.dot_dimension_numbers<[1], [0], [0], [1], [0, 0, 1, 1], [], []>, transpose_lhs_hint = false} : vector<2048x128xf32>, vector<128x128xf32>, vector<2048x128xf32> -> vector<2048x128xf32>
    %get3A_33 = arith.constant 0 : index
    %get3A_34 = arith.constant 0 : index
    %get3A_35 = vector.load %arg7[%get3A_33, %get3A_34] : memref<1x128xf32, #tpu.memory_space<vmem>>, vector<1x128xf32>
    %add3A_36 = vector.broadcast %get3A_35 : vector<1x128xf32> to vector<2048x128xf32>
    %add3A_37 = arith.addf %dot_general3A_32, %add3A_36 : vector<2048x128xf32>
    %swap3A = arith.constant 0 : index
    %swap3A_38 = arith.constant 0 : index
    %swap3A_39 = arith.constant 0 : index
    %swap3A_40 = vector.load %arg8[%swap3A, %swap3A_38, %swap3A_39] : memref<1x2048x128xf32, #tpu.memory_space<vmem>>, vector<1x2048x128xf32>
    %swap3A_41 = vector.shape_cast %swap3A_40 : vector<1x2048x128xf32> to vector<2048x128xf32>
    %swap3A_42 = vector.shape_cast %add3A_37 : vector<2048x128xf32> to vector<1x2048x128xf32>
    tpu.vector_store %arg8[%swap3A, %swap3A_38, %swap3A_39], %swap3A_42 {strides = array<i32>} : memref<1x2048x128xf32, #tpu.memory_space<vmem>>, vector<1x2048x128xf32>,
    %reduce_sum3A = arith.constant dense<0.000000e+00> : vector<128xf32>
    %reduce_sum3A_43 = vector.multi_reduction <add>, %add3A_37, %reduce_sum3A [0] : vector<2048x128xf32> to vector<128xf32>
    %broadcast_in_dim3A_44 = vector.shape_cast %reduce_sum3A_43 : vector<128xf32> to vector<1x128xf32>
    %mul3A_45 = arith.mulf %add3A_37, %add3A_37 : vector<2048x128xf32>
    %reduce_sum3A_46 = arith.constant dense<0.000000e+00> : vector<128xf32>
    %reduce_sum3A_47 = vector.multi_reduction <add>, %mul3A_45, %reduce_sum3A_46 [0] : vector<2048x128xf32> to vector<128xf32>
    %broadcast_in_dim3A_48 = vector.shape_cast %reduce_sum3A_47 : vector<128xf32> to vector<1x128xf32>
    %eq3A = arith.constant 0 : i32
    %eq3A_49 = arith.cmpi eq, %arg1, %eq3A : i32
    %convert_element_type3A = arith.extui %eq3A_49 : i1 to i32
    %cond3A = arith.constant 0 : i32
    %cond3A_50 = arith.cmpi ne, %convert_element_type3A, %cond3A : i32
    scf.if %cond3A_50 {
      %broadcast_in_dim3A_75 = arith.constant 0.000000e+00 : f32
      %broadcast_in_dim3A_76 = vector.broadcast %broadcast_in_dim3A_75 : f32 to vector<1x128xf32>
      %swap3A_77 = arith.constant 0 : index
      %swap3A_78 = arith.constant 0 : index
      %swap3A_79 = arith.constant 0 : index
      %swap3A_80 = vector.load %arg9[%swap3A_77, %swap3A_78, %swap3A_79] : memref<1x1x128xf32, #tpu.memory_space<vmem>>, vector<1x1x128xf32>
      %swap3A_81 = vector.shape_cast %swap3A_80 : vector<1x1x128xf32> to vector<1x128xf32>
      %swap3A_82 = vector.shape_cast %broadcast_in_dim3A_76 : vector<1x128xf32> to vector<1x1x128xf32>
      tpu.vector_store %arg9[%swap3A_77, %swap3A_78, %swap3A_79], %swap3A_82 {strides = array<i32>} : memref<1x1x128xf32, #tpu.memory_space<vmem>>, vector<1x1x128xf32>,
      %broadcast_in_dim3A_83 = arith.constant 0.000000e+00 : f32
      %broadcast_in_dim3A_84 = vector.broadcast %broadcast_in_dim3A_83 : f32 to vector<1x128xf32>
      %swap3A_85 = arith.constant 0 : index
      %swap3A_86 = arith.constant 0 : index
      %swap3A_87 = arith.constant 0 : index
      %swap3A_88 = vector.load %arg10[%swap3A_85, %swap3A_86, %swap3A_87] : memref<1x1x128xf32, #tpu.memory_space<vmem>>, vector<1x1x128xf32>
      %swap3A_89 = vector.shape_cast %swap3A_88 : vector<1x1x128xf32> to vector<1x128xf32>
      %swap3A_90 = vector.shape_cast %broadcast_in_dim3A_84 : vector<1x128xf32> to vector<1x1x128xf32>
      tpu.vector_store %arg10[%swap3A_85, %swap3A_86, %swap3A_87], %swap3A_90 {strides = array<i32>} : memref<1x1x128xf32, #tpu.memory_space<vmem>>, vector<1x1x128xf32>,
    } else {
    }
    %get3A_51 = arith.constant 0 : index
    %get3A_52 = arith.constant 0 : index
    %get3A_53 = arith.constant 0 : index
    %get3A_54 = vector.load %arg9[%get3A_51, %get3A_52, %get3A_53] : memref<1x1x128xf32, #tpu.memory_space<vmem>>, vector<1x1x128xf32>
    %get3A_55 = vector.shape_cast %get3A_54 : vector<1x1x128xf32> to vector<1x128xf32>
    %add3A_56 = arith.addf %get3A_55, %broadcast_in_dim3A_44 : vector<1x128xf32>
    %swap3A_57 = arith.constant 0 : index
    %swap3A_58 = arith.constant 0 : index
    %swap3A_59 = arith.constant 0 : index
    %swap3A_60 = vector.load %arg9[%swap3A_57, %swap3A_58, %swap3A_59] : memref<1x1x128xf32, #tpu.memory_space<vmem>>, vector<1x1x128xf32>
    %swap3A_61 = vector.shape_cast %swap3A_60 : vector<1x1x128xf32> to vector<1x128xf32>
    %swap3A_62 = vector.shape_cast %add3A_56 : vector<1x128xf32> to vector<1x1x128xf32>
    tpu.vector_store %arg9[%swap3A_57, %swap3A_58, %swap3A_59], %swap3A_62 {strides = array<i32>} : memref<1x1x128xf32, #tpu.memory_space<vmem>>, vector<1x1x128xf32>,
    %get3A_63 = arith.constant 0 : index
    %get3A_64 = arith.constant 0 : index
    %get3A_65 = arith.constant 0 : index
    %get3A_66 = vector.load %arg10[%get3A_63, %get3A_64, %get3A_65] : memref<1x1x128xf32, #tpu.memory_space<vmem>>, vector<1x1x128xf32>
    %get3A_67 = vector.shape_cast %get3A_66 : vector<1x1x128xf32> to vector<1x128xf32>
    %add3A_68 = arith.addf %get3A_67, %broadcast_in_dim3A_48 : vector<1x128xf32>
    %swap3A_69 = arith.constant 0 : index
    %swap3A_70 = arith.constant 0 : index
    %swap3A_71 = arith.constant 0 : index
    %swap3A_72 = vector.load %arg10[%swap3A_69, %swap3A_70, %swap3A_71] : memref<1x1x128xf32, #tpu.memory_space<vmem>>, vector<1x1x128xf32>
    %swap3A_73 = vector.shape_cast %swap3A_72 : vector<1x1x128xf32> to vector<1x128xf32>
    %swap3A_74 = vector.shape_cast %add3A_68 : vector<1x128xf32> to vector<1x1x128xf32>
    tpu.vector_store %arg10[%swap3A_69, %swap3A_70, %swap3A_71], %swap3A_74 {strides = array<i32>} : memref<1x1x128xf32, #tpu.memory_space<vmem>>, vector<1x1x128xf32>,
    return
  }
  func.func @transform_0(%arg0: i32, %arg1: i32) -> (i32, i32, i32) {
    %c0_i32 = arith.constant 0 : i32
    %c0_i32_0 = arith.constant 0 : i32
    return %arg0, %arg1, %c0_i32 : i32, i32, i32
  }
  func.func @transform_1(%arg0: i32, %arg1: i32) -> (i32, i32, i32) {
    %c0_i32 = arith.constant 0 : i32
    %c0_i32_0 = arith.constant 0 : i32
    return %arg0, %arg1, %c0_i32 : i32, i32, i32
  }
  func.func @transform_2(%arg0: i32, %arg1: i32) -> (i32, i32, i32) {
    %c0_i32 = arith.constant 0 : i32
    %c0_i32_0 = arith.constant 0 : i32
    %c0_i32_1 = arith.constant 0 : i32
    return %arg0, %c0_i32, %c0_i32_0 : i32, i32, i32
  }
  func.func @transform_3(%arg0: i32, %arg1: i32) -> (i32, i32, i32) {
    %c0_i32 = arith.constant 0 : i32
    %c0_i32_0 = arith.constant 0 : i32
    %c0_i32_1 = arith.constant 0 : i32
    return %arg0, %c0_i32, %c0_i32_0 : i32, i32, i32
  }
  func.func @transform_4(%arg0: i32, %arg1: i32) -> (i32, i32) {
    %c0_i32 = arith.constant 0 : i32
    %c0_i32_0 = arith.constant 0 : i32
    %c0_i32_1 = arith.constant 0 : i32
    return %c0_i32, %c0_i32_0 : i32, i32
  }
  func.func @transform_5(%arg0: i32, %arg1: i32) -> (i32, i32) {
    %c0_i32 = arith.constant 0 : i32
    %c0_i32_0 = arith.constant 0 : i32
    %c0_i32_1 = arith.constant 0 : i32
    return %c0_i32, %c0_i32_0 : i32, i32
  }
  func.func @transform_6(%arg0: i32, %arg1: i32) -> (i32, i32, i32) {
    %c0_i32 = arith.constant 0 : i32
    %c0_i32_0 = arith.constant 0 : i32
    return %arg0, %arg1, %c0_i32 : i32, i32, i32
  }
  func.func @transform_7(%arg0: i32, %arg1: i32) -> (i32, i32, i32) {
    %c0_i32 = arith.constant 0 : i32
    %c0_i32_0 = arith.constant 0 : i32
    %c0_i32_1 = arith.constant 0 : i32
    return %arg0, %c0_i32, %c0_i32_0 : i32, i32, i32
  }
  func.func @transform_8(%arg0: i32, %arg1: i32) -> (i32, i32, i32) {
    %c0_i32 = arith.constant 0 : i32
    %c0_i32_0 = arith.constant 0 : i32
    %c0_i32_1 = arith.constant 0 : i32
    return %arg0, %c0_i32, %c0_i32_0 : i32, i32, i32
  }
}

module attributes {stable_mosaic.version = 14 : i64} {
  func.func @_mlp1_body(%arg0: i32, %arg1: i32, %arg2: memref<1x2048x128xf32, #tpu.memory_space<vmem>>, %arg3: memref<1x1x128xf32, #tpu.memory_space<vmem>>, %arg4: memref<1x1x128xf32, #tpu.memory_space<vmem>>, %arg5: memref<128x128xf32, #tpu.memory_space<vmem>>, %arg6: memref<1x128xf32, #tpu.memory_space<vmem>>, %arg7: memref<1x2048x128xf32, #tpu.memory_space<vmem>>, %arg8: memref<1x1x128xf32, #tpu.memory_space<vmem>>, %arg9: memref<1x1x128xf32, #tpu.memory_space<vmem>>) attributes {dimension_semantics = [#tpu.dimension_semantics<parallel>, #tpu.dimension_semantics<arbitrary>], iteration_bounds = array<i64: 2, 32>, scalar_prefetch = 0 : i64, scratch_operands = 0 : i64, tpu.core_type = #tpu.core_type<tc>, window_params = [{transform_indices = @transform_0, window_bounds = array<i64: 1, 2048, 128>}, {transform_indices = @transform_1, window_bounds = array<i64: 1, 1, 128>}, {transform_indices = @transform_2, window_bounds = array<i64: 1, 1, 128>}, {pipeline_mode = #tpu.pipeline_mode<synchronous>, transform_indices = @transform_3, window_bounds = array<i64: 128, 128>}, {pipeline_mode = #tpu.pipeline_mode<synchronous>, transform_indices = @transform_4, window_bounds = array<i64: 1, 128>}, {transform_indices = @transform_5, window_bounds = array<i64: 1, 2048, 128>}, {transform_indices = @transform_6, window_bounds = array<i64: 1, 1, 128>}, {transform_indices = @transform_7, window_bounds = array<i64: 1, 1, 128>}]} {
    %get3A = arith.constant 0 : index
    %get3A_0 = arith.constant 0 : index
    %get3A_1 = arith.constant 0 : index
    %get3A_2 = vector.load %arg2[%get3A, %get3A_0, %get3A_1] : memref<1x2048x128xf32, #tpu.memory_space<vmem>>, vector<1x2048x128xf32>
    %get3A_3 = vector.shape_cast %get3A_2 : vector<1x2048x128xf32> to vector<2048x128xf32>
    %get3A_4 = arith.constant 0 : index
    %get3A_5 = arith.constant 0 : index
    %get3A_6 = arith.constant 0 : index
    %get3A_7 = vector.load %arg3[%get3A_4, %get3A_5, %get3A_6] : memref<1x1x128xf32, #tpu.memory_space<vmem>>, vector<1x1x128xf32>
    %get3A_8 = vector.shape_cast %get3A_7 : vector<1x1x128xf32> to vector<1x128xf32>
    %mul3A = vector.broadcast %get3A_8 : vector<1x128xf32> to vector<2048x128xf32>
    %mul3A_9 = arith.mulf %get3A_3, %mul3A : vector<2048x128xf32>
    %get3A_10 = arith.constant 0 : index
    %get3A_11 = arith.constant 0 : index
    %get3A_12 = arith.constant 0 : index
    %get3A_13 = vector.load %arg4[%get3A_10, %get3A_11, %get3A_12] : memref<1x1x128xf32, #tpu.memory_space<vmem>>, vector<1x1x128xf32>
    %get3A_14 = vector.shape_cast %get3A_13 : vector<1x1x128xf32> to vector<1x128xf32>
    %add3A = vector.broadcast %get3A_14 : vector<1x128xf32> to vector<2048x128xf32>
    %add3A_15 = arith.addf %mul3A_9, %add3A : vector<2048x128xf32>
    %ge3A = arith.constant 0.000000e+00 : f32
    %ge3A_16 = vector.broadcast %ge3A : f32 to vector<2048x128xf32>
    %ge3A_17 = arith.cmpf oge, %add3A_15, %ge3A_16 : vector<2048x128xf32>
    %mul3A_18 = arith.constant 1.000000e-01 : f32
    %mul3A_19 = vector.broadcast %mul3A_18 : f32 to vector<2048x128xf32>
    %mul3A_20 = arith.mulf %mul3A_19, %add3A_15 : vector<2048x128xf32>
    %select_n3A = arith.select %ge3A_17, %add3A_15, %mul3A_20 : vector<2048x128xi1>, vector<2048x128xf32>
    %get3A_21 = arith.constant 0 : index
    %get3A_22 = arith.constant 0 : index
    %get3A_23 = vector.load %arg5[%get3A_21, %get3A_22] : memref<128x128xf32, #tpu.memory_space<vmem>>, vector<128x128xf32>
    %dot_general3A = arith.constant dense<0.000000e+00> : vector<2048x128xf32>
    %dot_general3A_24 = tpu.matmul %select_n3A, %get3A_23, %dot_general3A {dimension_numbers = #tpu.dot_dimension_numbers<[1], [0], [0], [1], [0, 0, 1, 1], [], []>, transpose_lhs_hint = false} : vector<2048x128xf32>, vector<128x128xf32>, vector<2048x128xf32> -> vector<2048x128xf32>
    %get3A_25 = arith.constant 0 : index
    %get3A_26 = arith.constant 0 : index
    %get3A_27 = vector.load %arg6[%get3A_25, %get3A_26] : memref<1x128xf32, #tpu.memory_space<vmem>>, vector<1x128xf32>
    %add3A_28 = vector.broadcast %get3A_27 : vector<1x128xf32> to vector<2048x128xf32>
    %add3A_29 = arith.addf %dot_general3A_24, %add3A_28 : vector<2048x128xf32>
    %swap3A = arith.constant 0 : index
    %swap3A_30 = arith.constant 0 : index
    %swap3A_31 = arith.constant 0 : index
    %swap3A_32 = vector.load %arg7[%swap3A, %swap3A_30, %swap3A_31] : memref<1x2048x128xf32, #tpu.memory_space<vmem>>, vector<1x2048x128xf32>
    %swap3A_33 = vector.shape_cast %swap3A_32 : vector<1x2048x128xf32> to vector<2048x128xf32>
    %swap3A_34 = vector.shape_cast %add3A_29 : vector<2048x128xf32> to vector<1x2048x128xf32>
    tpu.vector_store %arg7[%swap3A, %swap3A_30, %swap3A_31], %swap3A_34 {strides = array<i32>} : memref<1x2048x128xf32, #tpu.memory_space<vmem>>, vector<1x2048x128xf32>,
    %reduce_sum3A = arith.constant dense<0.000000e+00> : vector<128xf32>
    %reduce_sum3A_35 = vector.multi_reduction <add>, %add3A_29, %reduce_sum3A [0] : vector<2048x128xf32> to vector<128xf32>
    %broadcast_in_dim3A = vector.shape_cast %reduce_sum3A_35 : vector<128xf32> to vector<1x128xf32>
    %mul3A_36 = arith.mulf %add3A_29, %add3A_29 : vector<2048x128xf32>
    %reduce_sum3A_37 = arith.constant dense<0.000000e+00> : vector<128xf32>
    %reduce_sum3A_38 = vector.multi_reduction <add>, %mul3A_36, %reduce_sum3A_37 [0] : vector<2048x128xf32> to vector<128xf32>
    %broadcast_in_dim3A_39 = vector.shape_cast %reduce_sum3A_38 : vector<128xf32> to vector<1x128xf32>
    %eq3A = arith.constant 0 : i32
    %eq3A_40 = arith.cmpi eq, %arg1, %eq3A : i32
    %convert_element_type3A = arith.extui %eq3A_40 : i1 to i32
    %cond3A = arith.constant 0 : i32
    %cond3A_41 = arith.cmpi ne, %convert_element_type3A, %cond3A : i32
    scf.if %cond3A_41 {
      %broadcast_in_dim3A_66 = arith.constant 0.000000e+00 : f32
      %broadcast_in_dim3A_67 = vector.broadcast %broadcast_in_dim3A_66 : f32 to vector<1x128xf32>
      %swap3A_68 = arith.constant 0 : index
      %swap3A_69 = arith.constant 0 : index
      %swap3A_70 = arith.constant 0 : index
      %swap3A_71 = vector.load %arg8[%swap3A_68, %swap3A_69, %swap3A_70] : memref<1x1x128xf32, #tpu.memory_space<vmem>>, vector<1x1x128xf32>
      %swap3A_72 = vector.shape_cast %swap3A_71 : vector<1x1x128xf32> to vector<1x128xf32>
      %swap3A_73 = vector.shape_cast %broadcast_in_dim3A_67 : vector<1x128xf32> to vector<1x1x128xf32>
      tpu.vector_store %arg8[%swap3A_68, %swap3A_69, %swap3A_70], %swap3A_73 {strides = array<i32>} : memref<1x1x128xf32, #tpu.memory_space<vmem>>, vector<1x1x128xf32>,
      %broadcast_in_dim3A_74 = arith.constant 0.000000e+00 : f32
      %broadcast_in_dim3A_75 = vector.broadcast %broadcast_in_dim3A_74 : f32 to vector<1x128xf32>
      %swap3A_76 = arith.constant 0 : index
      %swap3A_77 = arith.constant 0 : index
      %swap3A_78 = arith.constant 0 : index
      %swap3A_79 = vector.load %arg9[%swap3A_76, %swap3A_77, %swap3A_78] : memref<1x1x128xf32, #tpu.memory_space<vmem>>, vector<1x1x128xf32>
      %swap3A_80 = vector.shape_cast %swap3A_79 : vector<1x1x128xf32> to vector<1x128xf32>
      %swap3A_81 = vector.shape_cast %broadcast_in_dim3A_75 : vector<1x128xf32> to vector<1x1x128xf32>
      tpu.vector_store %arg9[%swap3A_76, %swap3A_77, %swap3A_78], %swap3A_81 {strides = array<i32>} : memref<1x1x128xf32, #tpu.memory_space<vmem>>, vector<1x1x128xf32>,
    } else {
    }
    %get3A_42 = arith.constant 0 : index
    %get3A_43 = arith.constant 0 : index
    %get3A_44 = arith.constant 0 : index
    %get3A_45 = vector.load %arg8[%get3A_42, %get3A_43, %get3A_44] : memref<1x1x128xf32, #tpu.memory_space<vmem>>, vector<1x1x128xf32>
    %get3A_46 = vector.shape_cast %get3A_45 : vector<1x1x128xf32> to vector<1x128xf32>
    %add3A_47 = arith.addf %get3A_46, %broadcast_in_dim3A : vector<1x128xf32>
    %swap3A_48 = arith.constant 0 : index
    %swap3A_49 = arith.constant 0 : index
    %swap3A_50 = arith.constant 0 : index
    %swap3A_51 = vector.load %arg8[%swap3A_48, %swap3A_49, %swap3A_50] : memref<1x1x128xf32, #tpu.memory_space<vmem>>, vector<1x1x128xf32>
    %swap3A_52 = vector.shape_cast %swap3A_51 : vector<1x1x128xf32> to vector<1x128xf32>
    %swap3A_53 = vector.shape_cast %add3A_47 : vector<1x128xf32> to vector<1x1x128xf32>
    tpu.vector_store %arg8[%swap3A_48, %swap3A_49, %swap3A_50], %swap3A_53 {strides = array<i32>} : memref<1x1x128xf32, #tpu.memory_space<vmem>>, vector<1x1x128xf32>,
    %get3A_54 = arith.constant 0 : index
    %get3A_55 = arith.constant 0 : index
    %get3A_56 = arith.constant 0 : index
    %get3A_57 = vector.load %arg9[%get3A_54, %get3A_55, %get3A_56] : memref<1x1x128xf32, #tpu.memory_space<vmem>>, vector<1x1x128xf32>
    %get3A_58 = vector.shape_cast %get3A_57 : vector<1x1x128xf32> to vector<1x128xf32>
    %add3A_59 = arith.addf %get3A_58, %broadcast_in_dim3A_39 : vector<1x128xf32>
    %swap3A_60 = arith.constant 0 : index
    %swap3A_61 = arith.constant 0 : index
    %swap3A_62 = arith.constant 0 : index
    %swap3A_63 = vector.load %arg9[%swap3A_60, %swap3A_61, %swap3A_62] : memref<1x1x128xf32, #tpu.memory_space<vmem>>, vector<1x1x128xf32>
    %swap3A_64 = vector.shape_cast %swap3A_63 : vector<1x1x128xf32> to vector<1x128xf32>
    %swap3A_65 = vector.shape_cast %add3A_59 : vector<1x128xf32> to vector<1x1x128xf32>
    tpu.vector_store %arg9[%swap3A_60, %swap3A_61, %swap3A_62], %swap3A_65 {strides = array<i32>} : memref<1x1x128xf32, #tpu.memory_space<vmem>>, vector<1x1x128xf32>,
    return
  }
  func.func @transform_0(%arg0: i32, %arg1: i32) -> (i32, i32, i32) {
    %c0_i32 = arith.constant 0 : i32
    %c0_i32_0 = arith.constant 0 : i32
    return %arg0, %arg1, %c0_i32 : i32, i32, i32
  }
  func.func @transform_1(%arg0: i32, %arg1: i32) -> (i32, i32, i32) {
    %c0_i32 = arith.constant 0 : i32
    %c0_i32_0 = arith.constant 0 : i32
    %c0_i32_1 = arith.constant 0 : i32
    return %arg0, %c0_i32, %c0_i32_0 : i32, i32, i32
  }
  func.func @transform_2(%arg0: i32, %arg1: i32) -> (i32, i32, i32) {
    %c0_i32 = arith.constant 0 : i32
    %c0_i32_0 = arith.constant 0 : i32
    %c0_i32_1 = arith.constant 0 : i32
    return %arg0, %c0_i32, %c0_i32_0 : i32, i32, i32
  }
  func.func @transform_3(%arg0: i32, %arg1: i32) -> (i32, i32) {
    %c0_i32 = arith.constant 0 : i32
    %c0_i32_0 = arith.constant 0 : i32
    %c0_i32_1 = arith.constant 0 : i32
    return %c0_i32, %c0_i32_0 : i32, i32
  }
  func.func @transform_4(%arg0: i32, %arg1: i32) -> (i32, i32) {
    %c0_i32 = arith.constant 0 : i32
    %c0_i32_0 = arith.constant 0 : i32
    %c0_i32_1 = arith.constant 0 : i32
    return %c0_i32, %c0_i32_0 : i32, i32
  }
  func.func @transform_5(%arg0: i32, %arg1: i32) -> (i32, i32, i32) {
    %c0_i32 = arith.constant 0 : i32
    %c0_i32_0 = arith.constant 0 : i32
    return %arg0, %arg1, %c0_i32 : i32, i32, i32
  }
  func.func @transform_6(%arg0: i32, %arg1: i32) -> (i32, i32, i32) {
    %c0_i32 = arith.constant 0 : i32
    %c0_i32_0 = arith.constant 0 : i32
    %c0_i32_1 = arith.constant 0 : i32
    return %arg0, %c0_i32, %c0_i32_0 : i32, i32, i32
  }
  func.func @transform_7(%arg0: i32, %arg1: i32) -> (i32, i32, i32) {
    %c0_i32 = arith.constant 0 : i32
    %c0_i32_0 = arith.constant 0 : i32
    %c0_i32_1 = arith.constant 0 : i32
    return %arg0, %c0_i32, %c0_i32_0 : i32, i32, i32
  }
}

module attributes {stable_mosaic.version = 14 : i64} {
  func.func @_final_body(%arg0: i32, %arg1: i32, %arg2: memref<1x2048x128xf32, #tpu.memory_space<vmem>>, %arg3: memref<1x1x128xf32, #tpu.memory_space<vmem>>, %arg4: memref<1x1x128xf32, #tpu.memory_space<vmem>>, %arg5: memref<1x64x128xf32, #tpu.memory_space<vmem>>) attributes {dimension_semantics = [#tpu.dimension_semantics<parallel>, #tpu.dimension_semantics<parallel>], iteration_bounds = array<i64: 2, 32>, scalar_prefetch = 0 : i64, scratch_operands = 0 : i64, tpu.core_type = #tpu.core_type<tc>, window_params = [{transform_indices = @transform_0, window_bounds = array<i64: 1, 2048, 128>}, {transform_indices = @transform_1, window_bounds = array<i64: 1, 1, 128>}, {transform_indices = @transform_2, window_bounds = array<i64: 1, 1, 128>}, {transform_indices = @transform_3, window_bounds = array<i64: 1, 64, 128>}]} {
    %get3A = arith.constant 0 : index
    %get3A_0 = arith.constant 0 : index
    %get3A_1 = arith.constant 0 : index
    %get3A_2 = vector.load %arg2[%get3A, %get3A_0, %get3A_1] : memref<1x2048x128xf32, #tpu.memory_space<vmem>>, vector<1x2048x128xf32>
    %get3A_3 = vector.shape_cast %get3A_2 : vector<1x2048x128xf32> to vector<2048x128xf32>
    %get3A_4 = arith.constant 0 : index
    %get3A_5 = arith.constant 0 : index
    %get3A_6 = arith.constant 0 : index
    %get3A_7 = vector.load %arg3[%get3A_4, %get3A_5, %get3A_6] : memref<1x1x128xf32, #tpu.memory_space<vmem>>, vector<1x1x128xf32>
    %get3A_8 = vector.shape_cast %get3A_7 : vector<1x1x128xf32> to vector<1x128xf32>
    %mul3A = vector.broadcast %get3A_8 : vector<1x128xf32> to vector<2048x128xf32>
    %mul3A_9 = arith.mulf %get3A_3, %mul3A : vector<2048x128xf32>
    %get3A_10 = arith.constant 0 : index
    %get3A_11 = arith.constant 0 : index
    %get3A_12 = arith.constant 0 : index
    %get3A_13 = vector.load %arg4[%get3A_10, %get3A_11, %get3A_12] : memref<1x1x128xf32, #tpu.memory_space<vmem>>, vector<1x1x128xf32>
    %get3A_14 = vector.shape_cast %get3A_13 : vector<1x1x128xf32> to vector<1x128xf32>
    %add3A = vector.broadcast %get3A_14 : vector<1x128xf32> to vector<2048x128xf32>
    %add3A_15 = arith.addf %mul3A_9, %add3A : vector<2048x128xf32>
    %ge3A = arith.constant 0.000000e+00 : f32
    %ge3A_16 = vector.broadcast %ge3A : f32 to vector<2048x128xf32>
    %ge3A_17 = arith.cmpf oge, %add3A_15, %ge3A_16 : vector<2048x128xf32>
    %mul3A_18 = arith.constant 1.000000e-01 : f32
    %mul3A_19 = vector.broadcast %mul3A_18 : f32 to vector<2048x128xf32>
    %mul3A_20 = arith.mulf %mul3A_19, %add3A_15 : vector<2048x128xf32>
    %select_n3A = arith.select %ge3A_17, %add3A_15, %mul3A_20 : vector<2048x128xi1>, vector<2048x128xf32>
    %reshape3A = vector.shape_cast %select_n3A : vector<2048x128xf32> to vector<64x32x128xf32>
    %reduce_max3A = arith.constant dense<0xFF800000> : vector<64x128xf32>
    %reduce_max3A_21 = vector.multi_reduction <maximumf>, %reshape3A, %reduce_max3A [1] : vector<64x32x128xf32> to vector<64x128xf32>
    %swap3A = arith.constant 0 : index
    %swap3A_22 = arith.constant 0 : index
    %swap3A_23 = arith.constant 0 : index
    %swap3A_24 = vector.load %arg5[%swap3A, %swap3A_22, %swap3A_23] : memref<1x64x128xf32, #tpu.memory_space<vmem>>, vector<1x64x128xf32>
    %swap3A_25 = vector.shape_cast %swap3A_24 : vector<1x64x128xf32> to vector<64x128xf32>
    %swap3A_26 = vector.shape_cast %reduce_max3A_21 : vector<64x128xf32> to vector<1x64x128xf32>
    tpu.vector_store %arg5[%swap3A, %swap3A_22, %swap3A_23], %swap3A_26 {strides = array<i32>} : memref<1x64x128xf32, #tpu.memory_space<vmem>>, vector<1x64x128xf32>,
    return
  }
  func.func @transform_0(%arg0: i32, %arg1: i32) -> (i32, i32, i32) {
    %c0_i32 = arith.constant 0 : i32
    %c0_i32_0 = arith.constant 0 : i32
    return %arg0, %arg1, %c0_i32 : i32, i32, i32
  }
  func.func @transform_1(%arg0: i32, %arg1: i32) -> (i32, i32, i32) {
    %c0_i32 = arith.constant 0 : i32
    %c0_i32_0 = arith.constant 0 : i32
    %c0_i32_1 = arith.constant 0 : i32
    return %arg0, %c0_i32, %c0_i32_0 : i32, i32, i32
  }
  func.func @transform_2(%arg0: i32, %arg1: i32) -> (i32, i32, i32) {
    %c0_i32 = arith.constant 0 : i32
    %c0_i32_0 = arith.constant 0 : i32
    %c0_i32_1 = arith.constant 0 : i32
    return %arg0, %c0_i32, %c0_i32_0 : i32, i32, i32
  }
  func.func @transform_3(%arg0: i32, %arg1: i32) -> (i32, i32, i32) {
    %c0_i32 = arith.constant 0 : i32
    %c0_i32_0 = arith.constant 0 : i32
    return %arg0, %arg1, %c0_i32 : i32, i32, i32
  }
}

</mosaic_0001>

<sc_bundles>
// kernel: kernel.15.cloned.1.call-start
scs
__scs_entry_jumppad:
0x0: {  	(pc) =	sbr.rel $0x88, $3  }
0x1: {  	(tag) =	ssettag $0x0;
	lr =	simm.s32 $0x1  }
0x2: {  	[smem:$0x3F8B] =	sst lr;
	_ =	strace $0xD0000000  }
0x3: {  	_ = 	snop  }
0x4: {  	_ = 	snop  }
0x5: {  	_ = 	snop  }
0x6: {  	_ = 	snop  }
0x7: {  	_ = 	snop  }
__scs_overlays_trampoline_lowered:
0x8: {  	[smem:$0x3F9A] =	sst s0  }
0x9: {  	[smem:$0x3F9B] =	sst s1  }
0xa: {  	[smem:$0x3F9C] =	sst s2  }
0xb: {  	[smem:$0x3F9D] =	sst s3  }
0xc: {  	[smem:$0x3F9E] =	sst s4  }
0xd: {  	[smem:$0x3F9F] =	sst s5  }
0xe: {  	[smem:$0x3FA0] =	sst s6  }
0xf: {  	[smem:$0x3FA1] =	sst s7  }
0x10: {  	[smem:$0x3FA2] =	sst s8  }
0x11: {  	[smem:$0x3FA3] =	sst s9;
	s0 =	simm.s32 @!p0 $0x0  }
0x12: {  	s1 =	sld [smem:$0x3F89];
	s0 =	simm.s32 @p0 $0x1  }
0x13: {  	[smem:$0x3FA4] =	sst s0;
	s0 =	simm.s32 @!p1 $0x0  }
0x14: {  	s2 =	sld [smem:$0x3F88];
	s0 =	simm.s32 @p1 $0x1  }
0x15: {  	[smem:$0x3FA5] =	sst s0;
	s0 =	simm.s32 @!p2 $0x0  }
0x16: {  	s3 =	sld [smem:$0x3FDB];
	s0 =	simm.s32 @p2 $0x1  }
0x17: {  	s4 =	simm.s32 $0x1BF5;
	[smem:$0x3FA7] =	sst s0  }
0x18: {  	s0 =	sld [smem:$0x3F8A];
	_ =	swait.ge [sflag:s4], $0x0  }
0x19: {  	s7 =	sld [smem:$0x3F8B]  }
0x1a: {  	s8 =	sadd.s32 $0xFFFFE003, lr  }
0x1b: {  	s9 =	sadd.s32 $0xFFFFFEF7, lr;
	s5 =	simm.s32 $0xFFFFFFFF;
	p2 =	slt.u32 s8, $0xFFFFF086  }
0x1c: {  	p1 =	slt.u32 s9, $0xF7A;
	s5 =	simm.s32 @!p2 $0x0  }
0x1d: {  	s5 =	simm.s32 @p1 $0x1;
	p0 =	seq.s32 s7, s2  }
0x1e: {  	s7 =	smul.u32 @!p0 $0xF7A, s2;
	p2 =	seq.s32 @!p0 s5, $0x0  }
0x1f: {  	s9 =	smul.u32 $0xF7A, s1;
	s8 =	simm.s32 @!p0 $0x1BF5;
	p2 =	por !p2, p0  }
0x20: {  	[sflag:s8] =	ssyncset.s32 @!p0 $0xFFFFF086;
	s6 =	sadd.s32 @!p0 s3, s7;
	s7 =	simm.s32 @!p0 $0x108  }
0x21: {  	s3 =	sadd.s32 s3, s9;
	s6 =	sadd.s32 @!p0 $0x88, s6;
	s7 =	simm.s32 @p2 $0x1082  }
0x22: {  	[simem:s7], [sflag:s8] =	dma.local @!p0 [hbm:s6], $0xF7A  }
0x23: {  	s9 =	sor.u32 $0xD0000000, s2;
	s6 =	simm.s32 $0x108;
	_ =	swait.ge @!p0 [sflag:s8], $0x0  }
0x24: {  	s3 =	sadd.s32 $0x88, s3;
	s6 =	simm.s32 @!p1 $0x1082;
	[sflag:s4] =	ssyncset.s32 $0xFFFFF086  }
0x25: {  	[simem:s6], [sflag:s4] =	dma.local [hbm:s3], $0xF7A  }
0x26: {  	[smem:$0x3F8B] =	sst s1;
	(tag) =	ssettag s2;
	_ =	strace s9  }
0x27: {  	s1 =	sld [smem:$0x3F9B]  }
0x28: {  	s2 =	sld [smem:$0x3F9C]  }
0x29: {  	s4 =	sld [smem:$0x3F9E]  }
0x2a: {  	p0 =	seq.s32 s5, $0x0;
	s5 =	sld [smem:$0x3F9F]  }
0x2b: {  	s6 =	sld [smem:$0x3FA0]  }
0x2c: {  	s7 =	sld [smem:$0x3FA1]  }
0x2d: {  	s3 =	simm.s32 $0x108;
	s8 =	sld [smem:$0x3FA2]  }
0x2e: {  	s3 =	simm.s32 @!p0 $0x1082;
	s9 =	sld [smem:$0x3FA3]  }
0x2f: {  	lr =	sadd.s32 s0, s3;
	s0 =	sld [smem:$0x3F9A]  }
0x30: {  	s3 =	sld [smem:$0x3F9D]  }
0x31: {  	[smem:$0x3FA6] =	sst s10  }
0x32: {  	s10 =	sld [smem:$0x3FA4];
	_ =	sdelay $0x3  }
0x33: {  	p0 =	seq.s32 s10, $0x1;
	s10 =	sld [smem:$0x3FA6];
	_ =	sdelay $0x3  }
0x34: {  	[smem:$0x3FA6] =	sst s10  }
0x35: {  	s10 =	sld [smem:$0x3FA5];
	_ =	sdelay $0x3  }
0x36: {  	p1 =	seq.s32 s10, $0x1;
	s10 =	sld [smem:$0x3FA6];
	_ =	sdelay $0x3  }
0x37: {  	[smem:$0x3FA6] =	sst s10  }
0x38: {  	s10 =	sld [smem:$0x3FA7]  }
0x39: {  	_ = 	snop;
	(pc) =	sbr.ind lr, $3  }
0x3a: {  	_ = 	snop  }
0x3b: {  	_ = 	snop  }
0x3c: {  	p2 =	seq.s32 s10, $0x1;
	s10 =	sld [smem:$0x3FA6]  }
0x3d: {  	_ =	shalt  }
0x3e: {  	_ =	shalt  }
0x3f: {  	_ =	shalt  }
0x40: {  	_ =	shalt  }
0x41: {  	_ =	shalt  }
0x42: {  	_ =	shalt  }
0x43: {  	_ =	shalt  }
0x44: {  	_ =	shalt  }
0x45: {  	_ =	shalt  }
0x46: {  	_ =	shalt  }
0x47: {  	_ =	shalt  }
0x48: {  	_ =	shalt  }
0x49: {  	_ =	shalt  }
0x4a: {  	_ =	shalt  }
0x4b: {  	_ =	shalt  }
0x4c: {  	_ =	shalt  }
0x4d: {  	_ =	shalt  }
0x4e: {  	_ =	shalt  }
0x4f: {  	_ =	shalt  }
0x50: {  	_ =	shalt  }
0x51: {  	_ =	shalt  }
0x52: {  	_ =	shalt  }
0x53: {  	_ =	shalt  }
0x54: {  	_ =	shalt  }
0x55: {  	_ =	shalt  }
0x56: {  	_ =	shalt  }
0x57: {  	_ =	shalt  }
0x58: {  	_ =	shalt  }
0x59: {  	_ =	shalt  }
0x5a: {  	_ =	shalt  }
0x5b: {  	_ =	shalt  }
0x5c: {  	_ =	shalt  }
0x5d: {  	_ =	shalt  }
0x5e: {  	_ =	shalt  }
0x5f: {  	_ =	shalt  }
0x60: {  	_ =	shalt  }
0x61: {  	_ =	shalt  }
0x62: {  	_ =	shalt  }
0x63: {  	_ =	shalt  }
0x64: {  	_ =	shalt  }
0x65: {  	_ =	shalt  }
0x66: {  	_ =	shalt  }
0x67: {  	_ =	shalt  }
0x68: {  	_ =	shalt  }
0x69: {  	_ =	shalt  }
0x6a: {  	_ =	shalt  }
0x6b: {  	_ =	shalt  }
0x6c: {  	_ =	shalt  }
0x6d: {  	_ =	shalt  }
0x6e: {  	_ =	shalt  }
0x6f: {  	_ =	shalt  }
0x70: {  	_ =	shalt  }
0x71: {  	_ =	shalt  }
0x72: {  	_ =	shalt  }
0x73: {  	_ =	shalt  }
0x74: {  	_ =	shalt  }
0x75: {  	_ =	shalt  }
0x76: {  	_ =	shalt  }
0x77: {  	_ =	shalt  }
0x78: {  	_ =	shalt  }
0x79: {  	_ =	shalt  }
0x7a: {  	_ =	shalt  }
0x7b: {  	_ =	shalt  }
0x7c: {  	_ =	shalt  }
0x7d: {  	_ =	shalt  }
0x7e: {  	_ =	shalt  }
0x7f: {  	_ =	shalt  }
0x80: {  	_ =	shalt  }
0x81: {  	_ =	shalt  }
0x82: {  	_ =	shalt  }
0x83: {  	_ =	shalt  }
0x84: {  	_ =	shalt  }
0x85: {  	_ =	shalt  }
0x86: {  	_ =	shalt  }
0x87: {  	_ =	shalt  }
.Lfunc_end0:
.L_simem_size_0:
called_computation_lowered:
.L_overlay_start_0:
0x88: {  	s2 =	sld [smem:$0x3FD9]  }
0x89: {  	s3 =	sld [smem:$0x3FFE];
	_ =	sdelay $0x1  }
0x8a: {  	s1 =	srdreg.scid  }
0x8b: {  	s0 =	sand.u32 $0x1, s1  }
0x8c: {  	s14 =	sshll.u32 s0, $0xA;
	s2 =	sadd.s32 s3, s2  }
0x8d: {  	s2 =	sadd.s32 s2, s14  }
0x8e: {  	[smem:$0x3FB2] =	sst s2  }
0x8f: {  	_ = 	snop  }
0x90: {  	s2 =	sld [smem:$0x3FD0];
	_ =	sdelay $0x2  }
0x91: {  	s15 =	simm.s32 $0xB;
	s4 =	simm.s32 $0x10  }
0x92: {  	[smem:s4], [sflag:s15] =	dma.local [hbm:s2], $0x1  }
0x93: {  	_ =	swait.eq [sflag:s15], $0x1  }
0x94: {  	[sflag:s15] =	ssyncset.done $0x0  }
0x95: {  	[sflag:s15] =	ssyncadd.s32 $0xFFFFFFFF  }
0x96: {  	s16 =	sld [smem:$0x11];
	(tm) =	ssettm $0x1  }
0x97: {  	s17 =	sld [smem:$0x3FFB];
	_ =	sdelay $0x3  }
0x98: {  	_ =	strace s17  }
0x99: {  	s3 =	sld [smem:$0x3FFC];
	_ =	sdelay $0x3  }
0x9a: {  	_ =	strace s3  }
0x9b: {  	s3 =	sld [smem:$0x3FFD];
	_ =	sdelay $0x3  }
0x9c: {  	_ =	strace s3  }
0x9d: {  	_ =	strace $0x8FFFFFFF  }
0x9e: {  	s18 =	sld [smem:$0x3FDB];
	_ =	sdelay $0x1  }
0x9f: {  	s19 =	simm.s32 $_scs_section_size  }
0xa0: {  	s5 =	simm.s32 $_size__tile_overlayer_lowered;
	s6 =	simm.s32 $_tile_overlayer_lowered  }
0xa1: {  	s22 =	simm.s32 $0x1BFF;
	s21 =	sshll.u32 s6, $0x1;
	s3 =	sadd.s32 s19, s18  }
0xa2: {  	s7 =	simm.s32 $0x0;
	s20 =	sshll.u32 s5, $0x1;
	s5 =	sadd.s32 s21, s3  }
0xa3: {  	[timem:s7], [sflag:s22] =	dma.local [hbm:s5], s20  }
0xa4: {  	_ =	swait.ge [sflag:s22], s20  }
0xa5: {  	s4 =	ssub.s32 $0x0, s20;
	[sflag:s22] =	ssyncset.done $0x0  }
0xa6: {  	[sflag:s22] =	ssyncadd.s32 s4;
	_ =	sdelay $0x1  }
0xa7: {  	s23 =	simm.s32 $0x1B8B  }
0xa8: {  	_ =	swait.ge [sflag:s23], $0x1  }
0xa9: {  	[sflag:s23] =	ssyncset.done $0x0  }
0xaa: {  	s25 =	simm.s32 $0x1B8E;
	s24 =	sld [smem:$0x3FFE];
	[sflag:s23] =	ssyncadd.s32 $0xFFFFFFFF  }
0xab: {  	s26 =	simm.s32 $execute0_lowered;
	[smem:$0x3FD2] =	sst s25  }
0xac: {  	s5 =	sshll.u32 s26, $0x1;
	_ =	strace $0x80000046;
	[dreg:$0x1] =	wrdreg $0xFFFFFFFF  }
0xad: {  	s28 =	simm.s32 $_size_execute0_lowered;
	s3 =	sadd.s32 s3, s5;
	[dreg:$0x0] =	wrdreg $0x0  }
0xae: {  	s5 =	sshll.u32 s28, $0x1;
	[dreg:$0x2] =	wrdreg s3  }
0xaf: {  	[dreg:$0x3] =	wrdreg s5  }
0xb0: {  	[dreg:$0x4] =	wrdreg $0xC0  }
0xb1: {  	_ =	task [dreg:s7], $0x5FFFF  }
0xb2: {  	[dreg:$0x1] =	wrdreg $0xFFFFFFFF  }
0xb3: {  	[dreg:$0x0] =	wrdreg $0x60  }
0xb4: {  	[dreg:$0x2] =	wrdreg s24  }
0xb5: {  	[dreg:$0x3] =	wrdreg s16  }
0xb6: {  	[dreg:$0x4] =	wrdreg $0x9  }
0xb7: {  	_ =	task.clear_ibuf [dreg:s7], $0x5FFFF;
	_ =	strace $0x90000046  }
0xb8: {  	s29 =	simm.s32 $0x9;
	_ =	strace $0x8000004F  }
0xb9: {  	_ =	swait.ge [sflag:s29], $0x1  }
0xba: {  	[sflag:s29] =	ssyncadd.s32 $0xFFFFFFFF  }
0xbb: {  	_ =	strace $0x9000004F  }
0xbc: {  	_ =	sfence  }
0xbd: {  	s30 =	sld [smem:$0x0];
	_ =	sdelay $0x2  }
0xbe: {  	s31 =	sshll.u32 s1, $0xD;
	s1 =	sshrl.u32 s1, $0x2  }
0xbf: {  	s3 =	sand.u32 $0x4000, s31;
	s1 =	sadd.s32 s1, s30  }
0xc0: {  	s0 =	sor.u32 s3, s0;
	s1 =	sshll.u32 s1, $0x11  }
0xc1: {  	s0 =	sor.u32 s1, s0  }
0xc2: {  	s0 =	sadd.s32 $0x8F2B, s0  }
0xc3: {  	[sflag:s0] =	ssyncadd.remote.s32 $0x1  }
0xc4: {  	_ =	sfence.sel $0xFFFF  }
0xc5: {  	[dreg:$0x0] =	wrdreg $0xFFFFFFFF;
	(pc) =	sbr.abs _section_cstart, $3  }
0xc6: {  	[dreg:$0x1] =	wrdreg $0xFFFFFFFF  }
0xc7: {  	_ =	task.clear_ibuf [dreg:s7], $0x2FFFF;
	_ =	strace $0x9FFFFFFF  }
0xc8: {  	(tm) =	ssettm $0x7FFFFFFF  }
0xc9: {  	_ =	shalt  }
tec
execute0_lowered:
.L_overlay_start_1:
0x0: {  	(tag) =	ssettag $0x1  }
0x1: {  	s1 =	rddreg [dreg:$0x0]  }
0x2: {  	s2 =	rddreg [dreg:$0x1]  }
0x3: {  	s0 =	rddreg [dreg:$0x2];
	s3 =	simm.s32 $0x0;
	s4 =	srdreg.scid  }
0x4: {  	s9 =	simm.s32 $0x80;
	s10 =	simm.s32 $0x4;
	s11 =	simm.s32 $0x0  }
0x5: {  	[smem:$0x7FF] =	sst s3;
	s5 =	sand.u32 $0x1, s4;
	s7 =	sadd.s32 $0x40000, s1  }
0x6: {  	s4 =	stileid.u32;
	_ =	strace $0x80000047;
	[dreg:$0x4] =	wrdreg s7  }
0x7: {  	s6 =	ssub.s32 $0x2, s5;
	s5 =	sshll.u32 s5, $0x4;
	[dreg:$0x3] =	wrdreg s9  }
0x8: {  	s9 =	simm.s32 $0x5;
	s8 =	sshrl.u32 s6, $0x1;
	s5 =	sor.u32 s4, s5  }
0x9: {  	s30 =	ssub.s32 s6, s8;
	s31 =	sshll.u32 s5, $0x9;
	s5 =	sshll.u32 s5, $0x5  }
0xa: {  	s8 =	simm.s32 $0x1;
	s6 =	sadd.s32 s2, s31;
	s7 =	smax.u32 s30, $0x1  }
.LBB2_1:
0xb: {  	_ =	strace $0x80000048;
	s12 =	simm.s32 $0x1;
	p0 =	por $0x0, $0x0  }
0xc: {  	[tilespmem:s3], [sflag:$0x1] =	stream.linear.gather [hbm4b:s6+s3], $0x80, $0x200038;
	[tilespmem:$0x8100] =	vst v63  }
0xd: {  	s12 =	simm.s32 @p0 $0x0  }
0xe: {  	p5 =	por $0x1, $0x1;
	p1 =	sne.s32 s12, $0x0  }
0xf: {  	p0 =	por !p5, !p1  }
0x10: {  	s22 =	sand.u32 $0x1, s3;
	p3 =	por !p0, !p0  }
0x11: {  	s31 =	simm.s32 $0x0;
	s19 =	sadd.s32 $0x0, s5;
	s13 =	sadd.s32 @p3 s5, s12  }
0x12: {  	_ =	strace $0x90000048;
	s14 =	sand.u32 @p3 $0x1, s8;
	s13 =	sshll.u32 @p3 s13, $0x4  }
0x13: {  	s15 =	simm.s32 @p3 $0x0;
	_ =	strace @p3 $0x80000049;
	s13 =	sand.u32 @p3 $0x1FFFFFF0, s13  }
0x14: {  	s16 =	sshll.u32 @p3 s14, $0x7;
	s14 =	sadd.s32 @p3 $0x1, s14;
	s13 =	sadd.s32 @p3 s2, s13  }
0x15: {  	[tilespmem:s16], [sflag:s14] =	stream.linear.gather @p3 [hbm4b:s13+s15], $0x80, $0x200038;
	[tilespmem:$0x8100] =	vst v63  }
0x16: {  	p4 =	por $0x0, $0x0;
	p6 =	por $0x0, $0x0;
	_ =	strace @p3 $0x90000049  }
0x17: {  	s30 =	sadd.s32 $0x1, s22;
	s17 =	sshll.u32 s22, $0xE;
	_ =	strace $0x8000004A  }
0x18: {  	s25 =	simm.s32 $0x1;
	s23 =	sor.u32 $0x100, s17;
	_ =	swait.ge [sflag:s30], $0x80  }
0x19: {  	s17 =	simm.s32 $0x1;
	p0 =	por $0x1, $0x1;
	[sflag:s30] =	ssyncset.done $0x0  }
0x1a: {  	s17 =	simm.s32 @!p4 $0x0;
	p2 =	por p0, p0;
	[sflag:s30] =	ssyncadd.s32 $0xFFFFFF80  }
0x1b: {  	s13 =	simm.s32 $0x1F;
	s15 =	simm.s32 $0x1E;
	_ =	strace $0x9000004A  }
0x1c: {  	s16 =	sand.u32 @!p0 $0x1, s3;
	p0 =	por $0x0, $0x0;
	_ =	strace $0x8000004B  }
0x1d: {  	s14 =	sand.u32 $0x80, s31;
	s20 =	sadd.s32 @!p2 $0x3, s16;
	s18 =	rddreg [dreg:$0x3]  }
0x1e: {  	[tilespmem:s23], [sflag:$0x5] =	stream.indirect.gather [hbm4b:s1+s18], $0x80, s14, s18, $0x2000b8;
	[tilespmem:$0x8100] =	vst v63  }
0x1f: {  	s16 =	simm.s32 $0x0;
	s18 =	sadd.s32 $0x1, s12;
	s14 =	simm.s32 $0x1  }
0x20: {  	_ =	swait.ge [sflag:s9], $0x4000;
	p5 =	seq.s32 s18, $0x20;
	s14 =	simm.s32 @!p3 $0x0  }
0x21: {  	[sflag:s9] =	ssyncset.done $0x0;
	s18 =	simm.s32 @p5 $0x0;
	p5 =	por p6, p1  }
0x22: {  	p6 =	por $0x1, $0x1;
	s21 =	sadd.s32 $0x1, s14;
	s14 =	simm.s32 $0x0  }
0x23: {  	[sflag:s9] =	ssyncadd.s32 $0xFFFFC000;
	p1 =	sne.s32 s12, s18;
	s24 =	sshll.u32 @p5 s19, $0xB  }
0x24: {  	s25 =	simm.s32 @!p5 $0x0;
	p3 =	por !p6, !p1;
	_ =	strace $0x9000004B  }
0x25: {  	s19 =	simm.s32 $0x0;
	p3 =	por !p3, !p3;
	_ =	strace @p5 $0x8000004C  }
0x26: {  	s26 =	sand.u32 @p3 $0x1, s21;
	s29 =	sadd.s32 @p3 s5, s18;
	s28 =	rddreg [dreg:$0x4]  }
.LBB2_2:
0x27: {  	s29 =	sshll.u32 @p3 s29, $0x4;
	s30 =	sand.u32 @p5 $0x1FFFF800, s24;
	s16 =	sadd.s32 s25, s16  }
0x28: {  	s24 =	smov.u32 s13;
	s13 =	smov.u32 s15;
	s22 =	sadd.s32 @p5 $0x3, s22  }
0x29: {  	s31 =	simm.s32 @p5 $0x0;
	s19 =	sadd.s32 s25, s19;
	s28 =	sadd.s32 @p5 s28, s30  }
0x2a: {  	[hbm4b:s28+s31] =	stream.linear.scatter @p5 [tilespmem:s23], [sflag:s22], $0x4000, $0x200038;
	[tilespmem:$0x8100] =	vst v63  }
0x2b: {  	s15 =	sadd.s32 $0xFFFFFFFF, s15;
	s14 =	sadd.s32 s17, s14;
	_ =	strace @p5 $0x9000004C  }
0x2c: {  	s29 =	sand.u32 @p3 $0x1FFFFFF0, s29;
	s25 =	sshll.u32 s19, $0x7;
	_ =	strace @!p2 $0x8000004D  }
0x2d: {  	p4 =	sne.s32 s15, $0x0;
	s17 =	sand.u32 @!p0 $0x1, s14;
	_ =	swait.ge @!p2 [sflag:s20], $0x4000  }
0x2e: {  	s29 =	sadd.s32 @p3 s2, s29;
	s31 =	sand.u32 $0x1, s19;
	[sflag:s20] =	ssyncset.done @!p2 $0x0  }
0x2f: {  	s23 =	simm.s32 @p3 $0x0;
	s22 =	sand.u32 $0x1, s16;
	[sflag:s20] =	ssyncadd.s32 @!p2 $0xFFFFC000  }
0x30: {  	s25 =	sand.u32 $0x80, s25;
	s30 =	sadd.s32 $0x1, s31;
	_ =	strace @!p2 $0x9000004D  }
0x31: {  	s20 =	sshll.u32 @p3 s26, $0x7;
	s26 =	sadd.s32 @p3 $0x1, s26;
	_ =	strace @p3 $0x80000049  }
0x32: {  	[tilespmem:s20], [sflag:s26] =	stream.linear.gather @p3 [hbm4b:s29+s23], $0x80, $0x200038;
	[tilespmem:$0x8100] =	vst v63  }
0x33: {  	s31 =	sshll.u32 s22, $0xE;
	p5 =	sne.s32 s24, $0x20;
	_ =	strace @p3 $0x90000049  }
0x34: {  	p2 =	por p0, p0;
	p0 =	seq.s32 s13, $0x20;
	_ =	strace $0x8000004A  }
0x35: {  	s26 =	sadd.s32 s5, s12;
	s12 =	smov.u32 s18;
	_ =	swait.ge [sflag:s30], $0x80  }
0x36: {  	s20 =	sadd.s32 @!p2 $0x3, s17;
	s23 =	sor.u32 $0x100, s31;
	[sflag:s30] =	ssyncset.done $0x0  }
0x37: {  	s17 =	simm.s32 $0x1;
	s18 =	sadd.s32 $0x1, s18;
	[sflag:s30] =	ssyncadd.s32 $0xFFFFFF80  }
0x38: {  	s17 =	simm.s32 @!p5 $0x0;
	p6 =	seq.s32 s18, $0x20;
	_ =	strace $0x9000004A  }
0x39: {  	p5 =	seq.s32 s24, $0x1;
	s18 =	simm.s32 @p6 $0x0;
	_ =	strace $0x8000004B  }
0x3a: {  	p5 =	por p5, p1;
	p6 =	sne.s32 s13, $0x1;
	s28 =	rddreg [dreg:$0x3]  }
0x3b: {  	[tilespmem:s23], [sflag:$0x5] =	stream.indirect.gather [hbm4b:s1+s28], $0x80, s25, s28, $0x2000b8;
	[tilespmem:$0x8100] =	vst v63  }
0x3c: {  	p1 =	sne.s32 s12, s18;
	s24 =	sshll.u32 @p5 s26, $0xB;
	_ =	swait.ge [sflag:s9], $0x4000  }
.Ltmp0:
0x3d: {  	s28 =	simm.s32 $0x1;
	[sflag:s9] =	ssyncset.done $0x0;
	(pc) =	sbr.rel @p4 .LBB2_2-.Ltmp0, $4  }
0x3e: {  	s25 =	simm.s32 $0x1;
	s28 =	simm.s32 @!p3 $0x0;
	[sflag:s9] =	ssyncadd.s32 $0xFFFFC000  }
0x3f: {  	p3 =	por !p6, !p1;
	s25 =	simm.s32 @!p5 $0x0;
	_ =	strace $0x9000004B  }
0x40: {  	p3 =	por !p3, !p3;
	s21 =	sadd.s32 s28, s21;
	_ =	strace @p5 $0x8000004C  }
0x41: {  	s26 =	sand.u32 @p3 $0x1, s21;
	s29 =	sadd.s32 @p3 s5, s18;
	s28 =	rddreg [dreg:$0x4]  }
0x42: {  	s15 =	sand.u32 @p5 $0x1FFFF800, s24  }
0x43: {  	s18 =	sadd.s32 @p5 $0x3, s22;
	s21 =	simm.s32 @p5 $0x0;
	s15 =	sadd.s32 @p5 s28, s15  }
0x44: {  	[hbm4b:s15+s21] =	stream.linear.scatter @p5 [tilespmem:s23], [sflag:s18], $0x4000, $0x200038;
	[tilespmem:$0x8100] =	vst v63  }
0x45: {  	_ =	strace @p5 $0x9000004C  }
0x46: {  	_ =	strace @!p2 $0x8000004D  }
0x47: {  	_ =	swait.ge @!p2 [sflag:s20], $0x4000  }
0x48: {  	s24 =	sadd.s32 s25, s19;
	[sflag:s20] =	ssyncset.done @!p2 $0x0  }
0x49: {  	s19 =	simm.s32 @p3 $0x0;
	s15 =	sshll.u32 @p3 s29, $0x4;
	[sflag:s20] =	ssyncadd.s32 @!p2 $0xFFFFC000  }
0x4a: {  	s21 =	sadd.s32 @p3 $0x1, s26;
	s15 =	sand.u32 @p3 $0x1FFFFFF0, s15;
	_ =	strace @!p2 $0x9000004D  }
0x4b: {  	s15 =	sadd.s32 @p3 s2, s15;
	s20 =	sshll.u32 @p3 s26, $0x7;
	_ =	strace @p3 $0x80000049  }
0x4c: {  	[tilespmem:s20], [sflag:s21] =	stream.linear.gather @p3 [hbm4b:s15+s19], $0x80, $0x200038;
	[tilespmem:$0x8100] =	vst v63  }
0x4d: {  	s28 =	sand.u32 $0x1, s24;
	_ =	strace @p3 $0x90000049  }
0x4e: {  	s15 =	sadd.s32 $0x1, s28;
	_ =	strace $0x8000004A  }
0x4f: {  	_ =	swait.ge [sflag:s15], $0x80  }
0x50: {  	[sflag:s15] =	ssyncset.done $0x0  }
0x51: {  	s29 =	sadd.s32 s25, s16;
	[sflag:s15] =	ssyncadd.s32 $0xFFFFFF80  }
0x52: {  	s15 =	sand.u32 $0x1, s29;
	_ =	strace $0x9000004A  }
0x53: {  	s18 =	sshll.u32 s24, $0x7;
	s31 =	sshll.u32 s15, $0xE;
	_ =	strace $0x8000004B  }
0x54: {  	s18 =	sand.u32 $0x80, s18;
	s19 =	sor.u32 $0x100, s31;
	s30 =	rddreg [dreg:$0x3]  }
0x55: {  	[tilespmem:s19], [sflag:$0x5] =	stream.indirect.gather [hbm4b:s1+s30], $0x80, s18, s30, $0x2000b8;
	[tilespmem:$0x8100] =	vst v63  }
0x56: {  	_ =	swait.ge [sflag:s9], $0x4000  }
0x57: {  	[sflag:s9] =	ssyncset.done $0x0  }
0x58: {  	p6 =	seq.s32 s13, $0x1;
	[sflag:s9] =	ssyncadd.s32 $0xFFFFC000  }
0x59: {  	s12 =	sadd.s32 s5, s12;
	p1 =	por p6, p1;
	_ =	strace $0x9000004B  }
0x5a: {  	s12 =	sshll.u32 @p1 s12, $0xB;
	_ =	strace @p1 $0x8000004C  }
0x5b: {  	s14 =	sadd.s32 s17, s14;
	s12 =	sand.u32 @p1 $0x1FFFF800, s12;
	s13 =	rddreg [dreg:$0x4]  }
0x5c: {  	s16 =	simm.s32 @p1 $0x0;
	s15 =	sadd.s32 @p1 $0x3, s15;
	s12 =	sadd.s32 @p1 s13, s12  }
0x5d: {  	[hbm4b:s12+s16] =	stream.linear.scatter @p1 [tilespmem:s19], [sflag:s15], $0x4000, $0x200038;
	[tilespmem:$0x8100] =	vst v63  }
0x5e: {  	s12 =	sand.u32 @!p0 $0x1, s14;
	p0 =	por p0, p0;
	_ =	strace @p1 $0x9000004C  }
0x5f: {  	s12 =	sadd.s32 @!p0 $0x3, s12;
	_ =	strace @!p0 $0x8000004D  }
0x60: {  	_ =	swait.ge @!p0 [sflag:s12], $0x4000  }
0x61: {  	[sflag:s12] =	ssyncset.done @!p0 $0x0  }
0x62: {  	s11 =	sadd.s32 $0x1, s11;
	[sflag:s12] =	ssyncadd.s32 @!p0 $0xFFFFC000  }
0x63: {  	_ =	strace @!p0 $0x9000004D;
	p0 =	sne.s32 s11, s7  }
.Ltmp1:
0x64: {  	_ =	strace $0x8000004E;
	(pc) =	sbr.rel @p0 .LBB2_1-.Ltmp1, $4  }
0x65: {  	_ =	swait.ge [sflag:s10], $0x4000  }
0x66: {  	[sflag:s10] =	ssyncset.done $0x0  }
0x67: {  	[sflag:s10] =	ssyncadd.s32 $0xFFFFC000  }
0x68: {  	_ =	strace $0x9000004E  }
0x69: {  	_ =	sfence.sel $0x180000  }
0x6a: {  	[bflag:$0x0] =	sbarrier.arrive $0xFFFF  }
0x6b: {  	p0 =	sne.s32 s4, $0x0;
	_ =	strace $0x90000047  }
0x6c: {  	s0 =	sadd.s32 @!p0 $0x100000, s0;
	[bflag:$0x2] =	sbarrier.arrive $0xFFFF  }
0x6d: {  	[sflag:s0] =	ssyncadd.tile.s32 @!p0 $0x1;
	_ =	shalt  }
.Lfunc_end2:
_tile_overlayer_lowered:
.L_overlay_start_2:
0x6e: {  	(tag) =	ssettag $0x2  }
0x6f: {  	s0 =	rddreg [dreg:$0x0];
	s2 =	stileid.u32  }
0x70: {  	s1 =	rddreg [dreg:$0x1];
	p0 =	sne.s32 s2, $0x0  }
0x71: {  	s3 =	rddreg [dreg:$0x2];
	[bflag:$0x3] =	sbarrier.arrive $0xFFFF;
	s2 =	simm.s32 @!p0 $0x1C01  }
0x72: {  	[timem:s3], [sflag:s2] =	dma.local @!p0 [hbm:s0], s1  }
0x73: {  	s0 =	simm.s32 @!p0 $0x1  }
0x74: {  	_ =	swait.ge @!p0 [sflag:s0], s1  }
0x75: {  	s1 =	ssub.s32 @!p0 $0x0, s1;
	[sflag:s0] =	ssyncset.done @!p0 $0x0  }
0x76: {  	[sflag:s0] =	ssyncadd.s32 @!p0 s1  }
0x77: {  	[bflag:$0x3] =	sbarrier.arrive $0xFFFF  }
0x78: {  	_ =	shalt  }

// kernel: kernel.18.cloned.1.call-start
scs
__scs_entry_jumppad:
0x0: {  	(pc) =	sbr.rel $0x88, $3  }
0x1: {  	(tag) =	ssettag $0x0;
	lr =	simm.s32 $0x1  }
0x2: {  	[smem:$0x3F8B] =	sst lr;
	_ =	strace $0xD0000000  }
0x3: {  	_ = 	snop  }
0x4: {  	_ = 	snop  }
0x5: {  	_ = 	snop  }
0x6: {  	_ = 	snop  }
0x7: {  	_ = 	snop  }
__scs_overlays_trampoline_lowered:
0x8: {  	[smem:$0x3F9A] =	sst s0  }
0x9: {  	[smem:$0x3F9B] =	sst s1  }
0xa: {  	[smem:$0x3F9C] =	sst s2  }
0xb: {  	[smem:$0x3F9D] =	sst s3  }
0xc: {  	[smem:$0x3F9E] =	sst s4  }
0xd: {  	[smem:$0x3F9F] =	sst s5  }
0xe: {  	[smem:$0x3FA0] =	sst s6  }
0xf: {  	[smem:$0x3FA1] =	sst s7  }
0x10: {  	[smem:$0x3FA2] =	sst s8  }
0x11: {  	[smem:$0x3FA3] =	sst s9;
	s0 =	simm.s32 @!p0 $0x0  }
0x12: {  	s1 =	sld [smem:$0x3F89];
	s0 =	simm.s32 @p0 $0x1  }
0x13: {  	[smem:$0x3FA4] =	sst s0;
	s0 =	simm.s32 @!p1 $0x0  }
0x14: {  	s2 =	sld [smem:$0x3F88];
	s0 =	simm.s32 @p1 $0x1  }
0x15: {  	[smem:$0x3FA5] =	sst s0;
	s0 =	simm.s32 @!p2 $0x0  }
0x16: {  	s3 =	sld [smem:$0x3FDB];
	s0 =	simm.s32 @p2 $0x1  }
0x17: {  	s4 =	simm.s32 $0x1BF5;
	[smem:$0x3FA7] =	sst s0  }
0x18: {  	s0 =	sld [smem:$0x3F8A];
	_ =	swait.ge [sflag:s4], $0x0  }
0x19: {  	s7 =	sld [smem:$0x3F8B]  }
0x1a: {  	s8 =	sadd.s32 $0xFFFFE003, lr  }
0x1b: {  	s9 =	sadd.s32 $0xFFFFFEF7, lr;
	s5 =	simm.s32 $0xFFFFFFFF;
	p2 =	slt.u32 s8, $0xFFFFF086  }
0x1c: {  	p1 =	slt.u32 s9, $0xF7A;
	s5 =	simm.s32 @!p2 $0x0  }
0x1d: {  	s5 =	simm.s32 @p1 $0x1;
	p0 =	seq.s32 s7, s2  }
0x1e: {  	s7 =	smul.u32 @!p0 $0xF7A, s2;
	p2 =	seq.s32 @!p0 s5, $0x0  }
0x1f: {  	s9 =	smul.u32 $0xF7A, s1;
	s8 =	simm.s32 @!p0 $0x1BF5;
	p2 =	por !p2, p0  }
0x20: {  	[sflag:s8] =	ssyncset.s32 @!p0 $0xFFFFF086;
	s6 =	sadd.s32 @!p0 s3, s7;
	s7 =	simm.s32 @!p0 $0x108  }
0x21: {  	s3 =	sadd.s32 s3, s9;
	s6 =	sadd.s32 @!p0 $0x88, s6;
	s7 =	simm.s32 @p2 $0x1082  }
0x22: {  	[simem:s7], [sflag:s8] =	dma.local @!p0 [hbm:s6], $0xF7A  }
0x23: {  	s9 =	sor.u32 $0xD0000000, s2;
	s6 =	simm.s32 $0x108;
	_ =	swait.ge @!p0 [sflag:s8], $0x0  }
0x24: {  	s3 =	sadd.s32 $0x88, s3;
	s6 =	simm.s32 @!p1 $0x1082;
	[sflag:s4] =	ssyncset.s32 $0xFFFFF086  }
0x25: {  	[simem:s6], [sflag:s4] =	dma.local [hbm:s3], $0xF7A  }
0x26: {  	[smem:$0x3F8B] =	sst s1;
	(tag) =	ssettag s2;
	_ =	strace s9  }
0x27: {  	s1 =	sld [smem:$0x3F9B]  }
0x28: {  	s2 =	sld [smem:$0x3F9C]  }
0x29: {  	s4 =	sld [smem:$0x3F9E]  }
0x2a: {  	p0 =	seq.s32 s5, $0x0;
	s5 =	sld [smem:$0x3F9F]  }
0x2b: {  	s6 =	sld [smem:$0x3FA0]  }
0x2c: {  	s7 =	sld [smem:$0x3FA1]  }
0x2d: {  	s3 =	simm.s32 $0x108;
	s8 =	sld [smem:$0x3FA2]  }
0x2e: {  	s3 =	simm.s32 @!p0 $0x1082;
	s9 =	sld [smem:$0x3FA3]  }
0x2f: {  	lr =	sadd.s32 s0, s3;
	s0 =	sld [smem:$0x3F9A]  }
0x30: {  	s3 =	sld [smem:$0x3F9D]  }
0x31: {  	[smem:$0x3FA6] =	sst s10  }
0x32: {  	s10 =	sld [smem:$0x3FA4];
	_ =	sdelay $0x3  }
0x33: {  	p0 =	seq.s32 s10, $0x1;
	s10 =	sld [smem:$0x3FA6];
	_ =	sdelay $0x3  }
0x34: {  	[smem:$0x3FA6] =	sst s10  }
0x35: {  	s10 =	sld [smem:$0x3FA5];
	_ =	sdelay $0x3  }
0x36: {  	p1 =	seq.s32 s10, $0x1;
	s10 =	sld [smem:$0x3FA6];
	_ =	sdelay $0x3  }
0x37: {  	[smem:$0x3FA6] =	sst s10  }
0x38: {  	s10 =	sld [smem:$0x3FA7]  }
0x39: {  	_ = 	snop;
	(pc) =	sbr.ind lr, $3  }
0x3a: {  	_ = 	snop  }
0x3b: {  	_ = 	snop  }
0x3c: {  	p2 =	seq.s32 s10, $0x1;
	s10 =	sld [smem:$0x3FA6]  }
0x3d: {  	_ =	shalt  }
0x3e: {  	_ =	shalt  }
0x3f: {  	_ =	shalt  }
0x40: {  	_ =	shalt  }
0x41: {  	_ =	shalt  }
0x42: {  	_ =	shalt  }
0x43: {  	_ =	shalt  }
0x44: {  	_ =	shalt  }
0x45: {  	_ =	shalt  }
0x46: {  	_ =	shalt  }
0x47: {  	_ =	shalt  }
0x48: {  	_ =	shalt  }
0x49: {  	_ =	shalt  }
0x4a: {  	_ =	shalt  }
0x4b: {  	_ =	shalt  }
0x4c: {  	_ =	shalt  }
0x4d: {  	_ =	shalt  }
0x4e: {  	_ =	shalt  }
0x4f: {  	_ =	shalt  }
0x50: {  	_ =	shalt  }
0x51: {  	_ =	shalt  }
0x52: {  	_ =	shalt  }
0x53: {  	_ =	shalt  }
0x54: {  	_ =	shalt  }
0x55: {  	_ =	shalt  }
0x56: {  	_ =	shalt  }
0x57: {  	_ =	shalt  }
0x58: {  	_ =	shalt  }
0x59: {  	_ =	shalt  }
0x5a: {  	_ =	shalt  }
0x5b: {  	_ =	shalt  }
0x5c: {  	_ =	shalt  }
0x5d: {  	_ =	shalt  }
0x5e: {  	_ =	shalt  }
0x5f: {  	_ =	shalt  }
0x60: {  	_ =	shalt  }
0x61: {  	_ =	shalt  }
0x62: {  	_ =	shalt  }
0x63: {  	_ =	shalt  }
0x64: {  	_ =	shalt  }
0x65: {  	_ =	shalt  }
0x66: {  	_ =	shalt  }
0x67: {  	_ =	shalt  }
0x68: {  	_ =	shalt  }
0x69: {  	_ =	shalt  }
0x6a: {  	_ =	shalt  }
0x6b: {  	_ =	shalt  }
0x6c: {  	_ =	shalt  }
0x6d: {  	_ =	shalt  }
0x6e: {  	_ =	shalt  }
0x6f: {  	_ =	shalt  }
0x70: {  	_ =	shalt  }
0x71: {  	_ =	shalt  }
0x72: {  	_ =	shalt  }
0x73: {  	_ =	shalt  }
0x74: {  	_ =	shalt  }
0x75: {  	_ =	shalt  }
0x76: {  	_ =	shalt  }
0x77: {  	_ =	shalt  }
0x78: {  	_ =	shalt  }
0x79: {  	_ =	shalt  }
0x7a: {  	_ =	shalt  }
0x7b: {  	_ =	shalt  }
0x7c: {  	_ =	shalt  }
0x7d: {  	_ =	shalt  }
0x7e: {  	_ =	shalt  }
0x7f: {  	_ =	shalt  }
0x80: {  	_ =	shalt  }
0x81: {  	_ =	shalt  }
0x82: {  	_ =	shalt  }
0x83: {  	_ =	shalt  }
0x84: {  	_ =	shalt  }
0x85: {  	_ =	shalt  }
0x86: {  	_ =	shalt  }
0x87: {  	_ =	shalt  }
.Lfunc_end0:
.L_simem_size_0:
called_computation.1_lowered:
.L_overlay_start_0:
0x88: {  	s2 =	sld [smem:$0x3FD9]  }
0x89: {  	s3 =	sld [smem:$0x3FFE];
	_ =	sdelay $0x1  }
0x8a: {  	s1 =	srdreg.scid  }
0x8b: {  	s0 =	sand.u32 $0x1, s1  }
0x8c: {  	s15 =	sshll.u32 s0, $0xA;
	s2 =	sadd.s32 s3, s2  }
0x8d: {  	s2 =	sadd.s32 s2, s15  }
0x8e: {  	[smem:$0x3FB2] =	sst s2  }
0x8f: {  	_ = 	snop  }
0x90: {  	s2 =	sld [smem:$0x3FD0];
	_ =	sdelay $0x2  }
0x91: {  	s16 =	simm.s32 $0xB;
	s4 =	simm.s32 $0x10  }
0x92: {  	[smem:s4], [sflag:s16] =	dma.local [hbm:s2], $0x1  }
0x93: {  	_ =	swait.eq [sflag:s16], $0x1  }
0x94: {  	[sflag:s16] =	ssyncset.done $0x0  }
0x95: {  	[sflag:s16] =	ssyncadd.s32 $0xFFFFFFFF  }
0x96: {  	s17 =	sld [smem:$0x10];
	(tm) =	ssettm $0x1  }
0x97: {  	s18 =	sld [smem:$0x3FFB];
	_ =	sdelay $0x3  }
0x98: {  	_ =	strace s18  }
0x99: {  	s2 =	sld [smem:$0x3FFC];
	_ =	sdelay $0x3  }
0x9a: {  	_ =	strace s2  }
0x9b: {  	s2 =	sld [smem:$0x3FFD];
	_ =	sdelay $0x3  }
0x9c: {  	_ =	strace s2  }
0x9d: {  	_ =	strace $0x8FFFFFFF  }
0x9e: {  	s19 =	sld [smem:$0x3FDB];
	_ =	sdelay $0x1  }
0x9f: {  	s20 =	simm.s32 $_scs_section_size  }
0xa0: {  	s5 =	simm.s32 $_size__tile_overlayer_lowered;
	s6 =	simm.s32 $_tile_overlayer_lowered  }
0xa1: {  	s7 =	simm.s32 $0x1BFF;
	s21 =	sshll.u32 s6, $0x1;
	s4 =	sadd.s32 s20, s19  }
0xa2: {  	s22 =	simm.s32 $0x0;
	s5 =	sshll.u32 s5, $0x1;
	s6 =	sadd.s32 s21, s4  }
0xa3: {  	[timem:s22], [sflag:s7] =	dma.local [hbm:s6], s5  }
0xa4: {  	_ =	swait.ge [sflag:s7], s5  }
0xa5: {  	s5 =	ssub.s32 $0x0, s5;
	[sflag:s7] =	ssyncset.done $0x0  }
0xa6: {  	[sflag:s7] =	ssyncadd.s32 s5;
	_ =	sdelay $0x1  }
0xa7: {  	s23 =	simm.s32 $0x1B8B  }
0xa8: {  	_ =	swait.ge [sflag:s23], $0x1  }
0xa9: {  	[sflag:s23] =	ssyncset.done $0x0  }
0xaa: {  	[sflag:s23] =	ssyncadd.s32 $0xFFFFFFFF  }
0xab: {  	s5 =	sld [smem:$0x0]  }
0xac: {  	s6 =	sand.u32 $0xFFFFFFFE, s1  }
0xad: {  	p0 =	sne.s32 s1, s6  }
0xae: {  	s6 =	sshll.u32 @p0 s6, $0xE  }
0xaf: {  	s6 =	sadd.s32 @p0 $0x11B8D, s6;
	s7 =	sshll.u32 @p0 s5, $0x11  }
0xb0: {  	s6 =	sor.u32 @p0 s7, s6  }
0xb1: {  	[sflag:s6] =	ssyncadd.remote.s32 @p0 $0x1;
	_ =	sdelay $0x1  }
0xb2: {  	s6 =	simm.s32 @p0 $0x1B8D  }
0xb3: {  	_ =	swait.eq @p0 [sflag:s6], $0x1  }
0xb4: {  	[sflag:s6] =	ssyncadd.s32 @p0 $0xFFFFFFFF  }
0xb5: {  	s7 =	sshll.u32 @!p0 s1, $0xE  }
0xb6: {  	s7 =	sor.u32 @!p0 $0x4000, s7;
	s6 =	simm.s32 @!p0 $0x1B8D  }
0xb7: {  	s5 =	sshll.u32 @!p0 s5, $0x11;
	s7 =	sadd.s32 @!p0 $0x11B8D, s7;
	_ =	swait.eq @!p0 [sflag:s6], $0x1  }
0xb8: {  	s5 =	sor.u32 @!p0 s5, s7;
	[sflag:s6] =	ssyncadd.s32 @!p0 $0xFFFFFFFF  }
0xb9: {  	s25 =	simm.s32 $0x1B8E;
	s24 =	sld [smem:$0x3FFE];
	[sflag:s5] =	ssyncadd.remote.s32 @!p0 $0x1  }
0xba: {  	s26 =	simm.s32 $execute0_lowered;
	[smem:$0x3FD2] =	sst s25  }
0xbb: {  	s6 =	sshll.u32 s26, $0x1;
	_ =	strace $0x80000050;
	[dreg:$0x1] =	wrdreg $0xFFFFFFFF  }
0xbc: {  	s28 =	simm.s32 $_size_execute0_lowered;
	s4 =	sadd.s32 s4, s6;
	[dreg:$0x0] =	wrdreg $0x0  }
0xbd: {  	s6 =	sshll.u32 s28, $0x1;
	[dreg:$0x2] =	wrdreg s4  }
0xbe: {  	[dreg:$0x3] =	wrdreg s6  }
0xbf: {  	[dreg:$0x4] =	wrdreg $0xC0  }
0xc0: {  	_ =	task [dreg:s22], $0x5FFFF  }
0xc1: {  	[dreg:$0x1] =	wrdreg $0xFFFFFFFF  }
0xc2: {  	[dreg:$0x0] =	wrdreg $0x60  }
0xc3: {  	[dreg:$0x2] =	wrdreg s24  }
0xc4: {  	[dreg:$0x3] =	wrdreg s17  }
0xc5: {  	[dreg:$0x4] =	wrdreg $0xA  }
0xc6: {  	_ =	task.clear_ibuf [dreg:s22], $0x5FFFF;
	_ =	strace $0x90000050  }
0xc7: {  	s29 =	simm.s32 $0xA;
	_ =	strace $0x80000059  }
0xc8: {  	_ =	swait.ge [sflag:s29], $0x1  }
0xc9: {  	[sflag:s29] =	ssyncadd.s32 $0xFFFFFFFF  }
0xca: {  	_ =	strace $0x90000059  }
0xcb: {  	_ =	sfence  }
0xcc: {  	s30 =	sld [smem:$0x0];
	_ =	sdelay $0x2  }
0xcd: {  	s31 =	sshll.u32 s1, $0xD;
	s1 =	sshrl.u32 s1, $0x2  }
0xce: {  	s4 =	sand.u32 $0x4000, s31;
	s1 =	sadd.s32 s1, s30  }
0xcf: {  	s0 =	sor.u32 s4, s0;
	s1 =	sshll.u32 s1, $0x11  }
0xd0: {  	s0 =	sor.u32 s1, s0  }
0xd1: {  	s0 =	sadd.s32 $0x8F2B, s0  }
0xd2: {  	[sflag:s0] =	ssyncadd.remote.s32 $0x1  }
0xd3: {  	_ =	sfence.sel $0xFFFF  }
0xd4: {  	[dreg:$0x0] =	wrdreg $0xFFFFFFFF;
	(pc) =	sbr.abs _section_cstart, $3  }
0xd5: {  	[dreg:$0x1] =	wrdreg $0xFFFFFFFF  }
0xd6: {  	_ =	task.clear_ibuf [dreg:s22], $0x2FFFF;
	_ =	strace $0x9FFFFFFF  }
0xd7: {  	(tm) =	ssettm $0x7FFFFFFF  }
tec
execute0_lowered:
.L_overlay_start_1:
0x0: {  	(tag) =	ssettag $0x1  }
0x1: {  	s1 =	rddreg [dreg:$0x0]  }
0x2: {  	s2 =	rddreg [dreg:$0x1]  }
0x3: {  	s0 =	rddreg [dreg:$0x2];
	s3 =	simm.s32 $0x0;
	s4 =	srdreg.scid  }
0x4: {  	s9 =	simm.s32 $0x80;
	s10 =	simm.s32 $0x4;
	s11 =	simm.s32 $0x0  }
0x5: {  	[smem:$0x7FF] =	sst s3;
	s5 =	sand.u32 $0x1, s4;
	s7 =	sadd.s32 $0x240000, s1  }
0x6: {  	s4 =	stileid.u32;
	_ =	strace $0x80000051;
	[dreg:$0x4] =	wrdreg s7  }
0x7: {  	s6 =	ssub.s32 $0x2, s5;
	s5 =	sshll.u32 s5, $0x4;
	[dreg:$0x3] =	wrdreg s9  }
0x8: {  	s9 =	simm.s32 $0x5;
	s8 =	sshrl.u32 s6, $0x1;
	s5 =	sor.u32 s4, s5  }
0x9: {  	s30 =	ssub.s32 s6, s8;
	s31 =	sshll.u32 s5, $0x9;
	s5 =	sshll.u32 s5, $0x5  }
0xa: {  	s8 =	simm.s32 $0x1;
	s6 =	sadd.s32 s2, s31;
	s7 =	smax.u32 s30, $0x1  }
.LBB2_1:
0xb: {  	_ =	strace $0x80000052;
	s12 =	simm.s32 $0x1;
	p0 =	por $0x0, $0x0  }
0xc: {  	[tilespmem:s3], [sflag:$0x1] =	stream.linear.gather [hbm4b:s6+s3], $0x80, $0x200038;
	[tilespmem:$0x8100] =	vst v63  }
0xd: {  	s12 =	simm.s32 @p0 $0x0  }
0xe: {  	p5 =	por $0x1, $0x1;
	p1 =	sne.s32 s12, $0x0  }
0xf: {  	p0 =	por !p5, !p1  }
0x10: {  	s22 =	sand.u32 $0x1, s3;
	p3 =	por !p0, !p0  }
0x11: {  	s31 =	simm.s32 $0x0;
	s19 =	sadd.s32 $0x0, s5;
	s13 =	sadd.s32 @p3 s5, s12  }
0x12: {  	_ =	strace $0x90000052;
	s14 =	sand.u32 @p3 $0x1, s8;
	s13 =	sshll.u32 @p3 s13, $0x4  }
0x13: {  	s15 =	simm.s32 @p3 $0x0;
	_ =	strace @p3 $0x80000053;
	s13 =	sand.u32 @p3 $0x1FFFFFF0, s13  }
0x14: {  	s16 =	sshll.u32 @p3 s14, $0x7;
	s14 =	sadd.s32 @p3 $0x1, s14;
	s13 =	sadd.s32 @p3 s2, s13  }
0x15: {  	[tilespmem:s16], [sflag:s14] =	stream.linear.gather @p3 [hbm4b:s13+s15], $0x80, $0x200038;
	[tilespmem:$0x8100] =	vst v63  }
0x16: {  	p4 =	por $0x0, $0x0;
	p6 =	por $0x0, $0x0;
	_ =	strace @p3 $0x90000053  }
0x17: {  	s30 =	sadd.s32 $0x1, s22;
	s17 =	sshll.u32 s22, $0xE;
	_ =	strace $0x80000054  }
0x18: {  	s25 =	simm.s32 $0x1;
	s23 =	sor.u32 $0x100, s17;
	_ =	swait.ge [sflag:s30], $0x80  }
0x19: {  	s17 =	simm.s32 $0x1;
	p0 =	por $0x1, $0x1;
	[sflag:s30] =	ssyncset.done $0x0  }
0x1a: {  	s17 =	simm.s32 @!p4 $0x0;
	p2 =	por p0, p0;
	[sflag:s30] =	ssyncadd.s32 $0xFFFFFF80  }
0x1b: {  	s13 =	simm.s32 $0x1F;
	s15 =	simm.s32 $0x1E;
	_ =	strace $0x90000054  }
0x1c: {  	s16 =	sand.u32 @!p0 $0x1, s3;
	p0 =	por $0x0, $0x0;
	_ =	strace $0x80000055  }
0x1d: {  	s14 =	sand.u32 $0x80, s31;
	s20 =	sadd.s32 @!p2 $0x3, s16;
	s18 =	rddreg [dreg:$0x3]  }
0x1e: {  	[tilespmem:s23], [sflag:$0x5] =	stream.indirect.gather [hbm4b:s1+s18], $0x80, s14, s18, $0x2000b8;
	[tilespmem:$0x8100] =	vst v63  }
0x1f: {  	s16 =	simm.s32 $0x0;
	s18 =	sadd.s32 $0x1, s12;
	s14 =	simm.s32 $0x1  }
0x20: {  	_ =	swait.ge [sflag:s9], $0x4000;
	p5 =	seq.s32 s18, $0x20;
	s14 =	simm.s32 @!p3 $0x0  }
0x21: {  	[sflag:s9] =	ssyncset.done $0x0;
	s18 =	simm.s32 @p5 $0x0;
	p5 =	por p6, p1  }
0x22: {  	p6 =	por $0x1, $0x1;
	s21 =	sadd.s32 $0x1, s14;
	s14 =	simm.s32 $0x0  }
0x23: {  	[sflag:s9] =	ssyncadd.s32 $0xFFFFC000;
	p1 =	sne.s32 s12, s18;
	s24 =	sshll.u32 @p5 s19, $0xB  }
0x24: {  	s25 =	simm.s32 @!p5 $0x0;
	p3 =	por !p6, !p1;
	_ =	strace $0x90000055  }
0x25: {  	s19 =	simm.s32 $0x0;
	p3 =	por !p3, !p3;
	_ =	strace @p5 $0x80000056  }
0x26: {  	s26 =	sand.u32 @p3 $0x1, s21;
	s29 =	sadd.s32 @p3 s5, s18;
	s28 =	rddreg [dreg:$0x4]  }
.LBB2_2:
0x27: {  	s29 =	sshll.u32 @p3 s29, $0x4;
	s30 =	sand.u32 @p5 $0x1FFFF800, s24;
	s16 =	sadd.s32 s25, s16  }
0x28: {  	s24 =	smov.u32 s13;
	s13 =	smov.u32 s15;
	s22 =	sadd.s32 @p5 $0x3, s22  }
0x29: {  	s31 =	simm.s32 @p5 $0x0;
	s19 =	sadd.s32 s25, s19;
	s28 =	sadd.s32 @p5 s28, s30  }
0x2a: {  	[hbm4b:s28+s31] =	stream.linear.scatter @p5 [tilespmem:s23], [sflag:s22], $0x4000, $0x200038;
	[tilespmem:$0x8100] =	vst v63  }
0x2b: {  	s15 =	sadd.s32 $0xFFFFFFFF, s15;
	s14 =	sadd.s32 s17, s14;
	_ =	strace @p5 $0x90000056  }
0x2c: {  	s29 =	sand.u32 @p3 $0x1FFFFFF0, s29;
	s25 =	sshll.u32 s19, $0x7;
	_ =	strace @!p2 $0x80000057  }
0x2d: {  	p4 =	sne.s32 s15, $0x0;
	s17 =	sand.u32 @!p0 $0x1, s14;
	_ =	swait.ge @!p2 [sflag:s20], $0x4000  }
0x2e: {  	s29 =	sadd.s32 @p3 s2, s29;
	s31 =	sand.u32 $0x1, s19;
	[sflag:s20] =	ssyncset.done @!p2 $0x0  }
0x2f: {  	s23 =	simm.s32 @p3 $0x0;
	s22 =	sand.u32 $0x1, s16;
	[sflag:s20] =	ssyncadd.s32 @!p2 $0xFFFFC000  }
0x30: {  	s25 =	sand.u32 $0x80, s25;
	s30 =	sadd.s32 $0x1, s31;
	_ =	strace @!p2 $0x90000057  }
0x31: {  	s20 =	sshll.u32 @p3 s26, $0x7;
	s26 =	sadd.s32 @p3 $0x1, s26;
	_ =	strace @p3 $0x80000053  }
0x32: {  	[tilespmem:s20], [sflag:s26] =	stream.linear.gather @p3 [hbm4b:s29+s23], $0x80, $0x200038;
	[tilespmem:$0x8100] =	vst v63  }
0x33: {  	s31 =	sshll.u32 s22, $0xE;
	p5 =	sne.s32 s24, $0x20;
	_ =	strace @p3 $0x90000053  }
0x34: {  	p2 =	por p0, p0;
	p0 =	seq.s32 s13, $0x20;
	_ =	strace $0x80000054  }
0x35: {  	s26 =	sadd.s32 s5, s12;
	s12 =	smov.u32 s18;
	_ =	swait.ge [sflag:s30], $0x80  }
0x36: {  	s20 =	sadd.s32 @!p2 $0x3, s17;
	s23 =	sor.u32 $0x100, s31;
	[sflag:s30] =	ssyncset.done $0x0  }
0x37: {  	s17 =	simm.s32 $0x1;
	s18 =	sadd.s32 $0x1, s18;
	[sflag:s30] =	ssyncadd.s32 $0xFFFFFF80  }
0x38: {  	s17 =	simm.s32 @!p5 $0x0;
	p6 =	seq.s32 s18, $0x20;
	_ =	strace $0x90000054  }
0x39: {  	p5 =	seq.s32 s24, $0x1;
	s18 =	simm.s32 @p6 $0x0;
	_ =	strace $0x80000055  }
0x3a: {  	p5 =	por p5, p1;
	p6 =	sne.s32 s13, $0x1;
	s28 =	rddreg [dreg:$0x3]  }
0x3b: {  	[tilespmem:s23], [sflag:$0x5] =	stream.indirect.gather [hbm4b:s1+s28], $0x80, s25, s28, $0x2000b8;
	[tilespmem:$0x8100] =	vst v63  }
0x3c: {  	p1 =	sne.s32 s12, s18;
	s24 =	sshll.u32 @p5 s26, $0xB;
	_ =	swait.ge [sflag:s9], $0x4000  }
.Ltmp0:
0x3d: {  	s28 =	simm.s32 $0x1;
	[sflag:s9] =	ssyncset.done $0x0;
	(pc) =	sbr.rel @p4 .LBB2_2-.Ltmp0, $4  }
0x3e: {  	s25 =	simm.s32 $0x1;
	s28 =	simm.s32 @!p3 $0x0;
	[sflag:s9] =	ssyncadd.s32 $0xFFFFC000  }
0x3f: {  	p3 =	por !p6, !p1;
	s25 =	simm.s32 @!p5 $0x0;
	_ =	strace $0x90000055  }
0x40: {  	p3 =	por !p3, !p3;
	s21 =	sadd.s32 s28, s21;
	_ =	strace @p5 $0x80000056  }
0x41: {  	s26 =	sand.u32 @p3 $0x1, s21;
	s29 =	sadd.s32 @p3 s5, s18;
	s28 =	rddreg [dreg:$0x4]  }
0x42: {  	s15 =	sand.u32 @p5 $0x1FFFF800, s24  }
0x43: {  	s18 =	sadd.s32 @p5 $0x3, s22;
	s21 =	simm.s32 @p5 $0x0;
	s15 =	sadd.s32 @p5 s28, s15  }
0x44: {  	[hbm4b:s15+s21] =	stream.linear.scatter @p5 [tilespmem:s23], [sflag:s18], $0x4000, $0x200038;
	[tilespmem:$0x8100] =	vst v63  }
0x45: {  	_ =	strace @p5 $0x90000056  }
0x46: {  	_ =	strace @!p2 $0x80000057  }
0x47: {  	_ =	swait.ge @!p2 [sflag:s20], $0x4000  }
0x48: {  	s24 =	sadd.s32 s25, s19;
	[sflag:s20] =	ssyncset.done @!p2 $0x0  }
0x49: {  	s19 =	simm.s32 @p3 $0x0;
	s15 =	sshll.u32 @p3 s29, $0x4;
	[sflag:s20] =	ssyncadd.s32 @!p2 $0xFFFFC000  }
0x4a: {  	s21 =	sadd.s32 @p3 $0x1, s26;
	s15 =	sand.u32 @p3 $0x1FFFFFF0, s15;
	_ =	strace @!p2 $0x90000057  }
0x4b: {  	s15 =	sadd.s32 @p3 s2, s15;
	s20 =	sshll.u32 @p3 s26, $0x7;
	_ =	strace @p3 $0x80000053  }
0x4c: {  	[tilespmem:s20], [sflag:s21] =	stream.linear.gather @p3 [hbm4b:s15+s19], $0x80, $0x200038;
	[tilespmem:$0x8100] =	vst v63  }
0x4d: {  	s28 =	sand.u32 $0x1, s24;
	_ =	strace @p3 $0x90000053  }
0x4e: {  	s15 =	sadd.s32 $0x1, s28;
	_ =	strace $0x80000054  }
0x4f: {  	_ =	swait.ge [sflag:s15], $0x80  }
0x50: {  	[sflag:s15] =	ssyncset.done $0x0  }
0x51: {  	s29 =	sadd.s32 s25, s16;
	[sflag:s15] =	ssyncadd.s32 $0xFFFFFF80  }
0x52: {  	s15 =	sand.u32 $0x1, s29;
	_ =	strace $0x90000054  }
0x53: {  	s18 =	sshll.u32 s24, $0x7;
	s31 =	sshll.u32 s15, $0xE;
	_ =	strace $0x80000055  }
0x54: {  	s18 =	sand.u32 $0x80, s18;
	s19 =	sor.u32 $0x100, s31;
	s30 =	rddreg [dreg:$0x3]  }
0x55: {  	[tilespmem:s19], [sflag:$0x5] =	stream.indirect.gather [hbm4b:s1+s30], $0x80, s18, s30, $0x2000b8;
	[tilespmem:$0x8100] =	vst v63  }
0x56: {  	_ =	swait.ge [sflag:s9], $0x4000  }
0x57: {  	[sflag:s9] =	ssyncset.done $0x0  }
0x58: {  	p6 =	seq.s32 s13, $0x1;
	[sflag:s9] =	ssyncadd.s32 $0xFFFFC000  }
0x59: {  	s12 =	sadd.s32 s5, s12;
	p1 =	por p6, p1;
	_ =	strace $0x90000055  }
0x5a: {  	s12 =	sshll.u32 @p1 s12, $0xB;
	_ =	strace @p1 $0x80000056  }
0x5b: {  	s14 =	sadd.s32 s17, s14;
	s12 =	sand.u32 @p1 $0x1FFFF800, s12;
	s13 =	rddreg [dreg:$0x4]  }
0x5c: {  	s16 =	simm.s32 @p1 $0x0;
	s15 =	sadd.s32 @p1 $0x3, s15;
	s12 =	sadd.s32 @p1 s13, s12  }
0x5d: {  	[hbm4b:s12+s16] =	stream.linear.scatter @p1 [tilespmem:s19], [sflag:s15], $0x4000, $0x200038;
	[tilespmem:$0x8100] =	vst v63  }
0x5e: {  	s12 =	sand.u32 @!p0 $0x1, s14;
	p0 =	por p0, p0;
	_ =	strace @p1 $0x90000056  }
0x5f: {  	s12 =	sadd.s32 @!p0 $0x3, s12;
	_ =	strace @!p0 $0x80000057  }
0x60: {  	_ =	swait.ge @!p0 [sflag:s12], $0x4000  }
0x61: {  	[sflag:s12] =	ssyncset.done @!p0 $0x0  }
0x62: {  	s11 =	sadd.s32 $0x1, s11;
	[sflag:s12] =	ssyncadd.s32 @!p0 $0xFFFFC000  }
0x63: {  	_ =	strace @!p0 $0x90000057;
	p0 =	sne.s32 s11, s7  }
.Ltmp1:
0x64: {  	_ =	strace $0x80000058;
	(pc) =	sbr.rel @p0 .LBB2_1-.Ltmp1, $4  }
0x65: {  	_ =	swait.ge [sflag:s10], $0x4000  }
0x66: {  	[sflag:s10] =	ssyncset.done $0x0  }
0x67: {  	[sflag:s10] =	ssyncadd.s32 $0xFFFFC000  }
0x68: {  	_ =	strace $0x90000058  }
0x69: {  	_ =	sfence.sel $0x180000  }
0x6a: {  	[bflag:$0x0] =	sbarrier.arrive $0xFFFF  }
0x6b: {  	p0 =	sne.s32 s4, $0x0;
	_ =	strace $0x90000051  }
0x6c: {  	s0 =	sadd.s32 @!p0 $0x100000, s0;
	[bflag:$0x2] =	sbarrier.arrive $0xFFFF  }
0x6d: {  	[sflag:s0] =	ssyncadd.tile.s32 @!p0 $0x1;
	_ =	shalt  }
.Lfunc_end2:
_tile_overlayer_lowered:
.L_overlay_start_2:
0x6e: {  	(tag) =	ssettag $0x2  }
0x6f: {  	s0 =	rddreg [dreg:$0x0];
	s2 =	stileid.u32  }
0x70: {  	s1 =	rddreg [dreg:$0x1];
	p0 =	sne.s32 s2, $0x0  }
0x71: {  	s3 =	rddreg [dreg:$0x2];
	[bflag:$0x3] =	sbarrier.arrive $0xFFFF;
	s2 =	simm.s32 @!p0 $0x1C01  }
0x72: {  	[timem:s3], [sflag:s2] =	dma.local @!p0 [hbm:s0], s1  }
0x73: {  	s0 =	simm.s32 @!p0 $0x1  }
0x74: {  	_ =	swait.ge @!p0 [sflag:s0], s1  }
0x75: {  	s1 =	ssub.s32 @!p0 $0x0, s1;
	[sflag:s0] =	ssyncset.done @!p0 $0x0  }
0x76: {  	[sflag:s0] =	ssyncadd.s32 @!p0 s1  }
0x77: {  	[bflag:$0x3] =	sbarrier.arrive $0xFFFF  }
0x78: {  	_ =	shalt  }

</sc_bundles>
